<compile_context>
chip_gen: v7x
topology: tpu7x:2x2x1
jax: 0.10.2.dev20260603
libtpu: 0.0.44.dev20260713+nightly
codegen_flags: <defaults>
</compile_context>

<pallas_src>
import functools

import jax
import jax.numpy as jnp
from jax import lax
from jax.experimental import pallas as pl
from jax.experimental.pallas import tpu as pltpu
from jax.experimental.pallas import tpu_sc as plsc

VOCABN = 1000000
EMB = 32
B = 4096
L = 200

NC = 2
NS = 16
NW = NC * NS
SPW = B // NW
TOK = SPW * L
NFULL = L // 16
TAIL = L - NFULL * 16
G1 = 128
G2 = L - G1

TCOLS = VOCABN // 128
VMAIN = TCOLS * 128
VTAIL = VOCABN - VMAIN
BASE_TC = TCOLS // NW
EXTRA_W = TCOLS - BASE_TC * NW
CW = 512
NCHUNK = BASE_TC * 128 // CW
CVALS = CW * EMB
SKEW = CW + 1


def _conv_kernel(tt_hbm, tail_hbm, out_hbm, in0_v, in1_v, stage0_v,
                 stage1_v, col_v, xstage_v, tstage_v, tail_v, sem_i0,
                 sem_i1, sem_o0, sem_o1, sem_x, sem_t):
    c = lax.axis_index("c")
    s = lax.axis_index("s")
    wid = s * NC + c
    col_base = (wid * BASE_TC + jnp.minimum(wid, EXTRA_W)) * 128

    lane = lax.iota(jnp.int32, 16)
    lane_skew = lane * SKEW
    sem_i = (sem_i0, sem_i1)
    sem_o = (sem_o0, sem_o1)
    in_b = (in0_v, in1_v)
    stage_b = (stage0_v, stage1_v)

    def col0_of(k):
        return col_base + k * CW

    def issue_in(k, slot):
        pltpu.async_copy(tt_hbm.at[:, pl.ds(col0_of(k), CW)],
                         in_b[slot], sem_i[slot])

    def wait_in(slot):
        pltpu.make_async_copy(tt_hbm.at[:, pl.ds(0, CW)], in_b[slot],
                              sem_i[slot]).wait()

    def compute(k, slot):
        def derow(c0, carry):
            base = c0 * SKEW
            for g0 in range(0, CW // 16, 8):
                vals = [in_b[slot][c0, pl.ds((g0 + d) * 16, 16)]
                        for d in range(8)]
                for d in range(8):
                    col_v[pl.ds(base + (g0 + d) * 16, 16)] = vals[d]
            return carry

        lax.fori_loop(0, EMB, derow, 0)

        def pass2(q, carry):
            t0 = q * 4
            gs = []
            for dt in range(4):
                idx0 = lane_skew + (t0 + dt)
                gs.append(plsc.load_gather(col_v, [idx0]))
                gs.append(plsc.load_gather(col_v, [idx0 + 16 * SKEW]))
            for dt in range(4):
                stage_b[slot][pl.ds((t0 + dt) * EMB, 16)] = gs[2 * dt]
                stage_b[slot][pl.ds((t0 + dt) * EMB + 16, 16)] = gs[2 * dt + 1]
            return carry

        lax.fori_loop(0, CW // 4, pass2, 0)
        pltpu.async_copy(stage_b[slot],
                         out_hbm.at[pl.ds(col0_of(k) * EMB, CVALS)],
                         sem_o[slot])

    def wait_out(slot):
        pltpu.make_async_copy(stage_b[slot],
                              out_hbm.at[pl.ds(0, CVALS)],
                              sem_o[slot]).wait()

    issue_in(0, 0)
    issue_in(1, 1)

    def body(kp, carry):
        k0 = 2 * kp
        wait_in(0)

        @pl.when(kp > 0)
        def _():
            wait_out(0)

        compute(k0, 0)

        @pl.when(k0 + 2 < NCHUNK)
        def _():
            issue_in(k0 + 2, 0)

        wait_in(1)

        @pl.when(kp > 0)
        def _():
            wait_out(1)

        compute(k0 + 1, 1)

        @pl.when(k0 + 3 < NCHUNK)
        def _():
            issue_in(k0 + 3, 1)

        return carry

    lax.fori_loop(0, NCHUNK // 2, body, 0)

    wait_in(0)
    wait_out(0)
    compute(NCHUNK - 1, 0)

    @pl.when(wid < EXTRA_W)
    def _():
        xcol0 = col_base + BASE_TC * 128
        pltpu.sync_copy(tt_hbm.at[:, pl.ds(xcol0, 128)],
                        in0_v.at[:, pl.ds(0, 128)])

        def xderow(c0, carry):
            base = c0 * SKEW
            vals = [in0_v[c0, pl.ds(d * 16, 16)] for d in range(8)]
            for d in range(8):
                col_v[pl.ds(base + d * 16, 16)] = vals[d]
            return carry

        lax.fori_loop(0, EMB, xderow, 0)

        def xpass2(q, carry):
            t0 = q * 4
            gs = []
            for dt in range(4):
                idx0 = lane_skew + (t0 + dt)
                gs.append(plsc.load_gather(col_v, [idx0]))
                gs.append(plsc.load_gather(col_v, [idx0 + 16 * SKEW]))
            for dt in range(4):
                xstage_v[pl.ds((t0 + dt) * EMB, 16)] = gs[2 * dt]
                xstage_v[pl.ds((t0 + dt) * EMB + 16, 16)] = gs[2 * dt + 1]
            return carry

        lax.fori_loop(0, 128 // 4, xpass2, 0)
        pltpu.async_copy(xstage_v, out_hbm.at[pl.ds(xcol0 * EMB, 128 * EMB)],
                         sem_x)
        pltpu.make_async_copy(xstage_v,
                              out_hbm.at[pl.ds(0, 128 * EMB)], sem_x).wait()

    @pl.when(wid == NW - 1)
    def _():
        pltpu.sync_copy(tail_hbm, tail_v)

        def trow(r, carry):
            tstage_v[pl.ds(r * EMB, 16)] = tail_v[r, pl.ds(0, 16)]
            tstage_v[pl.ds(r * EMB + 16, 16)] = tail_v[r, pl.ds(16, 16)]
            return carry

        lax.fori_loop(0, VTAIL, trow, 0)
        pltpu.async_copy(tstage_v,
                         out_hbm.at[pl.ds(VMAIN * EMB, VTAIL * EMB)], sem_t)
        pltpu.make_async_copy(tstage_v,
                              out_hbm.at[pl.ds(0, VTAIL * EMB)], sem_t).wait()

    wait_out(0)
    wait_out(1)


def _sc_kernel(x_hbm, table_hbm, out_hbm, idx_v, sid_v, cnt_v, rows_v, out_v,
               sem0, sem1):
    c = lax.axis_index("c")
    s = lax.axis_index("s")
    wid = s * NC + c
    base_tok = wid * TOK

    pltpu.sync_copy(x_hbm.at[pl.ds(base_tok, TOK)], idx_v.at[pl.ds(0, TOK)])

    lane = lax.iota(jnp.int32, 16)
    sems = (sem0, sem1)

    def issue(si, slot):
        sbase = si * L
        cnt = jnp.zeros((16,), jnp.int32)
        for k in range(NFULL + 1):
            v = idx_v[pl.ds(sbase + 16 * k, 16)]
            xm = jnp.where(v == 1, 0, v)
            if k == NFULL:
                valid = (xm != 0) & (lane < TAIL)
            else:
                valid = xm != 0
            cnt = cnt + plsc.all_reduce_population_count(valid)
            sid_v[slot, pl.ds(16 * k, 16)] = xm
        cnt_v[slot, pl.ds(0, 16)] = cnt
        pltpu.async_copy(table_hbm.at[sid_v.at[slot, pl.ds(0, G1)]],
                         rows_v.at[slot, pl.ds(0, G1)], sems[slot])
        pltpu.async_copy(table_hbm.at[sid_v.at[slot, pl.ds(G1, G2)]],
                         rows_v.at[slot, pl.ds(G1, G2)], sems[slot])

    def drain(si, slot):
        pltpu.make_async_copy(table_hbm.at[sid_v.at[slot, pl.ds(0, G1)]],
                              rows_v.at[slot, pl.ds(0, G1)],
                              sems[slot]).wait()
        pltpu.make_async_copy(table_hbm.at[sid_v.at[slot, pl.ds(G1, G2)]],
                              rows_v.at[slot, pl.ds(G1, G2)],
                              sems[slot]).wait()

        def red(o, accs):
            accs = list(accs)
            for j in range(8):
                r = o * 8 + j
                accs[2 * (j % 4)] = (accs[2 * (j % 4)]
                                     + rows_v[slot, r, pl.ds(0, 16)])
                accs[2 * (j % 4) + 1] = (accs[2 * (j % 4) + 1]
                                         + rows_v[slot, r, pl.ds(16, 16)])
            return tuple(accs)

        z = jnp.zeros((16,), jnp.float32)
        accs = lax.fori_loop(0, L // 8, red, (z,) * 8)
        acc0 = (accs[0] + accs[2]) + (accs[4] + accs[6])
        acc1 = (accs[1] + accs[3]) + (accs[5] + accs[7])

        count = cnt_v[slot, pl.ds(0, 16)].astype(jnp.float32)
        scale = jnp.where(count > 0.0, 1.0 / jnp.maximum(count, 1.0), 0.0)
        out_v[si, pl.ds(0, 16)] = acc0 * scale
        out_v[si, pl.ds(16, 16)] = acc1 * scale

    issue(0, 0)

    def body(k, carry):
        s0 = 2 * k
        issue(s0 + 1, 1)
        drain(s0, 0)

        @pl.when(s0 + 2 < SPW)
        def _():
            issue(s0 + 2, 0)

        drain(s0 + 1, 1)
        return carry

    lax.fori_loop(0, SPW // 2, body, 0)

    pltpu.sync_copy(out_v, out_hbm.at[pl.ds(wid * SPW, SPW)])


@jax.jit
def _run(x_flat, table):
    mesh = plsc.VectorSubcoreMesh(core_axis_name="c", subcore_axis_name="s")

    tail_pad = jnp.pad(table[VMAIN:, :], ((0, 0), (0, 128 - EMB)))

    conv = functools.partial(
        pl.kernel,
        out_type=jax.ShapeDtypeStruct((VOCABN * EMB,), jnp.float32),
        mesh=mesh,
        compiler_params=pltpu.CompilerParams(needs_layout_passes=False,
                                             use_tc_tiling_on_sc=True),
        scratch_types=[
            pltpu.VMEM((EMB, CW), jnp.float32),
            pltpu.VMEM((EMB, CW), jnp.float32),
            pltpu.VMEM((CVALS,), jnp.float32),
            pltpu.VMEM((CVALS,), jnp.float32),
            pltpu.VMEM((EMB * SKEW,), jnp.float32),
            pltpu.VMEM((128 * EMB,), jnp.float32),
            pltpu.VMEM((VTAIL * EMB,), jnp.float32),
            pltpu.VMEM((VTAIL, 128), jnp.float32),
            pltpu.SemaphoreType.DMA,
            pltpu.SemaphoreType.DMA,
            pltpu.SemaphoreType.DMA,
            pltpu.SemaphoreType.DMA,
            pltpu.SemaphoreType.DMA,
            pltpu.SemaphoreType.DMA,
        ],
    )(_conv_kernel)
    table_lin = conv(table.T, tail_pad).reshape(VOCABN, EMB)

    gather = functools.partial(
        pl.kernel,
        out_type=jax.ShapeDtypeStruct((B, EMB), jnp.float32),
        mesh=mesh,
        compiler_params=pltpu.CompilerParams(needs_layout_passes=False,
                                             use_tc_tiling_on_sc=False),
        scratch_types=[
            pltpu.VMEM((TOK + 16,), jnp.int32),
            pltpu.VMEM((2, 208), jnp.int32),
            pltpu.VMEM((2, 16), jnp.int32),
            pltpu.VMEM((2, L, EMB), jnp.float32),
            pltpu.VMEM((SPW, EMB), jnp.float32),
            pltpu.SemaphoreType.DMA,
            pltpu.SemaphoreType.DMA,
        ],
    )(_sc_kernel)
    return gather(x_flat, table_lin)


def kernel(x, table):
    return _run(x.reshape(-1), table)

# --- scband reference (transcript-rebuilt; emitter-appended) ---
"""Pipeline reference for scband-bag-of-words-28458453303588 (READ-ONLY COPY).

The authoritative reference and input builder live on the scoring server;
editing this copy changes nothing except your own understanding.
"""

import jax, jax.numpy as jnp
import numpy as np

VOCAB = 1000000
EMB = 32
B = 4096
L = 200


def setup_inputs(seed: int = 0) -> dict:
    key = jax.random.key(seed)
    k1, k2 = jax.random.split(key)
    x = jax.random.randint(k1, (B, L), 0, VOCAB, dtype=jnp.int32)
    table = jax.random.normal(k2, (VOCAB, EMB), dtype=jnp.float32)
    return {"x": x, "table": table}


def reference(x, table):
    # find_sum_sentence: tokens equal to 1 are replaced with 0 (padding id)
    xm = jnp.where(x == 1, 0, x)
    # y = count of nonzero tokens per sentence
    counts = jnp.count_nonzero(xm, axis=1).astype(jnp.float32)
    # embedding lookup (faithful: row 0 of pretrained table is NOT zeroed by
    # nn.Embedding.from_pretrained, so padding tokens contribute table[0])
    emb = jnp.take(table, xm, axis=0)  # [B, L, EMB]
    temp_sum = jnp.sum(emb, axis=1)    # [B, EMB]
    # rows with zero nonzero-count stay zero, otherwise divide by count
    out = jnp.where(counts[:, None] > 0,
                    temp_sum / jnp.maximum(counts, 1.0)[:, None],
                    jnp.zeros_like(temp_sum))
    return out

if __name__ == "__main__":
    import jax
    _d = setup_inputs()
    print(jax.jit(kernel)(*tuple(_d.values())))

</pallas_src>

<mosaic_0001>
#map = affine_map<(d0, d1) -> (0, 0)>
#map1 = affine_map<(d0, d1) -> (0)>
module attributes {stable_mosaic.version = 14 : i64} {
  func.func @_conv_kernel(%arg0: i32, %arg1: i32, %arg2: memref<32x1000000xf32, #tpu.memory_space<hbm>>, %arg3: memref<64x128xf32, #tpu.memory_space<hbm>>, %arg4: memref<32000000xf32, #tpu.memory_space<hbm>>, %arg5: memref<32x512xf32, #tpu.memory_space<vmem>>, %arg6: memref<32x512xf32, #tpu.memory_space<vmem>>, %arg7: memref<16384xf32, #tpu.memory_space<vmem>>, %arg8: memref<16384xf32, #tpu.memory_space<vmem>>, %arg9: memref<16416xf32, #tpu.memory_space<vmem>>, %arg10: memref<4096xf32, #tpu.memory_space<vmem>>, %arg11: memref<2048xf32, #tpu.memory_space<vmem>>, %arg12: memref<64x128xf32, #tpu.memory_space<vmem>>, %arg13: memref<!tpu.dma_semaphore, #tpu.memory_space<semaphore_mem>>, %arg14: memref<!tpu.dma_semaphore, #tpu.memory_space<semaphore_mem>>, %arg15: memref<!tpu.dma_semaphore, #tpu.memory_space<semaphore_mem>>, %arg16: memref<!tpu.dma_semaphore, #tpu.memory_space<semaphore_mem>>, %arg17: memref<!tpu.dma_semaphore, #tpu.memory_space<semaphore_mem>>, %arg18: memref<!tpu.dma_semaphore, #tpu.memory_space<semaphore_mem>>) attributes {dimension_semantics = [#tpu.dimension_semantics<core_parallel>, #tpu.dimension_semantics<subcore_parallel>], iteration_bounds = array<i64: 2, 16>, scalar_prefetch = 0 : i64, scratch_operands = 14 : i64, tpu.core_type = #tpu.core_type<sc_vector_subcore>, window_params = [{transform_indices = #map}, {transform_indices = #map}, {transform_indices = #map1}]} {
    %mul3A = arith.constant 2 : i32
    %mul3A_0 = arith.muli %arg1, %mul3A : i32
    %add3A = arith.addi %mul3A_0, %arg0 : i32
    %mul3A_1 = arith.constant 244 : i32
    %mul3A_2 = arith.muli %add3A, %mul3A_1 : i32
    %min3A = arith.constant 4 : i32
    %min3A_3 = arith.minsi %add3A, %min3A : i32
    %add3A_4 = arith.addi %mul3A_2, %min3A_3 : i32
    %mul3A_5 = arith.constant 128 : i32
    %mul3A_6 = arith.muli %add3A_4, %mul3A_5 : i32
    %iota3A = tpu.iota {dimensions = array<i32: 0>} : vector<16xi32>
    %mul3A_7 = arith.constant 513 : i32
    %mul3A_8 = vector.broadcast %mul3A_7 : i32 to vector<16xi32>
    %mul3A_9 = arith.muli %iota3A, %mul3A_8 : vector<16xi32>
    %add3A_10 = arith.constant 0 : i32
    %add3A_11 = arith.addi %mul3A_6, %add3A_10 : i32
    %dma_start3A = arith.constant 0 : i32
    %dma_start3A_12 = tpu.memref_slice %arg2[%dma_start3A, %add3A_11] : memref<32x1000000xf32, #tpu.memory_space<hbm>> -> memref<32x512xf32, #tpu.memory_space<hbm>>
    %dma_start3A_13 = arith.constant 0 : i32
    %dma_start3A_14 = tpu.memref_slice %arg2[%dma_start3A_13, %add3A_11] : memref<32x1000000xf32, #tpu.memory_space<hbm>> -> memref<32x512xf32, #tpu.memory_space<hbm>>
    tpu.enqueue_dma source(%dma_start3A_14 : memref<32x512xf32, #tpu.memory_space<hbm>>) target(%arg5 : memref<32x512xf32, #tpu.memory_space<vmem>>) target_semaphore(%arg13 : memref<!tpu.dma_semaphore, #tpu.memory_space<semaphore_mem>>)
    %add3A_15 = arith.constant 512 : i32
    %add3A_16 = arith.addi %mul3A_6, %add3A_15 : i32
    %dma_start3A_17 = arith.constant 0 : i32
    %dma_start3A_18 = tpu.memref_slice %arg2[%dma_start3A_17, %add3A_16] : memref<32x1000000xf32, #tpu.memory_space<hbm>> -> memref<32x512xf32, #tpu.memory_space<hbm>>
    %dma_start3A_19 = arith.constant 0 : i32
    %dma_start3A_20 = tpu.memref_slice %arg2[%dma_start3A_19, %add3A_16] : memref<32x1000000xf32, #tpu.memory_space<hbm>> -> memref<32x512xf32, #tpu.memory_space<hbm>>
    tpu.enqueue_dma source(%dma_start3A_20 : memref<32x512xf32, #tpu.memory_space<hbm>>) target(%arg6 : memref<32x512xf32, #tpu.memory_space<vmem>>) target_semaphore(%arg14 : memref<!tpu.dma_semaphore, #tpu.memory_space<semaphore_mem>>)
    %scan3A = arith.constant 0 : i32
    %scan3A_21 = arith.constant 0 : i32
    %scan3A_22 = arith.constant 30 : i32
    %scan3A_23 = arith.addi %scan3A_21, %scan3A_22 : i32
    %scan3A_24 = arith.constant 1 : i32
    scf.for %scan3A_67 = %scan3A_21 to %scan3A_23 step %scan3A_24  : i32 {
      %mul3A_68 = arith.constant 2 : i32
      %mul3A_69 = arith.muli %mul3A_68, %scan3A_67 : i32
      %dma_wait3A_70 = arith.constant 0 : i32
      %dma_wait3A_71 = arith.constant 0 : i32
      %dma_wait3A_72 = tpu.memref_slice %arg2[%dma_wait3A_70, %dma_wait3A_71] : memref<32x1000000xf32, #tpu.memory_space<hbm>> -> memref<32x512xf32, #tpu.memory_space<hbm>>
      %dma_wait3A_73 = arith.constant 0 : i32
      %dma_wait3A_74 = arith.constant 0 : i32
      %dma_wait3A_75 = tpu.memref_slice %arg2[%dma_wait3A_73, %dma_wait3A_74] : memref<32x1000000xf32, #tpu.memory_space<hbm>> -> memref<32x512xf32, #tpu.memory_space<hbm>>
      tpu.wait_dma2 semaphore(%arg13 : memref<!tpu.dma_semaphore, #tpu.memory_space<semaphore_mem>>) src(%dma_wait3A_75 : memref<32x512xf32, #tpu.memory_space<hbm>>) dst(%arg5 : memref<32x512xf32, #tpu.memory_space<vmem>>)
      %gt3A = arith.constant 0 : i32
      %gt3A_76 = arith.cmpi sgt, %scan3A_67, %gt3A : i32
      %convert_element_type3A_77 = arith.extui %gt3A_76 : i1 to i32
      %cond3A_78 = arith.constant 0 : i32
      %cond3A_79 = arith.cmpi ne, %convert_element_type3A_77, %cond3A_78 : i32
      scf.if %cond3A_79 {
        %dma_wait3A_145 = arith.constant 0 : i32
        %dma_wait3A_146 = tpu.memref_slice %arg4[%dma_wait3A_145] : memref<32000000xf32, #tpu.memory_space<hbm>> -> memref<16384xf32, #tpu.memory_space<hbm>>
        %dma_wait3A_147 = arith.constant 0 : i32
        %dma_wait3A_148 = tpu.memref_slice %arg4[%dma_wait3A_147] : memref<32000000xf32, #tpu.memory_space<hbm>> -> memref<16384xf32, #tpu.memory_space<hbm>>
        tpu.wait_dma2 semaphore(%arg15 : memref<!tpu.dma_semaphore, #tpu.memory_space<semaphore_mem>>) src(%arg7 : memref<16384xf32, #tpu.memory_space<vmem>>) dst(%dma_wait3A_148 : memref<16384xf32, #tpu.memory_space<hbm>>)
      } else {
      }
      %scan3A_80 = arith.constant 0 : i32
      %scan3A_81 = arith.constant 0 : i32
      %scan3A_82 = arith.constant 32 : i32
      %scan3A_83 = arith.addi %scan3A_81, %scan3A_82 : i32
      %scan3A_84 = arith.constant 1 : i32
      scf.for %scan3A_145 = %scan3A_81 to %scan3A_83 step %scan3A_84  : i32 {
        %mul3A_146 = arith.constant 513 : i32
        %mul3A_147 = arith.muli %scan3A_145, %mul3A_146 : i32
        %get3A = arith.index_cast %scan3A_145 : i32 to index
        %get3A_148 = arith.constant 0 : index
        %get3A_149 = tpu.vector_load %arg5[%get3A, %get3A_148] {strides = array<i32>} : memref<32x512xf32, #tpu.memory_space<vmem>>, vector<16xf32>,
        %get3A_150 = arith.index_cast %scan3A_145 : i32 to index
        %get3A_151 = arith.constant 16 : index
        %get3A_152 = tpu.vector_load %arg5[%get3A_150, %get3A_151] {strides = array<i32>} : memref<32x512xf32, #tpu.memory_space<vmem>>, vector<16xf32>,
        %get3A_153 = arith.index_cast %scan3A_145 : i32 to index
        %get3A_154 = arith.constant 32 : index
        %get3A_155 = tpu.vector_load %arg5[%get3A_153, %get3A_154] {strides = array<i32>} : memref<32x512xf32, #tpu.memory_space<vmem>>, vector<16xf32>,
        %get3A_156 = arith.index_cast %scan3A_145 : i32 to index
        %get3A_157 = arith.constant 48 : index
        %get3A_158 = tpu.vector_load %arg5[%get3A_156, %get3A_157] {strides = array<i32>} : memref<32x512xf32, #tpu.memory_space<vmem>>, vector<16xf32>,
        %get3A_159 = arith.index_cast %scan3A_145 : i32 to index
        %get3A_160 = arith.constant 64 : index
        %get3A_161 = tpu.vector_load %arg5[%get3A_159, %get3A_160] {strides = array<i32>} : memref<32x512xf32, #tpu.memory_space<vmem>>, vector<16xf32>,
        %get3A_162 = arith.index_cast %scan3A_145 : i32 to index
        %get3A_163 = arith.constant 80 : index
        %get3A_164 = tpu.vector_load %arg5[%get3A_162, %get3A_163] {strides = array<i32>} : memref<32x512xf32, #tpu.memory_space<vmem>>, vector<16xf32>,
        %get3A_165 = arith.index_cast %scan3A_145 : i32 to index
        %get3A_166 = arith.constant 96 : index
        %get3A_167 = tpu.vector_load %arg5[%get3A_165, %get3A_166] {strides = array<i32>} : memref<32x512xf32, #tpu.memory_space<vmem>>, vector<16xf32>,
        %get3A_168 = arith.index_cast %scan3A_145 : i32 to index
        %get3A_169 = arith.constant 112 : index
        %get3A_170 = tpu.vector_load %arg5[%get3A_168, %get3A_169] {strides = array<i32>} : memref<32x512xf32, #tpu.memory_space<vmem>>, vector<16xf32>,
        %add3A_171 = arith.constant 0 : i32
        %add3A_172 = arith.addi %mul3A_147, %add3A_171 : i32
        %swap3A = arith.index_cast %add3A_172 : i32 to index
        %swap3A_173 = tpu.vector_load %arg9[%swap3A] {strides = array<i32>} : memref<16416xf32, #tpu.memory_space<vmem>>, vector<16xf32>,
        tpu.vector_store %arg9[%swap3A], %get3A_149 {strides = array<i32>} : memref<16416xf32, #tpu.memory_space<vmem>>, vector<16xf32>,
        %add3A_174 = arith.constant 16 : i32
        %add3A_175 = arith.addi %mul3A_147, %add3A_174 : i32
        %swap3A_176 = arith.index_cast %add3A_175 : i32 to index
        %swap3A_177 = tpu.vector_load %arg9[%swap3A_176] {strides = array<i32>} : memref<16416xf32, #tpu.memory_space<vmem>>, vector<16xf32>,
        tpu.vector_store %arg9[%swap3A_176], %get3A_152 {strides = array<i32>} : memref<16416xf32, #tpu.memory_space<vmem>>, vector<16xf32>,
        %add3A_178 = arith.constant 32 : i32
        %add3A_179 = arith.addi %mul3A_147, %add3A_178 : i32
        %swap3A_180 = arith.index_cast %add3A_179 : i32 to index
        %swap3A_181 = tpu.vector_load %arg9[%swap3A_180] {strides = array<i32>} : memref<16416xf32, #tpu.memory_space<vmem>>, vector<16xf32>,
        tpu.vector_store %arg9[%swap3A_180], %get3A_155 {strides = array<i32>} : memref<16416xf32, #tpu.memory_space<vmem>>, vector<16xf32>,
        %add3A_182 = arith.constant 48 : i32
        %add3A_183 = arith.addi %mul3A_147, %add3A_182 : i32
        %swap3A_184 = arith.index_cast %add3A_183 : i32 to index
        %swap3A_185 = tpu.vector_load %arg9[%swap3A_184] {strides = array<i32>} : memref<16416xf32, #tpu.memory_space<vmem>>, vector<16xf32>,
        tpu.vector_store %arg9[%swap3A_184], %get3A_158 {strides = array<i32>} : memref<16416xf32, #tpu.memory_space<vmem>>, vector<16xf32>,
        %add3A_186 = arith.constant 64 : i32
        %add3A_187 = arith.addi %mul3A_147, %add3A_186 : i32
        %swap3A_188 = arith.index_cast %add3A_187 : i32 to index
        %swap3A_189 = tpu.vector_load %arg9[%swap3A_188] {strides = array<i32>} : memref<16416xf32, #tpu.memory_space<vmem>>, vector<16xf32>,
        tpu.vector_store %arg9[%swap3A_188], %get3A_161 {strides = array<i32>} : memref<16416xf32, #tpu.memory_space<vmem>>, vector<16xf32>,
        %add3A_190 = arith.constant 80 : i32
        %add3A_191 = arith.addi %mul3A_147, %add3A_190 : i32
        %swap3A_192 = arith.index_cast %add3A_191 : i32 to index
        %swap3A_193 = tpu.vector_load %arg9[%swap3A_192] {strides = array<i32>} : memref<16416xf32, #tpu.memory_space<vmem>>, vector<16xf32>,
        tpu.vector_store %arg9[%swap3A_192], %get3A_164 {strides = array<i32>} : memref<16416xf32, #tpu.memory_space<vmem>>, vector<16xf32>,
        %add3A_194 = arith.constant 96 : i32
        %add3A_195 = arith.addi %mul3A_147, %add3A_194 : i32
        %swap3A_196 = arith.index_cast %add3A_195 : i32 to index
        %swap3A_197 = tpu.vector_load %arg9[%swap3A_196] {strides = array<i32>} : memref<16416xf32, #tpu.memory_space<vmem>>, vector<16xf32>,
        tpu.vector_store %arg9[%swap3A_196], %get3A_167 {strides = array<i32>} : memref<16416xf32, #tpu.memory_space<vmem>>, vector<16xf32>,
        %add3A_198 = arith.constant 112 : i32
        %add3A_199 = arith.addi %mul3A_147, %add3A_198 : i32
        %swap3A_200 = arith.index_cast %add3A_199 : i32 to index
        %swap3A_201 = tpu.vector_load %arg9[%swap3A_200] {strides = array<i32>} : memref<16416xf32, #tpu.memory_space<vmem>>, vector<16xf32>,
        tpu.vector_store %arg9[%swap3A_200], %get3A_170 {strides = array<i32>} : memref<16416xf32, #tpu.memory_space<vmem>>, vector<16xf32>,
        %get3A_202 = arith.index_cast %scan3A_145 : i32 to index
        %get3A_203 = arith.constant 128 : index
        %get3A_204 = tpu.vector_load %arg5[%get3A_202, %get3A_203] {strides = array<i32>} : memref<32x512xf32, #tpu.memory_space<vmem>>, vector<16xf32>,
        %get3A_205 = arith.index_cast %scan3A_145 : i32 to index
        %get3A_206 = arith.constant 144 : index
        %get3A_207 = tpu.vector_load %arg5[%get3A_205, %get3A_206] {strides = array<i32>} : memref<32x512xf32, #tpu.memory_space<vmem>>, vector<16xf32>,
        %get3A_208 = arith.index_cast %scan3A_145 : i32 to index
        %get3A_209 = arith.constant 160 : index
        %get3A_210 = tpu.vector_load %arg5[%get3A_208, %get3A_209] {strides = array<i32>} : memref<32x512xf32, #tpu.memory_space<vmem>>, vector<16xf32>,
        %get3A_211 = arith.index_cast %scan3A_145 : i32 to index
        %get3A_212 = arith.constant 176 : index
        %get3A_213 = tpu.vector_load %arg5[%get3A_211, %get3A_212] {strides = array<i32>} : memref<32x512xf32, #tpu.memory_space<vmem>>, vector<16xf32>,
        %get3A_214 = arith.index_cast %scan3A_145 : i32 to index
        %get3A_215 = arith.constant 192 : index
        %get3A_216 = tpu.vector_load %arg5[%get3A_214, %get3A_215] {strides = array<i32>} : memref<32x512xf32, #tpu.memory_space<vmem>>, vector<16xf32>,
        %get3A_217 = arith.index_cast %scan3A_145 : i32 to index
        %get3A_218 = arith.constant 208 : index
        %get3A_219 = tpu.vector_load %arg5[%get3A_217, %get3A_218] {strides = array<i32>} : memref<32x512xf32, #tpu.memory_space<vmem>>, vector<16xf32>,
        %get3A_220 = arith.index_cast %scan3A_145 : i32 to index
        %get3A_221 = arith.constant 224 : index
        %get3A_222 = tpu.vector_load %arg5[%get3A_220, %get3A_221] {strides = array<i32>} : memref<32x512xf32, #tpu.memory_space<vmem>>, vector<16xf32>,
        %get3A_223 = arith.index_cast %scan3A_145 : i32 to index
        %get3A_224 = arith.constant 240 : index
        %get3A_225 = tpu.vector_load %arg5[%get3A_223, %get3A_224] {strides = array<i32>} : memref<32x512xf32, #tpu.memory_space<vmem>>, vector<16xf32>,
        %add3A_226 = arith.constant 128 : i32
        %add3A_227 = arith.addi %mul3A_147, %add3A_226 : i32
        %swap3A_228 = arith.index_cast %add3A_227 : i32 to index
        %swap3A_229 = tpu.vector_load %arg9[%swap3A_228] {strides = array<i32>} : memref<16416xf32, #tpu.memory_space<vmem>>, vector<16xf32>,
        tpu.vector_store %arg9[%swap3A_228], %get3A_204 {strides = array<i32>} : memref<16416xf32, #tpu.memory_space<vmem>>, vector<16xf32>,
        %add3A_230 = arith.constant 144 : i32
        %add3A_231 = arith.addi %mul3A_147, %add3A_230 : i32
        %swap3A_232 = arith.index_cast %add3A_231 : i32 to index
        %swap3A_233 = tpu.vector_load %arg9[%swap3A_232] {strides = array<i32>} : memref<16416xf32, #tpu.memory_space<vmem>>, vector<16xf32>,
        tpu.vector_store %arg9[%swap3A_232], %get3A_207 {strides = array<i32>} : memref<16416xf32, #tpu.memory_space<vmem>>, vector<16xf32>,
        %add3A_234 = arith.constant 160 : i32
        %add3A_235 = arith.addi %mul3A_147, %add3A_234 : i32
        %swap3A_236 = arith.index_cast %add3A_235 : i32 to index
        %swap3A_237 = tpu.vector_load %arg9[%swap3A_236] {strides = array<i32>} : memref<16416xf32, #tpu.memory_space<vmem>>, vector<16xf32>,
        tpu.vector_store %arg9[%swap3A_236], %get3A_210 {strides = array<i32>} : memref<16416xf32, #tpu.memory_space<vmem>>, vector<16xf32>,
        %add3A_238 = arith.constant 176 : i32
        %add3A_239 = arith.addi %mul3A_147, %add3A_238 : i32
        %swap3A_240 = arith.index_cast %add3A_239 : i32 to index
        %swap3A_241 = tpu.vector_load %arg9[%swap3A_240] {strides = array<i32>} : memref<16416xf32, #tpu.memory_space<vmem>>, vector<16xf32>,
        tpu.vector_store %arg9[%swap3A_240], %get3A_213 {strides = array<i32>} : memref<16416xf32, #tpu.memory_space<vmem>>, vector<16xf32>,
        %add3A_242 = arith.constant 192 : i32
        %add3A_243 = arith.addi %mul3A_147, %add3A_242 : i32
        %swap3A_244 = arith.index_cast %add3A_243 : i32 to index
        %swap3A_245 = tpu.vector_load %arg9[%swap3A_244] {strides = array<i32>} : memref<16416xf32, #tpu.memory_space<vmem>>, vector<16xf32>,
        tpu.vector_store %arg9[%swap3A_244], %get3A_216 {strides = array<i32>} : memref<16416xf32, #tpu.memory_space<vmem>>, vector<16xf32>,
        %add3A_246 = arith.constant 208 : i32
        %add3A_247 = arith.addi %mul3A_147, %add3A_246 : i32
        %swap3A_248 = arith.index_cast %add3A_247 : i32 to index
        %swap3A_249 = tpu.vector_load %arg9[%swap3A_248] {strides = array<i32>} : memref<16416xf32, #tpu.memory_space<vmem>>, vector<16xf32>,
        tpu.vector_store %arg9[%swap3A_248], %get3A_219 {strides = array<i32>} : memref<16416xf32, #tpu.memory_space<vmem>>, vector<16xf32>,
        %add3A_250 = arith.constant 224 : i32
        %add3A_251 = arith.addi %mul3A_147, %add3A_250 : i32
        %swap3A_252 = arith.index_cast %add3A_251 : i32 to index
        %swap3A_253 = tpu.vector_load %arg9[%swap3A_252] {strides = array<i32>} : memref<16416xf32, #tpu.memory_space<vmem>>, vector<16xf32>,
        tpu.vector_store %arg9[%swap3A_252], %get3A_222 {strides = array<i32>} : memref<16416xf32, #tpu.memory_space<vmem>>, vector<16xf32>,
        %add3A_254 = arith.constant 240 : i32
        %add3A_255 = arith.addi %mul3A_147, %add3A_254 : i32
        %swap3A_256 = arith.index_cast %add3A_255 : i32 to index
        %swap3A_257 = tpu.vector_load %arg9[%swap3A_256] {strides = array<i32>} : memref<16416xf32, #tpu.memory_space<vmem>>, vector<16xf32>,
        tpu.vector_store %arg9[%swap3A_256], %get3A_225 {strides = array<i32>} : memref<16416xf32, #tpu.memory_space<vmem>>, vector<16xf32>,
        %get3A_258 = arith.index_cast %scan3A_145 : i32 to index
        %get3A_259 = arith.constant 256 : index
        %get3A_260 = tpu.vector_load %arg5[%get3A_258, %get3A_259] {strides = array<i32>} : memref<32x512xf32, #tpu.memory_space<vmem>>, vector<16xf32>,
        %get3A_261 = arith.index_cast %scan3A_145 : i32 to index
        %get3A_262 = arith.constant 272 : index
        %get3A_263 = tpu.vector_load %arg5[%get3A_261, %get3A_262] {strides = array<i32>} : memref<32x512xf32, #tpu.memory_space<vmem>>, vector<16xf32>,
        %get3A_264 = arith.index_cast %scan3A_145 : i32 to index
        %get3A_265 = arith.constant 288 : index
        %get3A_266 = tpu.vector_load %arg5[%get3A_264, %get3A_265] {strides = array<i32>} : memref<32x512xf32, #tpu.memory_space<vmem>>, vector<16xf32>,
        %get3A_267 = arith.index_cast %scan3A_145 : i32 to index
        %get3A_268 = arith.constant 304 : index
        %get3A_269 = tpu.vector_load %arg5[%get3A_267, %get3A_268] {strides = array<i32>} : memref<32x512xf32, #tpu.memory_space<vmem>>, vector<16xf32>,
        %get3A_270 = arith.index_cast %scan3A_145 : i32 to index
        %get3A_271 = arith.constant 320 : index
        %get3A_272 = tpu.vector_load %arg5[%get3A_270, %get3A_271] {strides = array<i32>} : memref<32x512xf32, #tpu.memory_space<vmem>>, vector<16xf32>,
        %get3A_273 = arith.index_cast %scan3A_145 : i32 to index
        %get3A_274 = arith.constant 336 : index
        %get3A_275 = tpu.vector_load %arg5[%get3A_273, %get3A_274] {strides = array<i32>} : memref<32x512xf32, #tpu.memory_space<vmem>>, vector<16xf32>,
        %get3A_276 = arith.index_cast %scan3A_145 : i32 to index
        %get3A_277 = arith.constant 352 : index
        %get3A_278 = tpu.vector_load %arg5[%get3A_276, %get3A_277] {strides = array<i32>} : memref<32x512xf32, #tpu.memory_space<vmem>>, vector<16xf32>,
        %get3A_279 = arith.index_cast %scan3A_145 : i32 to index
        %get3A_280 = arith.constant 368 : index
        %get3A_281 = tpu.vector_load %arg5[%get3A_279, %get3A_280] {strides = array<i32>} : memref<32x512xf32, #tpu.memory_space<vmem>>, vector<16xf32>,
        %add3A_282 = arith.constant 256 : i32
        %add3A_283 = arith.addi %mul3A_147, %add3A_282 : i32
        %swap3A_284 = arith.index_cast %add3A_283 : i32 to index
        %swap3A_285 = tpu.vector_load %arg9[%swap3A_284] {strides = array<i32>} : memref<16416xf32, #tpu.memory_space<vmem>>, vector<16xf32>,
        tpu.vector_store %arg9[%swap3A_284], %get3A_260 {strides = array<i32>} : memref<16416xf32, #tpu.memory_space<vmem>>, vector<16xf32>,
        %add3A_286 = arith.constant 272 : i32
        %add3A_287 = arith.addi %mul3A_147, %add3A_286 : i32
        %swap3A_288 = arith.index_cast %add3A_287 : i32 to index
        %swap3A_289 = tpu.vector_load %arg9[%swap3A_288] {strides = array<i32>} : memref<16416xf32, #tpu.memory_space<vmem>>, vector<16xf32>,
        tpu.vector_store %arg9[%swap3A_288], %get3A_263 {strides = array<i32>} : memref<16416xf32, #tpu.memory_space<vmem>>, vector<16xf32>,
        %add3A_290 = arith.constant 288 : i32
        %add3A_291 = arith.addi %mul3A_147, %add3A_290 : i32
        %swap3A_292 = arith.index_cast %add3A_291 : i32 to index
        %swap3A_293 = tpu.vector_load %arg9[%swap3A_292] {strides = array<i32>} : memref<16416xf32, #tpu.memory_space<vmem>>, vector<16xf32>,
        tpu.vector_store %arg9[%swap3A_292], %get3A_266 {strides = array<i32>} : memref<16416xf32, #tpu.memory_space<vmem>>, vector<16xf32>,
        %add3A_294 = arith.constant 304 : i32
        %add3A_295 = arith.addi %mul3A_147, %add3A_294 : i32
        %swap3A_296 = arith.index_cast %add3A_295 : i32 to index
        %swap3A_297 = tpu.vector_load %arg9[%swap3A_296] {strides = array<i32>} : memref<16416xf32, #tpu.memory_space<vmem>>, vector<16xf32>,
        tpu.vector_store %arg9[%swap3A_296], %get3A_269 {strides = array<i32>} : memref<16416xf32, #tpu.memory_space<vmem>>, vector<16xf32>,
        %add3A_298 = arith.constant 320 : i32
        %add3A_299 = arith.addi %mul3A_147, %add3A_298 : i32
        %swap3A_300 = arith.index_cast %add3A_299 : i32 to index
        %swap3A_301 = tpu.vector_load %arg9[%swap3A_300] {strides = array<i32>} : memref<16416xf32, #tpu.memory_space<vmem>>, vector<16xf32>,
        tpu.vector_store %arg9[%swap3A_300], %get3A_272 {strides = array<i32>} : memref<16416xf32, #tpu.memory_space<vmem>>, vector<16xf32>,
        %add3A_302 = arith.constant 336 : i32
        %add3A_303 = arith.addi %mul3A_147, %add3A_302 : i32
        %swap3A_304 = arith.index_cast %add3A_303 : i32 to index
        %swap3A_305 = tpu.vector_load %arg9[%swap3A_304] {strides = array<i32>} : memref<16416xf32, #tpu.memory_space<vmem>>, vector<16xf32>,
        tpu.vector_store %arg9[%swap3A_304], %get3A_275 {strides = array<i32>} : memref<16416xf32, #tpu.memory_space<vmem>>, vector<16xf32>,
        %add3A_306 = arith.constant 352 : i32
        %add3A_307 = arith.addi %mul3A_147, %add3A_306 : i32
        %swap3A_308 = arith.index_cast %add3A_307 : i32 to index
        %swap3A_309 = tpu.vector_load %arg9[%swap3A_308] {strides = array<i32>} : memref<16416xf32, #tpu.memory_space<vmem>>, vector<16xf32>,
        tpu.vector_store %arg9[%swap3A_308], %get3A_278 {strides = array<i32>} : memref<16416xf32, #tpu.memory_space<vmem>>, vector<16xf32>,
        %add3A_310 = arith.constant 368 : i32
        %add3A_311 = arith.addi %mul3A_147, %add3A_310 : i32
        %swap3A_312 = arith.index_cast %add3A_311 : i32 to index
        %swap3A_313 = tpu.vector_load %arg9[%swap3A_312] {strides = array<i32>} : memref<16416xf32, #tpu.memory_space<vmem>>, vector<16xf32>,
        tpu.vector_store %arg9[%swap3A_312], %get3A_281 {strides = array<i32>} : memref<16416xf32, #tpu.memory_space<vmem>>, vector<16xf32>,
        %get3A_314 = arith.index_cast %scan3A_145 : i32 to index
        %get3A_315 = arith.constant 384 : index
        %get3A_316 = tpu.vector_load %arg5[%get3A_314, %get3A_315] {strides = array<i32>} : memref<32x512xf32, #tpu.memory_space<vmem>>, vector<16xf32>,
        %get3A_317 = arith.index_cast %scan3A_145 : i32 to index
        %get3A_318 = arith.constant 400 : index
        %get3A_319 = tpu.vector_load %arg5[%get3A_317, %get3A_318] {strides = array<i32>} : memref<32x512xf32, #tpu.memory_space<vmem>>, vector<16xf32>,
        %get3A_320 = arith.index_cast %scan3A_145 : i32 to index
        %get3A_321 = arith.constant 416 : index
        %get3A_322 = tpu.vector_load %arg5[%get3A_320, %get3A_321] {strides = array<i32>} : memref<32x512xf32, #tpu.memory_space<vmem>>, vector<16xf32>,
        %get3A_323 = arith.index_cast %scan3A_145 : i32 to index
        %get3A_324 = arith.constant 432 : index
        %get3A_325 = tpu.vector_load %arg5[%get3A_323, %get3A_324] {strides = array<i32>} : memref<32x512xf32, #tpu.memory_space<vmem>>, vector<16xf32>,
        %get3A_326 = arith.index_cast %scan3A_145 : i32 to index
        %get3A_327 = arith.constant 448 : index
        %get3A_328 = tpu.vector_load %arg5[%get3A_326, %get3A_327] {strides = array<i32>} : memref<32x512xf32, #tpu.memory_space<vmem>>, vector<16xf32>,
        %get3A_329 = arith.index_cast %scan3A_145 : i32 to index
        %get3A_330 = arith.constant 464 : index
        %get3A_331 = tpu.vector_load %arg5[%get3A_329, %get3A_330] {strides = array<i32>} : memref<32x512xf32, #tpu.memory_space<vmem>>, vector<16xf32>,
        %get3A_332 = arith.index_cast %scan3A_145 : i32 to index
        %get3A_333 = arith.constant 480 : index
        %get3A_334 = tpu.vector_load %arg5[%get3A_332, %get3A_333] {strides = array<i32>} : memref<32x512xf32, #tpu.memory_space<vmem>>, vector<16xf32>,
        %get3A_335 = arith.index_cast %scan3A_145 : i32 to index
        %get3A_336 = arith.constant 496 : index
        %get3A_337 = tpu.vector_load %arg5[%get3A_335, %get3A_336] {strides = array<i32>} : memref<32x512xf32, #tpu.memory_space<vmem>>, vector<16xf32>,
        %add3A_338 = arith.constant 384 : i32
        %add3A_339 = arith.addi %mul3A_147, %add3A_338 : i32
        %swap3A_340 = arith.index_cast %add3A_339 : i32 to index
        %swap3A_341 = tpu.vector_load %arg9[%swap3A_340] {strides = array<i32>} : memref<16416xf32, #tpu.memory_space<vmem>>, vector<16xf32>,
        tpu.vector_store %arg9[%swap3A_340], %get3A_316 {strides = array<i32>} : memref<16416xf32, #tpu.memory_space<vmem>>, vector<16xf32>,
        %add3A_342 = arith.constant 400 : i32
        %add3A_343 = arith.addi %mul3A_147, %add3A_342 : i32
        %swap3A_344 = arith.index_cast %add3A_343 : i32 to index
        %swap3A_345 = tpu.vector_load %arg9[%swap3A_344] {strides = array<i32>} : memref<16416xf32, #tpu.memory_space<vmem>>, vector<16xf32>,
        tpu.vector_store %arg9[%swap3A_344], %get3A_319 {strides = array<i32>} : memref<16416xf32, #tpu.memory_space<vmem>>, vector<16xf32>,
        %add3A_346 = arith.constant 416 : i32
        %add3A_347 = arith.addi %mul3A_147, %add3A_346 : i32
        %swap3A_348 = arith.index_cast %add3A_347 : i32 to index
        %swap3A_349 = tpu.vector_load %arg9[%swap3A_348] {strides = array<i32>} : memref<16416xf32, #tpu.memory_space<vmem>>, vector<16xf32>,
        tpu.vector_store %arg9[%swap3A_348], %get3A_322 {strides = array<i32>} : memref<16416xf32, #tpu.memory_space<vmem>>, vector<16xf32>,
        %add3A_350 = arith.constant 432 : i32
        %add3A_351 = arith.addi %mul3A_147, %add3A_350 : i32
        %swap3A_352 = arith.index_cast %add3A_351 : i32 to index
        %swap3A_353 = tpu.vector_load %arg9[%swap3A_352] {strides = array<i32>} : memref<16416xf32, #tpu.memory_space<vmem>>, vector<16xf32>,
        tpu.vector_store %arg9[%swap3A_352], %get3A_325 {strides = array<i32>} : memref<16416xf32, #tpu.memory_space<vmem>>, vector<16xf32>,
        %add3A_354 = arith.constant 448 : i32
        %add3A_355 = arith.addi %mul3A_147, %add3A_354 : i32
        %swap3A_356 = arith.index_cast %add3A_355 : i32 to index
        %swap3A_357 = tpu.vector_load %arg9[%swap3A_356] {strides = array<i32>} : memref<16416xf32, #tpu.memory_space<vmem>>, vector<16xf32>,
        tpu.vector_store %arg9[%swap3A_356], %get3A_328 {strides = array<i32>} : memref<16416xf32, #tpu.memory_space<vmem>>, vector<16xf32>,
        %add3A_358 = arith.constant 464 : i32
        %add3A_359 = arith.addi %mul3A_147, %add3A_358 : i32
        %swap3A_360 = arith.index_cast %add3A_359 : i32 to index
        %swap3A_361 = tpu.vector_load %arg9[%swap3A_360] {strides = array<i32>} : memref<16416xf32, #tpu.memory_space<vmem>>, vector<16xf32>,
        tpu.vector_store %arg9[%swap3A_360], %get3A_331 {strides = array<i32>} : memref<16416xf32, #tpu.memory_space<vmem>>, vector<16xf32>,
        %add3A_362 = arith.constant 480 : i32
        %add3A_363 = arith.addi %mul3A_147, %add3A_362 : i32
        %swap3A_364 = arith.index_cast %add3A_363 : i32 to index
        %swap3A_365 = tpu.vector_load %arg9[%swap3A_364] {strides = array<i32>} : memref<16416xf32, #tpu.memory_space<vmem>>, vector<16xf32>,
        tpu.vector_store %arg9[%swap3A_364], %get3A_334 {strides = array<i32>} : memref<16416xf32, #tpu.memory_space<vmem>>, vector<16xf32>,
        %add3A_366 = arith.constant 496 : i32
        %add3A_367 = arith.addi %mul3A_147, %add3A_366 : i32
        %swap3A_368 = arith.index_cast %add3A_367 : i32 to index
        %swap3A_369 = tpu.vector_load %arg9[%swap3A_368] {strides = array<i32>} : memref<16416xf32, #tpu.memory_space<vmem>>, vector<16xf32>,
        tpu.vector_store %arg9[%swap3A_368], %get3A_337 {strides = array<i32>} : memref<16416xf32, #tpu.memory_space<vmem>>, vector<16xf32>,
      }
      %scan3A_85 = arith.constant 32 : i32
      %scan3A_86 = arith.constant 0 : i32
      %scan3A_87 = arith.constant 0 : i32
      %scan3A_88 = arith.constant 128 : i32
      %scan3A_89 = arith.addi %scan3A_87, %scan3A_88 : i32
      %scan3A_90 = arith.constant 1 : i32
      scf.for %scan3A_145 = %scan3A_87 to %scan3A_89 step %scan3A_90  : i32 {
        %mul3A_146 = arith.constant 4 : i32
        %mul3A_147 = arith.muli %scan3A_145, %mul3A_146 : i32
        %add3A_148 = arith.constant 0 : i32
        %add3A_149 = arith.addi %mul3A_147, %add3A_148 : i32
        %add3A_150 = vector.broadcast %add3A_149 : i32 to vector<16xi32>
        %add3A_151 = arith.addi %mul3A_9, %add3A_150 : vector<16xi32>
        %gather3A = tpu.vector_load_idx %arg9[%add3A_151] : memref<16416xf32, #tpu.memory_space<vmem>>[vector<16xi32>], vector<16xf32>,
        %add3A_152 = arith.constant 8208 : i32
        %add3A_153 = vector.broadcast %add3A_152 : i32 to vector<16xi32>
        %add3A_154 = arith.addi %add3A_151, %add3A_153 : vector<16xi32>
        %gather3A_155 = tpu.vector_load_idx %arg9[%add3A_154] : memref<16416xf32, #tpu.memory_space<vmem>>[vector<16xi32>], vector<16xf32>,
        %add3A_156 = arith.constant 1 : i32
        %add3A_157 = arith.addi %mul3A_147, %add3A_156 : i32
        %add3A_158 = vector.broadcast %add3A_157 : i32 to vector<16xi32>
        %add3A_159 = arith.addi %mul3A_9, %add3A_158 : vector<16xi32>
        %gather3A_160 = tpu.vector_load_idx %arg9[%add3A_159] : memref<16416xf32, #tpu.memory_space<vmem>>[vector<16xi32>], vector<16xf32>,
        %add3A_161 = arith.constant 8208 : i32
        %add3A_162 = vector.broadcast %add3A_161 : i32 to vector<16xi32>
        %add3A_163 = arith.addi %add3A_159, %add3A_162 : vector<16xi32>
        %gather3A_164 = tpu.vector_load_idx %arg9[%add3A_163] : memref<16416xf32, #tpu.memory_space<vmem>>[vector<16xi32>], vector<16xf32>,
        %add3A_165 = arith.constant 2 : i32
        %add3A_166 = arith.addi %mul3A_147, %add3A_165 : i32
        %add3A_167 = vector.broadcast %add3A_166 : i32 to vector<16xi32>
        %add3A_168 = arith.addi %mul3A_9, %add3A_167 : vector<16xi32>
        %gather3A_169 = tpu.vector_load_idx %arg9[%add3A_168] : memref<16416xf32, #tpu.memory_space<vmem>>[vector<16xi32>], vector<16xf32>,
        %add3A_170 = arith.constant 8208 : i32
        %add3A_171 = vector.broadcast %add3A_170 : i32 to vector<16xi32>
        %add3A_172 = arith.addi %add3A_168, %add3A_171 : vector<16xi32>
        %gather3A_173 = tpu.vector_load_idx %arg9[%add3A_172] : memref<16416xf32, #tpu.memory_space<vmem>>[vector<16xi32>], vector<16xf32>,
        %add3A_174 = arith.constant 3 : i32
        %add3A_175 = arith.addi %mul3A_147, %add3A_174 : i32
        %add3A_176 = vector.broadcast %add3A_175 : i32 to vector<16xi32>
        %add3A_177 = arith.addi %mul3A_9, %add3A_176 : vector<16xi32>
        %gather3A_178 = tpu.vector_load_idx %arg9[%add3A_177] : memref<16416xf32, #tpu.memory_space<vmem>>[vector<16xi32>], vector<16xf32>,
        %add3A_179 = arith.constant 8208 : i32
        %add3A_180 = vector.broadcast %add3A_179 : i32 to vector<16xi32>
        %add3A_181 = arith.addi %add3A_177, %add3A_180 : vector<16xi32>
        %gather3A_182 = tpu.vector_load_idx %arg9[%add3A_181] : memref<16416xf32, #tpu.memory_space<vmem>>[vector<16xi32>], vector<16xf32>,
        %add3A_183 = arith.constant 0 : i32
        %add3A_184 = arith.addi %mul3A_147, %add3A_183 : i32
        %mul3A_185 = arith.constant 32 : i32
        %mul3A_186 = arith.muli %add3A_184, %mul3A_185 : i32
        %swap3A = arith.index_cast %mul3A_186 : i32 to index
        %swap3A_187 = tpu.vector_load %arg7[%swap3A] {strides = array<i32>} : memref<16384xf32, #tpu.memory_space<vmem>>, vector<16xf32>,
        tpu.vector_store %arg7[%swap3A], %gather3A {strides = array<i32>} : memref<16384xf32, #tpu.memory_space<vmem>>, vector<16xf32>,
        %add3A_188 = arith.constant 0 : i32
        %add3A_189 = arith.addi %mul3A_147, %add3A_188 : i32
        %mul3A_190 = arith.constant 32 : i32
        %mul3A_191 = arith.muli %add3A_189, %mul3A_190 : i32
        %add3A_192 = arith.constant 16 : i32
        %add3A_193 = arith.addi %mul3A_191, %add3A_192 : i32
        %swap3A_194 = arith.index_cast %add3A_193 : i32 to index
        %swap3A_195 = tpu.vector_load %arg7[%swap3A_194] {strides = array<i32>} : memref<16384xf32, #tpu.memory_space<vmem>>, vector<16xf32>,
        tpu.vector_store %arg7[%swap3A_194], %gather3A_155 {strides = array<i32>} : memref<16384xf32, #tpu.memory_space<vmem>>, vector<16xf32>,
        %add3A_196 = arith.constant 1 : i32
        %add3A_197 = arith.addi %mul3A_147, %add3A_196 : i32
        %mul3A_198 = arith.constant 32 : i32
        %mul3A_199 = arith.muli %add3A_197, %mul3A_198 : i32
        %swap3A_200 = arith.index_cast %mul3A_199 : i32 to index
        %swap3A_201 = tpu.vector_load %arg7[%swap3A_200] {strides = array<i32>} : memref<16384xf32, #tpu.memory_space<vmem>>, vector<16xf32>,
        tpu.vector_store %arg7[%swap3A_200], %gather3A_160 {strides = array<i32>} : memref<16384xf32, #tpu.memory_space<vmem>>, vector<16xf32>,
        %add3A_202 = arith.constant 1 : i32
        %add3A_203 = arith.addi %mul3A_147, %add3A_202 : i32
        %mul3A_204 = arith.constant 32 : i32
        %mul3A_205 = arith.muli %add3A_203, %mul3A_204 : i32
        %add3A_206 = arith.constant 16 : i32
        %add3A_207 = arith.addi %mul3A_205, %add3A_206 : i32
        %swap3A_208 = arith.index_cast %add3A_207 : i32 to index
        %swap3A_209 = tpu.vector_load %arg7[%swap3A_208] {strides = array<i32>} : memref<16384xf32, #tpu.memory_space<vmem>>, vector<16xf32>,
        tpu.vector_store %arg7[%swap3A_208], %gather3A_164 {strides = array<i32>} : memref<16384xf32, #tpu.memory_space<vmem>>, vector<16xf32>,
        %add3A_210 = arith.constant 2 : i32
        %add3A_211 = arith.addi %mul3A_147, %add3A_210 : i32
        %mul3A_212 = arith.constant 32 : i32
        %mul3A_213 = arith.muli %add3A_211, %mul3A_212 : i32
        %swap3A_214 = arith.index_cast %mul3A_213 : i32 to index
        %swap3A_215 = tpu.vector_load %arg7[%swap3A_214] {strides = array<i32>} : memref<16384xf32, #tpu.memory_space<vmem>>, vector<16xf32>,
        tpu.vector_store %arg7[%swap3A_214], %gather3A_169 {strides = array<i32>} : memref<16384xf32, #tpu.memory_space<vmem>>, vector<16xf32>,
        %add3A_216 = arith.constant 2 : i32
        %add3A_217 = arith.addi %mul3A_147, %add3A_216 : i32
        %mul3A_218 = arith.constant 32 : i32
        %mul3A_219 = arith.muli %add3A_217, %mul3A_218 : i32
        %add3A_220 = arith.constant 16 : i32
        %add3A_221 = arith.addi %mul3A_219, %add3A_220 : i32
        %swap3A_222 = arith.index_cast %add3A_221 : i32 to index
        %swap3A_223 = tpu.vector_load %arg7[%swap3A_222] {strides = array<i32>} : memref<16384xf32, #tpu.memory_space<vmem>>, vector<16xf32>,
        tpu.vector_store %arg7[%swap3A_222], %gather3A_173 {strides = array<i32>} : memref<16384xf32, #tpu.memory_space<vmem>>, vector<16xf32>,
        %add3A_224 = arith.constant 3 : i32
        %add3A_225 = arith.addi %mul3A_147, %add3A_224 : i32
        %mul3A_226 = arith.constant 32 : i32
        %mul3A_227 = arith.muli %add3A_225, %mul3A_226 : i32
        %swap3A_228 = arith.index_cast %mul3A_227 : i32 to index
        %swap3A_229 = tpu.vector_load %arg7[%swap3A_228] {strides = array<i32>} : memref<16384xf32, #tpu.memory_space<vmem>>, vector<16xf32>,
        tpu.vector_store %arg7[%swap3A_228], %gather3A_178 {strides = array<i32>} : memref<16384xf32, #tpu.memory_space<vmem>>, vector<16xf32>,
        %add3A_230 = arith.constant 3 : i32
        %add3A_231 = arith.addi %mul3A_147, %add3A_230 : i32
        %mul3A_232 = arith.constant 32 : i32
        %mul3A_233 = arith.muli %add3A_231, %mul3A_232 : i32
        %add3A_234 = arith.constant 16 : i32
        %add3A_235 = arith.addi %mul3A_233, %add3A_234 : i32
        %swap3A_236 = arith.index_cast %add3A_235 : i32 to index
        %swap3A_237 = tpu.vector_load %arg7[%swap3A_236] {strides = array<i32>} : memref<16384xf32, #tpu.memory_space<vmem>>, vector<16xf32>,
        tpu.vector_store %arg7[%swap3A_236], %gather3A_182 {strides = array<i32>} : memref<16384xf32, #tpu.memory_space<vmem>>, vector<16xf32>,
      }
      %scan3A_91 = arith.constant 128 : i32
      %mul3A_92 = arith.constant 512 : i32
      %mul3A_93 = arith.muli %mul3A_69, %mul3A_92 : i32
      %add3A_94 = arith.addi %mul3A_6, %mul3A_93 : i32
      %mul3A_95 = arith.constant 32 : i32
      %mul3A_96 = arith.muli %add3A_94, %mul3A_95 : i32
      %dma_start3A_97 = tpu.memref_slice %arg4[%mul3A_96] : memref<32000000xf32, #tpu.memory_space<hbm>> -> memref<16384xf32, #tpu.memory_space<hbm>>
      %dma_start3A_98 = tpu.memref_slice %arg4[%mul3A_96] : memref<32000000xf32, #tpu.memory_space<hbm>> -> memref<16384xf32, #tpu.memory_space<hbm>>
      tpu.enqueue_dma source(%arg7 : memref<16384xf32, #tpu.memory_space<vmem>>) target(%dma_start3A_98 : memref<16384xf32, #tpu.memory_space<hbm>>) target_semaphore(%arg15 : memref<!tpu.dma_semaphore, #tpu.memory_space<semaphore_mem>>)
      %add3A_99 = arith.constant 2 : i32
      %add3A_100 = arith.addi %mul3A_69, %add3A_99 : i32
      %lt3A_101 = arith.constant 61 : i32
      %lt3A_102 = arith.cmpi slt, %add3A_100, %lt3A_101 : i32
      %convert_element_type3A_103 = arith.extui %lt3A_102 : i1 to i32
      %cond3A_104 = arith.constant 0 : i32
      %cond3A_105 = arith.cmpi ne, %convert_element_type3A_103, %cond3A_104 : i32
      scf.if %cond3A_105 {
        %add3A_145 = arith.constant 2 : i32
        %add3A_146 = arith.addi %mul3A_69, %add3A_145 : i32
        %mul3A_147 = arith.constant 512 : i32
        %mul3A_148 = arith.muli %add3A_146, %mul3A_147 : i32
        %add3A_149 = arith.addi %mul3A_6, %mul3A_148 : i32
        %dma_start3A_150 = arith.constant 0 : i32
        %dma_start3A_151 = tpu.memref_slice %arg2[%dma_start3A_150, %add3A_149] : memref<32x1000000xf32, #tpu.memory_space<hbm>> -> memref<32x512xf32, #tpu.memory_space<hbm>>
        %dma_start3A_152 = arith.constant 0 : i32
        %dma_start3A_153 = tpu.memref_slice %arg2[%dma_start3A_152, %add3A_149] : memref<32x1000000xf32, #tpu.memory_space<hbm>> -> memref<32x512xf32, #tpu.memory_space<hbm>>
        tpu.enqueue_dma source(%dma_start3A_153 : memref<32x512xf32, #tpu.memory_space<hbm>>) target(%arg5 : memref<32x512xf32, #tpu.memory_space<vmem>>) target_semaphore(%arg13 : memref<!tpu.dma_semaphore, #tpu.memory_space<semaphore_mem>>)
      } else {
      }
      %dma_wait3A_106 = arith.constant 0 : i32
      %dma_wait3A_107 = arith.constant 0 : i32
      %dma_wait3A_108 = tpu.memref_slice %arg2[%dma_wait3A_106, %dma_wait3A_107] : memref<32x1000000xf32, #tpu.memory_space<hbm>> -> memref<32x512xf32, #tpu.memory_space<hbm>>
      %dma_wait3A_109 = arith.constant 0 : i32
      %dma_wait3A_110 = arith.constant 0 : i32
      %dma_wait3A_111 = tpu.memref_slice %arg2[%dma_wait3A_109, %dma_wait3A_110] : memref<32x1000000xf32, #tpu.memory_space<hbm>> -> memref<32x512xf32, #tpu.memory_space<hbm>>
      tpu.wait_dma2 semaphore(%arg14 : memref<!tpu.dma_semaphore, #tpu.memory_space<semaphore_mem>>) src(%dma_wait3A_111 : memref<32x512xf32, #tpu.memory_space<hbm>>) dst(%arg6 : memref<32x512xf32, #tpu.memory_space<vmem>>)
      %gt3A_112 = arith.constant 0 : i32
      %gt3A_113 = arith.cmpi sgt, %scan3A_67, %gt3A_112 : i32
      %convert_element_type3A_114 = arith.extui %gt3A_113 : i1 to i32
      %cond3A_115 = arith.constant 0 : i32
      %cond3A_116 = arith.cmpi ne, %convert_element_type3A_114, %cond3A_115 : i32
      scf.if %cond3A_116 {
        %dma_wait3A_145 = arith.constant 0 : i32
        %dma_wait3A_146 = tpu.memref_slice %arg4[%dma_wait3A_145] : memref<32000000xf32, #tpu.memory_space<hbm>> -> memref<16384xf32, #tpu.memory_space<hbm>>
        %dma_wait3A_147 = arith.constant 0 : i32
        %dma_wait3A_148 = tpu.memref_slice %arg4[%dma_wait3A_147] : memref<32000000xf32, #tpu.memory_space<hbm>> -> memref<16384xf32, #tpu.memory_space<hbm>>
        tpu.wait_dma2 semaphore(%arg16 : memref<!tpu.dma_semaphore, #tpu.memory_space<semaphore_mem>>) src(%arg8 : memref<16384xf32, #tpu.memory_space<vmem>>) dst(%dma_wait3A_148 : memref<16384xf32, #tpu.memory_space<hbm>>)
      } else {
      }
      %add3A_117 = arith.constant 1 : i32
      %add3A_118 = arith.addi %mul3A_69, %add3A_117 : i32
      %scan3A_119 = arith.constant 0 : i32
      %scan3A_120 = arith.constant 0 : i32
      %scan3A_121 = arith.constant 32 : i32
      %scan3A_122 = arith.addi %scan3A_120, %scan3A_121 : i32
      %scan3A_123 = arith.constant 1 : i32
      scf.for %scan3A_145 = %scan3A_120 to %scan3A_122 step %scan3A_123  : i32 {
        %mul3A_146 = arith.constant 513 : i32
        %mul3A_147 = arith.muli %scan3A_145, %mul3A_146 : i32
        %get3A = arith.index_cast %scan3A_145 : i32 to index
        %get3A_148 = arith.constant 0 : index
        %get3A_149 = tpu.vector_load %arg6[%get3A, %get3A_148] {strides = array<i32>} : memref<32x512xf32, #tpu.memory_space<vmem>>, vector<16xf32>,
        %get3A_150 = arith.index_cast %scan3A_145 : i32 to index
        %get3A_151 = arith.constant 16 : index
        %get3A_152 = tpu.vector_load %arg6[%get3A_150, %get3A_151] {strides = array<i32>} : memref<32x512xf32, #tpu.memory_space<vmem>>, vector<16xf32>,
        %get3A_153 = arith.index_cast %scan3A_145 : i32 to index
        %get3A_154 = arith.constant 32 : index
        %get3A_155 = tpu.vector_load %arg6[%get3A_153, %get3A_154] {strides = array<i32>} : memref<32x512xf32, #tpu.memory_space<vmem>>, vector<16xf32>,
        %get3A_156 = arith.index_cast %scan3A_145 : i32 to index
        %get3A_157 = arith.constant 48 : index
        %get3A_158 = tpu.vector_load %arg6[%get3A_156, %get3A_157] {strides = array<i32>} : memref<32x512xf32, #tpu.memory_space<vmem>>, vector<16xf32>,
        %get3A_159 = arith.index_cast %scan3A_145 : i32 to index
        %get3A_160 = arith.constant 64 : index
        %get3A_161 = tpu.vector_load %arg6[%get3A_159, %get3A_160] {strides = array<i32>} : memref<32x512xf32, #tpu.memory_space<vmem>>, vector<16xf32>,
        %get3A_162 = arith.index_cast %scan3A_145 : i32 to index
        %get3A_163 = arith.constant 80 : index
        %get3A_164 = tpu.vector_load %arg6[%get3A_162, %get3A_163] {strides = array<i32>} : memref<32x512xf32, #tpu.memory_space<vmem>>, vector<16xf32>,
        %get3A_165 = arith.index_cast %scan3A_145 : i32 to index
        %get3A_166 = arith.constant 96 : index
        %get3A_167 = tpu.vector_load %arg6[%get3A_165, %get3A_166] {strides = array<i32>} : memref<32x512xf32, #tpu.memory_space<vmem>>, vector<16xf32>,
        %get3A_168 = arith.index_cast %scan3A_145 : i32 to index
        %get3A_169 = arith.constant 112 : index
        %get3A_170 = tpu.vector_load %arg6[%get3A_168, %get3A_169] {strides = array<i32>} : memref<32x512xf32, #tpu.memory_space<vmem>>, vector<16xf32>,
        %add3A_171 = arith.constant 0 : i32
        %add3A_172 = arith.addi %mul3A_147, %add3A_171 : i32
        %swap3A = arith.index_cast %add3A_172 : i32 to index
        %swap3A_173 = tpu.vector_load %arg9[%swap3A] {strides = array<i32>} : memref<16416xf32, #tpu.memory_space<vmem>>, vector<16xf32>,
        tpu.vector_store %arg9[%swap3A], %get3A_149 {strides = array<i32>} : memref<16416xf32, #tpu.memory_space<vmem>>, vector<16xf32>,
        %add3A_174 = arith.constant 16 : i32
        %add3A_175 = arith.addi %mul3A_147, %add3A_174 : i32
        %swap3A_176 = arith.index_cast %add3A_175 : i32 to index
        %swap3A_177 = tpu.vector_load %arg9[%swap3A_176] {strides = array<i32>} : memref<16416xf32, #tpu.memory_space<vmem>>, vector<16xf32>,
        tpu.vector_store %arg9[%swap3A_176], %get3A_152 {strides = array<i32>} : memref<16416xf32, #tpu.memory_space<vmem>>, vector<16xf32>,
        %add3A_178 = arith.constant 32 : i32
        %add3A_179 = arith.addi %mul3A_147, %add3A_178 : i32
        %swap3A_180 = arith.index_cast %add3A_179 : i32 to index
        %swap3A_181 = tpu.vector_load %arg9[%swap3A_180] {strides = array<i32>} : memref<16416xf32, #tpu.memory_space<vmem>>, vector<16xf32>,
        tpu.vector_store %arg9[%swap3A_180], %get3A_155 {strides = array<i32>} : memref<16416xf32, #tpu.memory_space<vmem>>, vector<16xf32>,
        %add3A_182 = arith.constant 48 : i32
        %add3A_183 = arith.addi %mul3A_147, %add3A_182 : i32
        %swap3A_184 = arith.index_cast %add3A_183 : i32 to index
        %swap3A_185 = tpu.vector_load %arg9[%swap3A_184] {strides = array<i32>} : memref<16416xf32, #tpu.memory_space<vmem>>, vector<16xf32>,
        tpu.vector_store %arg9[%swap3A_184], %get3A_158 {strides = array<i32>} : memref<16416xf32, #tpu.memory_space<vmem>>, vector<16xf32>,
        %add3A_186 = arith.constant 64 : i32
        %add3A_187 = arith.addi %mul3A_147, %add3A_186 : i32
        %swap3A_188 = arith.index_cast %add3A_187 : i32 to index
        %swap3A_189 = tpu.vector_load %arg9[%swap3A_188] {strides = array<i32>} : memref<16416xf32, #tpu.memory_space<vmem>>, vector<16xf32>,
        tpu.vector_store %arg9[%swap3A_188], %get3A_161 {strides = array<i32>} : memref<16416xf32, #tpu.memory_space<vmem>>, vector<16xf32>,
        %add3A_190 = arith.constant 80 : i32
        %add3A_191 = arith.addi %mul3A_147, %add3A_190 : i32
        %swap3A_192 = arith.index_cast %add3A_191 : i32 to index
        %swap3A_193 = tpu.vector_load %arg9[%swap3A_192] {strides = array<i32>} : memref<16416xf32, #tpu.memory_space<vmem>>, vector<16xf32>,
        tpu.vector_store %arg9[%swap3A_192], %get3A_164 {strides = array<i32>} : memref<16416xf32, #tpu.memory_space<vmem>>, vector<16xf32>,
        %add3A_194 = arith.constant 96 : i32
        %add3A_195 = arith.addi %mul3A_147, %add3A_194 : i32
        %swap3A_196 = arith.index_cast %add3A_195 : i32 to index
        %swap3A_197 = tpu.vector_load %arg9[%swap3A_196] {strides = array<i32>} : memref<16416xf32, #tpu.memory_space<vmem>>, vector<16xf32>,
        tpu.vector_store %arg9[%swap3A_196], %get3A_167 {strides = array<i32>} : memref<16416xf32, #tpu.memory_space<vmem>>, vector<16xf32>,
        %add3A_198 = arith.constant 112 : i32
        %add3A_199 = arith.addi %mul3A_147, %add3A_198 : i32
        %swap3A_200 = arith.index_cast %add3A_199 : i32 to index
        %swap3A_201 = tpu.vector_load %arg9[%swap3A_200] {strides = array<i32>} : memref<16416xf32, #tpu.memory_space<vmem>>, vector<16xf32>,
        tpu.vector_store %arg9[%swap3A_200], %get3A_170 {strides = array<i32>} : memref<16416xf32, #tpu.memory_space<vmem>>, vector<16xf32>,
        %get3A_202 = arith.index_cast %scan3A_145 : i32 to index
        %get3A_203 = arith.constant 128 : index
        %get3A_204 = tpu.vector_load %arg6[%get3A_202, %get3A_203] {strides = array<i32>} : memref<32x512xf32, #tpu.memory_space<vmem>>, vector<16xf32>,
        %get3A_205 = arith.index_cast %scan3A_145 : i32 to index
        %get3A_206 = arith.constant 144 : index
        %get3A_207 = tpu.vector_load %arg6[%get3A_205, %get3A_206] {strides = array<i32>} : memref<32x512xf32, #tpu.memory_space<vmem>>, vector<16xf32>,
        %get3A_208 = arith.index_cast %scan3A_145 : i32 to index
        %get3A_209 = arith.constant 160 : index
        %get3A_210 = tpu.vector_load %arg6[%get3A_208, %get3A_209] {strides = array<i32>} : memref<32x512xf32, #tpu.memory_space<vmem>>, vector<16xf32>,
        %get3A_211 = arith.index_cast %scan3A_145 : i32 to index
        %get3A_212 = arith.constant 176 : index
        %get3A_213 = tpu.vector_load %arg6[%get3A_211, %get3A_212] {strides = array<i32>} : memref<32x512xf32, #tpu.memory_space<vmem>>, vector<16xf32>,
        %get3A_214 = arith.index_cast %scan3A_145 : i32 to index
        %get3A_215 = arith.constant 192 : index
        %get3A_216 = tpu.vector_load %arg6[%get3A_214, %get3A_215] {strides = array<i32>} : memref<32x512xf32, #tpu.memory_space<vmem>>, vector<16xf32>,
        %get3A_217 = arith.index_cast %scan3A_145 : i32 to index
        %get3A_218 = arith.constant 208 : index
        %get3A_219 = tpu.vector_load %arg6[%get3A_217, %get3A_218] {strides = array<i32>} : memref<32x512xf32, #tpu.memory_space<vmem>>, vector<16xf32>,
        %get3A_220 = arith.index_cast %scan3A_145 : i32 to index
        %get3A_221 = arith.constant 224 : index
        %get3A_222 = tpu.vector_load %arg6[%get3A_220, %get3A_221] {strides = array<i32>} : memref<32x512xf32, #tpu.memory_space<vmem>>, vector<16xf32>,
        %get3A_223 = arith.index_cast %scan3A_145 : i32 to index
        %get3A_224 = arith.constant 240 : index
        %get3A_225 = tpu.vector_load %arg6[%get3A_223, %get3A_224] {strides = array<i32>} : memref<32x512xf32, #tpu.memory_space<vmem>>, vector<16xf32>,
        %add3A_226 = arith.constant 128 : i32
        %add3A_227 = arith.addi %mul3A_147, %add3A_226 : i32
        %swap3A_228 = arith.index_cast %add3A_227 : i32 to index
        %swap3A_229 = tpu.vector_load %arg9[%swap3A_228] {strides = array<i32>} : memref<16416xf32, #tpu.memory_space<vmem>>, vector<16xf32>,
        tpu.vector_store %arg9[%swap3A_228], %get3A_204 {strides = array<i32>} : memref<16416xf32, #tpu.memory_space<vmem>>, vector<16xf32>,
        %add3A_230 = arith.constant 144 : i32
        %add3A_231 = arith.addi %mul3A_147, %add3A_230 : i32
        %swap3A_232 = arith.index_cast %add3A_231 : i32 to index
        %swap3A_233 = tpu.vector_load %arg9[%swap3A_232] {strides = array<i32>} : memref<16416xf32, #tpu.memory_space<vmem>>, vector<16xf32>,
        tpu.vector_store %arg9[%swap3A_232], %get3A_207 {strides = array<i32>} : memref<16416xf32, #tpu.memory_space<vmem>>, vector<16xf32>,
        %add3A_234 = arith.constant 160 : i32
        %add3A_235 = arith.addi %mul3A_147, %add3A_234 : i32
        %swap3A_236 = arith.index_cast %add3A_235 : i32 to index
        %swap3A_237 = tpu.vector_load %arg9[%swap3A_236] {strides = array<i32>} : memref<16416xf32, #tpu.memory_space<vmem>>, vector<16xf32>,
        tpu.vector_store %arg9[%swap3A_236], %get3A_210 {strides = array<i32>} : memref<16416xf32, #tpu.memory_space<vmem>>, vector<16xf32>,
        %add3A_238 = arith.constant 176 : i32
        %add3A_239 = arith.addi %mul3A_147, %add3A_238 : i32
        %swap3A_240 = arith.index_cast %add3A_239 : i32 to index
        %swap3A_241 = tpu.vector_load %arg9[%swap3A_240] {strides = array<i32>} : memref<16416xf32, #tpu.memory_space<vmem>>, vector<16xf32>,
        tpu.vector_store %arg9[%swap3A_240], %get3A_213 {strides = array<i32>} : memref<16416xf32, #tpu.memory_space<vmem>>, vector<16xf32>,
        %add3A_242 = arith.constant 192 : i32
        %add3A_243 = arith.addi %mul3A_147, %add3A_242 : i32
        %swap3A_244 = arith.index_cast %add3A_243 : i32 to index
        %swap3A_245 = tpu.vector_load %arg9[%swap3A_244] {strides = array<i32>} : memref<16416xf32, #tpu.memory_space<vmem>>, vector<16xf32>,
        tpu.vector_store %arg9[%swap3A_244], %get3A_216 {strides = array<i32>} : memref<16416xf32, #tpu.memory_space<vmem>>, vector<16xf32>,
        %add3A_246 = arith.constant 208 : i32
        %add3A_247 = arith.addi %mul3A_147, %add3A_246 : i32
        %swap3A_248 = arith.index_cast %add3A_247 : i32 to index
        %swap3A_249 = tpu.vector_load %arg9[%swap3A_248] {strides = array<i32>} : memref<16416xf32, #tpu.memory_space<vmem>>, vector<16xf32>,
        tpu.vector_store %arg9[%swap3A_248], %get3A_219 {strides = array<i32>} : memref<16416xf32, #tpu.memory_space<vmem>>, vector<16xf32>,
        %add3A_250 = arith.constant 224 : i32
        %add3A_251 = arith.addi %mul3A_147, %add3A_250 : i32
        %swap3A_252 = arith.index_cast %add3A_251 : i32 to index
        %swap3A_253 = tpu.vector_load %arg9[%swap3A_252] {strides = array<i32>} : memref<16416xf32, #tpu.memory_space<vmem>>, vector<16xf32>,
        tpu.vector_store %arg9[%swap3A_252], %get3A_222 {strides = array<i32>} : memref<16416xf32, #tpu.memory_space<vmem>>, vector<16xf32>,
        %add3A_254 = arith.constant 240 : i32
        %add3A_255 = arith.addi %mul3A_147, %add3A_254 : i32
        %swap3A_256 = arith.index_cast %add3A_255 : i32 to index
        %swap3A_257 = tpu.vector_load %arg9[%swap3A_256] {strides = array<i32>} : memref<16416xf32, #tpu.memory_space<vmem>>, vector<16xf32>,
        tpu.vector_store %arg9[%swap3A_256], %get3A_225 {strides = array<i32>} : memref<16416xf32, #tpu.memory_space<vmem>>, vector<16xf32>,
        %get3A_258 = arith.index_cast %scan3A_145 : i32 to index
        %get3A_259 = arith.constant 256 : index
        %get3A_260 = tpu.vector_load %arg6[%get3A_258, %get3A_259] {strides = array<i32>} : memref<32x512xf32, #tpu.memory_space<vmem>>, vector<16xf32>,
        %get3A_261 = arith.index_cast %scan3A_145 : i32 to index
        %get3A_262 = arith.constant 272 : index
        %get3A_263 = tpu.vector_load %arg6[%get3A_261, %get3A_262] {strides = array<i32>} : memref<32x512xf32, #tpu.memory_space<vmem>>, vector<16xf32>,
        %get3A_264 = arith.index_cast %scan3A_145 : i32 to index
        %get3A_265 = arith.constant 288 : index
        %get3A_266 = tpu.vector_load %arg6[%get3A_264, %get3A_265] {strides = array<i32>} : memref<32x512xf32, #tpu.memory_space<vmem>>, vector<16xf32>,
        %get3A_267 = arith.index_cast %scan3A_145 : i32 to index
        %get3A_268 = arith.constant 304 : index
        %get3A_269 = tpu.vector_load %arg6[%get3A_267, %get3A_268] {strides = array<i32>} : memref<32x512xf32, #tpu.memory_space<vmem>>, vector<16xf32>,
        %get3A_270 = arith.index_cast %scan3A_145 : i32 to index
        %get3A_271 = arith.constant 320 : index
        %get3A_272 = tpu.vector_load %arg6[%get3A_270, %get3A_271] {strides = array<i32>} : memref<32x512xf32, #tpu.memory_space<vmem>>, vector<16xf32>,
        %get3A_273 = arith.index_cast %scan3A_145 : i32 to index
        %get3A_274 = arith.constant 336 : index
        %get3A_275 = tpu.vector_load %arg6[%get3A_273, %get3A_274] {strides = array<i32>} : memref<32x512xf32, #tpu.memory_space<vmem>>, vector<16xf32>,
        %get3A_276 = arith.index_cast %scan3A_145 : i32 to index
        %get3A_277 = arith.constant 352 : index
        %get3A_278 = tpu.vector_load %arg6[%get3A_276, %get3A_277] {strides = array<i32>} : memref<32x512xf32, #tpu.memory_space<vmem>>, vector<16xf32>,
        %get3A_279 = arith.index_cast %scan3A_145 : i32 to index
        %get3A_280 = arith.constant 368 : index
        %get3A_281 = tpu.vector_load %arg6[%get3A_279, %get3A_280] {strides = array<i32>} : memref<32x512xf32, #tpu.memory_space<vmem>>, vector<16xf32>,
        %add3A_282 = arith.constant 256 : i32
        %add3A_283 = arith.addi %mul3A_147, %add3A_282 : i32
        %swap3A_284 = arith.index_cast %add3A_283 : i32 to index
        %swap3A_285 = tpu.vector_load %arg9[%swap3A_284] {strides = array<i32>} : memref<16416xf32, #tpu.memory_space<vmem>>, vector<16xf32>,
        tpu.vector_store %arg9[%swap3A_284], %get3A_260 {strides = array<i32>} : memref<16416xf32, #tpu.memory_space<vmem>>, vector<16xf32>,
        %add3A_286 = arith.constant 272 : i32
        %add3A_287 = arith.addi %mul3A_147, %add3A_286 : i32
        %swap3A_288 = arith.index_cast %add3A_287 : i32 to index
        %swap3A_289 = tpu.vector_load %arg9[%swap3A_288] {strides = array<i32>} : memref<16416xf32, #tpu.memory_space<vmem>>, vector<16xf32>,
        tpu.vector_store %arg9[%swap3A_288], %get3A_263 {strides = array<i32>} : memref<16416xf32, #tpu.memory_space<vmem>>, vector<16xf32>,
        %add3A_290 = arith.constant 288 : i32
        %add3A_291 = arith.addi %mul3A_147, %add3A_290 : i32
        %swap3A_292 = arith.index_cast %add3A_291 : i32 to index
        %swap3A_293 = tpu.vector_load %arg9[%swap3A_292] {strides = array<i32>} : memref<16416xf32, #tpu.memory_space<vmem>>, vector<16xf32>,
        tpu.vector_store %arg9[%swap3A_292], %get3A_266 {strides = array<i32>} : memref<16416xf32, #tpu.memory_space<vmem>>, vector<16xf32>,
        %add3A_294 = arith.constant 304 : i32
        %add3A_295 = arith.addi %mul3A_147, %add3A_294 : i32
        %swap3A_296 = arith.index_cast %add3A_295 : i32 to index
        %swap3A_297 = tpu.vector_load %arg9[%swap3A_296] {strides = array<i32>} : memref<16416xf32, #tpu.memory_space<vmem>>, vector<16xf32>,
        tpu.vector_store %arg9[%swap3A_296], %get3A_269 {strides = array<i32>} : memref<16416xf32, #tpu.memory_space<vmem>>, vector<16xf32>,
        %add3A_298 = arith.constant 320 : i32
        %add3A_299 = arith.addi %mul3A_147, %add3A_298 : i32
        %swap3A_300 = arith.index_cast %add3A_299 : i32 to index
        %swap3A_301 = tpu.vector_load %arg9[%swap3A_300] {strides = array<i32>} : memref<16416xf32, #tpu.memory_space<vmem>>, vector<16xf32>,
        tpu.vector_store %arg9[%swap3A_300], %get3A_272 {strides = array<i32>} : memref<16416xf32, #tpu.memory_space<vmem>>, vector<16xf32>,
        %add3A_302 = arith.constant 336 : i32
        %add3A_303 = arith.addi %mul3A_147, %add3A_302 : i32
        %swap3A_304 = arith.index_cast %add3A_303 : i32 to index
        %swap3A_305 = tpu.vector_load %arg9[%swap3A_304] {strides = array<i32>} : memref<16416xf32, #tpu.memory_space<vmem>>, vector<16xf32>,
        tpu.vector_store %arg9[%swap3A_304], %get3A_275 {strides = array<i32>} : memref<16416xf32, #tpu.memory_space<vmem>>, vector<16xf32>,
        %add3A_306 = arith.constant 352 : i32
        %add3A_307 = arith.addi %mul3A_147, %add3A_306 : i32
        %swap3A_308 = arith.index_cast %add3A_307 : i32 to index
        %swap3A_309 = tpu.vector_load %arg9[%swap3A_308] {strides = array<i32>} : memref<16416xf32, #tpu.memory_space<vmem>>, vector<16xf32>,
        tpu.vector_store %arg9[%swap3A_308], %get3A_278 {strides = array<i32>} : memref<16416xf32, #tpu.memory_space<vmem>>, vector<16xf32>,
        %add3A_310 = arith.constant 368 : i32
        %add3A_311 = arith.addi %mul3A_147, %add3A_310 : i32
        %swap3A_312 = arith.index_cast %add3A_311 : i32 to index
        %swap3A_313 = tpu.vector_load %arg9[%swap3A_312] {strides = array<i32>} : memref<16416xf32, #tpu.memory_space<vmem>>, vector<16xf32>,
        tpu.vector_store %arg9[%swap3A_312], %get3A_281 {strides = array<i32>} : memref<16416xf32, #tpu.memory_space<vmem>>, vector<16xf32>,
        %get3A_314 = arith.index_cast %scan3A_145 : i32 to index
        %get3A_315 = arith.constant 384 : index
        %get3A_316 = tpu.vector_load %arg6[%get3A_314, %get3A_315] {strides = array<i32>} : memref<32x512xf32, #tpu.memory_space<vmem>>, vector<16xf32>,
        %get3A_317 = arith.index_cast %scan3A_145 : i32 to index
        %get3A_318 = arith.constant 400 : index
        %get3A_319 = tpu.vector_load %arg6[%get3A_317, %get3A_318] {strides = array<i32>} : memref<32x512xf32, #tpu.memory_space<vmem>>, vector<16xf32>,
        %get3A_320 = arith.index_cast %scan3A_145 : i32 to index
        %get3A_321 = arith.constant 416 : index
        %get3A_322 = tpu.vector_load %arg6[%get3A_320, %get3A_321] {strides = array<i32>} : memref<32x512xf32, #tpu.memory_space<vmem>>, vector<16xf32>,
        %get3A_323 = arith.index_cast %scan3A_145 : i32 to index
        %get3A_324 = arith.constant 432 : index
        %get3A_325 = tpu.vector_load %arg6[%get3A_323, %get3A_324] {strides = array<i32>} : memref<32x512xf32, #tpu.memory_space<vmem>>, vector<16xf32>,
        %get3A_326 = arith.index_cast %scan3A_145 : i32 to index
        %get3A_327 = arith.constant 448 : index
        %get3A_328 = tpu.vector_load %arg6[%get3A_326, %get3A_327] {strides = array<i32>} : memref<32x512xf32, #tpu.memory_space<vmem>>, vector<16xf32>,
        %get3A_329 = arith.index_cast %scan3A_145 : i32 to index
        %get3A_330 = arith.constant 464 : index
        %get3A_331 = tpu.vector_load %arg6[%get3A_329, %get3A_330] {strides = array<i32>} : memref<32x512xf32, #tpu.memory_space<vmem>>, vector<16xf32>,
        %get3A_332 = arith.index_cast %scan3A_145 : i32 to index
        %get3A_333 = arith.constant 480 : index
        %get3A_334 = tpu.vector_load %arg6[%get3A_332, %get3A_333] {strides = array<i32>} : memref<32x512xf32, #tpu.memory_space<vmem>>, vector<16xf32>,
        %get3A_335 = arith.index_cast %scan3A_145 : i32 to index
        %get3A_336 = arith.constant 496 : index
        %get3A_337 = tpu.vector_load %arg6[%get3A_335, %get3A_336] {strides = array<i32>} : memref<32x512xf32, #tpu.memory_space<vmem>>, vector<16xf32>,
        %add3A_338 = arith.constant 384 : i32
        %add3A_339 = arith.addi %mul3A_147, %add3A_338 : i32
        %swap3A_340 = arith.index_cast %add3A_339 : i32 to index
        %swap3A_341 = tpu.vector_load %arg9[%swap3A_340] {strides = array<i32>} : memref<16416xf32, #tpu.memory_space<vmem>>, vector<16xf32>,
        tpu.vector_store %arg9[%swap3A_340], %get3A_316 {strides = array<i32>} : memref<16416xf32, #tpu.memory_space<vmem>>, vector<16xf32>,
        %add3A_342 = arith.constant 400 : i32
        %add3A_343 = arith.addi %mul3A_147, %add3A_342 : i32
        %swap3A_344 = arith.index_cast %add3A_343 : i32 to index
        %swap3A_345 = tpu.vector_load %arg9[%swap3A_344] {strides = array<i32>} : memref<16416xf32, #tpu.memory_space<vmem>>, vector<16xf32>,
        tpu.vector_store %arg9[%swap3A_344], %get3A_319 {strides = array<i32>} : memref<16416xf32, #tpu.memory_space<vmem>>, vector<16xf32>,
        %add3A_346 = arith.constant 416 : i32
        %add3A_347 = arith.addi %mul3A_147, %add3A_346 : i32
        %swap3A_348 = arith.index_cast %add3A_347 : i32 to index
        %swap3A_349 = tpu.vector_load %arg9[%swap3A_348] {strides = array<i32>} : memref<16416xf32, #tpu.memory_space<vmem>>, vector<16xf32>,
        tpu.vector_store %arg9[%swap3A_348], %get3A_322 {strides = array<i32>} : memref<16416xf32, #tpu.memory_space<vmem>>, vector<16xf32>,
        %add3A_350 = arith.constant 432 : i32
        %add3A_351 = arith.addi %mul3A_147, %add3A_350 : i32
        %swap3A_352 = arith.index_cast %add3A_351 : i32 to index
        %swap3A_353 = tpu.vector_load %arg9[%swap3A_352] {strides = array<i32>} : memref<16416xf32, #tpu.memory_space<vmem>>, vector<16xf32>,
        tpu.vector_store %arg9[%swap3A_352], %get3A_325 {strides = array<i32>} : memref<16416xf32, #tpu.memory_space<vmem>>, vector<16xf32>,
        %add3A_354 = arith.constant 448 : i32
        %add3A_355 = arith.addi %mul3A_147, %add3A_354 : i32
        %swap3A_356 = arith.index_cast %add3A_355 : i32 to index
        %swap3A_357 = tpu.vector_load %arg9[%swap3A_356] {strides = array<i32>} : memref<16416xf32, #tpu.memory_space<vmem>>, vector<16xf32>,
        tpu.vector_store %arg9[%swap3A_356], %get3A_328 {strides = array<i32>} : memref<16416xf32, #tpu.memory_space<vmem>>, vector<16xf32>,
        %add3A_358 = arith.constant 464 : i32
        %add3A_359 = arith.addi %mul3A_147, %add3A_358 : i32
        %swap3A_360 = arith.index_cast %add3A_359 : i32 to index
        %swap3A_361 = tpu.vector_load %arg9[%swap3A_360] {strides = array<i32>} : memref<16416xf32, #tpu.memory_space<vmem>>, vector<16xf32>,
        tpu.vector_store %arg9[%swap3A_360], %get3A_331 {strides = array<i32>} : memref<16416xf32, #tpu.memory_space<vmem>>, vector<16xf32>,
        %add3A_362 = arith.constant 480 : i32
        %add3A_363 = arith.addi %mul3A_147, %add3A_362 : i32
        %swap3A_364 = arith.index_cast %add3A_363 : i32 to index
        %swap3A_365 = tpu.vector_load %arg9[%swap3A_364] {strides = array<i32>} : memref<16416xf32, #tpu.memory_space<vmem>>, vector<16xf32>,
        tpu.vector_store %arg9[%swap3A_364], %get3A_334 {strides = array<i32>} : memref<16416xf32, #tpu.memory_space<vmem>>, vector<16xf32>,
        %add3A_366 = arith.constant 496 : i32
        %add3A_367 = arith.addi %mul3A_147, %add3A_366 : i32
        %swap3A_368 = arith.index_cast %add3A_367 : i32 to index
        %swap3A_369 = tpu.vector_load %arg9[%swap3A_368] {strides = array<i32>} : memref<16416xf32, #tpu.memory_space<vmem>>, vector<16xf32>,
        tpu.vector_store %arg9[%swap3A_368], %get3A_337 {strides = array<i32>} : memref<16416xf32, #tpu.memory_space<vmem>>, vector<16xf32>,
      }
      %scan3A_124 = arith.constant 32 : i32
      %scan3A_125 = arith.constant 0 : i32
      %scan3A_126 = arith.constant 0 : i32
      %scan3A_127 = arith.constant 128 : i32
      %scan3A_128 = arith.addi %scan3A_126, %scan3A_127 : i32
      %scan3A_129 = arith.constant 1 : i32
      scf.for %scan3A_145 = %scan3A_126 to %scan3A_128 step %scan3A_129  : i32 {
        %mul3A_146 = arith.constant 4 : i32
        %mul3A_147 = arith.muli %scan3A_145, %mul3A_146 : i32
        %add3A_148 = arith.constant 0 : i32
        %add3A_149 = arith.addi %mul3A_147, %add3A_148 : i32
        %add3A_150 = vector.broadcast %add3A_149 : i32 to vector<16xi32>
        %add3A_151 = arith.addi %mul3A_9, %add3A_150 : vector<16xi32>
        %gather3A = tpu.vector_load_idx %arg9[%add3A_151] : memref<16416xf32, #tpu.memory_space<vmem>>[vector<16xi32>], vector<16xf32>,
        %add3A_152 = arith.constant 8208 : i32
        %add3A_153 = vector.broadcast %add3A_152 : i32 to vector<16xi32>
        %add3A_154 = arith.addi %add3A_151, %add3A_153 : vector<16xi32>
        %gather3A_155 = tpu.vector_load_idx %arg9[%add3A_154] : memref<16416xf32, #tpu.memory_space<vmem>>[vector<16xi32>], vector<16xf32>,
        %add3A_156 = arith.constant 1 : i32
        %add3A_157 = arith.addi %mul3A_147, %add3A_156 : i32
        %add3A_158 = vector.broadcast %add3A_157 : i32 to vector<16xi32>
        %add3A_159 = arith.addi %mul3A_9, %add3A_158 : vector<16xi32>
        %gather3A_160 = tpu.vector_load_idx %arg9[%add3A_159] : memref<16416xf32, #tpu.memory_space<vmem>>[vector<16xi32>], vector<16xf32>,
        %add3A_161 = arith.constant 8208 : i32
        %add3A_162 = vector.broadcast %add3A_161 : i32 to vector<16xi32>
        %add3A_163 = arith.addi %add3A_159, %add3A_162 : vector<16xi32>
        %gather3A_164 = tpu.vector_load_idx %arg9[%add3A_163] : memref<16416xf32, #tpu.memory_space<vmem>>[vector<16xi32>], vector<16xf32>,
        %add3A_165 = arith.constant 2 : i32
        %add3A_166 = arith.addi %mul3A_147, %add3A_165 : i32
        %add3A_167 = vector.broadcast %add3A_166 : i32 to vector<16xi32>
        %add3A_168 = arith.addi %mul3A_9, %add3A_167 : vector<16xi32>
        %gather3A_169 = tpu.vector_load_idx %arg9[%add3A_168] : memref<16416xf32, #tpu.memory_space<vmem>>[vector<16xi32>], vector<16xf32>,
        %add3A_170 = arith.constant 8208 : i32
        %add3A_171 = vector.broadcast %add3A_170 : i32 to vector<16xi32>
        %add3A_172 = arith.addi %add3A_168, %add3A_171 : vector<16xi32>
        %gather3A_173 = tpu.vector_load_idx %arg9[%add3A_172] : memref<16416xf32, #tpu.memory_space<vmem>>[vector<16xi32>], vector<16xf32>,
        %add3A_174 = arith.constant 3 : i32
        %add3A_175 = arith.addi %mul3A_147, %add3A_174 : i32
        %add3A_176 = vector.broadcast %add3A_175 : i32 to vector<16xi32>
        %add3A_177 = arith.addi %mul3A_9, %add3A_176 : vector<16xi32>
        %gather3A_178 = tpu.vector_load_idx %arg9[%add3A_177] : memref<16416xf32, #tpu.memory_space<vmem>>[vector<16xi32>], vector<16xf32>,
        %add3A_179 = arith.constant 8208 : i32
        %add3A_180 = vector.broadcast %add3A_179 : i32 to vector<16xi32>
        %add3A_181 = arith.addi %add3A_177, %add3A_180 : vector<16xi32>
        %gather3A_182 = tpu.vector_load_idx %arg9[%add3A_181] : memref<16416xf32, #tpu.memory_space<vmem>>[vector<16xi32>], vector<16xf32>,
        %add3A_183 = arith.constant 0 : i32
        %add3A_184 = arith.addi %mul3A_147, %add3A_183 : i32
        %mul3A_185 = arith.constant 32 : i32
        %mul3A_186 = arith.muli %add3A_184, %mul3A_185 : i32
        %swap3A = arith.index_cast %mul3A_186 : i32 to index
        %swap3A_187 = tpu.vector_load %arg8[%swap3A] {strides = array<i32>} : memref<16384xf32, #tpu.memory_space<vmem>>, vector<16xf32>,
        tpu.vector_store %arg8[%swap3A], %gather3A {strides = array<i32>} : memref<16384xf32, #tpu.memory_space<vmem>>, vector<16xf32>,
        %add3A_188 = arith.constant 0 : i32
        %add3A_189 = arith.addi %mul3A_147, %add3A_188 : i32
        %mul3A_190 = arith.constant 32 : i32
        %mul3A_191 = arith.muli %add3A_189, %mul3A_190 : i32
        %add3A_192 = arith.constant 16 : i32
        %add3A_193 = arith.addi %mul3A_191, %add3A_192 : i32
        %swap3A_194 = arith.index_cast %add3A_193 : i32 to index
        %swap3A_195 = tpu.vector_load %arg8[%swap3A_194] {strides = array<i32>} : memref<16384xf32, #tpu.memory_space<vmem>>, vector<16xf32>,
        tpu.vector_store %arg8[%swap3A_194], %gather3A_155 {strides = array<i32>} : memref<16384xf32, #tpu.memory_space<vmem>>, vector<16xf32>,
        %add3A_196 = arith.constant 1 : i32
        %add3A_197 = arith.addi %mul3A_147, %add3A_196 : i32
        %mul3A_198 = arith.constant 32 : i32
        %mul3A_199 = arith.muli %add3A_197, %mul3A_198 : i32
        %swap3A_200 = arith.index_cast %mul3A_199 : i32 to index
        %swap3A_201 = tpu.vector_load %arg8[%swap3A_200] {strides = array<i32>} : memref<16384xf32, #tpu.memory_space<vmem>>, vector<16xf32>,
        tpu.vector_store %arg8[%swap3A_200], %gather3A_160 {strides = array<i32>} : memref<16384xf32, #tpu.memory_space<vmem>>, vector<16xf32>,
        %add3A_202 = arith.constant 1 : i32
        %add3A_203 = arith.addi %mul3A_147, %add3A_202 : i32
        %mul3A_204 = arith.constant 32 : i32
        %mul3A_205 = arith.muli %add3A_203, %mul3A_204 : i32
        %add3A_206 = arith.constant 16 : i32
        %add3A_207 = arith.addi %mul3A_205, %add3A_206 : i32
        %swap3A_208 = arith.index_cast %add3A_207 : i32 to index
        %swap3A_209 = tpu.vector_load %arg8[%swap3A_208] {strides = array<i32>} : memref<16384xf32, #tpu.memory_space<vmem>>, vector<16xf32>,
        tpu.vector_store %arg8[%swap3A_208], %gather3A_164 {strides = array<i32>} : memref<16384xf32, #tpu.memory_space<vmem>>, vector<16xf32>,
        %add3A_210 = arith.constant 2 : i32
        %add3A_211 = arith.addi %mul3A_147, %add3A_210 : i32
        %mul3A_212 = arith.constant 32 : i32
        %mul3A_213 = arith.muli %add3A_211, %mul3A_212 : i32
        %swap3A_214 = arith.index_cast %mul3A_213 : i32 to index
        %swap3A_215 = tpu.vector_load %arg8[%swap3A_214] {strides = array<i32>} : memref<16384xf32, #tpu.memory_space<vmem>>, vector<16xf32>,
        tpu.vector_store %arg8[%swap3A_214], %gather3A_169 {strides = array<i32>} : memref<16384xf32, #tpu.memory_space<vmem>>, vector<16xf32>,
        %add3A_216 = arith.constant 2 : i32
        %add3A_217 = arith.addi %mul3A_147, %add3A_216 : i32
        %mul3A_218 = arith.constant 32 : i32
        %mul3A_219 = arith.muli %add3A_217, %mul3A_218 : i32
        %add3A_220 = arith.constant 16 : i32
        %add3A_221 = arith.addi %mul3A_219, %add3A_220 : i32
        %swap3A_222 = arith.index_cast %add3A_221 : i32 to index
        %swap3A_223 = tpu.vector_load %arg8[%swap3A_222] {strides = array<i32>} : memref<16384xf32, #tpu.memory_space<vmem>>, vector<16xf32>,
        tpu.vector_store %arg8[%swap3A_222], %gather3A_173 {strides = array<i32>} : memref<16384xf32, #tpu.memory_space<vmem>>, vector<16xf32>,
        %add3A_224 = arith.constant 3 : i32
        %add3A_225 = arith.addi %mul3A_147, %add3A_224 : i32
        %mul3A_226 = arith.constant 32 : i32
        %mul3A_227 = arith.muli %add3A_225, %mul3A_226 : i32
        %swap3A_228 = arith.index_cast %mul3A_227 : i32 to index
        %swap3A_229 = tpu.vector_load %arg8[%swap3A_228] {strides = array<i32>} : memref<16384xf32, #tpu.memory_space<vmem>>, vector<16xf32>,
        tpu.vector_store %arg8[%swap3A_228], %gather3A_178 {strides = array<i32>} : memref<16384xf32, #tpu.memory_space<vmem>>, vector<16xf32>,
        %add3A_230 = arith.constant 3 : i32
        %add3A_231 = arith.addi %mul3A_147, %add3A_230 : i32
        %mul3A_232 = arith.constant 32 : i32
        %mul3A_233 = arith.muli %add3A_231, %mul3A_232 : i32
        %add3A_234 = arith.constant 16 : i32
        %add3A_235 = arith.addi %mul3A_233, %add3A_234 : i32
        %swap3A_236 = arith.index_cast %add3A_235 : i32 to index
        %swap3A_237 = tpu.vector_load %arg8[%swap3A_236] {strides = array<i32>} : memref<16384xf32, #tpu.memory_space<vmem>>, vector<16xf32>,
        tpu.vector_store %arg8[%swap3A_236], %gather3A_182 {strides = array<i32>} : memref<16384xf32, #tpu.memory_space<vmem>>, vector<16xf32>,
      }
      %scan3A_130 = arith.constant 128 : i32
      %mul3A_131 = arith.constant 512 : i32
      %mul3A_132 = arith.muli %add3A_118, %mul3A_131 : i32
      %add3A_133 = arith.addi %mul3A_6, %mul3A_132 : i32
      %mul3A_134 = arith.constant 32 : i32
      %mul3A_135 = arith.muli %add3A_133, %mul3A_134 : i32
      %dma_start3A_136 = tpu.memref_slice %arg4[%mul3A_135] : memref<32000000xf32, #tpu.memory_space<hbm>> -> memref<16384xf32, #tpu.memory_space<hbm>>
      %dma_start3A_137 = tpu.memref_slice %arg4[%mul3A_135] : memref<32000000xf32, #tpu.memory_space<hbm>> -> memref<16384xf32, #tpu.memory_space<hbm>>
      tpu.enqueue_dma source(%arg8 : memref<16384xf32, #tpu.memory_space<vmem>>) target(%dma_start3A_137 : memref<16384xf32, #tpu.memory_space<hbm>>) target_semaphore(%arg16 : memref<!tpu.dma_semaphore, #tpu.memory_space<semaphore_mem>>)
      %add3A_138 = arith.constant 3 : i32
      %add3A_139 = arith.addi %mul3A_69, %add3A_138 : i32
      %lt3A_140 = arith.constant 61 : i32
      %lt3A_141 = arith.cmpi slt, %add3A_139, %lt3A_140 : i32
      %convert_element_type3A_142 = arith.extui %lt3A_141 : i1 to i32
      %cond3A_143 = arith.constant 0 : i32
      %cond3A_144 = arith.cmpi ne, %convert_element_type3A_142, %cond3A_143 : i32
      scf.if %cond3A_144 {
        %add3A_145 = arith.constant 3 : i32
        %add3A_146 = arith.addi %mul3A_69, %add3A_145 : i32
        %mul3A_147 = arith.constant 512 : i32
        %mul3A_148 = arith.muli %add3A_146, %mul3A_147 : i32
        %add3A_149 = arith.addi %mul3A_6, %mul3A_148 : i32
        %dma_start3A_150 = arith.constant 0 : i32
        %dma_start3A_151 = tpu.memref_slice %arg2[%dma_start3A_150, %add3A_149] : memref<32x1000000xf32, #tpu.memory_space<hbm>> -> memref<32x512xf32, #tpu.memory_space<hbm>>
        %dma_start3A_152 = arith.constant 0 : i32
        %dma_start3A_153 = tpu.memref_slice %arg2[%dma_start3A_152, %add3A_149] : memref<32x1000000xf32, #tpu.memory_space<hbm>> -> memref<32x512xf32, #tpu.memory_space<hbm>>
        tpu.enqueue_dma source(%dma_start3A_153 : memref<32x512xf32, #tpu.memory_space<hbm>>) target(%arg6 : memref<32x512xf32, #tpu.memory_space<vmem>>) target_semaphore(%arg14 : memref<!tpu.dma_semaphore, #tpu.memory_space<semaphore_mem>>)
      } else {
      }
    }
    %scan3A_25 = arith.constant 30 : i32
    %dma_wait3A = arith.constant 0 : i32
    %dma_wait3A_26 = arith.constant 0 : i32
    %dma_wait3A_27 = tpu.memref_slice %arg2[%dma_wait3A, %dma_wait3A_26] : memref<32x1000000xf32, #tpu.memory_space<hbm>> -> memref<32x512xf32, #tpu.memory_space<hbm>>
    %dma_wait3A_28 = arith.constant 0 : i32
    %dma_wait3A_29 = arith.constant 0 : i32
    %dma_wait3A_30 = tpu.memref_slice %arg2[%dma_wait3A_28, %dma_wait3A_29] : memref<32x1000000xf32, #tpu.memory_space<hbm>> -> memref<32x512xf32, #tpu.memory_space<hbm>>
    tpu.wait_dma2 semaphore(%arg13 : memref<!tpu.dma_semaphore, #tpu.memory_space<semaphore_mem>>) src(%dma_wait3A_30 : memref<32x512xf32, #tpu.memory_space<hbm>>) dst(%arg5 : memref<32x512xf32, #tpu.memory_space<vmem>>)
    %dma_wait3A_31 = arith.constant 0 : i32
    %dma_wait3A_32 = tpu.memref_slice %arg4[%dma_wait3A_31] : memref<32000000xf32, #tpu.memory_space<hbm>> -> memref<16384xf32, #tpu.memory_space<hbm>>
    %dma_wait3A_33 = arith.constant 0 : i32
    %dma_wait3A_34 = tpu.memref_slice %arg4[%dma_wait3A_33] : memref<32000000xf32, #tpu.memory_space<hbm>> -> memref<16384xf32, #tpu.memory_space<hbm>>
    tpu.wait_dma2 semaphore(%arg15 : memref<!tpu.dma_semaphore, #tpu.memory_space<semaphore_mem>>) src(%arg7 : memref<16384xf32, #tpu.memory_space<vmem>>) dst(%dma_wait3A_34 : memref<16384xf32, #tpu.memory_space<hbm>>)
    %scan3A_35 = arith.constant 0 : i32
    %scan3A_36 = arith.constant 0 : i32
    %scan3A_37 = arith.constant 32 : i32
    %scan3A_38 = arith.addi %scan3A_36, %scan3A_37 : i32
    %scan3A_39 = arith.constant 1 : i32
    scf.for %scan3A_67 = %scan3A_36 to %scan3A_38 step %scan3A_39  : i32 {
      %mul3A_68 = arith.constant 513 : i32
      %mul3A_69 = arith.muli %scan3A_67, %mul3A_68 : i32
      %get3A = arith.index_cast %scan3A_67 : i32 to index
      %get3A_70 = arith.constant 0 : index
      %get3A_71 = tpu.vector_load %arg5[%get3A, %get3A_70] {strides = array<i32>} : memref<32x512xf32, #tpu.memory_space<vmem>>, vector<16xf32>,
      %get3A_72 = arith.index_cast %scan3A_67 : i32 to index
      %get3A_73 = arith.constant 16 : index
      %get3A_74 = tpu.vector_load %arg5[%get3A_72, %get3A_73] {strides = array<i32>} : memref<32x512xf32, #tpu.memory_space<vmem>>, vector<16xf32>,
      %get3A_75 = arith.index_cast %scan3A_67 : i32 to index
      %get3A_76 = arith.constant 32 : index
      %get3A_77 = tpu.vector_load %arg5[%get3A_75, %get3A_76] {strides = array<i32>} : memref<32x512xf32, #tpu.memory_space<vmem>>, vector<16xf32>,
      %get3A_78 = arith.index_cast %scan3A_67 : i32 to index
      %get3A_79 = arith.constant 48 : index
      %get3A_80 = tpu.vector_load %arg5[%get3A_78, %get3A_79] {strides = array<i32>} : memref<32x512xf32, #tpu.memory_space<vmem>>, vector<16xf32>,
      %get3A_81 = arith.index_cast %scan3A_67 : i32 to index
      %get3A_82 = arith.constant 64 : index
      %get3A_83 = tpu.vector_load %arg5[%get3A_81, %get3A_82] {strides = array<i32>} : memref<32x512xf32, #tpu.memory_space<vmem>>, vector<16xf32>,
      %get3A_84 = arith.index_cast %scan3A_67 : i32 to index
      %get3A_85 = arith.constant 80 : index
      %get3A_86 = tpu.vector_load %arg5[%get3A_84, %get3A_85] {strides = array<i32>} : memref<32x512xf32, #tpu.memory_space<vmem>>, vector<16xf32>,
      %get3A_87 = arith.index_cast %scan3A_67 : i32 to index
      %get3A_88 = arith.constant 96 : index
      %get3A_89 = tpu.vector_load %arg5[%get3A_87, %get3A_88] {strides = array<i32>} : memref<32x512xf32, #tpu.memory_space<vmem>>, vector<16xf32>,
      %get3A_90 = arith.index_cast %scan3A_67 : i32 to index
      %get3A_91 = arith.constant 112 : index
      %get3A_92 = tpu.vector_load %arg5[%get3A_90, %get3A_91] {strides = array<i32>} : memref<32x512xf32, #tpu.memory_space<vmem>>, vector<16xf32>,
      %add3A_93 = arith.constant 0 : i32
      %add3A_94 = arith.addi %mul3A_69, %add3A_93 : i32
      %swap3A = arith.index_cast %add3A_94 : i32 to index
      %swap3A_95 = tpu.vector_load %arg9[%swap3A] {strides = array<i32>} : memref<16416xf32, #tpu.memory_space<vmem>>, vector<16xf32>,
      tpu.vector_store %arg9[%swap3A], %get3A_71 {strides = array<i32>} : memref<16416xf32, #tpu.memory_space<vmem>>, vector<16xf32>,
      %add3A_96 = arith.constant 16 : i32
      %add3A_97 = arith.addi %mul3A_69, %add3A_96 : i32
      %swap3A_98 = arith.index_cast %add3A_97 : i32 to index
      %swap3A_99 = tpu.vector_load %arg9[%swap3A_98] {strides = array<i32>} : memref<16416xf32, #tpu.memory_space<vmem>>, vector<16xf32>,
      tpu.vector_store %arg9[%swap3A_98], %get3A_74 {strides = array<i32>} : memref<16416xf32, #tpu.memory_space<vmem>>, vector<16xf32>,
      %add3A_100 = arith.constant 32 : i32
      %add3A_101 = arith.addi %mul3A_69, %add3A_100 : i32
      %swap3A_102 = arith.index_cast %add3A_101 : i32 to index
      %swap3A_103 = tpu.vector_load %arg9[%swap3A_102] {strides = array<i32>} : memref<16416xf32, #tpu.memory_space<vmem>>, vector<16xf32>,
      tpu.vector_store %arg9[%swap3A_102], %get3A_77 {strides = array<i32>} : memref<16416xf32, #tpu.memory_space<vmem>>, vector<16xf32>,
      %add3A_104 = arith.constant 48 : i32
      %add3A_105 = arith.addi %mul3A_69, %add3A_104 : i32
      %swap3A_106 = arith.index_cast %add3A_105 : i32 to index
      %swap3A_107 = tpu.vector_load %arg9[%swap3A_106] {strides = array<i32>} : memref<16416xf32, #tpu.memory_space<vmem>>, vector<16xf32>,
      tpu.vector_store %arg9[%swap3A_106], %get3A_80 {strides = array<i32>} : memref<16416xf32, #tpu.memory_space<vmem>>, vector<16xf32>,
      %add3A_108 = arith.constant 64 : i32
      %add3A_109 = arith.addi %mul3A_69, %add3A_108 : i32
      %swap3A_110 = arith.index_cast %add3A_109 : i32 to index
      %swap3A_111 = tpu.vector_load %arg9[%swap3A_110] {strides = array<i32>} : memref<16416xf32, #tpu.memory_space<vmem>>, vector<16xf32>,
      tpu.vector_store %arg9[%swap3A_110], %get3A_83 {strides = array<i32>} : memref<16416xf32, #tpu.memory_space<vmem>>, vector<16xf32>,
      %add3A_112 = arith.constant 80 : i32
      %add3A_113 = arith.addi %mul3A_69, %add3A_112 : i32
      %swap3A_114 = arith.index_cast %add3A_113 : i32 to index
      %swap3A_115 = tpu.vector_load %arg9[%swap3A_114] {strides = array<i32>} : memref<16416xf32, #tpu.memory_space<vmem>>, vector<16xf32>,
      tpu.vector_store %arg9[%swap3A_114], %get3A_86 {strides = array<i32>} : memref<16416xf32, #tpu.memory_space<vmem>>, vector<16xf32>,
      %add3A_116 = arith.constant 96 : i32
      %add3A_117 = arith.addi %mul3A_69, %add3A_116 : i32
      %swap3A_118 = arith.index_cast %add3A_117 : i32 to index
      %swap3A_119 = tpu.vector_load %arg9[%swap3A_118] {strides = array<i32>} : memref<16416xf32, #tpu.memory_space<vmem>>, vector<16xf32>,
      tpu.vector_store %arg9[%swap3A_118], %get3A_89 {strides = array<i32>} : memref<16416xf32, #tpu.memory_space<vmem>>, vector<16xf32>,
      %add3A_120 = arith.constant 112 : i32
      %add3A_121 = arith.addi %mul3A_69, %add3A_120 : i32
      %swap3A_122 = arith.index_cast %add3A_121 : i32 to index
      %swap3A_123 = tpu.vector_load %arg9[%swap3A_122] {strides = array<i32>} : memref<16416xf32, #tpu.memory_space<vmem>>, vector<16xf32>,
      tpu.vector_store %arg9[%swap3A_122], %get3A_92 {strides = array<i32>} : memref<16416xf32, #tpu.memory_space<vmem>>, vector<16xf32>,
      %get3A_124 = arith.index_cast %scan3A_67 : i32 to index
      %get3A_125 = arith.constant 128 : index
      %get3A_126 = tpu.vector_load %arg5[%get3A_124, %get3A_125] {strides = array<i32>} : memref<32x512xf32, #tpu.memory_space<vmem>>, vector<16xf32>,
      %get3A_127 = arith.index_cast %scan3A_67 : i32 to index
      %get3A_128 = arith.constant 144 : index
      %get3A_129 = tpu.vector_load %arg5[%get3A_127, %get3A_128] {strides = array<i32>} : memref<32x512xf32, #tpu.memory_space<vmem>>, vector<16xf32>,
      %get3A_130 = arith.index_cast %scan3A_67 : i32 to index
      %get3A_131 = arith.constant 160 : index
      %get3A_132 = tpu.vector_load %arg5[%get3A_130, %get3A_131] {strides = array<i32>} : memref<32x512xf32, #tpu.memory_space<vmem>>, vector<16xf32>,
      %get3A_133 = arith.index_cast %scan3A_67 : i32 to index
      %get3A_134 = arith.constant 176 : index
      %get3A_135 = tpu.vector_load %arg5[%get3A_133, %get3A_134] {strides = array<i32>} : memref<32x512xf32, #tpu.memory_space<vmem>>, vector<16xf32>,
      %get3A_136 = arith.index_cast %scan3A_67 : i32 to index
      %get3A_137 = arith.constant 192 : index
      %get3A_138 = tpu.vector_load %arg5[%get3A_136, %get3A_137] {strides = array<i32>} : memref<32x512xf32, #tpu.memory_space<vmem>>, vector<16xf32>,
      %get3A_139 = arith.index_cast %scan3A_67 : i32 to index
      %get3A_140 = arith.constant 208 : index
      %get3A_141 = tpu.vector_load %arg5[%get3A_139, %get3A_140] {strides = array<i32>} : memref<32x512xf32, #tpu.memory_space<vmem>>, vector<16xf32>,
      %get3A_142 = arith.index_cast %scan3A_67 : i32 to index
      %get3A_143 = arith.constant 224 : index
      %get3A_144 = tpu.vector_load %arg5[%get3A_142, %get3A_143] {strides = array<i32>} : memref<32x512xf32, #tpu.memory_space<vmem>>, vector<16xf32>,
      %get3A_145 = arith.index_cast %scan3A_67 : i32 to index
      %get3A_146 = arith.constant 240 : index
      %get3A_147 = tpu.vector_load %arg5[%get3A_145, %get3A_146] {strides = array<i32>} : memref<32x512xf32, #tpu.memory_space<vmem>>, vector<16xf32>,
      %add3A_148 = arith.constant 128 : i32
      %add3A_149 = arith.addi %mul3A_69, %add3A_148 : i32
      %swap3A_150 = arith.index_cast %add3A_149 : i32 to index
      %swap3A_151 = tpu.vector_load %arg9[%swap3A_150] {strides = array<i32>} : memref<16416xf32, #tpu.memory_space<vmem>>, vector<16xf32>,
      tpu.vector_store %arg9[%swap3A_150], %get3A_126 {strides = array<i32>} : memref<16416xf32, #tpu.memory_space<vmem>>, vector<16xf32>,
      %add3A_152 = arith.constant 144 : i32
      %add3A_153 = arith.addi %mul3A_69, %add3A_152 : i32
      %swap3A_154 = arith.index_cast %add3A_153 : i32 to index
      %swap3A_155 = tpu.vector_load %arg9[%swap3A_154] {strides = array<i32>} : memref<16416xf32, #tpu.memory_space<vmem>>, vector<16xf32>,
      tpu.vector_store %arg9[%swap3A_154], %get3A_129 {strides = array<i32>} : memref<16416xf32, #tpu.memory_space<vmem>>, vector<16xf32>,
      %add3A_156 = arith.constant 160 : i32
      %add3A_157 = arith.addi %mul3A_69, %add3A_156 : i32
      %swap3A_158 = arith.index_cast %add3A_157 : i32 to index
      %swap3A_159 = tpu.vector_load %arg9[%swap3A_158] {strides = array<i32>} : memref<16416xf32, #tpu.memory_space<vmem>>, vector<16xf32>,
      tpu.vector_store %arg9[%swap3A_158], %get3A_132 {strides = array<i32>} : memref<16416xf32, #tpu.memory_space<vmem>>, vector<16xf32>,
      %add3A_160 = arith.constant 176 : i32
      %add3A_161 = arith.addi %mul3A_69, %add3A_160 : i32
      %swap3A_162 = arith.index_cast %add3A_161 : i32 to index
      %swap3A_163 = tpu.vector_load %arg9[%swap3A_162] {strides = array<i32>} : memref<16416xf32, #tpu.memory_space<vmem>>, vector<16xf32>,
      tpu.vector_store %arg9[%swap3A_162], %get3A_135 {strides = array<i32>} : memref<16416xf32, #tpu.memory_space<vmem>>, vector<16xf32>,
      %add3A_164 = arith.constant 192 : i32
      %add3A_165 = arith.addi %mul3A_69, %add3A_164 : i32
      %swap3A_166 = arith.index_cast %add3A_165 : i32 to index
      %swap3A_167 = tpu.vector_load %arg9[%swap3A_166] {strides = array<i32>} : memref<16416xf32, #tpu.memory_space<vmem>>, vector<16xf32>,
      tpu.vector_store %arg9[%swap3A_166], %get3A_138 {strides = array<i32>} : memref<16416xf32, #tpu.memory_space<vmem>>, vector<16xf32>,
      %add3A_168 = arith.constant 208 : i32
      %add3A_169 = arith.addi %mul3A_69, %add3A_168 : i32
      %swap3A_170 = arith.index_cast %add3A_169 : i32 to index
      %swap3A_171 = tpu.vector_load %arg9[%swap3A_170] {strides = array<i32>} : memref<16416xf32, #tpu.memory_space<vmem>>, vector<16xf32>,
      tpu.vector_store %arg9[%swap3A_170], %get3A_141 {strides = array<i32>} : memref<16416xf32, #tpu.memory_space<vmem>>, vector<16xf32>,
      %add3A_172 = arith.constant 224 : i32
      %add3A_173 = arith.addi %mul3A_69, %add3A_172 : i32
      %swap3A_174 = arith.index_cast %add3A_173 : i32 to index
      %swap3A_175 = tpu.vector_load %arg9[%swap3A_174] {strides = array<i32>} : memref<16416xf32, #tpu.memory_space<vmem>>, vector<16xf32>,
      tpu.vector_store %arg9[%swap3A_174], %get3A_144 {strides = array<i32>} : memref<16416xf32, #tpu.memory_space<vmem>>, vector<16xf32>,
      %add3A_176 = arith.constant 240 : i32
      %add3A_177 = arith.addi %mul3A_69, %add3A_176 : i32
      %swap3A_178 = arith.index_cast %add3A_177 : i32 to index
      %swap3A_179 = tpu.vector_load %arg9[%swap3A_178] {strides = array<i32>} : memref<16416xf32, #tpu.memory_space<vmem>>, vector<16xf32>,
      tpu.vector_store %arg9[%swap3A_178], %get3A_147 {strides = array<i32>} : memref<16416xf32, #tpu.memory_space<vmem>>, vector<16xf32>,
      %get3A_180 = arith.index_cast %scan3A_67 : i32 to index
      %get3A_181 = arith.constant 256 : index
      %get3A_182 = tpu.vector_load %arg5[%get3A_180, %get3A_181] {strides = array<i32>} : memref<32x512xf32, #tpu.memory_space<vmem>>, vector<16xf32>,
      %get3A_183 = arith.index_cast %scan3A_67 : i32 to index
      %get3A_184 = arith.constant 272 : index
      %get3A_185 = tpu.vector_load %arg5[%get3A_183, %get3A_184] {strides = array<i32>} : memref<32x512xf32, #tpu.memory_space<vmem>>, vector<16xf32>,
      %get3A_186 = arith.index_cast %scan3A_67 : i32 to index
      %get3A_187 = arith.constant 288 : index
      %get3A_188 = tpu.vector_load %arg5[%get3A_186, %get3A_187] {strides = array<i32>} : memref<32x512xf32, #tpu.memory_space<vmem>>, vector<16xf32>,
      %get3A_189 = arith.index_cast %scan3A_67 : i32 to index
      %get3A_190 = arith.constant 304 : index
      %get3A_191 = tpu.vector_load %arg5[%get3A_189, %get3A_190] {strides = array<i32>} : memref<32x512xf32, #tpu.memory_space<vmem>>, vector<16xf32>,
      %get3A_192 = arith.index_cast %scan3A_67 : i32 to index
      %get3A_193 = arith.constant 320 : index
      %get3A_194 = tpu.vector_load %arg5[%get3A_192, %get3A_193] {strides = array<i32>} : memref<32x512xf32, #tpu.memory_space<vmem>>, vector<16xf32>,
      %get3A_195 = arith.index_cast %scan3A_67 : i32 to index
      %get3A_196 = arith.constant 336 : index
      %get3A_197 = tpu.vector_load %arg5[%get3A_195, %get3A_196] {strides = array<i32>} : memref<32x512xf32, #tpu.memory_space<vmem>>, vector<16xf32>,
      %get3A_198 = arith.index_cast %scan3A_67 : i32 to index
      %get3A_199 = arith.constant 352 : index
      %get3A_200 = tpu.vector_load %arg5[%get3A_198, %get3A_199] {strides = array<i32>} : memref<32x512xf32, #tpu.memory_space<vmem>>, vector<16xf32>,
      %get3A_201 = arith.index_cast %scan3A_67 : i32 to index
      %get3A_202 = arith.constant 368 : index
      %get3A_203 = tpu.vector_load %arg5[%get3A_201, %get3A_202] {strides = array<i32>} : memref<32x512xf32, #tpu.memory_space<vmem>>, vector<16xf32>,
      %add3A_204 = arith.constant 256 : i32
      %add3A_205 = arith.addi %mul3A_69, %add3A_204 : i32
      %swap3A_206 = arith.index_cast %add3A_205 : i32 to index
      %swap3A_207 = tpu.vector_load %arg9[%swap3A_206] {strides = array<i32>} : memref<16416xf32, #tpu.memory_space<vmem>>, vector<16xf32>,
      tpu.vector_store %arg9[%swap3A_206], %get3A_182 {strides = array<i32>} : memref<16416xf32, #tpu.memory_space<vmem>>, vector<16xf32>,
      %add3A_208 = arith.constant 272 : i32
      %add3A_209 = arith.addi %mul3A_69, %add3A_208 : i32
      %swap3A_210 = arith.index_cast %add3A_209 : i32 to index
      %swap3A_211 = tpu.vector_load %arg9[%swap3A_210] {strides = array<i32>} : memref<16416xf32, #tpu.memory_space<vmem>>, vector<16xf32>,
      tpu.vector_store %arg9[%swap3A_210], %get3A_185 {strides = array<i32>} : memref<16416xf32, #tpu.memory_space<vmem>>, vector<16xf32>,
      %add3A_212 = arith.constant 288 : i32
      %add3A_213 = arith.addi %mul3A_69, %add3A_212 : i32
      %swap3A_214 = arith.index_cast %add3A_213 : i32 to index
      %swap3A_215 = tpu.vector_load %arg9[%swap3A_214] {strides = array<i32>} : memref<16416xf32, #tpu.memory_space<vmem>>, vector<16xf32>,
      tpu.vector_store %arg9[%swap3A_214], %get3A_188 {strides = array<i32>} : memref<16416xf32, #tpu.memory_space<vmem>>, vector<16xf32>,
      %add3A_216 = arith.constant 304 : i32
      %add3A_217 = arith.addi %mul3A_69, %add3A_216 : i32
      %swap3A_218 = arith.index_cast %add3A_217 : i32 to index
      %swap3A_219 = tpu.vector_load %arg9[%swap3A_218] {strides = array<i32>} : memref<16416xf32, #tpu.memory_space<vmem>>, vector<16xf32>,
      tpu.vector_store %arg9[%swap3A_218], %get3A_191 {strides = array<i32>} : memref<16416xf32, #tpu.memory_space<vmem>>, vector<16xf32>,
      %add3A_220 = arith.constant 320 : i32
      %add3A_221 = arith.addi %mul3A_69, %add3A_220 : i32
      %swap3A_222 = arith.index_cast %add3A_221 : i32 to index
      %swap3A_223 = tpu.vector_load %arg9[%swap3A_222] {strides = array<i32>} : memref<16416xf32, #tpu.memory_space<vmem>>, vector<16xf32>,
      tpu.vector_store %arg9[%swap3A_222], %get3A_194 {strides = array<i32>} : memref<16416xf32, #tpu.memory_space<vmem>>, vector<16xf32>,
      %add3A_224 = arith.constant 336 : i32
      %add3A_225 = arith.addi %mul3A_69, %add3A_224 : i32
      %swap3A_226 = arith.index_cast %add3A_225 : i32 to index
      %swap3A_227 = tpu.vector_load %arg9[%swap3A_226] {strides = array<i32>} : memref<16416xf32, #tpu.memory_space<vmem>>, vector<16xf32>,
      tpu.vector_store %arg9[%swap3A_226], %get3A_197 {strides = array<i32>} : memref<16416xf32, #tpu.memory_space<vmem>>, vector<16xf32>,
      %add3A_228 = arith.constant 352 : i32
      %add3A_229 = arith.addi %mul3A_69, %add3A_228 : i32
      %swap3A_230 = arith.index_cast %add3A_229 : i32 to index
      %swap3A_231 = tpu.vector_load %arg9[%swap3A_230] {strides = array<i32>} : memref<16416xf32, #tpu.memory_space<vmem>>, vector<16xf32>,
      tpu.vector_store %arg9[%swap3A_230], %get3A_200 {strides = array<i32>} : memref<16416xf32, #tpu.memory_space<vmem>>, vector<16xf32>,
      %add3A_232 = arith.constant 368 : i32
      %add3A_233 = arith.addi %mul3A_69, %add3A_232 : i32
      %swap3A_234 = arith.index_cast %add3A_233 : i32 to index
      %swap3A_235 = tpu.vector_load %arg9[%swap3A_234] {strides = array<i32>} : memref<16416xf32, #tpu.memory_space<vmem>>, vector<16xf32>,
      tpu.vector_store %arg9[%swap3A_234], %get3A_203 {strides = array<i32>} : memref<16416xf32, #tpu.memory_space<vmem>>, vector<16xf32>,
      %get3A_236 = arith.index_cast %scan3A_67 : i32 to index
      %get3A_237 = arith.constant 384 : index
      %get3A_238 = tpu.vector_load %arg5[%get3A_236, %get3A_237] {strides = array<i32>} : memref<32x512xf32, #tpu.memory_space<vmem>>, vector<16xf32>,
      %get3A_239 = arith.index_cast %scan3A_67 : i32 to index
      %get3A_240 = arith.constant 400 : index
      %get3A_241 = tpu.vector_load %arg5[%get3A_239, %get3A_240] {strides = array<i32>} : memref<32x512xf32, #tpu.memory_space<vmem>>, vector<16xf32>,
      %get3A_242 = arith.index_cast %scan3A_67 : i32 to index
      %get3A_243 = arith.constant 416 : index
      %get3A_244 = tpu.vector_load %arg5[%get3A_242, %get3A_243] {strides = array<i32>} : memref<32x512xf32, #tpu.memory_space<vmem>>, vector<16xf32>,
      %get3A_245 = arith.index_cast %scan3A_67 : i32 to index
      %get3A_246 = arith.constant 432 : index
      %get3A_247 = tpu.vector_load %arg5[%get3A_245, %get3A_246] {strides = array<i32>} : memref<32x512xf32, #tpu.memory_space<vmem>>, vector<16xf32>,
      %get3A_248 = arith.index_cast %scan3A_67 : i32 to index
      %get3A_249 = arith.constant 448 : index
      %get3A_250 = tpu.vector_load %arg5[%get3A_248, %get3A_249] {strides = array<i32>} : memref<32x512xf32, #tpu.memory_space<vmem>>, vector<16xf32>,
      %get3A_251 = arith.index_cast %scan3A_67 : i32 to index
      %get3A_252 = arith.constant 464 : index
      %get3A_253 = tpu.vector_load %arg5[%get3A_251, %get3A_252] {strides = array<i32>} : memref<32x512xf32, #tpu.memory_space<vmem>>, vector<16xf32>,
      %get3A_254 = arith.index_cast %scan3A_67 : i32 to index
      %get3A_255 = arith.constant 480 : index
      %get3A_256 = tpu.vector_load %arg5[%get3A_254, %get3A_255] {strides = array<i32>} : memref<32x512xf32, #tpu.memory_space<vmem>>, vector<16xf32>,
      %get3A_257 = arith.index_cast %scan3A_67 : i32 to index
      %get3A_258 = arith.constant 496 : index
      %get3A_259 = tpu.vector_load %arg5[%get3A_257, %get3A_258] {strides = array<i32>} : memref<32x512xf32, #tpu.memory_space<vmem>>, vector<16xf32>,
      %add3A_260 = arith.constant 384 : i32
      %add3A_261 = arith.addi %mul3A_69, %add3A_260 : i32
      %swap3A_262 = arith.index_cast %add3A_261 : i32 to index
      %swap3A_263 = tpu.vector_load %arg9[%swap3A_262] {strides = array<i32>} : memref<16416xf32, #tpu.memory_space<vmem>>, vector<16xf32>,
      tpu.vector_store %arg9[%swap3A_262], %get3A_238 {strides = array<i32>} : memref<16416xf32, #tpu.memory_space<vmem>>, vector<16xf32>,
      %add3A_264 = arith.constant 400 : i32
      %add3A_265 = arith.addi %mul3A_69, %add3A_264 : i32
      %swap3A_266 = arith.index_cast %add3A_265 : i32 to index
      %swap3A_267 = tpu.vector_load %arg9[%swap3A_266] {strides = array<i32>} : memref<16416xf32, #tpu.memory_space<vmem>>, vector<16xf32>,
      tpu.vector_store %arg9[%swap3A_266], %get3A_241 {strides = array<i32>} : memref<16416xf32, #tpu.memory_space<vmem>>, vector<16xf32>,
      %add3A_268 = arith.constant 416 : i32
      %add3A_269 = arith.addi %mul3A_69, %add3A_268 : i32
      %swap3A_270 = arith.index_cast %add3A_269 : i32 to index
      %swap3A_271 = tpu.vector_load %arg9[%swap3A_270] {strides = array<i32>} : memref<16416xf32, #tpu.memory_space<vmem>>, vector<16xf32>,
      tpu.vector_store %arg9[%swap3A_270], %get3A_244 {strides = array<i32>} : memref<16416xf32, #tpu.memory_space<vmem>>, vector<16xf32>,
      %add3A_272 = arith.constant 432 : i32
      %add3A_273 = arith.addi %mul3A_69, %add3A_272 : i32
      %swap3A_274 = arith.index_cast %add3A_273 : i32 to index
      %swap3A_275 = tpu.vector_load %arg9[%swap3A_274] {strides = array<i32>} : memref<16416xf32, #tpu.memory_space<vmem>>, vector<16xf32>,
      tpu.vector_store %arg9[%swap3A_274], %get3A_247 {strides = array<i32>} : memref<16416xf32, #tpu.memory_space<vmem>>, vector<16xf32>,
      %add3A_276 = arith.constant 448 : i32
      %add3A_277 = arith.addi %mul3A_69, %add3A_276 : i32
      %swap3A_278 = arith.index_cast %add3A_277 : i32 to index
      %swap3A_279 = tpu.vector_load %arg9[%swap3A_278] {strides = array<i32>} : memref<16416xf32, #tpu.memory_space<vmem>>, vector<16xf32>,
      tpu.vector_store %arg9[%swap3A_278], %get3A_250 {strides = array<i32>} : memref<16416xf32, #tpu.memory_space<vmem>>, vector<16xf32>,
      %add3A_280 = arith.constant 464 : i32
      %add3A_281 = arith.addi %mul3A_69, %add3A_280 : i32
      %swap3A_282 = arith.index_cast %add3A_281 : i32 to index
      %swap3A_283 = tpu.vector_load %arg9[%swap3A_282] {strides = array<i32>} : memref<16416xf32, #tpu.memory_space<vmem>>, vector<16xf32>,
      tpu.vector_store %arg9[%swap3A_282], %get3A_253 {strides = array<i32>} : memref<16416xf32, #tpu.memory_space<vmem>>, vector<16xf32>,
      %add3A_284 = arith.constant 480 : i32
      %add3A_285 = arith.addi %mul3A_69, %add3A_284 : i32
      %swap3A_286 = arith.index_cast %add3A_285 : i32 to index
      %swap3A_287 = tpu.vector_load %arg9[%swap3A_286] {strides = array<i32>} : memref<16416xf32, #tpu.memory_space<vmem>>, vector<16xf32>,
      tpu.vector_store %arg9[%swap3A_286], %get3A_256 {strides = array<i32>} : memref<16416xf32, #tpu.memory_space<vmem>>, vector<16xf32>,
      %add3A_288 = arith.constant 496 : i32
      %add3A_289 = arith.addi %mul3A_69, %add3A_288 : i32
      %swap3A_290 = arith.index_cast %add3A_289 : i32 to index
      %swap3A_291 = tpu.vector_load %arg9[%swap3A_290] {strides = array<i32>} : memref<16416xf32, #tpu.memory_space<vmem>>, vector<16xf32>,
      tpu.vector_store %arg9[%swap3A_290], %get3A_259 {strides = array<i32>} : memref<16416xf32, #tpu.memory_space<vmem>>, vector<16xf32>,
    }
    %scan3A_40 = arith.constant 32 : i32
    %scan3A_41 = arith.constant 0 : i32
    %scan3A_42 = arith.constant 0 : i32
    %scan3A_43 = arith.constant 128 : i32
    %scan3A_44 = arith.addi %scan3A_42, %scan3A_43 : i32
    %scan3A_45 = arith.constant 1 : i32
    scf.for %scan3A_67 = %scan3A_42 to %scan3A_44 step %scan3A_45  : i32 {
      %mul3A_68 = arith.constant 4 : i32
      %mul3A_69 = arith.muli %scan3A_67, %mul3A_68 : i32
      %add3A_70 = arith.constant 0 : i32
      %add3A_71 = arith.addi %mul3A_69, %add3A_70 : i32
      %add3A_72 = vector.broadcast %add3A_71 : i32 to vector<16xi32>
      %add3A_73 = arith.addi %mul3A_9, %add3A_72 : vector<16xi32>
      %gather3A = tpu.vector_load_idx %arg9[%add3A_73] : memref<16416xf32, #tpu.memory_space<vmem>>[vector<16xi32>], vector<16xf32>,
      %add3A_74 = arith.constant 8208 : i32
      %add3A_75 = vector.broadcast %add3A_74 : i32 to vector<16xi32>
      %add3A_76 = arith.addi %add3A_73, %add3A_75 : vector<16xi32>
      %gather3A_77 = tpu.vector_load_idx %arg9[%add3A_76] : memref<16416xf32, #tpu.memory_space<vmem>>[vector<16xi32>], vector<16xf32>,
      %add3A_78 = arith.constant 1 : i32
      %add3A_79 = arith.addi %mul3A_69, %add3A_78 : i32
      %add3A_80 = vector.broadcast %add3A_79 : i32 to vector<16xi32>
      %add3A_81 = arith.addi %mul3A_9, %add3A_80 : vector<16xi32>
      %gather3A_82 = tpu.vector_load_idx %arg9[%add3A_81] : memref<16416xf32, #tpu.memory_space<vmem>>[vector<16xi32>], vector<16xf32>,
      %add3A_83 = arith.constant 8208 : i32
      %add3A_84 = vector.broadcast %add3A_83 : i32 to vector<16xi32>
      %add3A_85 = arith.addi %add3A_81, %add3A_84 : vector<16xi32>
      %gather3A_86 = tpu.vector_load_idx %arg9[%add3A_85] : memref<16416xf32, #tpu.memory_space<vmem>>[vector<16xi32>], vector<16xf32>,
      %add3A_87 = arith.constant 2 : i32
      %add3A_88 = arith.addi %mul3A_69, %add3A_87 : i32
      %add3A_89 = vector.broadcast %add3A_88 : i32 to vector<16xi32>
      %add3A_90 = arith.addi %mul3A_9, %add3A_89 : vector<16xi32>
      %gather3A_91 = tpu.vector_load_idx %arg9[%add3A_90] : memref<16416xf32, #tpu.memory_space<vmem>>[vector<16xi32>], vector<16xf32>,
      %add3A_92 = arith.constant 8208 : i32
      %add3A_93 = vector.broadcast %add3A_92 : i32 to vector<16xi32>
      %add3A_94 = arith.addi %add3A_90, %add3A_93 : vector<16xi32>
      %gather3A_95 = tpu.vector_load_idx %arg9[%add3A_94] : memref<16416xf32, #tpu.memory_space<vmem>>[vector<16xi32>], vector<16xf32>,
      %add3A_96 = arith.constant 3 : i32
      %add3A_97 = arith.addi %mul3A_69, %add3A_96 : i32
      %add3A_98 = vector.broadcast %add3A_97 : i32 to vector<16xi32>
      %add3A_99 = arith.addi %mul3A_9, %add3A_98 : vector<16xi32>
      %gather3A_100 = tpu.vector_load_idx %arg9[%add3A_99] : memref<16416xf32, #tpu.memory_space<vmem>>[vector<16xi32>], vector<16xf32>,
      %add3A_101 = arith.constant 8208 : i32
      %add3A_102 = vector.broadcast %add3A_101 : i32 to vector<16xi32>
      %add3A_103 = arith.addi %add3A_99, %add3A_102 : vector<16xi32>
      %gather3A_104 = tpu.vector_load_idx %arg9[%add3A_103] : memref<16416xf32, #tpu.memory_space<vmem>>[vector<16xi32>], vector<16xf32>,
      %add3A_105 = arith.constant 0 : i32
      %add3A_106 = arith.addi %mul3A_69, %add3A_105 : i32
      %mul3A_107 = arith.constant 32 : i32
      %mul3A_108 = arith.muli %add3A_106, %mul3A_107 : i32
      %swap3A = arith.index_cast %mul3A_108 : i32 to index
      %swap3A_109 = tpu.vector_load %arg7[%swap3A] {strides = array<i32>} : memref<16384xf32, #tpu.memory_space<vmem>>, vector<16xf32>,
      tpu.vector_store %arg7[%swap3A], %gather3A {strides = array<i32>} : memref<16384xf32, #tpu.memory_space<vmem>>, vector<16xf32>,
      %add3A_110 = arith.constant 0 : i32
      %add3A_111 = arith.addi %mul3A_69, %add3A_110 : i32
      %mul3A_112 = arith.constant 32 : i32
      %mul3A_113 = arith.muli %add3A_111, %mul3A_112 : i32
      %add3A_114 = arith.constant 16 : i32
      %add3A_115 = arith.addi %mul3A_113, %add3A_114 : i32
      %swap3A_116 = arith.index_cast %add3A_115 : i32 to index
      %swap3A_117 = tpu.vector_load %arg7[%swap3A_116] {strides = array<i32>} : memref<16384xf32, #tpu.memory_space<vmem>>, vector<16xf32>,
      tpu.vector_store %arg7[%swap3A_116], %gather3A_77 {strides = array<i32>} : memref<16384xf32, #tpu.memory_space<vmem>>, vector<16xf32>,
      %add3A_118 = arith.constant 1 : i32
      %add3A_119 = arith.addi %mul3A_69, %add3A_118 : i32
      %mul3A_120 = arith.constant 32 : i32
      %mul3A_121 = arith.muli %add3A_119, %mul3A_120 : i32
      %swap3A_122 = arith.index_cast %mul3A_121 : i32 to index
      %swap3A_123 = tpu.vector_load %arg7[%swap3A_122] {strides = array<i32>} : memref<16384xf32, #tpu.memory_space<vmem>>, vector<16xf32>,
      tpu.vector_store %arg7[%swap3A_122], %gather3A_82 {strides = array<i32>} : memref<16384xf32, #tpu.memory_space<vmem>>, vector<16xf32>,
      %add3A_124 = arith.constant 1 : i32
      %add3A_125 = arith.addi %mul3A_69, %add3A_124 : i32
      %mul3A_126 = arith.constant 32 : i32
      %mul3A_127 = arith.muli %add3A_125, %mul3A_126 : i32
      %add3A_128 = arith.constant 16 : i32
      %add3A_129 = arith.addi %mul3A_127, %add3A_128 : i32
      %swap3A_130 = arith.index_cast %add3A_129 : i32 to index
      %swap3A_131 = tpu.vector_load %arg7[%swap3A_130] {strides = array<i32>} : memref<16384xf32, #tpu.memory_space<vmem>>, vector<16xf32>,
      tpu.vector_store %arg7[%swap3A_130], %gather3A_86 {strides = array<i32>} : memref<16384xf32, #tpu.memory_space<vmem>>, vector<16xf32>,
      %add3A_132 = arith.constant 2 : i32
      %add3A_133 = arith.addi %mul3A_69, %add3A_132 : i32
      %mul3A_134 = arith.constant 32 : i32
      %mul3A_135 = arith.muli %add3A_133, %mul3A_134 : i32
      %swap3A_136 = arith.index_cast %mul3A_135 : i32 to index
      %swap3A_137 = tpu.vector_load %arg7[%swap3A_136] {strides = array<i32>} : memref<16384xf32, #tpu.memory_space<vmem>>, vector<16xf32>,
      tpu.vector_store %arg7[%swap3A_136], %gather3A_91 {strides = array<i32>} : memref<16384xf32, #tpu.memory_space<vmem>>, vector<16xf32>,
      %add3A_138 = arith.constant 2 : i32
      %add3A_139 = arith.addi %mul3A_69, %add3A_138 : i32
      %mul3A_140 = arith.constant 32 : i32
      %mul3A_141 = arith.muli %add3A_139, %mul3A_140 : i32
      %add3A_142 = arith.constant 16 : i32
      %add3A_143 = arith.addi %mul3A_141, %add3A_142 : i32
      %swap3A_144 = arith.index_cast %add3A_143 : i32 to index
      %swap3A_145 = tpu.vector_load %arg7[%swap3A_144] {strides = array<i32>} : memref<16384xf32, #tpu.memory_space<vmem>>, vector<16xf32>,
      tpu.vector_store %arg7[%swap3A_144], %gather3A_95 {strides = array<i32>} : memref<16384xf32, #tpu.memory_space<vmem>>, vector<16xf32>,
      %add3A_146 = arith.constant 3 : i32
      %add3A_147 = arith.addi %mul3A_69, %add3A_146 : i32
      %mul3A_148 = arith.constant 32 : i32
      %mul3A_149 = arith.muli %add3A_147, %mul3A_148 : i32
      %swap3A_150 = arith.index_cast %mul3A_149 : i32 to index
      %swap3A_151 = tpu.vector_load %arg7[%swap3A_150] {strides = array<i32>} : memref<16384xf32, #tpu.memory_space<vmem>>, vector<16xf32>,
      tpu.vector_store %arg7[%swap3A_150], %gather3A_100 {strides = array<i32>} : memref<16384xf32, #tpu.memory_space<vmem>>, vector<16xf32>,
      %add3A_152 = arith.constant 3 : i32
      %add3A_153 = arith.addi %mul3A_69, %add3A_152 : i32
      %mul3A_154 = arith.constant 32 : i32
      %mul3A_155 = arith.muli %add3A_153, %mul3A_154 : i32
      %add3A_156 = arith.constant 16 : i32
      %add3A_157 = arith.addi %mul3A_155, %add3A_156 : i32
      %swap3A_158 = arith.index_cast %add3A_157 : i32 to index
      %swap3A_159 = tpu.vector_load %arg7[%swap3A_158] {strides = array<i32>} : memref<16384xf32, #tpu.memory_space<vmem>>, vector<16xf32>,
      tpu.vector_store %arg7[%swap3A_158], %gather3A_104 {strides = array<i32>} : memref<16384xf32, #tpu.memory_space<vmem>>, vector<16xf32>,
    }
    %scan3A_46 = arith.constant 128 : i32
    %add3A_47 = arith.constant 30720 : i32
    %add3A_48 = arith.addi %mul3A_6, %add3A_47 : i32
    %mul3A_49 = arith.constant 32 : i32
    %mul3A_50 = arith.muli %add3A_48, %mul3A_49 : i32
    %dma_start3A_51 = tpu.memref_slice %arg4[%mul3A_50] : memref<32000000xf32, #tpu.memory_space<hbm>> -> memref<16384xf32, #tpu.memory_space<hbm>>
    %dma_start3A_52 = tpu.memref_slice %arg4[%mul3A_50] : memref<32000000xf32, #tpu.memory_space<hbm>> -> memref<16384xf32, #tpu.memory_space<hbm>>
    tpu.enqueue_dma source(%arg7 : memref<16384xf32, #tpu.memory_space<vmem>>) target(%dma_start3A_52 : memref<16384xf32, #tpu.memory_space<hbm>>) target_semaphore(%arg15 : memref<!tpu.dma_semaphore, #tpu.memory_space<semaphore_mem>>)
    %lt3A = arith.constant 4 : i32
    %lt3A_53 = arith.cmpi slt, %add3A, %lt3A : i32
    %convert_element_type3A = arith.extui %lt3A_53 : i1 to i32
    %cond3A = arith.constant 0 : i32
    %cond3A_54 = arith.cmpi ne, %convert_element_type3A, %cond3A : i32
    scf.if %cond3A_54 {
      %add3A_67 = arith.constant 31232 : i32
      %add3A_68 = arith.addi %mul3A_6, %add3A_67 : i32
      "tpu.region"() ({
        %run_scoped3A = tpu.sem_alloc : memref<!tpu.dma_semaphore, #tpu.memory_space<semaphore_mem>>
        %dma_start3A_89 = arith.constant 0 : i32
        %dma_start3A_90 = arith.constant 0 : i32
        %dma_start3A_91 = tpu.memref_slice %arg5[%dma_start3A_89, %dma_start3A_90] : memref<32x512xf32, #tpu.memory_space<vmem>> -> memref<32x128xf32, #tpu.memory_space<vmem>>
        %dma_start3A_92 = arith.constant 0 : i32
        %dma_start3A_93 = tpu.memref_slice %arg2[%dma_start3A_92, %add3A_68] : memref<32x1000000xf32, #tpu.memory_space<hbm>> -> memref<32x128xf32, #tpu.memory_space<hbm>>
        %dma_start3A_94 = arith.constant 0 : i32
        %dma_start3A_95 = arith.constant 0 : i32
        %dma_start3A_96 = tpu.memref_slice %arg5[%dma_start3A_94, %dma_start3A_95] : memref<32x512xf32, #tpu.memory_space<vmem>> -> memref<32x128xf32, #tpu.memory_space<vmem>>
        %dma_start3A_97 = arith.constant 0 : i32
        %dma_start3A_98 = tpu.memref_slice %arg2[%dma_start3A_97, %add3A_68] : memref<32x1000000xf32, #tpu.memory_space<hbm>> -> memref<32x128xf32, #tpu.memory_space<hbm>>
        tpu.enqueue_dma source(%dma_start3A_98 : memref<32x128xf32, #tpu.memory_space<hbm>>) target(%dma_start3A_96 : memref<32x128xf32, #tpu.memory_space<vmem>>) target_semaphore(%run_scoped3A : memref<!tpu.dma_semaphore, #tpu.memory_space<semaphore_mem>>)
        %dma_wait3A_99 = arith.constant 0 : i32
        %dma_wait3A_100 = arith.constant 0 : i32
        %dma_wait3A_101 = tpu.memref_slice %arg5[%dma_wait3A_99, %dma_wait3A_100] : memref<32x512xf32, #tpu.memory_space<vmem>> -> memref<32x128xf32, #tpu.memory_space<vmem>>
        %dma_wait3A_102 = arith.constant 0 : i32
        %dma_wait3A_103 = tpu.memref_slice %arg2[%dma_wait3A_102, %add3A_68] : memref<32x1000000xf32, #tpu.memory_space<hbm>> -> memref<32x128xf32, #tpu.memory_space<hbm>>
        %dma_wait3A_104 = arith.constant 0 : i32
        %dma_wait3A_105 = arith.constant 0 : i32
        %dma_wait3A_106 = tpu.memref_slice %arg5[%dma_wait3A_104, %dma_wait3A_105] : memref<32x512xf32, #tpu.memory_space<vmem>> -> memref<32x128xf32, #tpu.memory_space<vmem>>
        %dma_wait3A_107 = arith.constant 0 : i32
        %dma_wait3A_108 = tpu.memref_slice %arg2[%dma_wait3A_107, %add3A_68] : memref<32x1000000xf32, #tpu.memory_space<hbm>> -> memref<32x128xf32, #tpu.memory_space<hbm>>
        tpu.wait_dma2 semaphore(%run_scoped3A : memref<!tpu.dma_semaphore, #tpu.memory_space<semaphore_mem>>) src(%dma_wait3A_108 : memref<32x128xf32, #tpu.memory_space<hbm>>) dst(%dma_wait3A_106 : memref<32x128xf32, #tpu.memory_space<vmem>>)
        tpu.yield
      }) : () -> ()
      %scan3A_69 = arith.constant 0 : i32
      %scan3A_70 = arith.constant 0 : i32
      %scan3A_71 = arith.constant 32 : i32
      %scan3A_72 = arith.addi %scan3A_70, %scan3A_71 : i32
      %scan3A_73 = arith.constant 1 : i32
      scf.for %scan3A_89 = %scan3A_70 to %scan3A_72 step %scan3A_73  : i32 {
        %mul3A_90 = arith.constant 513 : i32
        %mul3A_91 = arith.muli %scan3A_89, %mul3A_90 : i32
        %get3A = arith.index_cast %scan3A_89 : i32 to index
        %get3A_92 = arith.constant 0 : index
        %get3A_93 = tpu.vector_load %arg5[%get3A, %get3A_92] {strides = array<i32>} : memref<32x512xf32, #tpu.memory_space<vmem>>, vector<16xf32>,
        %get3A_94 = arith.index_cast %scan3A_89 : i32 to index
        %get3A_95 = arith.constant 16 : index
        %get3A_96 = tpu.vector_load %arg5[%get3A_94, %get3A_95] {strides = array<i32>} : memref<32x512xf32, #tpu.memory_space<vmem>>, vector<16xf32>,
        %get3A_97 = arith.index_cast %scan3A_89 : i32 to index
        %get3A_98 = arith.constant 32 : index
        %get3A_99 = tpu.vector_load %arg5[%get3A_97, %get3A_98] {strides = array<i32>} : memref<32x512xf32, #tpu.memory_space<vmem>>, vector<16xf32>,
        %get3A_100 = arith.index_cast %scan3A_89 : i32 to index
        %get3A_101 = arith.constant 48 : index
        %get3A_102 = tpu.vector_load %arg5[%get3A_100, %get3A_101] {strides = array<i32>} : memref<32x512xf32, #tpu.memory_space<vmem>>, vector<16xf32>,
        %get3A_103 = arith.index_cast %scan3A_89 : i32 to index
        %get3A_104 = arith.constant 64 : index
        %get3A_105 = tpu.vector_load %arg5[%get3A_103, %get3A_104] {strides = array<i32>} : memref<32x512xf32, #tpu.memory_space<vmem>>, vector<16xf32>,
        %get3A_106 = arith.index_cast %scan3A_89 : i32 to index
        %get3A_107 = arith.constant 80 : index
        %get3A_108 = tpu.vector_load %arg5[%get3A_106, %get3A_107] {strides = array<i32>} : memref<32x512xf32, #tpu.memory_space<vmem>>, vector<16xf32>,
        %get3A_109 = arith.index_cast %scan3A_89 : i32 to index
        %get3A_110 = arith.constant 96 : index
        %get3A_111 = tpu.vector_load %arg5[%get3A_109, %get3A_110] {strides = array<i32>} : memref<32x512xf32, #tpu.memory_space<vmem>>, vector<16xf32>,
        %get3A_112 = arith.index_cast %scan3A_89 : i32 to index
        %get3A_113 = arith.constant 112 : index
        %get3A_114 = tpu.vector_load %arg5[%get3A_112, %get3A_113] {strides = array<i32>} : memref<32x512xf32, #tpu.memory_space<vmem>>, vector<16xf32>,
        %add3A_115 = arith.constant 0 : i32
        %add3A_116 = arith.addi %mul3A_91, %add3A_115 : i32
        %swap3A = arith.index_cast %add3A_116 : i32 to index
        %swap3A_117 = tpu.vector_load %arg9[%swap3A] {strides = array<i32>} : memref<16416xf32, #tpu.memory_space<vmem>>, vector<16xf32>,
        tpu.vector_store %arg9[%swap3A], %get3A_93 {strides = array<i32>} : memref<16416xf32, #tpu.memory_space<vmem>>, vector<16xf32>,
        %add3A_118 = arith.constant 16 : i32
        %add3A_119 = arith.addi %mul3A_91, %add3A_118 : i32
        %swap3A_120 = arith.index_cast %add3A_119 : i32 to index
        %swap3A_121 = tpu.vector_load %arg9[%swap3A_120] {strides = array<i32>} : memref<16416xf32, #tpu.memory_space<vmem>>, vector<16xf32>,
        tpu.vector_store %arg9[%swap3A_120], %get3A_96 {strides = array<i32>} : memref<16416xf32, #tpu.memory_space<vmem>>, vector<16xf32>,
        %add3A_122 = arith.constant 32 : i32
        %add3A_123 = arith.addi %mul3A_91, %add3A_122 : i32
        %swap3A_124 = arith.index_cast %add3A_123 : i32 to index
        %swap3A_125 = tpu.vector_load %arg9[%swap3A_124] {strides = array<i32>} : memref<16416xf32, #tpu.memory_space<vmem>>, vector<16xf32>,
        tpu.vector_store %arg9[%swap3A_124], %get3A_99 {strides = array<i32>} : memref<16416xf32, #tpu.memory_space<vmem>>, vector<16xf32>,
        %add3A_126 = arith.constant 48 : i32
        %add3A_127 = arith.addi %mul3A_91, %add3A_126 : i32
        %swap3A_128 = arith.index_cast %add3A_127 : i32 to index
        %swap3A_129 = tpu.vector_load %arg9[%swap3A_128] {strides = array<i32>} : memref<16416xf32, #tpu.memory_space<vmem>>, vector<16xf32>,
        tpu.vector_store %arg9[%swap3A_128], %get3A_102 {strides = array<i32>} : memref<16416xf32, #tpu.memory_space<vmem>>, vector<16xf32>,
        %add3A_130 = arith.constant 64 : i32
        %add3A_131 = arith.addi %mul3A_91, %add3A_130 : i32
        %swap3A_132 = arith.index_cast %add3A_131 : i32 to index
        %swap3A_133 = tpu.vector_load %arg9[%swap3A_132] {strides = array<i32>} : memref<16416xf32, #tpu.memory_space<vmem>>, vector<16xf32>,
        tpu.vector_store %arg9[%swap3A_132], %get3A_105 {strides = array<i32>} : memref<16416xf32, #tpu.memory_space<vmem>>, vector<16xf32>,
        %add3A_134 = arith.constant 80 : i32
        %add3A_135 = arith.addi %mul3A_91, %add3A_134 : i32
        %swap3A_136 = arith.index_cast %add3A_135 : i32 to index
        %swap3A_137 = tpu.vector_load %arg9[%swap3A_136] {strides = array<i32>} : memref<16416xf32, #tpu.memory_space<vmem>>, vector<16xf32>,
        tpu.vector_store %arg9[%swap3A_136], %get3A_108 {strides = array<i32>} : memref<16416xf32, #tpu.memory_space<vmem>>, vector<16xf32>,
        %add3A_138 = arith.constant 96 : i32
        %add3A_139 = arith.addi %mul3A_91, %add3A_138 : i32
        %swap3A_140 = arith.index_cast %add3A_139 : i32 to index
        %swap3A_141 = tpu.vector_load %arg9[%swap3A_140] {strides = array<i32>} : memref<16416xf32, #tpu.memory_space<vmem>>, vector<16xf32>,
        tpu.vector_store %arg9[%swap3A_140], %get3A_111 {strides = array<i32>} : memref<16416xf32, #tpu.memory_space<vmem>>, vector<16xf32>,
        %add3A_142 = arith.constant 112 : i32
        %add3A_143 = arith.addi %mul3A_91, %add3A_142 : i32
        %swap3A_144 = arith.index_cast %add3A_143 : i32 to index
        %swap3A_145 = tpu.vector_load %arg9[%swap3A_144] {strides = array<i32>} : memref<16416xf32, #tpu.memory_space<vmem>>, vector<16xf32>,
        tpu.vector_store %arg9[%swap3A_144], %get3A_114 {strides = array<i32>} : memref<16416xf32, #tpu.memory_space<vmem>>, vector<16xf32>,
      }
      %scan3A_74 = arith.constant 32 : i32
      %scan3A_75 = arith.constant 0 : i32
      %scan3A_76 = arith.constant 0 : i32
      %scan3A_77 = arith.constant 32 : i32
      %scan3A_78 = arith.addi %scan3A_76, %scan3A_77 : i32
      %scan3A_79 = arith.constant 1 : i32
      scf.for %scan3A_89 = %scan3A_76 to %scan3A_78 step %scan3A_79  : i32 {
        %mul3A_90 = arith.constant 4 : i32
        %mul3A_91 = arith.muli %scan3A_89, %mul3A_90 : i32
        %add3A_92 = arith.constant 0 : i32
        %add3A_93 = arith.addi %mul3A_91, %add3A_92 : i32
        %add3A_94 = vector.broadcast %add3A_93 : i32 to vector<16xi32>
        %add3A_95 = arith.addi %mul3A_9, %add3A_94 : vector<16xi32>
        %gather3A = tpu.vector_load_idx %arg9[%add3A_95] : memref<16416xf32, #tpu.memory_space<vmem>>[vector<16xi32>], vector<16xf32>,
        %add3A_96 = arith.constant 8208 : i32
        %add3A_97 = vector.broadcast %add3A_96 : i32 to vector<16xi32>
        %add3A_98 = arith.addi %add3A_95, %add3A_97 : vector<16xi32>
        %gather3A_99 = tpu.vector_load_idx %arg9[%add3A_98] : memref<16416xf32, #tpu.memory_space<vmem>>[vector<16xi32>], vector<16xf32>,
        %add3A_100 = arith.constant 1 : i32
        %add3A_101 = arith.addi %mul3A_91, %add3A_100 : i32
        %add3A_102 = vector.broadcast %add3A_101 : i32 to vector<16xi32>
        %add3A_103 = arith.addi %mul3A_9, %add3A_102 : vector<16xi32>
        %gather3A_104 = tpu.vector_load_idx %arg9[%add3A_103] : memref<16416xf32, #tpu.memory_space<vmem>>[vector<16xi32>], vector<16xf32>,
        %add3A_105 = arith.constant 8208 : i32
        %add3A_106 = vector.broadcast %add3A_105 : i32 to vector<16xi32>
        %add3A_107 = arith.addi %add3A_103, %add3A_106 : vector<16xi32>
        %gather3A_108 = tpu.vector_load_idx %arg9[%add3A_107] : memref<16416xf32, #tpu.memory_space<vmem>>[vector<16xi32>], vector<16xf32>,
        %add3A_109 = arith.constant 2 : i32
        %add3A_110 = arith.addi %mul3A_91, %add3A_109 : i32
        %add3A_111 = vector.broadcast %add3A_110 : i32 to vector<16xi32>
        %add3A_112 = arith.addi %mul3A_9, %add3A_111 : vector<16xi32>
        %gather3A_113 = tpu.vector_load_idx %arg9[%add3A_112] : memref<16416xf32, #tpu.memory_space<vmem>>[vector<16xi32>], vector<16xf32>,
        %add3A_114 = arith.constant 8208 : i32
        %add3A_115 = vector.broadcast %add3A_114 : i32 to vector<16xi32>
        %add3A_116 = arith.addi %add3A_112, %add3A_115 : vector<16xi32>
        %gather3A_117 = tpu.vector_load_idx %arg9[%add3A_116] : memref<16416xf32, #tpu.memory_space<vmem>>[vector<16xi32>], vector<16xf32>,
        %add3A_118 = arith.constant 3 : i32
        %add3A_119 = arith.addi %mul3A_91, %add3A_118 : i32
        %add3A_120 = vector.broadcast %add3A_119 : i32 to vector<16xi32>
        %add3A_121 = arith.addi %mul3A_9, %add3A_120 : vector<16xi32>
        %gather3A_122 = tpu.vector_load_idx %arg9[%add3A_121] : memref<16416xf32, #tpu.memory_space<vmem>>[vector<16xi32>], vector<16xf32>,
        %add3A_123 = arith.constant 8208 : i32
        %add3A_124 = vector.broadcast %add3A_123 : i32 to vector<16xi32>
        %add3A_125 = arith.addi %add3A_121, %add3A_124 : vector<16xi32>
        %gather3A_126 = tpu.vector_load_idx %arg9[%add3A_125] : memref<16416xf32, #tpu.memory_space<vmem>>[vector<16xi32>], vector<16xf32>,
        %add3A_127 = arith.constant 0 : i32
        %add3A_128 = arith.addi %mul3A_91, %add3A_127 : i32
        %mul3A_129 = arith.constant 32 : i32
        %mul3A_130 = arith.muli %add3A_128, %mul3A_129 : i32
        %swap3A = arith.index_cast %mul3A_130 : i32 to index
        %swap3A_131 = tpu.vector_load %arg10[%swap3A] {strides = array<i32>} : memref<4096xf32, #tpu.memory_space<vmem>>, vector<16xf32>,
        tpu.vector_store %arg10[%swap3A], %gather3A {strides = array<i32>} : memref<4096xf32, #tpu.memory_space<vmem>>, vector<16xf32>,
        %add3A_132 = arith.constant 0 : i32
        %add3A_133 = arith.addi %mul3A_91, %add3A_132 : i32
        %mul3A_134 = arith.constant 32 : i32
        %mul3A_135 = arith.muli %add3A_133, %mul3A_134 : i32
        %add3A_136 = arith.constant 16 : i32
        %add3A_137 = arith.addi %mul3A_135, %add3A_136 : i32
        %swap3A_138 = arith.index_cast %add3A_137 : i32 to index
        %swap3A_139 = tpu.vector_load %arg10[%swap3A_138] {strides = array<i32>} : memref<4096xf32, #tpu.memory_space<vmem>>, vector<16xf32>,
        tpu.vector_store %arg10[%swap3A_138], %gather3A_99 {strides = array<i32>} : memref<4096xf32, #tpu.memory_space<vmem>>, vector<16xf32>,
        %add3A_140 = arith.constant 1 : i32
        %add3A_141 = arith.addi %mul3A_91, %add3A_140 : i32
        %mul3A_142 = arith.constant 32 : i32
        %mul3A_143 = arith.muli %add3A_141, %mul3A_142 : i32
        %swap3A_144 = arith.index_cast %mul3A_143 : i32 to index
        %swap3A_145 = tpu.vector_load %arg10[%swap3A_144] {strides = array<i32>} : memref<4096xf32, #tpu.memory_space<vmem>>, vector<16xf32>,
        tpu.vector_store %arg10[%swap3A_144], %gather3A_104 {strides = array<i32>} : memref<4096xf32, #tpu.memory_space<vmem>>, vector<16xf32>,
        %add3A_146 = arith.constant 1 : i32
        %add3A_147 = arith.addi %mul3A_91, %add3A_146 : i32
        %mul3A_148 = arith.constant 32 : i32
        %mul3A_149 = arith.muli %add3A_147, %mul3A_148 : i32
        %add3A_150 = arith.constant 16 : i32
        %add3A_151 = arith.addi %mul3A_149, %add3A_150 : i32
        %swap3A_152 = arith.index_cast %add3A_151 : i32 to index
        %swap3A_153 = tpu.vector_load %arg10[%swap3A_152] {strides = array<i32>} : memref<4096xf32, #tpu.memory_space<vmem>>, vector<16xf32>,
        tpu.vector_store %arg10[%swap3A_152], %gather3A_108 {strides = array<i32>} : memref<4096xf32, #tpu.memory_space<vmem>>, vector<16xf32>,
        %add3A_154 = arith.constant 2 : i32
        %add3A_155 = arith.addi %mul3A_91, %add3A_154 : i32
        %mul3A_156 = arith.constant 32 : i32
        %mul3A_157 = arith.muli %add3A_155, %mul3A_156 : i32
        %swap3A_158 = arith.index_cast %mul3A_157 : i32 to index
        %swap3A_159 = tpu.vector_load %arg10[%swap3A_158] {strides = array<i32>} : memref<4096xf32, #tpu.memory_space<vmem>>, vector<16xf32>,
        tpu.vector_store %arg10[%swap3A_158], %gather3A_113 {strides = array<i32>} : memref<4096xf32, #tpu.memory_space<vmem>>, vector<16xf32>,
        %add3A_160 = arith.constant 2 : i32
        %add3A_161 = arith.addi %mul3A_91, %add3A_160 : i32
        %mul3A_162 = arith.constant 32 : i32
        %mul3A_163 = arith.muli %add3A_161, %mul3A_162 : i32
        %add3A_164 = arith.constant 16 : i32
        %add3A_165 = arith.addi %mul3A_163, %add3A_164 : i32
        %swap3A_166 = arith.index_cast %add3A_165 : i32 to index
        %swap3A_167 = tpu.vector_load %arg10[%swap3A_166] {strides = array<i32>} : memref<4096xf32, #tpu.memory_space<vmem>>, vector<16xf32>,
        tpu.vector_store %arg10[%swap3A_166], %gather3A_117 {strides = array<i32>} : memref<4096xf32, #tpu.memory_space<vmem>>, vector<16xf32>,
        %add3A_168 = arith.constant 3 : i32
        %add3A_169 = arith.addi %mul3A_91, %add3A_168 : i32
        %mul3A_170 = arith.constant 32 : i32
        %mul3A_171 = arith.muli %add3A_169, %mul3A_170 : i32
        %swap3A_172 = arith.index_cast %mul3A_171 : i32 to index
        %swap3A_173 = tpu.vector_load %arg10[%swap3A_172] {strides = array<i32>} : memref<4096xf32, #tpu.memory_space<vmem>>, vector<16xf32>,
        tpu.vector_store %arg10[%swap3A_172], %gather3A_122 {strides = array<i32>} : memref<4096xf32, #tpu.memory_space<vmem>>, vector<16xf32>,
        %add3A_174 = arith.constant 3 : i32
        %add3A_175 = arith.addi %mul3A_91, %add3A_174 : i32
        %mul3A_176 = arith.constant 32 : i32
        %mul3A_177 = arith.muli %add3A_175, %mul3A_176 : i32
        %add3A_178 = arith.constant 16 : i32
        %add3A_179 = arith.addi %mul3A_177, %add3A_178 : i32
        %swap3A_180 = arith.index_cast %add3A_179 : i32 to index
        %swap3A_181 = tpu.vector_load %arg10[%swap3A_180] {strides = array<i32>} : memref<4096xf32, #tpu.memory_space<vmem>>, vector<16xf32>,
        tpu.vector_store %arg10[%swap3A_180], %gather3A_126 {strides = array<i32>} : memref<4096xf32, #tpu.memory_space<vmem>>, vector<16xf32>,
      }
      %scan3A_80 = arith.constant 32 : i32
      %mul3A_81 = arith.constant 32 : i32
      %mul3A_82 = arith.muli %add3A_68, %mul3A_81 : i32
      %dma_start3A_83 = tpu.memref_slice %arg4[%mul3A_82] : memref<32000000xf32, #tpu.memory_space<hbm>> -> memref<4096xf32, #tpu.memory_space<hbm>>
      %dma_start3A_84 = tpu.memref_slice %arg4[%mul3A_82] : memref<32000000xf32, #tpu.memory_space<hbm>> -> memref<4096xf32, #tpu.memory_space<hbm>>
      tpu.enqueue_dma source(%arg10 : memref<4096xf32, #tpu.memory_space<vmem>>) target(%dma_start3A_84 : memref<4096xf32, #tpu.memory_space<hbm>>) target_semaphore(%arg17 : memref<!tpu.dma_semaphore, #tpu.memory_space<semaphore_mem>>)
      %dma_wait3A_85 = arith.constant 0 : i32
      %dma_wait3A_86 = tpu.memref_slice %arg4[%dma_wait3A_85] : memref<32000000xf32, #tpu.memory_space<hbm>> -> memref<4096xf32, #tpu.memory_space<hbm>>
      %dma_wait3A_87 = arith.constant 0 : i32
      %dma_wait3A_88 = tpu.memref_slice %arg4[%dma_wait3A_87] : memref<32000000xf32, #tpu.memory_space<hbm>> -> memref<4096xf32, #tpu.memory_space<hbm>>
      tpu.wait_dma2 semaphore(%arg17 : memref<!tpu.dma_semaphore, #tpu.memory_space<semaphore_mem>>) src(%arg10 : memref<4096xf32, #tpu.memory_space<vmem>>) dst(%dma_wait3A_88 : memref<4096xf32, #tpu.memory_space<hbm>>)
    } else {
    }
    %eq3A = arith.constant 31 : i32
    %eq3A_55 = arith.cmpi eq, %add3A, %eq3A : i32
    %convert_element_type3A_56 = arith.extui %eq3A_55 : i1 to i32
    %cond3A_57 = arith.constant 0 : i32
    %cond3A_58 = arith.cmpi ne, %convert_element_type3A_56, %cond3A_57 : i32
    scf.if %cond3A_58 {
      "tpu.region"() ({
        %run_scoped3A = tpu.sem_alloc : memref<!tpu.dma_semaphore, #tpu.memory_space<semaphore_mem>>
        tpu.enqueue_dma source(%arg3 : memref<64x128xf32, #tpu.memory_space<hbm>>) target(%arg12 : memref<64x128xf32, #tpu.memory_space<vmem>>) target_semaphore(%run_scoped3A : memref<!tpu.dma_semaphore, #tpu.memory_space<semaphore_mem>>)
        tpu.wait_dma2 semaphore(%run_scoped3A : memref<!tpu.dma_semaphore, #tpu.memory_space<semaphore_mem>>) src(%arg3 : memref<64x128xf32, #tpu.memory_space<hbm>>) dst(%arg12 : memref<64x128xf32, #tpu.memory_space<vmem>>)
        tpu.yield
      }) : () -> ()
      %scan3A_67 = arith.constant 0 : i32
      %scan3A_68 = arith.constant 0 : i32
      %scan3A_69 = arith.constant 64 : i32
      %scan3A_70 = arith.addi %scan3A_68, %scan3A_69 : i32
      %scan3A_71 = arith.constant 1 : i32
      scf.for %scan3A_81 = %scan3A_68 to %scan3A_70 step %scan3A_71  : i32 {
        %get3A = arith.index_cast %scan3A_81 : i32 to index
        %get3A_82 = arith.constant 0 : index
        %get3A_83 = tpu.vector_load %arg12[%get3A, %get3A_82] {strides = array<i32>} : memref<64x128xf32, #tpu.memory_space<vmem>>, vector<16xf32>,
        %mul3A_84 = arith.constant 32 : i32
        %mul3A_85 = arith.muli %scan3A_81, %mul3A_84 : i32
        %swap3A = arith.index_cast %mul3A_85 : i32 to index
        %swap3A_86 = tpu.vector_load %arg11[%swap3A] {strides = array<i32>} : memref<2048xf32, #tpu.memory_space<vmem>>, vector<16xf32>,
        tpu.vector_store %arg11[%swap3A], %get3A_83 {strides = array<i32>} : memref<2048xf32, #tpu.memory_space<vmem>>, vector<16xf32>,
        %get3A_87 = arith.index_cast %scan3A_81 : i32 to index
        %get3A_88 = arith.constant 16 : index
        %get3A_89 = tpu.vector_load %arg12[%get3A_87, %get3A_88] {strides = array<i32>} : memref<64x128xf32, #tpu.memory_space<vmem>>, vector<16xf32>,
        %mul3A_90 = arith.constant 32 : i32
        %mul3A_91 = arith.muli %scan3A_81, %mul3A_90 : i32
        %add3A_92 = arith.constant 16 : i32
        %add3A_93 = arith.addi %mul3A_91, %add3A_92 : i32
        %swap3A_94 = arith.index_cast %add3A_93 : i32 to index
        %swap3A_95 = tpu.vector_load %arg11[%swap3A_94] {strides = array<i32>} : memref<2048xf32, #tpu.memory_space<vmem>>, vector<16xf32>,
        tpu.vector_store %arg11[%swap3A_94], %get3A_89 {strides = array<i32>} : memref<2048xf32, #tpu.memory_space<vmem>>, vector<16xf32>,
      }
      %scan3A_72 = arith.constant 64 : i32
      %dma_start3A_73 = arith.constant 31997952 : i32
      %dma_start3A_74 = tpu.memref_slice %arg4[%dma_start3A_73] : memref<32000000xf32, #tpu.memory_space<hbm>> -> memref<2048xf32, #tpu.memory_space<hbm>>
      %dma_start3A_75 = arith.constant 31997952 : i32
      %dma_start3A_76 = tpu.memref_slice %arg4[%dma_start3A_75] : memref<32000000xf32, #tpu.memory_space<hbm>> -> memref<2048xf32, #tpu.memory_space<hbm>>
      tpu.enqueue_dma source(%arg11 : memref<2048xf32, #tpu.memory_space<vmem>>) target(%dma_start3A_76 : memref<2048xf32, #tpu.memory_space<hbm>>) target_semaphore(%arg18 : memref<!tpu.dma_semaphore, #tpu.memory_space<semaphore_mem>>)
      %dma_wait3A_77 = arith.constant 0 : i32
      %dma_wait3A_78 = tpu.memref_slice %arg4[%dma_wait3A_77] : memref<32000000xf32, #tpu.memory_space<hbm>> -> memref<2048xf32, #tpu.memory_space<hbm>>
      %dma_wait3A_79 = arith.constant 0 : i32
      %dma_wait3A_80 = tpu.memref_slice %arg4[%dma_wait3A_79] : memref<32000000xf32, #tpu.memory_space<hbm>> -> memref<2048xf32, #tpu.memory_space<hbm>>
      tpu.wait_dma2 semaphore(%arg18 : memref<!tpu.dma_semaphore, #tpu.memory_space<semaphore_mem>>) src(%arg11 : memref<2048xf32, #tpu.memory_space<vmem>>) dst(%dma_wait3A_80 : memref<2048xf32, #tpu.memory_space<hbm>>)
    } else {
    }
    %dma_wait3A_59 = arith.constant 0 : i32
    %dma_wait3A_60 = tpu.memref_slice %arg4[%dma_wait3A_59] : memref<32000000xf32, #tpu.memory_space<hbm>> -> memref<16384xf32, #tpu.memory_space<hbm>>
    %dma_wait3A_61 = arith.constant 0 : i32
    %dma_wait3A_62 = tpu.memref_slice %arg4[%dma_wait3A_61] : memref<32000000xf32, #tpu.memory_space<hbm>> -> memref<16384xf32, #tpu.memory_space<hbm>>
    tpu.wait_dma2 semaphore(%arg15 : memref<!tpu.dma_semaphore, #tpu.memory_space<semaphore_mem>>) src(%arg7 : memref<16384xf32, #tpu.memory_space<vmem>>) dst(%dma_wait3A_62 : memref<16384xf32, #tpu.memory_space<hbm>>)
    %dma_wait3A_63 = arith.constant 0 : i32
    %dma_wait3A_64 = tpu.memref_slice %arg4[%dma_wait3A_63] : memref<32000000xf32, #tpu.memory_space<hbm>> -> memref<16384xf32, #tpu.memory_space<hbm>>
    %dma_wait3A_65 = arith.constant 0 : i32
    %dma_wait3A_66 = tpu.memref_slice %arg4[%dma_wait3A_65] : memref<32000000xf32, #tpu.memory_space<hbm>> -> memref<16384xf32, #tpu.memory_space<hbm>>
    tpu.wait_dma2 semaphore(%arg16 : memref<!tpu.dma_semaphore, #tpu.memory_space<semaphore_mem>>) src(%arg8 : memref<16384xf32, #tpu.memory_space<vmem>>) dst(%dma_wait3A_66 : memref<16384xf32, #tpu.memory_space<hbm>>)
    return
  }
}

#map = affine_map<(d0, d1) -> (0)>
#map1 = affine_map<(d0, d1) -> (0, 0)>
module attributes {stable_mosaic.version = 14 : i64} {
  func.func @_sc_kernel(%arg0: i32, %arg1: i32, %arg2: memref<819200xi32, #tpu.memory_space<hbm>>, %arg3: memref<1000000x32xf32, #tpu.memory_space<hbm>>, %arg4: memref<4096x32xf32, #tpu.memory_space<hbm>>, %arg5: memref<25616xi32, #tpu.memory_space<vmem>>, %arg6: memref<2x208xi32, #tpu.memory_space<vmem>>, %arg7: memref<2x16xi32, #tpu.memory_space<vmem>>, %arg8: memref<2x200x32xf32, #tpu.memory_space<vmem>>, %arg9: memref<128x32xf32, #tpu.memory_space<vmem>>, %arg10: memref<!tpu.dma_semaphore, #tpu.memory_space<semaphore_mem>>, %arg11: memref<!tpu.dma_semaphore, #tpu.memory_space<semaphore_mem>>) attributes {dimension_semantics = [#tpu.dimension_semantics<core_parallel>, #tpu.dimension_semantics<subcore_parallel>], iteration_bounds = array<i64: 2, 16>, scalar_prefetch = 0 : i64, scratch_operands = 7 : i64, tpu.core_type = #tpu.core_type<sc_vector_subcore>, window_params = [{transform_indices = #map}, {transform_indices = #map1}, {transform_indices = #map1}]} {
    %mul3A = arith.constant 2 : i32
    %mul3A_0 = arith.muli %arg1, %mul3A : i32
    %add3A = arith.addi %mul3A_0, %arg0 : i32
    %mul3A_1 = arith.constant 25600 : i32
    %mul3A_2 = arith.muli %add3A, %mul3A_1 : i32
    "tpu.region"() ({
      %run_scoped3A = tpu.sem_alloc : memref<!tpu.dma_semaphore, #tpu.memory_space<semaphore_mem>>
      %dma_start3A_254 = arith.constant 0 : i32
      %dma_start3A_255 = tpu.memref_slice %arg5[%dma_start3A_254] : memref<25616xi32, #tpu.memory_space<vmem>> -> memref<25600xi32, #tpu.memory_space<vmem>>
      %dma_start3A_256 = tpu.memref_slice %arg2[%mul3A_2] : memref<819200xi32, #tpu.memory_space<hbm>> -> memref<25600xi32, #tpu.memory_space<hbm>>
      %dma_start3A_257 = arith.constant 0 : i32
      %dma_start3A_258 = tpu.memref_slice %arg5[%dma_start3A_257] : memref<25616xi32, #tpu.memory_space<vmem>> -> memref<25600xi32, #tpu.memory_space<vmem>>
      %dma_start3A_259 = tpu.memref_slice %arg2[%mul3A_2] : memref<819200xi32, #tpu.memory_space<hbm>> -> memref<25600xi32, #tpu.memory_space<hbm>>
      tpu.enqueue_dma source(%dma_start3A_259 : memref<25600xi32, #tpu.memory_space<hbm>>) target(%dma_start3A_258 : memref<25600xi32, #tpu.memory_space<vmem>>) target_semaphore(%run_scoped3A : memref<!tpu.dma_semaphore, #tpu.memory_space<semaphore_mem>>)
      %dma_wait3A = arith.constant 0 : i32
      %dma_wait3A_260 = tpu.memref_slice %arg5[%dma_wait3A] : memref<25616xi32, #tpu.memory_space<vmem>> -> memref<25600xi32, #tpu.memory_space<vmem>>
      %dma_wait3A_261 = tpu.memref_slice %arg2[%mul3A_2] : memref<819200xi32, #tpu.memory_space<hbm>> -> memref<25600xi32, #tpu.memory_space<hbm>>
      %dma_wait3A_262 = arith.constant 0 : i32
      %dma_wait3A_263 = tpu.memref_slice %arg5[%dma_wait3A_262] : memref<25616xi32, #tpu.memory_space<vmem>> -> memref<25600xi32, #tpu.memory_space<vmem>>
      %dma_wait3A_264 = tpu.memref_slice %arg2[%mul3A_2] : memref<819200xi32, #tpu.memory_space<hbm>> -> memref<25600xi32, #tpu.memory_space<hbm>>
      tpu.wait_dma2 semaphore(%run_scoped3A : memref<!tpu.dma_semaphore, #tpu.memory_space<semaphore_mem>>) src(%dma_wait3A_264 : memref<25600xi32, #tpu.memory_space<hbm>>) dst(%dma_wait3A_263 : memref<25600xi32, #tpu.memory_space<vmem>>)
      tpu.yield
    }) : () -> ()
    %iota3A = tpu.iota {dimensions = array<i32: 0>} : vector<16xi32>
    %broadcast_in_dim3A = arith.constant 0 : i32
    %broadcast_in_dim3A_3 = vector.broadcast %broadcast_in_dim3A : i32 to vector<16xi32>
    %get3A = arith.constant 0 : index
    %get3A_4 = tpu.vector_load %arg5[%get3A] {strides = array<i32>} : memref<25616xi32, #tpu.memory_space<vmem>>, vector<16xi32>,
    %eq3A = arith.constant 1 : i32
    %eq3A_5 = vector.broadcast %eq3A : i32 to vector<16xi32>
    %eq3A_6 = arith.cmpi eq, %get3A_4, %eq3A_5 : vector<16xi32>
    %jit3A = arith.constant 0 : i32
    %broadcast_in_dim3A_7 = vector.broadcast %jit3A : i32 to vector<16xi32>
    %select_n3A = arith.select %eq3A_6, %broadcast_in_dim3A_7, %get3A_4 : vector<16xi1>, vector<16xi32>
    %ne3A = arith.constant 0 : i32
    %ne3A_8 = vector.broadcast %ne3A : i32 to vector<16xi32>
    %ne3A_9 = arith.cmpi ne, %select_n3A, %ne3A_8 : vector<16xi32>
    %all_reduce_population_count3A = tpu.all_reduce %ne3A_9 {dim = 0 : i64, kind = #tpu.reduction_kind<sum>} : vector<16xi1> -> vector<16xi32>
    %add3A_10 = arith.addi %broadcast_in_dim3A_3, %all_reduce_population_count3A : vector<16xi32>
    %swap3A = arith.constant 0 : i32
    %swap3A_11 = arith.index_cast %swap3A : i32 to index
    %swap3A_12 = arith.constant 0 : index
    %swap3A_13 = tpu.vector_load %arg6[%swap3A_11, %swap3A_12] {strides = array<i32>} : memref<2x208xi32, #tpu.memory_space<vmem>>, vector<16xi32>,
    tpu.vector_store %arg6[%swap3A_11, %swap3A_12], %select_n3A {strides = array<i32>} : memref<2x208xi32, #tpu.memory_space<vmem>>, vector<16xi32>,
    %get3A_14 = arith.constant 16 : index
    %get3A_15 = tpu.vector_load %arg5[%get3A_14] {strides = array<i32>} : memref<25616xi32, #tpu.memory_space<vmem>>, vector<16xi32>,
    %eq3A_16 = arith.constant 1 : i32
    %eq3A_17 = vector.broadcast %eq3A_16 : i32 to vector<16xi32>
    %eq3A_18 = arith.cmpi eq, %get3A_15, %eq3A_17 : vector<16xi32>
    %jit3A_19 = arith.constant 0 : i32
    %broadcast_in_dim3A_20 = vector.broadcast %jit3A_19 : i32 to vector<16xi32>
    %select_n3A_21 = arith.select %eq3A_18, %broadcast_in_dim3A_20, %get3A_15 : vector<16xi1>, vector<16xi32>
    %ne3A_22 = arith.constant 0 : i32
    %ne3A_23 = vector.broadcast %ne3A_22 : i32 to vector<16xi32>
    %ne3A_24 = arith.cmpi ne, %select_n3A_21, %ne3A_23 : vector<16xi32>
    %all_reduce_population_count3A_25 = tpu.all_reduce %ne3A_24 {dim = 0 : i64, kind = #tpu.reduction_kind<sum>} : vector<16xi1> -> vector<16xi32>
    %add3A_26 = arith.addi %add3A_10, %all_reduce_population_count3A_25 : vector<16xi32>
    %swap3A_27 = arith.constant 0 : i32
    %swap3A_28 = arith.index_cast %swap3A_27 : i32 to index
    %swap3A_29 = arith.constant 16 : index
    %swap3A_30 = tpu.vector_load %arg6[%swap3A_28, %swap3A_29] {strides = array<i32>} : memref<2x208xi32, #tpu.memory_space<vmem>>, vector<16xi32>,
    tpu.vector_store %arg6[%swap3A_28, %swap3A_29], %select_n3A_21 {strides = array<i32>} : memref<2x208xi32, #tpu.memory_space<vmem>>, vector<16xi32>,
    %get3A_31 = arith.constant 32 : index
    %get3A_32 = tpu.vector_load %arg5[%get3A_31] {strides = array<i32>} : memref<25616xi32, #tpu.memory_space<vmem>>, vector<16xi32>,
    %eq3A_33 = arith.constant 1 : i32
    %eq3A_34 = vector.broadcast %eq3A_33 : i32 to vector<16xi32>
    %eq3A_35 = arith.cmpi eq, %get3A_32, %eq3A_34 : vector<16xi32>
    %jit3A_36 = arith.constant 0 : i32
    %broadcast_in_dim3A_37 = vector.broadcast %jit3A_36 : i32 to vector<16xi32>
    %select_n3A_38 = arith.select %eq3A_35, %broadcast_in_dim3A_37, %get3A_32 : vector<16xi1>, vector<16xi32>
    %ne3A_39 = arith.constant 0 : i32
    %ne3A_40 = vector.broadcast %ne3A_39 : i32 to vector<16xi32>
    %ne3A_41 = arith.cmpi ne, %select_n3A_38, %ne3A_40 : vector<16xi32>
    %all_reduce_population_count3A_42 = tpu.all_reduce %ne3A_41 {dim = 0 : i64, kind = #tpu.reduction_kind<sum>} : vector<16xi1> -> vector<16xi32>
    %add3A_43 = arith.addi %add3A_26, %all_reduce_population_count3A_42 : vector<16xi32>
    %swap3A_44 = arith.constant 0 : i32
    %swap3A_45 = arith.index_cast %swap3A_44 : i32 to index
    %swap3A_46 = arith.constant 32 : index
    %swap3A_47 = tpu.vector_load %arg6[%swap3A_45, %swap3A_46] {strides = array<i32>} : memref<2x208xi32, #tpu.memory_space<vmem>>, vector<16xi32>,
    tpu.vector_store %arg6[%swap3A_45, %swap3A_46], %select_n3A_38 {strides = array<i32>} : memref<2x208xi32, #tpu.memory_space<vmem>>, vector<16xi32>,
    %get3A_48 = arith.constant 48 : index
    %get3A_49 = tpu.vector_load %arg5[%get3A_48] {strides = array<i32>} : memref<25616xi32, #tpu.memory_space<vmem>>, vector<16xi32>,
    %eq3A_50 = arith.constant 1 : i32
    %eq3A_51 = vector.broadcast %eq3A_50 : i32 to vector<16xi32>
    %eq3A_52 = arith.cmpi eq, %get3A_49, %eq3A_51 : vector<16xi32>
    %jit3A_53 = arith.constant 0 : i32
    %broadcast_in_dim3A_54 = vector.broadcast %jit3A_53 : i32 to vector<16xi32>
    %select_n3A_55 = arith.select %eq3A_52, %broadcast_in_dim3A_54, %get3A_49 : vector<16xi1>, vector<16xi32>
    %ne3A_56 = arith.constant 0 : i32
    %ne3A_57 = vector.broadcast %ne3A_56 : i32 to vector<16xi32>
    %ne3A_58 = arith.cmpi ne, %select_n3A_55, %ne3A_57 : vector<16xi32>
    %all_reduce_population_count3A_59 = tpu.all_reduce %ne3A_58 {dim = 0 : i64, kind = #tpu.reduction_kind<sum>} : vector<16xi1> -> vector<16xi32>
    %add3A_60 = arith.addi %add3A_43, %all_reduce_population_count3A_59 : vector<16xi32>
    %swap3A_61 = arith.constant 0 : i32
    %swap3A_62 = arith.index_cast %swap3A_61 : i32 to index
    %swap3A_63 = arith.constant 48 : index
    %swap3A_64 = tpu.vector_load %arg6[%swap3A_62, %swap3A_63] {strides = array<i32>} : memref<2x208xi32, #tpu.memory_space<vmem>>, vector<16xi32>,
    tpu.vector_store %arg6[%swap3A_62, %swap3A_63], %select_n3A_55 {strides = array<i32>} : memref<2x208xi32, #tpu.memory_space<vmem>>, vector<16xi32>,
    %get3A_65 = arith.constant 64 : index
    %get3A_66 = tpu.vector_load %arg5[%get3A_65] {strides = array<i32>} : memref<25616xi32, #tpu.memory_space<vmem>>, vector<16xi32>,
    %eq3A_67 = arith.constant 1 : i32
    %eq3A_68 = vector.broadcast %eq3A_67 : i32 to vector<16xi32>
    %eq3A_69 = arith.cmpi eq, %get3A_66, %eq3A_68 : vector<16xi32>
    %jit3A_70 = arith.constant 0 : i32
    %broadcast_in_dim3A_71 = vector.broadcast %jit3A_70 : i32 to vector<16xi32>
    %select_n3A_72 = arith.select %eq3A_69, %broadcast_in_dim3A_71, %get3A_66 : vector<16xi1>, vector<16xi32>
    %ne3A_73 = arith.constant 0 : i32
    %ne3A_74 = vector.broadcast %ne3A_73 : i32 to vector<16xi32>
    %ne3A_75 = arith.cmpi ne, %select_n3A_72, %ne3A_74 : vector<16xi32>
    %all_reduce_population_count3A_76 = tpu.all_reduce %ne3A_75 {dim = 0 : i64, kind = #tpu.reduction_kind<sum>} : vector<16xi1> -> vector<16xi32>
    %add3A_77 = arith.addi %add3A_60, %all_reduce_population_count3A_76 : vector<16xi32>
    %swap3A_78 = arith.constant 0 : i32
    %swap3A_79 = arith.index_cast %swap3A_78 : i32 to index
    %swap3A_80 = arith.constant 64 : index
    %swap3A_81 = tpu.vector_load %arg6[%swap3A_79, %swap3A_80] {strides = array<i32>} : memref<2x208xi32, #tpu.memory_space<vmem>>, vector<16xi32>,
    tpu.vector_store %arg6[%swap3A_79, %swap3A_80], %select_n3A_72 {strides = array<i32>} : memref<2x208xi32, #tpu.memory_space<vmem>>, vector<16xi32>,
    %get3A_82 = arith.constant 80 : index
    %get3A_83 = tpu.vector_load %arg5[%get3A_82] {strides = array<i32>} : memref<25616xi32, #tpu.memory_space<vmem>>, vector<16xi32>,
    %eq3A_84 = arith.constant 1 : i32
    %eq3A_85 = vector.broadcast %eq3A_84 : i32 to vector<16xi32>
    %eq3A_86 = arith.cmpi eq, %get3A_83, %eq3A_85 : vector<16xi32>
    %jit3A_87 = arith.constant 0 : i32
    %broadcast_in_dim3A_88 = vector.broadcast %jit3A_87 : i32 to vector<16xi32>
    %select_n3A_89 = arith.select %eq3A_86, %broadcast_in_dim3A_88, %get3A_83 : vector<16xi1>, vector<16xi32>
    %ne3A_90 = arith.constant 0 : i32
    %ne3A_91 = vector.broadcast %ne3A_90 : i32 to vector<16xi32>
    %ne3A_92 = arith.cmpi ne, %select_n3A_89, %ne3A_91 : vector<16xi32>
    %all_reduce_population_count3A_93 = tpu.all_reduce %ne3A_92 {dim = 0 : i64, kind = #tpu.reduction_kind<sum>} : vector<16xi1> -> vector<16xi32>
    %add3A_94 = arith.addi %add3A_77, %all_reduce_population_count3A_93 : vector<16xi32>
    %swap3A_95 = arith.constant 0 : i32
    %swap3A_96 = arith.index_cast %swap3A_95 : i32 to index
    %swap3A_97 = arith.constant 80 : index
    %swap3A_98 = tpu.vector_load %arg6[%swap3A_96, %swap3A_97] {strides = array<i32>} : memref<2x208xi32, #tpu.memory_space<vmem>>, vector<16xi32>,
    tpu.vector_store %arg6[%swap3A_96, %swap3A_97], %select_n3A_89 {strides = array<i32>} : memref<2x208xi32, #tpu.memory_space<vmem>>, vector<16xi32>,
    %get3A_99 = arith.constant 96 : index
    %get3A_100 = tpu.vector_load %arg5[%get3A_99] {strides = array<i32>} : memref<25616xi32, #tpu.memory_space<vmem>>, vector<16xi32>,
    %eq3A_101 = arith.constant 1 : i32
    %eq3A_102 = vector.broadcast %eq3A_101 : i32 to vector<16xi32>
    %eq3A_103 = arith.cmpi eq, %get3A_100, %eq3A_102 : vector<16xi32>
    %jit3A_104 = arith.constant 0 : i32
    %broadcast_in_dim3A_105 = vector.broadcast %jit3A_104 : i32 to vector<16xi32>
    %select_n3A_106 = arith.select %eq3A_103, %broadcast_in_dim3A_105, %get3A_100 : vector<16xi1>, vector<16xi32>
    %ne3A_107 = arith.constant 0 : i32
    %ne3A_108 = vector.broadcast %ne3A_107 : i32 to vector<16xi32>
    %ne3A_109 = arith.cmpi ne, %select_n3A_106, %ne3A_108 : vector<16xi32>
    %all_reduce_population_count3A_110 = tpu.all_reduce %ne3A_109 {dim = 0 : i64, kind = #tpu.reduction_kind<sum>} : vector<16xi1> -> vector<16xi32>
    %add3A_111 = arith.addi %add3A_94, %all_reduce_population_count3A_110 : vector<16xi32>
    %swap3A_112 = arith.constant 0 : i32
    %swap3A_113 = arith.index_cast %swap3A_112 : i32 to index
    %swap3A_114 = arith.constant 96 : index
    %swap3A_115 = tpu.vector_load %arg6[%swap3A_113, %swap3A_114] {strides = array<i32>} : memref<2x208xi32, #tpu.memory_space<vmem>>, vector<16xi32>,
    tpu.vector_store %arg6[%swap3A_113, %swap3A_114], %select_n3A_106 {strides = array<i32>} : memref<2x208xi32, #tpu.memory_space<vmem>>, vector<16xi32>,
    %get3A_116 = arith.constant 112 : index
    %get3A_117 = tpu.vector_load %arg5[%get3A_116] {strides = array<i32>} : memref<25616xi32, #tpu.memory_space<vmem>>, vector<16xi32>,
    %eq3A_118 = arith.constant 1 : i32
    %eq3A_119 = vector.broadcast %eq3A_118 : i32 to vector<16xi32>
    %eq3A_120 = arith.cmpi eq, %get3A_117, %eq3A_119 : vector<16xi32>
    %jit3A_121 = arith.constant 0 : i32
    %broadcast_in_dim3A_122 = vector.broadcast %jit3A_121 : i32 to vector<16xi32>
    %select_n3A_123 = arith.select %eq3A_120, %broadcast_in_dim3A_122, %get3A_117 : vector<16xi1>, vector<16xi32>
    %ne3A_124 = arith.constant 0 : i32
    %ne3A_125 = vector.broadcast %ne3A_124 : i32 to vector<16xi32>
    %ne3A_126 = arith.cmpi ne, %select_n3A_123, %ne3A_125 : vector<16xi32>
    %all_reduce_population_count3A_127 = tpu.all_reduce %ne3A_126 {dim = 0 : i64, kind = #tpu.reduction_kind<sum>} : vector<16xi1> -> vector<16xi32>
    %add3A_128 = arith.addi %add3A_111, %all_reduce_population_count3A_127 : vector<16xi32>
    %swap3A_129 = arith.constant 0 : i32
    %swap3A_130 = arith.index_cast %swap3A_129 : i32 to index
    %swap3A_131 = arith.constant 112 : index
    %swap3A_132 = tpu.vector_load %arg6[%swap3A_130, %swap3A_131] {strides = array<i32>} : memref<2x208xi32, #tpu.memory_space<vmem>>, vector<16xi32>,
    tpu.vector_store %arg6[%swap3A_130, %swap3A_131], %select_n3A_123 {strides = array<i32>} : memref<2x208xi32, #tpu.memory_space<vmem>>, vector<16xi32>,
    %get3A_133 = arith.constant 128 : index
    %get3A_134 = tpu.vector_load %arg5[%get3A_133] {strides = array<i32>} : memref<25616xi32, #tpu.memory_space<vmem>>, vector<16xi32>,
    %eq3A_135 = arith.constant 1 : i32
    %eq3A_136 = vector.broadcast %eq3A_135 : i32 to vector<16xi32>
    %eq3A_137 = arith.cmpi eq, %get3A_134, %eq3A_136 : vector<16xi32>
    %jit3A_138 = arith.constant 0 : i32
    %broadcast_in_dim3A_139 = vector.broadcast %jit3A_138 : i32 to vector<16xi32>
    %select_n3A_140 = arith.select %eq3A_137, %broadcast_in_dim3A_139, %get3A_134 : vector<16xi1>, vector<16xi32>
    %ne3A_141 = arith.constant 0 : i32
    %ne3A_142 = vector.broadcast %ne3A_141 : i32 to vector<16xi32>
    %ne3A_143 = arith.cmpi ne, %select_n3A_140, %ne3A_142 : vector<16xi32>
    %all_reduce_population_count3A_144 = tpu.all_reduce %ne3A_143 {dim = 0 : i64, kind = #tpu.reduction_kind<sum>} : vector<16xi1> -> vector<16xi32>
    %add3A_145 = arith.addi %add3A_128, %all_reduce_population_count3A_144 : vector<16xi32>
    %swap3A_146 = arith.constant 0 : i32
    %swap3A_147 = arith.index_cast %swap3A_146 : i32 to index
    %swap3A_148 = arith.constant 128 : index
    %swap3A_149 = tpu.vector_load %arg6[%swap3A_147, %swap3A_148] {strides = array<i32>} : memref<2x208xi32, #tpu.memory_space<vmem>>, vector<16xi32>,
    tpu.vector_store %arg6[%swap3A_147, %swap3A_148], %select_n3A_140 {strides = array<i32>} : memref<2x208xi32, #tpu.memory_space<vmem>>, vector<16xi32>,
    %get3A_150 = arith.constant 144 : index
    %get3A_151 = tpu.vector_load %arg5[%get3A_150] {strides = array<i32>} : memref<25616xi32, #tpu.memory_space<vmem>>, vector<16xi32>,
    %eq3A_152 = arith.constant 1 : i32
    %eq3A_153 = vector.broadcast %eq3A_152 : i32 to vector<16xi32>
    %eq3A_154 = arith.cmpi eq, %get3A_151, %eq3A_153 : vector<16xi32>
    %jit3A_155 = arith.constant 0 : i32
    %broadcast_in_dim3A_156 = vector.broadcast %jit3A_155 : i32 to vector<16xi32>
    %select_n3A_157 = arith.select %eq3A_154, %broadcast_in_dim3A_156, %get3A_151 : vector<16xi1>, vector<16xi32>
    %ne3A_158 = arith.constant 0 : i32
    %ne3A_159 = vector.broadcast %ne3A_158 : i32 to vector<16xi32>
    %ne3A_160 = arith.cmpi ne, %select_n3A_157, %ne3A_159 : vector<16xi32>
    %all_reduce_population_count3A_161 = tpu.all_reduce %ne3A_160 {dim = 0 : i64, kind = #tpu.reduction_kind<sum>} : vector<16xi1> -> vector<16xi32>
    %add3A_162 = arith.addi %add3A_145, %all_reduce_population_count3A_161 : vector<16xi32>
    %swap3A_163 = arith.constant 0 : i32
    %swap3A_164 = arith.index_cast %swap3A_163 : i32 to index
    %swap3A_165 = arith.constant 144 : index
    %swap3A_166 = tpu.vector_load %arg6[%swap3A_164, %swap3A_165] {strides = array<i32>} : memref<2x208xi32, #tpu.memory_space<vmem>>, vector<16xi32>,
    tpu.vector_store %arg6[%swap3A_164, %swap3A_165], %select_n3A_157 {strides = array<i32>} : memref<2x208xi32, #tpu.memory_space<vmem>>, vector<16xi32>,
    %get3A_167 = arith.constant 160 : index
    %get3A_168 = tpu.vector_load %arg5[%get3A_167] {strides = array<i32>} : memref<25616xi32, #tpu.memory_space<vmem>>, vector<16xi32>,
    %eq3A_169 = arith.constant 1 : i32
    %eq3A_170 = vector.broadcast %eq3A_169 : i32 to vector<16xi32>
    %eq3A_171 = arith.cmpi eq, %get3A_168, %eq3A_170 : vector<16xi32>
    %jit3A_172 = arith.constant 0 : i32
    %broadcast_in_dim3A_173 = vector.broadcast %jit3A_172 : i32 to vector<16xi32>
    %select_n3A_174 = arith.select %eq3A_171, %broadcast_in_dim3A_173, %get3A_168 : vector<16xi1>, vector<16xi32>
    %ne3A_175 = arith.constant 0 : i32
    %ne3A_176 = vector.broadcast %ne3A_175 : i32 to vector<16xi32>
    %ne3A_177 = arith.cmpi ne, %select_n3A_174, %ne3A_176 : vector<16xi32>
    %all_reduce_population_count3A_178 = tpu.all_reduce %ne3A_177 {dim = 0 : i64, kind = #tpu.reduction_kind<sum>} : vector<16xi1> -> vector<16xi32>
    %add3A_179 = arith.addi %add3A_162, %all_reduce_population_count3A_178 : vector<16xi32>
    %swap3A_180 = arith.constant 0 : i32
    %swap3A_181 = arith.index_cast %swap3A_180 : i32 to index
    %swap3A_182 = arith.constant 160 : index
    %swap3A_183 = tpu.vector_load %arg6[%swap3A_181, %swap3A_182] {strides = array<i32>} : memref<2x208xi32, #tpu.memory_space<vmem>>, vector<16xi32>,
    tpu.vector_store %arg6[%swap3A_181, %swap3A_182], %select_n3A_174 {strides = array<i32>} : memref<2x208xi32, #tpu.memory_space<vmem>>, vector<16xi32>,
    %get3A_184 = arith.constant 176 : index
    %get3A_185 = tpu.vector_load %arg5[%get3A_184] {strides = array<i32>} : memref<25616xi32, #tpu.memory_space<vmem>>, vector<16xi32>,
    %eq3A_186 = arith.constant 1 : i32
    %eq3A_187 = vector.broadcast %eq3A_186 : i32 to vector<16xi32>
    %eq3A_188 = arith.cmpi eq, %get3A_185, %eq3A_187 : vector<16xi32>
    %jit3A_189 = arith.constant 0 : i32
    %broadcast_in_dim3A_190 = vector.broadcast %jit3A_189 : i32 to vector<16xi32>
    %select_n3A_191 = arith.select %eq3A_188, %broadcast_in_dim3A_190, %get3A_185 : vector<16xi1>, vector<16xi32>
    %ne3A_192 = arith.constant 0 : i32
    %ne3A_193 = vector.broadcast %ne3A_192 : i32 to vector<16xi32>
    %ne3A_194 = arith.cmpi ne, %select_n3A_191, %ne3A_193 : vector<16xi32>
    %all_reduce_population_count3A_195 = tpu.all_reduce %ne3A_194 {dim = 0 : i64, kind = #tpu.reduction_kind<sum>} : vector<16xi1> -> vector<16xi32>
    %add3A_196 = arith.addi %add3A_179, %all_reduce_population_count3A_195 : vector<16xi32>
    %swap3A_197 = arith.constant 0 : i32
    %swap3A_198 = arith.index_cast %swap3A_197 : i32 to index
    %swap3A_199 = arith.constant 176 : index
    %swap3A_200 = tpu.vector_load %arg6[%swap3A_198, %swap3A_199] {strides = array<i32>} : memref<2x208xi32, #tpu.memory_space<vmem>>, vector<16xi32>,
    tpu.vector_store %arg6[%swap3A_198, %swap3A_199], %select_n3A_191 {strides = array<i32>} : memref<2x208xi32, #tpu.memory_space<vmem>>, vector<16xi32>,
    %get3A_201 = arith.constant 192 : index
    %get3A_202 = tpu.vector_load %arg5[%get3A_201] {strides = array<i32>} : memref<25616xi32, #tpu.memory_space<vmem>>, vector<16xi32>,
    %eq3A_203 = arith.constant 1 : i32
    %eq3A_204 = vector.broadcast %eq3A_203 : i32 to vector<16xi32>
    %eq3A_205 = arith.cmpi eq, %get3A_202, %eq3A_204 : vector<16xi32>
    %jit3A_206 = arith.constant 0 : i32
    %broadcast_in_dim3A_207 = vector.broadcast %jit3A_206 : i32 to vector<16xi32>
    %select_n3A_208 = arith.select %eq3A_205, %broadcast_in_dim3A_207, %get3A_202 : vector<16xi1>, vector<16xi32>
    %ne3A_209 = arith.constant 0 : i32
    %ne3A_210 = vector.broadcast %ne3A_209 : i32 to vector<16xi32>
    %ne3A_211 = arith.cmpi ne, %select_n3A_208, %ne3A_210 : vector<16xi32>
    %lt3A = arith.constant 8 : i32
    %lt3A_212 = vector.broadcast %lt3A : i32 to vector<16xi32>
    %lt3A_213 = arith.cmpi slt, %iota3A, %lt3A_212 : vector<16xi32>
    %and3A = arith.andi %ne3A_211, %lt3A_213 : vector<16xi1>
    %all_reduce_population_count3A_214 = tpu.all_reduce %and3A {dim = 0 : i64, kind = #tpu.reduction_kind<sum>} : vector<16xi1> -> vector<16xi32>
    %add3A_215 = arith.addi %add3A_196, %all_reduce_population_count3A_214 : vector<16xi32>
    %swap3A_216 = arith.constant 0 : i32
    %swap3A_217 = arith.index_cast %swap3A_216 : i32 to index
    %swap3A_218 = arith.constant 192 : index
    %swap3A_219 = tpu.vector_load %arg6[%swap3A_217, %swap3A_218] {strides = array<i32>} : memref<2x208xi32, #tpu.memory_space<vmem>>, vector<16xi32>,
    tpu.vector_store %arg6[%swap3A_217, %swap3A_218], %select_n3A_208 {strides = array<i32>} : memref<2x208xi32, #tpu.memory_space<vmem>>, vector<16xi32>,
    %swap3A_220 = arith.constant 0 : i32
    %swap3A_221 = arith.index_cast %swap3A_220 : i32 to index
    %swap3A_222 = arith.constant 0 : index
    %swap3A_223 = tpu.vector_load %arg7[%swap3A_221, %swap3A_222] {strides = array<i32>} : memref<2x16xi32, #tpu.memory_space<vmem>>, vector<16xi32>,
    tpu.vector_store %arg7[%swap3A_221, %swap3A_222], %add3A_215 {strides = array<i32>} : memref<2x16xi32, #tpu.memory_space<vmem>>, vector<16xi32>,
    %dma_start3A = arith.constant 0 : i32
    %dma_start3A_224 = arith.constant 0 : i32
    %dma_start3A_225 = arith.constant 0 : i32
    %dma_start3A_226 = arith.constant 0 : i32
    %dma_start3A_227 = tpu.memref_slice %arg8[%dma_start3A_224, %dma_start3A_225, %dma_start3A_226] : memref<2x200x32xf32, #tpu.memory_space<vmem>> -> memref<1x128x32xf32, #tpu.memory_space<vmem>>
    %dma_start3A_228 = tpu.memref_squeeze %dma_start3A_227 : memref<1x128x32xf32, #tpu.memory_space<vmem>> -> memref<128x32xf32, #tpu.memory_space<vmem>>
    %dma_start3A_229 = arith.constant 0 : i32
    %dma_start3A_230 = tpu.memref_slice %arg6[%dma_start3A, %dma_start3A_229] : memref<2x208xi32, #tpu.memory_space<vmem>> -> memref<1x128xi32, #tpu.memory_space<vmem>>
    %dma_start3A_231 = tpu.memref_squeeze %dma_start3A_230 : memref<1x128xi32, #tpu.memory_space<vmem>> -> memref<128xi32, #tpu.memory_space<vmem>>
    %dma_start3A_232 = arith.constant 0 : i32
    %dma_start3A_233 = arith.constant 0 : i32
    %dma_start3A_234 = tpu.memref_slice %arg3[%dma_start3A_232, %dma_start3A_233] : memref<1000000x32xf32, #tpu.memory_space<hbm>> -> memref<1000000x32xf32, #tpu.memory_space<hbm>>
    tpu.enqueue_indirect_dma source(%dma_start3A_234 : memref<1000000x32xf32, #tpu.memory_space<hbm>>) target(%dma_start3A_228 : memref<128x32xf32, #tpu.memory_space<vmem>>) offsets(%dma_start3A_231 : memref<128xi32, #tpu.memory_space<vmem>>) semaphore(%arg10 : memref<!tpu.dma_semaphore, #tpu.memory_space<semaphore_mem>>)
    %dma_start3A_235 = arith.constant 0 : i32
    %dma_start3A_236 = arith.constant 0 : i32
    %dma_start3A_237 = arith.constant 128 : i32
    %dma_start3A_238 = arith.constant 0 : i32
    %dma_start3A_239 = tpu.memref_slice %arg8[%dma_start3A_236, %dma_start3A_237, %dma_start3A_238] : memref<2x200x32xf32, #tpu.memory_space<vmem>> -> memref<1x72x32xf32, #tpu.memory_space<vmem>>
    %dma_start3A_240 = tpu.memref_squeeze %dma_start3A_239 : memref<1x72x32xf32, #tpu.memory_space<vmem>> -> memref<72x32xf32, #tpu.memory_space<vmem>>
    %dma_start3A_241 = arith.constant 128 : i32
    %dma_start3A_242 = tpu.memref_slice %arg6[%dma_start3A_235, %dma_start3A_241] : memref<2x208xi32, #tpu.memory_space<vmem>> -> memref<1x72xi32, #tpu.memory_space<vmem>>
    %dma_start3A_243 = tpu.memref_squeeze %dma_start3A_242 : memref<1x72xi32, #tpu.memory_space<vmem>> -> memref<72xi32, #tpu.memory_space<vmem>>
    %dma_start3A_244 = arith.constant 0 : i32
    %dma_start3A_245 = arith.constant 0 : i32
    %dma_start3A_246 = tpu.memref_slice %arg3[%dma_start3A_244, %dma_start3A_245] : memref<1000000x32xf32, #tpu.memory_space<hbm>> -> memref<1000000x32xf32, #tpu.memory_space<hbm>>
    tpu.enqueue_indirect_dma source(%dma_start3A_246 : memref<1000000x32xf32, #tpu.memory_space<hbm>>) target(%dma_start3A_240 : memref<72x32xf32, #tpu.memory_space<vmem>>) offsets(%dma_start3A_243 : memref<72xi32, #tpu.memory_space<vmem>>) semaphore(%arg10 : memref<!tpu.dma_semaphore, #tpu.memory_space<semaphore_mem>>)
    %scan3A = arith.constant 0 : i32
    %scan3A_247 = arith.constant 0 : i32
    %scan3A_248 = arith.constant 64 : i32
    %scan3A_249 = arith.addi %scan3A_247, %scan3A_248 : i32
    %scan3A_250 = arith.constant 1 : i32
    scf.for %scan3A_254 = %scan3A_247 to %scan3A_249 step %scan3A_250  : i32 {
      %mul3A_255 = arith.constant 2 : i32
      %mul3A_256 = arith.muli %mul3A_255, %scan3A_254 : i32
      %add3A_257 = arith.constant 1 : i32
      %add3A_258 = arith.addi %mul3A_256, %add3A_257 : i32
      %mul3A_259 = arith.constant 200 : i32
      %mul3A_260 = arith.muli %add3A_258, %mul3A_259 : i32
      %broadcast_in_dim3A_261 = arith.constant 0 : i32
      %broadcast_in_dim3A_262 = vector.broadcast %broadcast_in_dim3A_261 : i32 to vector<16xi32>
      %add3A_263 = arith.constant 0 : i32
      %add3A_264 = arith.addi %mul3A_260, %add3A_263 : i32
      %get3A_265 = arith.index_cast %add3A_264 : i32 to index
      %get3A_266 = tpu.vector_load %arg5[%get3A_265] {strides = array<i32>} : memref<25616xi32, #tpu.memory_space<vmem>>, vector<16xi32>,
      %eq3A_267 = arith.constant 1 : i32
      %eq3A_268 = vector.broadcast %eq3A_267 : i32 to vector<16xi32>
      %eq3A_269 = arith.cmpi eq, %get3A_266, %eq3A_268 : vector<16xi32>
      %jit3A_270 = arith.constant 0 : i32
      %broadcast_in_dim3A_271 = vector.broadcast %jit3A_270 : i32 to vector<16xi32>
      %select_n3A_272 = arith.select %eq3A_269, %broadcast_in_dim3A_271, %get3A_266 : vector<16xi1>, vector<16xi32>
      %ne3A_273 = arith.constant 0 : i32
      %ne3A_274 = vector.broadcast %ne3A_273 : i32 to vector<16xi32>
      %ne3A_275 = arith.cmpi ne, %select_n3A_272, %ne3A_274 : vector<16xi32>
      %all_reduce_population_count3A_276 = tpu.all_reduce %ne3A_275 {dim = 0 : i64, kind = #tpu.reduction_kind<sum>} : vector<16xi1> -> vector<16xi32>
      %add3A_277 = arith.addi %broadcast_in_dim3A_262, %all_reduce_population_count3A_276 : vector<16xi32>
      %swap3A_278 = arith.constant 1 : i32
      %swap3A_279 = arith.index_cast %swap3A_278 : i32 to index
      %swap3A_280 = arith.constant 0 : index
      %swap3A_281 = tpu.vector_load %arg6[%swap3A_279, %swap3A_280] {strides = array<i32>} : memref<2x208xi32, #tpu.memory_space<vmem>>, vector<16xi32>,
      tpu.vector_store %arg6[%swap3A_279, %swap3A_280], %select_n3A_272 {strides = array<i32>} : memref<2x208xi32, #tpu.memory_space<vmem>>, vector<16xi32>,
      %add3A_282 = arith.constant 16 : i32
      %add3A_283 = arith.addi %mul3A_260, %add3A_282 : i32
      %get3A_284 = arith.index_cast %add3A_283 : i32 to index
      %get3A_285 = tpu.vector_load %arg5[%get3A_284] {strides = array<i32>} : memref<25616xi32, #tpu.memory_space<vmem>>, vector<16xi32>,
      %eq3A_286 = arith.constant 1 : i32
      %eq3A_287 = vector.broadcast %eq3A_286 : i32 to vector<16xi32>
      %eq3A_288 = arith.cmpi eq, %get3A_285, %eq3A_287 : vector<16xi32>
      %jit3A_289 = arith.constant 0 : i32
      %broadcast_in_dim3A_290 = vector.broadcast %jit3A_289 : i32 to vector<16xi32>
      %select_n3A_291 = arith.select %eq3A_288, %broadcast_in_dim3A_290, %get3A_285 : vector<16xi1>, vector<16xi32>
      %ne3A_292 = arith.constant 0 : i32
      %ne3A_293 = vector.broadcast %ne3A_292 : i32 to vector<16xi32>
      %ne3A_294 = arith.cmpi ne, %select_n3A_291, %ne3A_293 : vector<16xi32>
      %all_reduce_population_count3A_295 = tpu.all_reduce %ne3A_294 {dim = 0 : i64, kind = #tpu.reduction_kind<sum>} : vector<16xi1> -> vector<16xi32>
      %add3A_296 = arith.addi %add3A_277, %all_reduce_population_count3A_295 : vector<16xi32>
      %swap3A_297 = arith.constant 1 : i32
      %swap3A_298 = arith.index_cast %swap3A_297 : i32 to index
      %swap3A_299 = arith.constant 16 : index
      %swap3A_300 = tpu.vector_load %arg6[%swap3A_298, %swap3A_299] {strides = array<i32>} : memref<2x208xi32, #tpu.memory_space<vmem>>, vector<16xi32>,
      tpu.vector_store %arg6[%swap3A_298, %swap3A_299], %select_n3A_291 {strides = array<i32>} : memref<2x208xi32, #tpu.memory_space<vmem>>, vector<16xi32>,
      %add3A_301 = arith.constant 32 : i32
      %add3A_302 = arith.addi %mul3A_260, %add3A_301 : i32
      %get3A_303 = arith.index_cast %add3A_302 : i32 to index
      %get3A_304 = tpu.vector_load %arg5[%get3A_303] {strides = array<i32>} : memref<25616xi32, #tpu.memory_space<vmem>>, vector<16xi32>,
      %eq3A_305 = arith.constant 1 : i32
      %eq3A_306 = vector.broadcast %eq3A_305 : i32 to vector<16xi32>
      %eq3A_307 = arith.cmpi eq, %get3A_304, %eq3A_306 : vector<16xi32>
      %jit3A_308 = arith.constant 0 : i32
      %broadcast_in_dim3A_309 = vector.broadcast %jit3A_308 : i32 to vector<16xi32>
      %select_n3A_310 = arith.select %eq3A_307, %broadcast_in_dim3A_309, %get3A_304 : vector<16xi1>, vector<16xi32>
      %ne3A_311 = arith.constant 0 : i32
      %ne3A_312 = vector.broadcast %ne3A_311 : i32 to vector<16xi32>
      %ne3A_313 = arith.cmpi ne, %select_n3A_310, %ne3A_312 : vector<16xi32>
      %all_reduce_population_count3A_314 = tpu.all_reduce %ne3A_313 {dim = 0 : i64, kind = #tpu.reduction_kind<sum>} : vector<16xi1> -> vector<16xi32>
      %add3A_315 = arith.addi %add3A_296, %all_reduce_population_count3A_314 : vector<16xi32>
      %swap3A_316 = arith.constant 1 : i32
      %swap3A_317 = arith.index_cast %swap3A_316 : i32 to index
      %swap3A_318 = arith.constant 32 : index
      %swap3A_319 = tpu.vector_load %arg6[%swap3A_317, %swap3A_318] {strides = array<i32>} : memref<2x208xi32, #tpu.memory_space<vmem>>, vector<16xi32>,
      tpu.vector_store %arg6[%swap3A_317, %swap3A_318], %select_n3A_310 {strides = array<i32>} : memref<2x208xi32, #tpu.memory_space<vmem>>, vector<16xi32>,
      %add3A_320 = arith.constant 48 : i32
      %add3A_321 = arith.addi %mul3A_260, %add3A_320 : i32
      %get3A_322 = arith.index_cast %add3A_321 : i32 to index
      %get3A_323 = tpu.vector_load %arg5[%get3A_322] {strides = array<i32>} : memref<25616xi32, #tpu.memory_space<vmem>>, vector<16xi32>,
      %eq3A_324 = arith.constant 1 : i32
      %eq3A_325 = vector.broadcast %eq3A_324 : i32 to vector<16xi32>
      %eq3A_326 = arith.cmpi eq, %get3A_323, %eq3A_325 : vector<16xi32>
      %jit3A_327 = arith.constant 0 : i32
      %broadcast_in_dim3A_328 = vector.broadcast %jit3A_327 : i32 to vector<16xi32>
      %select_n3A_329 = arith.select %eq3A_326, %broadcast_in_dim3A_328, %get3A_323 : vector<16xi1>, vector<16xi32>
      %ne3A_330 = arith.constant 0 : i32
      %ne3A_331 = vector.broadcast %ne3A_330 : i32 to vector<16xi32>
      %ne3A_332 = arith.cmpi ne, %select_n3A_329, %ne3A_331 : vector<16xi32>
      %all_reduce_population_count3A_333 = tpu.all_reduce %ne3A_332 {dim = 0 : i64, kind = #tpu.reduction_kind<sum>} : vector<16xi1> -> vector<16xi32>
      %add3A_334 = arith.addi %add3A_315, %all_reduce_population_count3A_333 : vector<16xi32>
      %swap3A_335 = arith.constant 1 : i32
      %swap3A_336 = arith.index_cast %swap3A_335 : i32 to index
      %swap3A_337 = arith.constant 48 : index
      %swap3A_338 = tpu.vector_load %arg6[%swap3A_336, %swap3A_337] {strides = array<i32>} : memref<2x208xi32, #tpu.memory_space<vmem>>, vector<16xi32>,
      tpu.vector_store %arg6[%swap3A_336, %swap3A_337], %select_n3A_329 {strides = array<i32>} : memref<2x208xi32, #tpu.memory_space<vmem>>, vector<16xi32>,
      %add3A_339 = arith.constant 64 : i32
      %add3A_340 = arith.addi %mul3A_260, %add3A_339 : i32
      %get3A_341 = arith.index_cast %add3A_340 : i32 to index
      %get3A_342 = tpu.vector_load %arg5[%get3A_341] {strides = array<i32>} : memref<25616xi32, #tpu.memory_space<vmem>>, vector<16xi32>,
      %eq3A_343 = arith.constant 1 : i32
      %eq3A_344 = vector.broadcast %eq3A_343 : i32 to vector<16xi32>
      %eq3A_345 = arith.cmpi eq, %get3A_342, %eq3A_344 : vector<16xi32>
      %jit3A_346 = arith.constant 0 : i32
      %broadcast_in_dim3A_347 = vector.broadcast %jit3A_346 : i32 to vector<16xi32>
      %select_n3A_348 = arith.select %eq3A_345, %broadcast_in_dim3A_347, %get3A_342 : vector<16xi1>, vector<16xi32>
      %ne3A_349 = arith.constant 0 : i32
      %ne3A_350 = vector.broadcast %ne3A_349 : i32 to vector<16xi32>
      %ne3A_351 = arith.cmpi ne, %select_n3A_348, %ne3A_350 : vector<16xi32>
      %all_reduce_population_count3A_352 = tpu.all_reduce %ne3A_351 {dim = 0 : i64, kind = #tpu.reduction_kind<sum>} : vector<16xi1> -> vector<16xi32>
      %add3A_353 = arith.addi %add3A_334, %all_reduce_population_count3A_352 : vector<16xi32>
      %swap3A_354 = arith.constant 1 : i32
      %swap3A_355 = arith.index_cast %swap3A_354 : i32 to index
      %swap3A_356 = arith.constant 64 : index
      %swap3A_357 = tpu.vector_load %arg6[%swap3A_355, %swap3A_356] {strides = array<i32>} : memref<2x208xi32, #tpu.memory_space<vmem>>, vector<16xi32>,
      tpu.vector_store %arg6[%swap3A_355, %swap3A_356], %select_n3A_348 {strides = array<i32>} : memref<2x208xi32, #tpu.memory_space<vmem>>, vector<16xi32>,
      %add3A_358 = arith.constant 80 : i32
      %add3A_359 = arith.addi %mul3A_260, %add3A_358 : i32
      %get3A_360 = arith.index_cast %add3A_359 : i32 to index
      %get3A_361 = tpu.vector_load %arg5[%get3A_360] {strides = array<i32>} : memref<25616xi32, #tpu.memory_space<vmem>>, vector<16xi32>,
      %eq3A_362 = arith.constant 1 : i32
      %eq3A_363 = vector.broadcast %eq3A_362 : i32 to vector<16xi32>
      %eq3A_364 = arith.cmpi eq, %get3A_361, %eq3A_363 : vector<16xi32>
      %jit3A_365 = arith.constant 0 : i32
      %broadcast_in_dim3A_366 = vector.broadcast %jit3A_365 : i32 to vector<16xi32>
      %select_n3A_367 = arith.select %eq3A_364, %broadcast_in_dim3A_366, %get3A_361 : vector<16xi1>, vector<16xi32>
      %ne3A_368 = arith.constant 0 : i32
      %ne3A_369 = vector.broadcast %ne3A_368 : i32 to vector<16xi32>
      %ne3A_370 = arith.cmpi ne, %select_n3A_367, %ne3A_369 : vector<16xi32>
      %all_reduce_population_count3A_371 = tpu.all_reduce %ne3A_370 {dim = 0 : i64, kind = #tpu.reduction_kind<sum>} : vector<16xi1> -> vector<16xi32>
      %add3A_372 = arith.addi %add3A_353, %all_reduce_population_count3A_371 : vector<16xi32>
      %swap3A_373 = arith.constant 1 : i32
      %swap3A_374 = arith.index_cast %swap3A_373 : i32 to index
      %swap3A_375 = arith.constant 80 : index
      %swap3A_376 = tpu.vector_load %arg6[%swap3A_374, %swap3A_375] {strides = array<i32>} : memref<2x208xi32, #tpu.memory_space<vmem>>, vector<16xi32>,
      tpu.vector_store %arg6[%swap3A_374, %swap3A_375], %select_n3A_367 {strides = array<i32>} : memref<2x208xi32, #tpu.memory_space<vmem>>, vector<16xi32>,
      %add3A_377 = arith.constant 96 : i32
      %add3A_378 = arith.addi %mul3A_260, %add3A_377 : i32
      %get3A_379 = arith.index_cast %add3A_378 : i32 to index
      %get3A_380 = tpu.vector_load %arg5[%get3A_379] {strides = array<i32>} : memref<25616xi32, #tpu.memory_space<vmem>>, vector<16xi32>,
      %eq3A_381 = arith.constant 1 : i32
      %eq3A_382 = vector.broadcast %eq3A_381 : i32 to vector<16xi32>
      %eq3A_383 = arith.cmpi eq, %get3A_380, %eq3A_382 : vector<16xi32>
      %jit3A_384 = arith.constant 0 : i32
      %broadcast_in_dim3A_385 = vector.broadcast %jit3A_384 : i32 to vector<16xi32>
      %select_n3A_386 = arith.select %eq3A_383, %broadcast_in_dim3A_385, %get3A_380 : vector<16xi1>, vector<16xi32>
      %ne3A_387 = arith.constant 0 : i32
      %ne3A_388 = vector.broadcast %ne3A_387 : i32 to vector<16xi32>
      %ne3A_389 = arith.cmpi ne, %select_n3A_386, %ne3A_388 : vector<16xi32>
      %all_reduce_population_count3A_390 = tpu.all_reduce %ne3A_389 {dim = 0 : i64, kind = #tpu.reduction_kind<sum>} : vector<16xi1> -> vector<16xi32>
      %add3A_391 = arith.addi %add3A_372, %all_reduce_population_count3A_390 : vector<16xi32>
      %swap3A_392 = arith.constant 1 : i32
      %swap3A_393 = arith.index_cast %swap3A_392 : i32 to index
      %swap3A_394 = arith.constant 96 : index
      %swap3A_395 = tpu.vector_load %arg6[%swap3A_393, %swap3A_394] {strides = array<i32>} : memref<2x208xi32, #tpu.memory_space<vmem>>, vector<16xi32>,
      tpu.vector_store %arg6[%swap3A_393, %swap3A_394], %select_n3A_386 {strides = array<i32>} : memref<2x208xi32, #tpu.memory_space<vmem>>, vector<16xi32>,
      %add3A_396 = arith.constant 112 : i32
      %add3A_397 = arith.addi %mul3A_260, %add3A_396 : i32
      %get3A_398 = arith.index_cast %add3A_397 : i32 to index
      %get3A_399 = tpu.vector_load %arg5[%get3A_398] {strides = array<i32>} : memref<25616xi32, #tpu.memory_space<vmem>>, vector<16xi32>,
      %eq3A_400 = arith.constant 1 : i32
      %eq3A_401 = vector.broadcast %eq3A_400 : i32 to vector<16xi32>
      %eq3A_402 = arith.cmpi eq, %get3A_399, %eq3A_401 : vector<16xi32>
      %jit3A_403 = arith.constant 0 : i32
      %broadcast_in_dim3A_404 = vector.broadcast %jit3A_403 : i32 to vector<16xi32>
      %select_n3A_405 = arith.select %eq3A_402, %broadcast_in_dim3A_404, %get3A_399 : vector<16xi1>, vector<16xi32>
      %ne3A_406 = arith.constant 0 : i32
      %ne3A_407 = vector.broadcast %ne3A_406 : i32 to vector<16xi32>
      %ne3A_408 = arith.cmpi ne, %select_n3A_405, %ne3A_407 : vector<16xi32>
      %all_reduce_population_count3A_409 = tpu.all_reduce %ne3A_408 {dim = 0 : i64, kind = #tpu.reduction_kind<sum>} : vector<16xi1> -> vector<16xi32>
      %add3A_410 = arith.addi %add3A_391, %all_reduce_population_count3A_409 : vector<16xi32>
      %swap3A_411 = arith.constant 1 : i32
      %swap3A_412 = arith.index_cast %swap3A_411 : i32 to index
      %swap3A_413 = arith.constant 112 : index
      %swap3A_414 = tpu.vector_load %arg6[%swap3A_412, %swap3A_413] {strides = array<i32>} : memref<2x208xi32, #tpu.memory_space<vmem>>, vector<16xi32>,
      tpu.vector_store %arg6[%swap3A_412, %swap3A_413], %select_n3A_405 {strides = array<i32>} : memref<2x208xi32, #tpu.memory_space<vmem>>, vector<16xi32>,
      %add3A_415 = arith.constant 128 : i32
      %add3A_416 = arith.addi %mul3A_260, %add3A_415 : i32
      %get3A_417 = arith.index_cast %add3A_416 : i32 to index
      %get3A_418 = tpu.vector_load %arg5[%get3A_417] {strides = array<i32>} : memref<25616xi32, #tpu.memory_space<vmem>>, vector<16xi32>,
      %eq3A_419 = arith.constant 1 : i32
      %eq3A_420 = vector.broadcast %eq3A_419 : i32 to vector<16xi32>
      %eq3A_421 = arith.cmpi eq, %get3A_418, %eq3A_420 : vector<16xi32>
      %jit3A_422 = arith.constant 0 : i32
      %broadcast_in_dim3A_423 = vector.broadcast %jit3A_422 : i32 to vector<16xi32>
      %select_n3A_424 = arith.select %eq3A_421, %broadcast_in_dim3A_423, %get3A_418 : vector<16xi1>, vector<16xi32>
      %ne3A_425 = arith.constant 0 : i32
      %ne3A_426 = vector.broadcast %ne3A_425 : i32 to vector<16xi32>
      %ne3A_427 = arith.cmpi ne, %select_n3A_424, %ne3A_426 : vector<16xi32>
      %all_reduce_population_count3A_428 = tpu.all_reduce %ne3A_427 {dim = 0 : i64, kind = #tpu.reduction_kind<sum>} : vector<16xi1> -> vector<16xi32>
      %add3A_429 = arith.addi %add3A_410, %all_reduce_population_count3A_428 : vector<16xi32>
      %swap3A_430 = arith.constant 1 : i32
      %swap3A_431 = arith.index_cast %swap3A_430 : i32 to index
      %swap3A_432 = arith.constant 128 : index
      %swap3A_433 = tpu.vector_load %arg6[%swap3A_431, %swap3A_432] {strides = array<i32>} : memref<2x208xi32, #tpu.memory_space<vmem>>, vector<16xi32>,
      tpu.vector_store %arg6[%swap3A_431, %swap3A_432], %select_n3A_424 {strides = array<i32>} : memref<2x208xi32, #tpu.memory_space<vmem>>, vector<16xi32>,
      %add3A_434 = arith.constant 144 : i32
      %add3A_435 = arith.addi %mul3A_260, %add3A_434 : i32
      %get3A_436 = arith.index_cast %add3A_435 : i32 to index
      %get3A_437 = tpu.vector_load %arg5[%get3A_436] {strides = array<i32>} : memref<25616xi32, #tpu.memory_space<vmem>>, vector<16xi32>,
      %eq3A_438 = arith.constant 1 : i32
      %eq3A_439 = vector.broadcast %eq3A_438 : i32 to vector<16xi32>
      %eq3A_440 = arith.cmpi eq, %get3A_437, %eq3A_439 : vector<16xi32>
      %jit3A_441 = arith.constant 0 : i32
      %broadcast_in_dim3A_442 = vector.broadcast %jit3A_441 : i32 to vector<16xi32>
      %select_n3A_443 = arith.select %eq3A_440, %broadcast_in_dim3A_442, %get3A_437 : vector<16xi1>, vector<16xi32>
      %ne3A_444 = arith.constant 0 : i32
      %ne3A_445 = vector.broadcast %ne3A_444 : i32 to vector<16xi32>
      %ne3A_446 = arith.cmpi ne, %select_n3A_443, %ne3A_445 : vector<16xi32>
      %all_reduce_population_count3A_447 = tpu.all_reduce %ne3A_446 {dim = 0 : i64, kind = #tpu.reduction_kind<sum>} : vector<16xi1> -> vector<16xi32>
      %add3A_448 = arith.addi %add3A_429, %all_reduce_population_count3A_447 : vector<16xi32>
      %swap3A_449 = arith.constant 1 : i32
      %swap3A_450 = arith.index_cast %swap3A_449 : i32 to index
      %swap3A_451 = arith.constant 144 : index
      %swap3A_452 = tpu.vector_load %arg6[%swap3A_450, %swap3A_451] {strides = array<i32>} : memref<2x208xi32, #tpu.memory_space<vmem>>, vector<16xi32>,
      tpu.vector_store %arg6[%swap3A_450, %swap3A_451], %select_n3A_443 {strides = array<i32>} : memref<2x208xi32, #tpu.memory_space<vmem>>, vector<16xi32>,
      %add3A_453 = arith.constant 160 : i32
      %add3A_454 = arith.addi %mul3A_260, %add3A_453 : i32
      %get3A_455 = arith.index_cast %add3A_454 : i32 to index
      %get3A_456 = tpu.vector_load %arg5[%get3A_455] {strides = array<i32>} : memref<25616xi32, #tpu.memory_space<vmem>>, vector<16xi32>,
      %eq3A_457 = arith.constant 1 : i32
      %eq3A_458 = vector.broadcast %eq3A_457 : i32 to vector<16xi32>
      %eq3A_459 = arith.cmpi eq, %get3A_456, %eq3A_458 : vector<16xi32>
      %jit3A_460 = arith.constant 0 : i32
      %broadcast_in_dim3A_461 = vector.broadcast %jit3A_460 : i32 to vector<16xi32>
      %select_n3A_462 = arith.select %eq3A_459, %broadcast_in_dim3A_461, %get3A_456 : vector<16xi1>, vector<16xi32>
      %ne3A_463 = arith.constant 0 : i32
      %ne3A_464 = vector.broadcast %ne3A_463 : i32 to vector<16xi32>
      %ne3A_465 = arith.cmpi ne, %select_n3A_462, %ne3A_464 : vector<16xi32>
      %all_reduce_population_count3A_466 = tpu.all_reduce %ne3A_465 {dim = 0 : i64, kind = #tpu.reduction_kind<sum>} : vector<16xi1> -> vector<16xi32>
      %add3A_467 = arith.addi %add3A_448, %all_reduce_population_count3A_466 : vector<16xi32>
      %swap3A_468 = arith.constant 1 : i32
      %swap3A_469 = arith.index_cast %swap3A_468 : i32 to index
      %swap3A_470 = arith.constant 160 : index
      %swap3A_471 = tpu.vector_load %arg6[%swap3A_469, %swap3A_470] {strides = array<i32>} : memref<2x208xi32, #tpu.memory_space<vmem>>, vector<16xi32>,
      tpu.vector_store %arg6[%swap3A_469, %swap3A_470], %select_n3A_462 {strides = array<i32>} : memref<2x208xi32, #tpu.memory_space<vmem>>, vector<16xi32>,
      %add3A_472 = arith.constant 176 : i32
      %add3A_473 = arith.addi %mul3A_260, %add3A_472 : i32
      %get3A_474 = arith.index_cast %add3A_473 : i32 to index
      %get3A_475 = tpu.vector_load %arg5[%get3A_474] {strides = array<i32>} : memref<25616xi32, #tpu.memory_space<vmem>>, vector<16xi32>,
      %eq3A_476 = arith.constant 1 : i32
      %eq3A_477 = vector.broadcast %eq3A_476 : i32 to vector<16xi32>
      %eq3A_478 = arith.cmpi eq, %get3A_475, %eq3A_477 : vector<16xi32>
      %jit3A_479 = arith.constant 0 : i32
      %broadcast_in_dim3A_480 = vector.broadcast %jit3A_479 : i32 to vector<16xi32>
      %select_n3A_481 = arith.select %eq3A_478, %broadcast_in_dim3A_480, %get3A_475 : vector<16xi1>, vector<16xi32>
      %ne3A_482 = arith.constant 0 : i32
      %ne3A_483 = vector.broadcast %ne3A_482 : i32 to vector<16xi32>
      %ne3A_484 = arith.cmpi ne, %select_n3A_481, %ne3A_483 : vector<16xi32>
      %all_reduce_population_count3A_485 = tpu.all_reduce %ne3A_484 {dim = 0 : i64, kind = #tpu.reduction_kind<sum>} : vector<16xi1> -> vector<16xi32>
      %add3A_486 = arith.addi %add3A_467, %all_reduce_population_count3A_485 : vector<16xi32>
      %swap3A_487 = arith.constant 1 : i32
      %swap3A_488 = arith.index_cast %swap3A_487 : i32 to index
      %swap3A_489 = arith.constant 176 : index
      %swap3A_490 = tpu.vector_load %arg6[%swap3A_488, %swap3A_489] {strides = array<i32>} : memref<2x208xi32, #tpu.memory_space<vmem>>, vector<16xi32>,
      tpu.vector_store %arg6[%swap3A_488, %swap3A_489], %select_n3A_481 {strides = array<i32>} : memref<2x208xi32, #tpu.memory_space<vmem>>, vector<16xi32>,
      %add3A_491 = arith.constant 192 : i32
      %add3A_492 = arith.addi %mul3A_260, %add3A_491 : i32
      %get3A_493 = arith.index_cast %add3A_492 : i32 to index
      %get3A_494 = tpu.vector_load %arg5[%get3A_493] {strides = array<i32>} : memref<25616xi32, #tpu.memory_space<vmem>>, vector<16xi32>,
      %eq3A_495 = arith.constant 1 : i32
      %eq3A_496 = vector.broadcast %eq3A_495 : i32 to vector<16xi32>
      %eq3A_497 = arith.cmpi eq, %get3A_494, %eq3A_496 : vector<16xi32>
      %jit3A_498 = arith.constant 0 : i32
      %broadcast_in_dim3A_499 = vector.broadcast %jit3A_498 : i32 to vector<16xi32>
      %select_n3A_500 = arith.select %eq3A_497, %broadcast_in_dim3A_499, %get3A_494 : vector<16xi1>, vector<16xi32>
      %ne3A_501 = arith.constant 0 : i32
      %ne3A_502 = vector.broadcast %ne3A_501 : i32 to vector<16xi32>
      %ne3A_503 = arith.cmpi ne, %select_n3A_500, %ne3A_502 : vector<16xi32>
      %lt3A_504 = arith.constant 8 : i32
      %lt3A_505 = vector.broadcast %lt3A_504 : i32 to vector<16xi32>
      %lt3A_506 = arith.cmpi slt, %iota3A, %lt3A_505 : vector<16xi32>
      %and3A_507 = arith.andi %ne3A_503, %lt3A_506 : vector<16xi1>
      %all_reduce_population_count3A_508 = tpu.all_reduce %and3A_507 {dim = 0 : i64, kind = #tpu.reduction_kind<sum>} : vector<16xi1> -> vector<16xi32>
      %add3A_509 = arith.addi %add3A_486, %all_reduce_population_count3A_508 : vector<16xi32>
      %swap3A_510 = arith.constant 1 : i32
      %swap3A_511 = arith.index_cast %swap3A_510 : i32 to index
      %swap3A_512 = arith.constant 192 : index
      %swap3A_513 = tpu.vector_load %arg6[%swap3A_511, %swap3A_512] {strides = array<i32>} : memref<2x208xi32, #tpu.memory_space<vmem>>, vector<16xi32>,
      tpu.vector_store %arg6[%swap3A_511, %swap3A_512], %select_n3A_500 {strides = array<i32>} : memref<2x208xi32, #tpu.memory_space<vmem>>, vector<16xi32>,
      %swap3A_514 = arith.constant 1 : i32
      %swap3A_515 = arith.index_cast %swap3A_514 : i32 to index
      %swap3A_516 = arith.constant 0 : index
      %swap3A_517 = tpu.vector_load %arg7[%swap3A_515, %swap3A_516] {strides = array<i32>} : memref<2x16xi32, #tpu.memory_space<vmem>>, vector<16xi32>,
      tpu.vector_store %arg7[%swap3A_515, %swap3A_516], %add3A_509 {strides = array<i32>} : memref<2x16xi32, #tpu.memory_space<vmem>>, vector<16xi32>,
      %dma_start3A_518 = arith.constant 1 : i32
      %dma_start3A_519 = arith.constant 1 : i32
      %dma_start3A_520 = arith.constant 0 : i32
      %dma_start3A_521 = arith.constant 0 : i32
      %dma_start3A_522 = tpu.memref_slice %arg8[%dma_start3A_519, %dma_start3A_520, %dma_start3A_521] : memref<2x200x32xf32, #tpu.memory_space<vmem>> -> memref<1x128x32xf32, #tpu.memory_space<vmem>>
      %dma_start3A_523 = tpu.memref_squeeze %dma_start3A_522 : memref<1x128x32xf32, #tpu.memory_space<vmem>> -> memref<128x32xf32, #tpu.memory_space<vmem>>
      %dma_start3A_524 = arith.constant 0 : i32
      %dma_start3A_525 = tpu.memref_slice %arg6[%dma_start3A_518, %dma_start3A_524] : memref<2x208xi32, #tpu.memory_space<vmem>> -> memref<1x128xi32, #tpu.memory_space<vmem>>
      %dma_start3A_526 = tpu.memref_squeeze %dma_start3A_525 : memref<1x128xi32, #tpu.memory_space<vmem>> -> memref<128xi32, #tpu.memory_space<vmem>>
      %dma_start3A_527 = arith.constant 0 : i32
      %dma_start3A_528 = arith.constant 0 : i32
      %dma_start3A_529 = tpu.memref_slice %arg3[%dma_start3A_527, %dma_start3A_528] : memref<1000000x32xf32, #tpu.memory_space<hbm>> -> memref<1000000x32xf32, #tpu.memory_space<hbm>>
      tpu.enqueue_indirect_dma source(%dma_start3A_529 : memref<1000000x32xf32, #tpu.memory_space<hbm>>) target(%dma_start3A_523 : memref<128x32xf32, #tpu.memory_space<vmem>>) offsets(%dma_start3A_526 : memref<128xi32, #tpu.memory_space<vmem>>) semaphore(%arg11 : memref<!tpu.dma_semaphore, #tpu.memory_space<semaphore_mem>>)
      %dma_start3A_530 = arith.constant 1 : i32
      %dma_start3A_531 = arith.constant 1 : i32
      %dma_start3A_532 = arith.constant 128 : i32
      %dma_start3A_533 = arith.constant 0 : i32
      %dma_start3A_534 = tpu.memref_slice %arg8[%dma_start3A_531, %dma_start3A_532, %dma_start3A_533] : memref<2x200x32xf32, #tpu.memory_space<vmem>> -> memref<1x72x32xf32, #tpu.memory_space<vmem>>
      %dma_start3A_535 = tpu.memref_squeeze %dma_start3A_534 : memref<1x72x32xf32, #tpu.memory_space<vmem>> -> memref<72x32xf32, #tpu.memory_space<vmem>>
      %dma_start3A_536 = arith.constant 128 : i32
      %dma_start3A_537 = tpu.memref_slice %arg6[%dma_start3A_530, %dma_start3A_536] : memref<2x208xi32, #tpu.memory_space<vmem>> -> memref<1x72xi32, #tpu.memory_space<vmem>>
      %dma_start3A_538 = tpu.memref_squeeze %dma_start3A_537 : memref<1x72xi32, #tpu.memory_space<vmem>> -> memref<72xi32, #tpu.memory_space<vmem>>
      %dma_start3A_539 = arith.constant 0 : i32
      %dma_start3A_540 = arith.constant 0 : i32
      %dma_start3A_541 = tpu.memref_slice %arg3[%dma_start3A_539, %dma_start3A_540] : memref<1000000x32xf32, #tpu.memory_space<hbm>> -> memref<1000000x32xf32, #tpu.memory_space<hbm>>
      tpu.enqueue_indirect_dma source(%dma_start3A_541 : memref<1000000x32xf32, #tpu.memory_space<hbm>>) target(%dma_start3A_535 : memref<72x32xf32, #tpu.memory_space<vmem>>) offsets(%dma_start3A_538 : memref<72xi32, #tpu.memory_space<vmem>>) semaphore(%arg11 : memref<!tpu.dma_semaphore, #tpu.memory_space<semaphore_mem>>)
      %dma_wait3A = arith.constant 0 : i32
      %dma_wait3A_542 = arith.constant 0 : i32
      %dma_wait3A_543 = arith.constant 0 : i32
      %dma_wait3A_544 = arith.constant 0 : i32
      %dma_wait3A_545 = tpu.memref_slice %arg8[%dma_wait3A_542, %dma_wait3A_543, %dma_wait3A_544] : memref<2x200x32xf32, #tpu.memory_space<vmem>> -> memref<1x128x32xf32, #tpu.memory_space<vmem>>
      %dma_wait3A_546 = tpu.memref_squeeze %dma_wait3A_545 : memref<1x128x32xf32, #tpu.memory_space<vmem>> -> memref<128x32xf32, #tpu.memory_space<vmem>>
      %dma_wait3A_547 = arith.constant 0 : i32
      %dma_wait3A_548 = tpu.memref_slice %arg6[%dma_wait3A, %dma_wait3A_547] : memref<2x208xi32, #tpu.memory_space<vmem>> -> memref<1x128xi32, #tpu.memory_space<vmem>>
      %dma_wait3A_549 = tpu.memref_squeeze %dma_wait3A_548 : memref<1x128xi32, #tpu.memory_space<vmem>> -> memref<128xi32, #tpu.memory_space<vmem>>
      %dma_wait3A_550 = arith.constant 0 : i32
      %dma_wait3A_551 = arith.constant 0 : i32
      %dma_wait3A_552 = tpu.memref_slice %arg3[%dma_wait3A_550, %dma_wait3A_551] : memref<1000000x32xf32, #tpu.memory_space<hbm>> -> memref<1000000x32xf32, #tpu.memory_space<hbm>>
      tpu.wait_indirect_dma semaphore(%arg10 : memref<!tpu.dma_semaphore, #tpu.memory_space<semaphore_mem>>) src(%dma_wait3A_552 : memref<1000000x32xf32, #tpu.memory_space<hbm>>) dst(%dma_wait3A_546 : memref<128x32xf32, #tpu.memory_space<vmem>>)
      %dma_wait3A_553 = arith.constant 0 : i32
      %dma_wait3A_554 = arith.constant 0 : i32
      %dma_wait3A_555 = arith.constant 128 : i32
      %dma_wait3A_556 = arith.constant 0 : i32
      %dma_wait3A_557 = tpu.memref_slice %arg8[%dma_wait3A_554, %dma_wait3A_555, %dma_wait3A_556] : memref<2x200x32xf32, #tpu.memory_space<vmem>> -> memref<1x72x32xf32, #tpu.memory_space<vmem>>
      %dma_wait3A_558 = tpu.memref_squeeze %dma_wait3A_557 : memref<1x72x32xf32, #tpu.memory_space<vmem>> -> memref<72x32xf32, #tpu.memory_space<vmem>>
      %dma_wait3A_559 = arith.constant 128 : i32
      %dma_wait3A_560 = tpu.memref_slice %arg6[%dma_wait3A_553, %dma_wait3A_559] : memref<2x208xi32, #tpu.memory_space<vmem>> -> memref<1x72xi32, #tpu.memory_space<vmem>>
      %dma_wait3A_561 = tpu.memref_squeeze %dma_wait3A_560 : memref<1x72xi32, #tpu.memory_space<vmem>> -> memref<72xi32, #tpu.memory_space<vmem>>
      %dma_wait3A_562 = arith.constant 0 : i32
      %dma_wait3A_563 = arith.constant 0 : i32
      %dma_wait3A_564 = tpu.memref_slice %arg3[%dma_wait3A_562, %dma_wait3A_563] : memref<1000000x32xf32, #tpu.memory_space<hbm>> -> memref<1000000x32xf32, #tpu.memory_space<hbm>>
      tpu.wait_indirect_dma semaphore(%arg10 : memref<!tpu.dma_semaphore, #tpu.memory_space<semaphore_mem>>) src(%dma_wait3A_564 : memref<1000000x32xf32, #tpu.memory_space<hbm>>) dst(%dma_wait3A_558 : memref<72x32xf32, #tpu.memory_space<vmem>>)
      %broadcast_in_dim3A_565 = arith.constant 0.000000e+00 : f32
      %broadcast_in_dim3A_566 = vector.broadcast %broadcast_in_dim3A_565 : f32 to vector<16xf32>
      %scan3A_567 = arith.constant 0 : i32
      %scan3A_568 = arith.constant 25 : i32
      %scan3A_569 = arith.addi %scan3A_567, %scan3A_568 : i32
      %scan3A_570 = arith.constant 1 : i32
      %scan3A_571:8 = scf.for %scan3A_671 = %scan3A_567 to %scan3A_569 step %scan3A_570 iter_args(%scan3A_672 = %broadcast_in_dim3A_566, %scan3A_673 = %broadcast_in_dim3A_566, %scan3A_674 = %broadcast_in_dim3A_566, %scan3A_675 = %broadcast_in_dim3A_566, %scan3A_676 = %broadcast_in_dim3A_566, %scan3A_677 = %broadcast_in_dim3A_566, %scan3A_678 = %broadcast_in_dim3A_566, %scan3A_679 = %broadcast_in_dim3A_566) -> (vector<16xf32>, vector<16xf32>, vector<16xf32>, vector<16xf32>, vector<16xf32>, vector<16xf32>, vector<16xf32>, vector<16xf32>)  : i32 {
        %mul3A_680 = arith.constant 8 : i32
        %mul3A_681 = arith.muli %scan3A_671, %mul3A_680 : i32
        %add3A_682 = arith.constant 0 : i32
        %add3A_683 = arith.addi %mul3A_681, %add3A_682 : i32
        %get3A_684 = arith.constant 0 : i32
        %get3A_685 = arith.index_cast %get3A_684 : i32 to index
        %get3A_686 = arith.index_cast %add3A_683 : i32 to index
        %get3A_687 = arith.constant 0 : index
        %get3A_688 = tpu.vector_load %arg8[%get3A_685, %get3A_686, %get3A_687] {strides = array<i32>} : memref<2x200x32xf32, #tpu.memory_space<vmem>>, vector<16xf32>,
        %add3A_689 = arith.addf %scan3A_672, %get3A_688 : vector<16xf32>
        %get3A_690 = arith.constant 0 : i32
        %get3A_691 = arith.index_cast %get3A_690 : i32 to index
        %get3A_692 = arith.index_cast %add3A_683 : i32 to index
        %get3A_693 = arith.constant 16 : index
        %get3A_694 = tpu.vector_load %arg8[%get3A_691, %get3A_692, %get3A_693] {strides = array<i32>} : memref<2x200x32xf32, #tpu.memory_space<vmem>>, vector<16xf32>,
        %add3A_695 = arith.addf %scan3A_673, %get3A_694 : vector<16xf32>
        %mul3A_696 = arith.constant 8 : i32
        %mul3A_697 = arith.muli %scan3A_671, %mul3A_696 : i32
        %add3A_698 = arith.constant 1 : i32
        %add3A_699 = arith.addi %mul3A_697, %add3A_698 : i32
        %get3A_700 = arith.constant 0 : i32
        %get3A_701 = arith.index_cast %get3A_700 : i32 to index
        %get3A_702 = arith.index_cast %add3A_699 : i32 to index
        %get3A_703 = arith.constant 0 : index
        %get3A_704 = tpu.vector_load %arg8[%get3A_701, %get3A_702, %get3A_703] {strides = array<i32>} : memref<2x200x32xf32, #tpu.memory_space<vmem>>, vector<16xf32>,
        %add3A_705 = arith.addf %scan3A_674, %get3A_704 : vector<16xf32>
        %get3A_706 = arith.constant 0 : i32
        %get3A_707 = arith.index_cast %get3A_706 : i32 to index
        %get3A_708 = arith.index_cast %add3A_699 : i32 to index
        %get3A_709 = arith.constant 16 : index
        %get3A_710 = tpu.vector_load %arg8[%get3A_707, %get3A_708, %get3A_709] {strides = array<i32>} : memref<2x200x32xf32, #tpu.memory_space<vmem>>, vector<16xf32>,
        %add3A_711 = arith.addf %scan3A_675, %get3A_710 : vector<16xf32>
        %mul3A_712 = arith.constant 8 : i32
        %mul3A_713 = arith.muli %scan3A_671, %mul3A_712 : i32
        %add3A_714 = arith.constant 2 : i32
        %add3A_715 = arith.addi %mul3A_713, %add3A_714 : i32
        %get3A_716 = arith.constant 0 : i32
        %get3A_717 = arith.index_cast %get3A_716 : i32 to index
        %get3A_718 = arith.index_cast %add3A_715 : i32 to index
        %get3A_719 = arith.constant 0 : index
        %get3A_720 = tpu.vector_load %arg8[%get3A_717, %get3A_718, %get3A_719] {strides = array<i32>} : memref<2x200x32xf32, #tpu.memory_space<vmem>>, vector<16xf32>,
        %add3A_721 = arith.addf %scan3A_676, %get3A_720 : vector<16xf32>
        %get3A_722 = arith.constant 0 : i32
        %get3A_723 = arith.index_cast %get3A_722 : i32 to index
        %get3A_724 = arith.index_cast %add3A_715 : i32 to index
        %get3A_725 = arith.constant 16 : index
        %get3A_726 = tpu.vector_load %arg8[%get3A_723, %get3A_724, %get3A_725] {strides = array<i32>} : memref<2x200x32xf32, #tpu.memory_space<vmem>>, vector<16xf32>,
        %add3A_727 = arith.addf %scan3A_677, %get3A_726 : vector<16xf32>
        %mul3A_728 = arith.constant 8 : i32
        %mul3A_729 = arith.muli %scan3A_671, %mul3A_728 : i32
        %add3A_730 = arith.constant 3 : i32
        %add3A_731 = arith.addi %mul3A_729, %add3A_730 : i32
        %get3A_732 = arith.constant 0 : i32
        %get3A_733 = arith.index_cast %get3A_732 : i32 to index
        %get3A_734 = arith.index_cast %add3A_731 : i32 to index
        %get3A_735 = arith.constant 0 : index
        %get3A_736 = tpu.vector_load %arg8[%get3A_733, %get3A_734, %get3A_735] {strides = array<i32>} : memref<2x200x32xf32, #tpu.memory_space<vmem>>, vector<16xf32>,
        %add3A_737 = arith.addf %scan3A_678, %get3A_736 : vector<16xf32>
        %get3A_738 = arith.constant 0 : i32
        %get3A_739 = arith.index_cast %get3A_738 : i32 to index
        %get3A_740 = arith.index_cast %add3A_731 : i32 to index
        %get3A_741 = arith.constant 16 : index
        %get3A_742 = tpu.vector_load %arg8[%get3A_739, %get3A_740, %get3A_741] {strides = array<i32>} : memref<2x200x32xf32, #tpu.memory_space<vmem>>, vector<16xf32>,
        %add3A_743 = arith.addf %scan3A_679, %get3A_742 : vector<16xf32>
        %mul3A_744 = arith.constant 8 : i32
        %mul3A_745 = arith.muli %scan3A_671, %mul3A_744 : i32
        %add3A_746 = arith.constant 4 : i32
        %add3A_747 = arith.addi %mul3A_745, %add3A_746 : i32
        %get3A_748 = arith.constant 0 : i32
        %get3A_749 = arith.index_cast %get3A_748 : i32 to index
        %get3A_750 = arith.index_cast %add3A_747 : i32 to index
        %get3A_751 = arith.constant 0 : index
        %get3A_752 = tpu.vector_load %arg8[%get3A_749, %get3A_750, %get3A_751] {strides = array<i32>} : memref<2x200x32xf32, #tpu.memory_space<vmem>>, vector<16xf32>,
        %add3A_753 = arith.addf %add3A_689, %get3A_752 : vector<16xf32>
        %get3A_754 = arith.constant 0 : i32
        %get3A_755 = arith.index_cast %get3A_754 : i32 to index
        %get3A_756 = arith.index_cast %add3A_747 : i32 to index
        %get3A_757 = arith.constant 16 : index
        %get3A_758 = tpu.vector_load %arg8[%get3A_755, %get3A_756, %get3A_757] {strides = array<i32>} : memref<2x200x32xf32, #tpu.memory_space<vmem>>, vector<16xf32>,
        %add3A_759 = arith.addf %add3A_695, %get3A_758 : vector<16xf32>
        %mul3A_760 = arith.constant 8 : i32
        %mul3A_761 = arith.muli %scan3A_671, %mul3A_760 : i32
        %add3A_762 = arith.constant 5 : i32
        %add3A_763 = arith.addi %mul3A_761, %add3A_762 : i32
        %get3A_764 = arith.constant 0 : i32
        %get3A_765 = arith.index_cast %get3A_764 : i32 to index
        %get3A_766 = arith.index_cast %add3A_763 : i32 to index
        %get3A_767 = arith.constant 0 : index
        %get3A_768 = tpu.vector_load %arg8[%get3A_765, %get3A_766, %get3A_767] {strides = array<i32>} : memref<2x200x32xf32, #tpu.memory_space<vmem>>, vector<16xf32>,
        %add3A_769 = arith.addf %add3A_705, %get3A_768 : vector<16xf32>
        %get3A_770 = arith.constant 0 : i32
        %get3A_771 = arith.index_cast %get3A_770 : i32 to index
        %get3A_772 = arith.index_cast %add3A_763 : i32 to index
        %get3A_773 = arith.constant 16 : index
        %get3A_774 = tpu.vector_load %arg8[%get3A_771, %get3A_772, %get3A_773] {strides = array<i32>} : memref<2x200x32xf32, #tpu.memory_space<vmem>>, vector<16xf32>,
        %add3A_775 = arith.addf %add3A_711, %get3A_774 : vector<16xf32>
        %mul3A_776 = arith.constant 8 : i32
        %mul3A_777 = arith.muli %scan3A_671, %mul3A_776 : i32
        %add3A_778 = arith.constant 6 : i32
        %add3A_779 = arith.addi %mul3A_777, %add3A_778 : i32
        %get3A_780 = arith.constant 0 : i32
        %get3A_781 = arith.index_cast %get3A_780 : i32 to index
        %get3A_782 = arith.index_cast %add3A_779 : i32 to index
        %get3A_783 = arith.constant 0 : index
        %get3A_784 = tpu.vector_load %arg8[%get3A_781, %get3A_782, %get3A_783] {strides = array<i32>} : memref<2x200x32xf32, #tpu.memory_space<vmem>>, vector<16xf32>,
        %add3A_785 = arith.addf %add3A_721, %get3A_784 : vector<16xf32>
        %get3A_786 = arith.constant 0 : i32
        %get3A_787 = arith.index_cast %get3A_786 : i32 to index
        %get3A_788 = arith.index_cast %add3A_779 : i32 to index
        %get3A_789 = arith.constant 16 : index
        %get3A_790 = tpu.vector_load %arg8[%get3A_787, %get3A_788, %get3A_789] {strides = array<i32>} : memref<2x200x32xf32, #tpu.memory_space<vmem>>, vector<16xf32>,
        %add3A_791 = arith.addf %add3A_727, %get3A_790 : vector<16xf32>
        %mul3A_792 = arith.constant 8 : i32
        %mul3A_793 = arith.muli %scan3A_671, %mul3A_792 : i32
        %add3A_794 = arith.constant 7 : i32
        %add3A_795 = arith.addi %mul3A_793, %add3A_794 : i32
        %get3A_796 = arith.constant 0 : i32
        %get3A_797 = arith.index_cast %get3A_796 : i32 to index
        %get3A_798 = arith.index_cast %add3A_795 : i32 to index
        %get3A_799 = arith.constant 0 : index
        %get3A_800 = tpu.vector_load %arg8[%get3A_797, %get3A_798, %get3A_799] {strides = array<i32>} : memref<2x200x32xf32, #tpu.memory_space<vmem>>, vector<16xf32>,
        %add3A_801 = arith.addf %add3A_737, %get3A_800 : vector<16xf32>
        %get3A_802 = arith.constant 0 : i32
        %get3A_803 = arith.index_cast %get3A_802 : i32 to index
        %get3A_804 = arith.index_cast %add3A_795 : i32 to index
        %get3A_805 = arith.constant 16 : index
        %get3A_806 = tpu.vector_load %arg8[%get3A_803, %get3A_804, %get3A_805] {strides = array<i32>} : memref<2x200x32xf32, #tpu.memory_space<vmem>>, vector<16xf32>,
        %add3A_807 = arith.addf %add3A_743, %get3A_806 : vector<16xf32>
        scf.yield %add3A_753, %add3A_759, %add3A_769, %add3A_775, %add3A_785, %add3A_791, %add3A_801, %add3A_807 : vector<16xf32>, vector<16xf32>, vector<16xf32>, vector<16xf32>, vector<16xf32>, vector<16xf32>, vector<16xf32>, vector<16xf32>
      }
      %scan3A_572 = arith.constant 25 : i32
      %add3A_573 = arith.addf %scan3A_571#0, %scan3A_571#2 : vector<16xf32>
      %add3A_574 = arith.addf %scan3A_571#4, %scan3A_571#6 : vector<16xf32>
      %add3A_575 = arith.addf %add3A_573, %add3A_574 : vector<16xf32>
      %add3A_576 = arith.addf %scan3A_571#1, %scan3A_571#3 : vector<16xf32>
      %add3A_577 = arith.addf %scan3A_571#5, %scan3A_571#7 : vector<16xf32>
      %add3A_578 = arith.addf %add3A_576, %add3A_577 : vector<16xf32>
      %get3A_579 = arith.constant 0 : i32
      %get3A_580 = arith.index_cast %get3A_579 : i32 to index
      %get3A_581 = arith.constant 0 : index
      %get3A_582 = tpu.vector_load %arg7[%get3A_580, %get3A_581] {strides = array<i32>} : memref<2x16xi32, #tpu.memory_space<vmem>>, vector<16xi32>,
      %convert_element_type3A = arith.sitofp %get3A_582 : vector<16xi32> to vector<16xf32>
      %gt3A = arith.constant 0.000000e+00 : f32
      %gt3A_583 = vector.broadcast %gt3A : f32 to vector<16xf32>
      %gt3A_584 = arith.cmpf ogt, %convert_element_type3A, %gt3A_583 : vector<16xf32>
      %max3A = arith.constant 1.000000e+00 : f32
      %max3A_585 = vector.broadcast %max3A : f32 to vector<16xf32>
      %max3A_586 = arith.maximumf %convert_element_type3A, %max3A_585 : vector<16xf32>
      %div3A = arith.constant 1.000000e+00 : f32
      %div3A_587 = vector.broadcast %div3A : f32 to vector<16xf32>
      %div3A_588 = arith.divf %div3A_587, %max3A_586 : vector<16xf32>
      %jit3A_589 = arith.constant 0.000000e+00 : f32
      %broadcast_in_dim3A_590 = vector.broadcast %jit3A_589 : f32 to vector<16xf32>
      %select_n3A_591 = arith.select %gt3A_584, %div3A_588, %broadcast_in_dim3A_590 : vector<16xi1>, vector<16xf32>
      %mul3A_592 = arith.mulf %add3A_575, %select_n3A_591 : vector<16xf32>
      %swap3A_593 = arith.index_cast %mul3A_256 : i32 to index
      %swap3A_594 = arith.constant 0 : index
      %swap3A_595 = tpu.vector_load %arg9[%swap3A_593, %swap3A_594] {strides = array<i32>} : memref<128x32xf32, #tpu.memory_space<vmem>>, vector<16xf32>,
      tpu.vector_store %arg9[%swap3A_593, %swap3A_594], %mul3A_592 {strides = array<i32>} : memref<128x32xf32, #tpu.memory_space<vmem>>, vector<16xf32>,
      %mul3A_596 = arith.mulf %add3A_578, %select_n3A_591 : vector<16xf32>
      %swap3A_597 = arith.index_cast %mul3A_256 : i32 to index
      %swap3A_598 = arith.constant 16 : index
      %swap3A_599 = tpu.vector_load %arg9[%swap3A_597, %swap3A_598] {strides = array<i32>} : memref<128x32xf32, #tpu.memory_space<vmem>>, vector<16xf32>,
      tpu.vector_store %arg9[%swap3A_597, %swap3A_598], %mul3A_596 {strides = array<i32>} : memref<128x32xf32, #tpu.memory_space<vmem>>, vector<16xf32>,
      %add3A_600 = arith.constant 2 : i32
      %add3A_601 = arith.addi %mul3A_256, %add3A_600 : i32
      %lt3A_602 = arith.constant 128 : i32
      %lt3A_603 = arith.cmpi slt, %add3A_601, %lt3A_602 : i32
      %convert_element_type3A_604 = arith.extui %lt3A_603 : i1 to i32
      %cond3A = arith.constant 0 : i32
      %cond3A_605 = arith.cmpi ne, %convert_element_type3A_604, %cond3A : i32
      scf.if %cond3A_605 {
        %add3A_671 = arith.constant 2 : i32
        %add3A_672 = arith.addi %mul3A_256, %add3A_671 : i32
        %mul3A_673 = arith.constant 200 : i32
        %mul3A_674 = arith.muli %add3A_672, %mul3A_673 : i32
        %broadcast_in_dim3A_675 = arith.constant 0 : i32
        %broadcast_in_dim3A_676 = vector.broadcast %broadcast_in_dim3A_675 : i32 to vector<16xi32>
        %add3A_677 = arith.constant 0 : i32
        %add3A_678 = arith.addi %mul3A_674, %add3A_677 : i32
        %get3A_679 = arith.index_cast %add3A_678 : i32 to index
        %get3A_680 = tpu.vector_load %arg5[%get3A_679] {strides = array<i32>} : memref<25616xi32, #tpu.memory_space<vmem>>, vector<16xi32>,
        %eq3A_681 = arith.constant 1 : i32
        %eq3A_682 = vector.broadcast %eq3A_681 : i32 to vector<16xi32>
        %eq3A_683 = arith.cmpi eq, %get3A_680, %eq3A_682 : vector<16xi32>
        %jit3A_684 = arith.constant 0 : i32
        %broadcast_in_dim3A_685 = vector.broadcast %jit3A_684 : i32 to vector<16xi32>
        %select_n3A_686 = arith.select %eq3A_683, %broadcast_in_dim3A_685, %get3A_680 : vector<16xi1>, vector<16xi32>
        %ne3A_687 = arith.constant 0 : i32
        %ne3A_688 = vector.broadcast %ne3A_687 : i32 to vector<16xi32>
        %ne3A_689 = arith.cmpi ne, %select_n3A_686, %ne3A_688 : vector<16xi32>
        %all_reduce_population_count3A_690 = tpu.all_reduce %ne3A_689 {dim = 0 : i64, kind = #tpu.reduction_kind<sum>} : vector<16xi1> -> vector<16xi32>
        %add3A_691 = arith.addi %broadcast_in_dim3A_676, %all_reduce_population_count3A_690 : vector<16xi32>
        %swap3A_692 = arith.constant 0 : i32
        %swap3A_693 = arith.index_cast %swap3A_692 : i32 to index
        %swap3A_694 = arith.constant 0 : index
        %swap3A_695 = tpu.vector_load %arg6[%swap3A_693, %swap3A_694] {strides = array<i32>} : memref<2x208xi32, #tpu.memory_space<vmem>>, vector<16xi32>,
        tpu.vector_store %arg6[%swap3A_693, %swap3A_694], %select_n3A_686 {strides = array<i32>} : memref<2x208xi32, #tpu.memory_space<vmem>>, vector<16xi32>,
        %add3A_696 = arith.constant 16 : i32
        %add3A_697 = arith.addi %mul3A_674, %add3A_696 : i32
        %get3A_698 = arith.index_cast %add3A_697 : i32 to index
        %get3A_699 = tpu.vector_load %arg5[%get3A_698] {strides = array<i32>} : memref<25616xi32, #tpu.memory_space<vmem>>, vector<16xi32>,
        %eq3A_700 = arith.constant 1 : i32
        %eq3A_701 = vector.broadcast %eq3A_700 : i32 to vector<16xi32>
        %eq3A_702 = arith.cmpi eq, %get3A_699, %eq3A_701 : vector<16xi32>
        %jit3A_703 = arith.constant 0 : i32
        %broadcast_in_dim3A_704 = vector.broadcast %jit3A_703 : i32 to vector<16xi32>
        %select_n3A_705 = arith.select %eq3A_702, %broadcast_in_dim3A_704, %get3A_699 : vector<16xi1>, vector<16xi32>
        %ne3A_706 = arith.constant 0 : i32
        %ne3A_707 = vector.broadcast %ne3A_706 : i32 to vector<16xi32>
        %ne3A_708 = arith.cmpi ne, %select_n3A_705, %ne3A_707 : vector<16xi32>
        %all_reduce_population_count3A_709 = tpu.all_reduce %ne3A_708 {dim = 0 : i64, kind = #tpu.reduction_kind<sum>} : vector<16xi1> -> vector<16xi32>
        %add3A_710 = arith.addi %add3A_691, %all_reduce_population_count3A_709 : vector<16xi32>
        %swap3A_711 = arith.constant 0 : i32
        %swap3A_712 = arith.index_cast %swap3A_711 : i32 to index
        %swap3A_713 = arith.constant 16 : index
        %swap3A_714 = tpu.vector_load %arg6[%swap3A_712, %swap3A_713] {strides = array<i32>} : memref<2x208xi32, #tpu.memory_space<vmem>>, vector<16xi32>,
        tpu.vector_store %arg6[%swap3A_712, %swap3A_713], %select_n3A_705 {strides = array<i32>} : memref<2x208xi32, #tpu.memory_space<vmem>>, vector<16xi32>,
        %add3A_715 = arith.constant 32 : i32
        %add3A_716 = arith.addi %mul3A_674, %add3A_715 : i32
        %get3A_717 = arith.index_cast %add3A_716 : i32 to index
        %get3A_718 = tpu.vector_load %arg5[%get3A_717] {strides = array<i32>} : memref<25616xi32, #tpu.memory_space<vmem>>, vector<16xi32>,
        %eq3A_719 = arith.constant 1 : i32
        %eq3A_720 = vector.broadcast %eq3A_719 : i32 to vector<16xi32>
        %eq3A_721 = arith.cmpi eq, %get3A_718, %eq3A_720 : vector<16xi32>
        %jit3A_722 = arith.constant 0 : i32
        %broadcast_in_dim3A_723 = vector.broadcast %jit3A_722 : i32 to vector<16xi32>
        %select_n3A_724 = arith.select %eq3A_721, %broadcast_in_dim3A_723, %get3A_718 : vector<16xi1>, vector<16xi32>
        %ne3A_725 = arith.constant 0 : i32
        %ne3A_726 = vector.broadcast %ne3A_725 : i32 to vector<16xi32>
        %ne3A_727 = arith.cmpi ne, %select_n3A_724, %ne3A_726 : vector<16xi32>
        %all_reduce_population_count3A_728 = tpu.all_reduce %ne3A_727 {dim = 0 : i64, kind = #tpu.reduction_kind<sum>} : vector<16xi1> -> vector<16xi32>
        %add3A_729 = arith.addi %add3A_710, %all_reduce_population_count3A_728 : vector<16xi32>
        %swap3A_730 = arith.constant 0 : i32
        %swap3A_731 = arith.index_cast %swap3A_730 : i32 to index
        %swap3A_732 = arith.constant 32 : index
        %swap3A_733 = tpu.vector_load %arg6[%swap3A_731, %swap3A_732] {strides = array<i32>} : memref<2x208xi32, #tpu.memory_space<vmem>>, vector<16xi32>,
        tpu.vector_store %arg6[%swap3A_731, %swap3A_732], %select_n3A_724 {strides = array<i32>} : memref<2x208xi32, #tpu.memory_space<vmem>>, vector<16xi32>,
        %add3A_734 = arith.constant 48 : i32
        %add3A_735 = arith.addi %mul3A_674, %add3A_734 : i32
        %get3A_736 = arith.index_cast %add3A_735 : i32 to index
        %get3A_737 = tpu.vector_load %arg5[%get3A_736] {strides = array<i32>} : memref<25616xi32, #tpu.memory_space<vmem>>, vector<16xi32>,
        %eq3A_738 = arith.constant 1 : i32
        %eq3A_739 = vector.broadcast %eq3A_738 : i32 to vector<16xi32>
        %eq3A_740 = arith.cmpi eq, %get3A_737, %eq3A_739 : vector<16xi32>
        %jit3A_741 = arith.constant 0 : i32
        %broadcast_in_dim3A_742 = vector.broadcast %jit3A_741 : i32 to vector<16xi32>
        %select_n3A_743 = arith.select %eq3A_740, %broadcast_in_dim3A_742, %get3A_737 : vector<16xi1>, vector<16xi32>
        %ne3A_744 = arith.constant 0 : i32
        %ne3A_745 = vector.broadcast %ne3A_744 : i32 to vector<16xi32>
        %ne3A_746 = arith.cmpi ne, %select_n3A_743, %ne3A_745 : vector<16xi32>
        %all_reduce_population_count3A_747 = tpu.all_reduce %ne3A_746 {dim = 0 : i64, kind = #tpu.reduction_kind<sum>} : vector<16xi1> -> vector<16xi32>
        %add3A_748 = arith.addi %add3A_729, %all_reduce_population_count3A_747 : vector<16xi32>
        %swap3A_749 = arith.constant 0 : i32
        %swap3A_750 = arith.index_cast %swap3A_749 : i32 to index
        %swap3A_751 = arith.constant 48 : index
        %swap3A_752 = tpu.vector_load %arg6[%swap3A_750, %swap3A_751] {strides = array<i32>} : memref<2x208xi32, #tpu.memory_space<vmem>>, vector<16xi32>,
        tpu.vector_store %arg6[%swap3A_750, %swap3A_751], %select_n3A_743 {strides = array<i32>} : memref<2x208xi32, #tpu.memory_space<vmem>>, vector<16xi32>,
        %add3A_753 = arith.constant 64 : i32
        %add3A_754 = arith.addi %mul3A_674, %add3A_753 : i32
        %get3A_755 = arith.index_cast %add3A_754 : i32 to index
        %get3A_756 = tpu.vector_load %arg5[%get3A_755] {strides = array<i32>} : memref<25616xi32, #tpu.memory_space<vmem>>, vector<16xi32>,
        %eq3A_757 = arith.constant 1 : i32
        %eq3A_758 = vector.broadcast %eq3A_757 : i32 to vector<16xi32>
        %eq3A_759 = arith.cmpi eq, %get3A_756, %eq3A_758 : vector<16xi32>
        %jit3A_760 = arith.constant 0 : i32
        %broadcast_in_dim3A_761 = vector.broadcast %jit3A_760 : i32 to vector<16xi32>
        %select_n3A_762 = arith.select %eq3A_759, %broadcast_in_dim3A_761, %get3A_756 : vector<16xi1>, vector<16xi32>
        %ne3A_763 = arith.constant 0 : i32
        %ne3A_764 = vector.broadcast %ne3A_763 : i32 to vector<16xi32>
        %ne3A_765 = arith.cmpi ne, %select_n3A_762, %ne3A_764 : vector<16xi32>
        %all_reduce_population_count3A_766 = tpu.all_reduce %ne3A_765 {dim = 0 : i64, kind = #tpu.reduction_kind<sum>} : vector<16xi1> -> vector<16xi32>
        %add3A_767 = arith.addi %add3A_748, %all_reduce_population_count3A_766 : vector<16xi32>
        %swap3A_768 = arith.constant 0 : i32
        %swap3A_769 = arith.index_cast %swap3A_768 : i32 to index
        %swap3A_770 = arith.constant 64 : index
        %swap3A_771 = tpu.vector_load %arg6[%swap3A_769, %swap3A_770] {strides = array<i32>} : memref<2x208xi32, #tpu.memory_space<vmem>>, vector<16xi32>,
        tpu.vector_store %arg6[%swap3A_769, %swap3A_770], %select_n3A_762 {strides = array<i32>} : memref<2x208xi32, #tpu.memory_space<vmem>>, vector<16xi32>,
        %add3A_772 = arith.constant 80 : i32
        %add3A_773 = arith.addi %mul3A_674, %add3A_772 : i32
        %get3A_774 = arith.index_cast %add3A_773 : i32 to index
        %get3A_775 = tpu.vector_load %arg5[%get3A_774] {strides = array<i32>} : memref<25616xi32, #tpu.memory_space<vmem>>, vector<16xi32>,
        %eq3A_776 = arith.constant 1 : i32
        %eq3A_777 = vector.broadcast %eq3A_776 : i32 to vector<16xi32>
        %eq3A_778 = arith.cmpi eq, %get3A_775, %eq3A_777 : vector<16xi32>
        %jit3A_779 = arith.constant 0 : i32
        %broadcast_in_dim3A_780 = vector.broadcast %jit3A_779 : i32 to vector<16xi32>
        %select_n3A_781 = arith.select %eq3A_778, %broadcast_in_dim3A_780, %get3A_775 : vector<16xi1>, vector<16xi32>
        %ne3A_782 = arith.constant 0 : i32
        %ne3A_783 = vector.broadcast %ne3A_782 : i32 to vector<16xi32>
        %ne3A_784 = arith.cmpi ne, %select_n3A_781, %ne3A_783 : vector<16xi32>
        %all_reduce_population_count3A_785 = tpu.all_reduce %ne3A_784 {dim = 0 : i64, kind = #tpu.reduction_kind<sum>} : vector<16xi1> -> vector<16xi32>
        %add3A_786 = arith.addi %add3A_767, %all_reduce_population_count3A_785 : vector<16xi32>
        %swap3A_787 = arith.constant 0 : i32
        %swap3A_788 = arith.index_cast %swap3A_787 : i32 to index
        %swap3A_789 = arith.constant 80 : index
        %swap3A_790 = tpu.vector_load %arg6[%swap3A_788, %swap3A_789] {strides = array<i32>} : memref<2x208xi32, #tpu.memory_space<vmem>>, vector<16xi32>,
        tpu.vector_store %arg6[%swap3A_788, %swap3A_789], %select_n3A_781 {strides = array<i32>} : memref<2x208xi32, #tpu.memory_space<vmem>>, vector<16xi32>,
        %add3A_791 = arith.constant 96 : i32
        %add3A_792 = arith.addi %mul3A_674, %add3A_791 : i32
        %get3A_793 = arith.index_cast %add3A_792 : i32 to index
        %get3A_794 = tpu.vector_load %arg5[%get3A_793] {strides = array<i32>} : memref<25616xi32, #tpu.memory_space<vmem>>, vector<16xi32>,
        %eq3A_795 = arith.constant 1 : i32
        %eq3A_796 = vector.broadcast %eq3A_795 : i32 to vector<16xi32>
        %eq3A_797 = arith.cmpi eq, %get3A_794, %eq3A_796 : vector<16xi32>
        %jit3A_798 = arith.constant 0 : i32
        %broadcast_in_dim3A_799 = vector.broadcast %jit3A_798 : i32 to vector<16xi32>
        %select_n3A_800 = arith.select %eq3A_797, %broadcast_in_dim3A_799, %get3A_794 : vector<16xi1>, vector<16xi32>
        %ne3A_801 = arith.constant 0 : i32
        %ne3A_802 = vector.broadcast %ne3A_801 : i32 to vector<16xi32>
        %ne3A_803 = arith.cmpi ne, %select_n3A_800, %ne3A_802 : vector<16xi32>
        %all_reduce_population_count3A_804 = tpu.all_reduce %ne3A_803 {dim = 0 : i64, kind = #tpu.reduction_kind<sum>} : vector<16xi1> -> vector<16xi32>
        %add3A_805 = arith.addi %add3A_786, %all_reduce_population_count3A_804 : vector<16xi32>
        %swap3A_806 = arith.constant 0 : i32
        %swap3A_807 = arith.index_cast %swap3A_806 : i32 to index
        %swap3A_808 = arith.constant 96 : index
        %swap3A_809 = tpu.vector_load %arg6[%swap3A_807, %swap3A_808] {strides = array<i32>} : memref<2x208xi32, #tpu.memory_space<vmem>>, vector<16xi32>,
        tpu.vector_store %arg6[%swap3A_807, %swap3A_808], %select_n3A_800 {strides = array<i32>} : memref<2x208xi32, #tpu.memory_space<vmem>>, vector<16xi32>,
        %add3A_810 = arith.constant 112 : i32
        %add3A_811 = arith.addi %mul3A_674, %add3A_810 : i32
        %get3A_812 = arith.index_cast %add3A_811 : i32 to index
        %get3A_813 = tpu.vector_load %arg5[%get3A_812] {strides = array<i32>} : memref<25616xi32, #tpu.memory_space<vmem>>, vector<16xi32>,
        %eq3A_814 = arith.constant 1 : i32
        %eq3A_815 = vector.broadcast %eq3A_814 : i32 to vector<16xi32>
        %eq3A_816 = arith.cmpi eq, %get3A_813, %eq3A_815 : vector<16xi32>
        %jit3A_817 = arith.constant 0 : i32
        %broadcast_in_dim3A_818 = vector.broadcast %jit3A_817 : i32 to vector<16xi32>
        %select_n3A_819 = arith.select %eq3A_816, %broadcast_in_dim3A_818, %get3A_813 : vector<16xi1>, vector<16xi32>
        %ne3A_820 = arith.constant 0 : i32
        %ne3A_821 = vector.broadcast %ne3A_820 : i32 to vector<16xi32>
        %ne3A_822 = arith.cmpi ne, %select_n3A_819, %ne3A_821 : vector<16xi32>
        %all_reduce_population_count3A_823 = tpu.all_reduce %ne3A_822 {dim = 0 : i64, kind = #tpu.reduction_kind<sum>} : vector<16xi1> -> vector<16xi32>
        %add3A_824 = arith.addi %add3A_805, %all_reduce_population_count3A_823 : vector<16xi32>
        %swap3A_825 = arith.constant 0 : i32
        %swap3A_826 = arith.index_cast %swap3A_825 : i32 to index
        %swap3A_827 = arith.constant 112 : index
        %swap3A_828 = tpu.vector_load %arg6[%swap3A_826, %swap3A_827] {strides = array<i32>} : memref<2x208xi32, #tpu.memory_space<vmem>>, vector<16xi32>,
        tpu.vector_store %arg6[%swap3A_826, %swap3A_827], %select_n3A_819 {strides = array<i32>} : memref<2x208xi32, #tpu.memory_space<vmem>>, vector<16xi32>,
        %add3A_829 = arith.constant 128 : i32
        %add3A_830 = arith.addi %mul3A_674, %add3A_829 : i32
        %get3A_831 = arith.index_cast %add3A_830 : i32 to index
        %get3A_832 = tpu.vector_load %arg5[%get3A_831] {strides = array<i32>} : memref<25616xi32, #tpu.memory_space<vmem>>, vector<16xi32>,
        %eq3A_833 = arith.constant 1 : i32
        %eq3A_834 = vector.broadcast %eq3A_833 : i32 to vector<16xi32>
        %eq3A_835 = arith.cmpi eq, %get3A_832, %eq3A_834 : vector<16xi32>
        %jit3A_836 = arith.constant 0 : i32
        %broadcast_in_dim3A_837 = vector.broadcast %jit3A_836 : i32 to vector<16xi32>
        %select_n3A_838 = arith.select %eq3A_835, %broadcast_in_dim3A_837, %get3A_832 : vector<16xi1>, vector<16xi32>
        %ne3A_839 = arith.constant 0 : i32
        %ne3A_840 = vector.broadcast %ne3A_839 : i32 to vector<16xi32>
        %ne3A_841 = arith.cmpi ne, %select_n3A_838, %ne3A_840 : vector<16xi32>
        %all_reduce_population_count3A_842 = tpu.all_reduce %ne3A_841 {dim = 0 : i64, kind = #tpu.reduction_kind<sum>} : vector<16xi1> -> vector<16xi32>
        %add3A_843 = arith.addi %add3A_824, %all_reduce_population_count3A_842 : vector<16xi32>
        %swap3A_844 = arith.constant 0 : i32
        %swap3A_845 = arith.index_cast %swap3A_844 : i32 to index
        %swap3A_846 = arith.constant 128 : index
        %swap3A_847 = tpu.vector_load %arg6[%swap3A_845, %swap3A_846] {strides = array<i32>} : memref<2x208xi32, #tpu.memory_space<vmem>>, vector<16xi32>,
        tpu.vector_store %arg6[%swap3A_845, %swap3A_846], %select_n3A_838 {strides = array<i32>} : memref<2x208xi32, #tpu.memory_space<vmem>>, vector<16xi32>,
        %add3A_848 = arith.constant 144 : i32
        %add3A_849 = arith.addi %mul3A_674, %add3A_848 : i32
        %get3A_850 = arith.index_cast %add3A_849 : i32 to index
        %get3A_851 = tpu.vector_load %arg5[%get3A_850] {strides = array<i32>} : memref<25616xi32, #tpu.memory_space<vmem>>, vector<16xi32>,
        %eq3A_852 = arith.constant 1 : i32
        %eq3A_853 = vector.broadcast %eq3A_852 : i32 to vector<16xi32>
        %eq3A_854 = arith.cmpi eq, %get3A_851, %eq3A_853 : vector<16xi32>
        %jit3A_855 = arith.constant 0 : i32
        %broadcast_in_dim3A_856 = vector.broadcast %jit3A_855 : i32 to vector<16xi32>
        %select_n3A_857 = arith.select %eq3A_854, %broadcast_in_dim3A_856, %get3A_851 : vector<16xi1>, vector<16xi32>
        %ne3A_858 = arith.constant 0 : i32
        %ne3A_859 = vector.broadcast %ne3A_858 : i32 to vector<16xi32>
        %ne3A_860 = arith.cmpi ne, %select_n3A_857, %ne3A_859 : vector<16xi32>
        %all_reduce_population_count3A_861 = tpu.all_reduce %ne3A_860 {dim = 0 : i64, kind = #tpu.reduction_kind<sum>} : vector<16xi1> -> vector<16xi32>
        %add3A_862 = arith.addi %add3A_843, %all_reduce_population_count3A_861 : vector<16xi32>
        %swap3A_863 = arith.constant 0 : i32
        %swap3A_864 = arith.index_cast %swap3A_863 : i32 to index
        %swap3A_865 = arith.constant 144 : index
        %swap3A_866 = tpu.vector_load %arg6[%swap3A_864, %swap3A_865] {strides = array<i32>} : memref<2x208xi32, #tpu.memory_space<vmem>>, vector<16xi32>,
        tpu.vector_store %arg6[%swap3A_864, %swap3A_865], %select_n3A_857 {strides = array<i32>} : memref<2x208xi32, #tpu.memory_space<vmem>>, vector<16xi32>,
        %add3A_867 = arith.constant 160 : i32
        %add3A_868 = arith.addi %mul3A_674, %add3A_867 : i32
        %get3A_869 = arith.index_cast %add3A_868 : i32 to index
        %get3A_870 = tpu.vector_load %arg5[%get3A_869] {strides = array<i32>} : memref<25616xi32, #tpu.memory_space<vmem>>, vector<16xi32>,
        %eq3A_871 = arith.constant 1 : i32
        %eq3A_872 = vector.broadcast %eq3A_871 : i32 to vector<16xi32>
        %eq3A_873 = arith.cmpi eq, %get3A_870, %eq3A_872 : vector<16xi32>
        %jit3A_874 = arith.constant 0 : i32
        %broadcast_in_dim3A_875 = vector.broadcast %jit3A_874 : i32 to vector<16xi32>
        %select_n3A_876 = arith.select %eq3A_873, %broadcast_in_dim3A_875, %get3A_870 : vector<16xi1>, vector<16xi32>
        %ne3A_877 = arith.constant 0 : i32
        %ne3A_878 = vector.broadcast %ne3A_877 : i32 to vector<16xi32>
        %ne3A_879 = arith.cmpi ne, %select_n3A_876, %ne3A_878 : vector<16xi32>
        %all_reduce_population_count3A_880 = tpu.all_reduce %ne3A_879 {dim = 0 : i64, kind = #tpu.reduction_kind<sum>} : vector<16xi1> -> vector<16xi32>
        %add3A_881 = arith.addi %add3A_862, %all_reduce_population_count3A_880 : vector<16xi32>
        %swap3A_882 = arith.constant 0 : i32
        %swap3A_883 = arith.index_cast %swap3A_882 : i32 to index
        %swap3A_884 = arith.constant 160 : index
        %swap3A_885 = tpu.vector_load %arg6[%swap3A_883, %swap3A_884] {strides = array<i32>} : memref<2x208xi32, #tpu.memory_space<vmem>>, vector<16xi32>,
        tpu.vector_store %arg6[%swap3A_883, %swap3A_884], %select_n3A_876 {strides = array<i32>} : memref<2x208xi32, #tpu.memory_space<vmem>>, vector<16xi32>,
        %add3A_886 = arith.constant 176 : i32
        %add3A_887 = arith.addi %mul3A_674, %add3A_886 : i32
        %get3A_888 = arith.index_cast %add3A_887 : i32 to index
        %get3A_889 = tpu.vector_load %arg5[%get3A_888] {strides = array<i32>} : memref<25616xi32, #tpu.memory_space<vmem>>, vector<16xi32>,
        %eq3A_890 = arith.constant 1 : i32
        %eq3A_891 = vector.broadcast %eq3A_890 : i32 to vector<16xi32>
        %eq3A_892 = arith.cmpi eq, %get3A_889, %eq3A_891 : vector<16xi32>
        %jit3A_893 = arith.constant 0 : i32
        %broadcast_in_dim3A_894 = vector.broadcast %jit3A_893 : i32 to vector<16xi32>
        %select_n3A_895 = arith.select %eq3A_892, %broadcast_in_dim3A_894, %get3A_889 : vector<16xi1>, vector<16xi32>
        %ne3A_896 = arith.constant 0 : i32
        %ne3A_897 = vector.broadcast %ne3A_896 : i32 to vector<16xi32>
        %ne3A_898 = arith.cmpi ne, %select_n3A_895, %ne3A_897 : vector<16xi32>
        %all_reduce_population_count3A_899 = tpu.all_reduce %ne3A_898 {dim = 0 : i64, kind = #tpu.reduction_kind<sum>} : vector<16xi1> -> vector<16xi32>
        %add3A_900 = arith.addi %add3A_881, %all_reduce_population_count3A_899 : vector<16xi32>
        %swap3A_901 = arith.constant 0 : i32
        %swap3A_902 = arith.index_cast %swap3A_901 : i32 to index
        %swap3A_903 = arith.constant 176 : index
        %swap3A_904 = tpu.vector_load %arg6[%swap3A_902, %swap3A_903] {strides = array<i32>} : memref<2x208xi32, #tpu.memory_space<vmem>>, vector<16xi32>,
        tpu.vector_store %arg6[%swap3A_902, %swap3A_903], %select_n3A_895 {strides = array<i32>} : memref<2x208xi32, #tpu.memory_space<vmem>>, vector<16xi32>,
        %add3A_905 = arith.constant 192 : i32
        %add3A_906 = arith.addi %mul3A_674, %add3A_905 : i32
        %get3A_907 = arith.index_cast %add3A_906 : i32 to index
        %get3A_908 = tpu.vector_load %arg5[%get3A_907] {strides = array<i32>} : memref<25616xi32, #tpu.memory_space<vmem>>, vector<16xi32>,
        %eq3A_909 = arith.constant 1 : i32
        %eq3A_910 = vector.broadcast %eq3A_909 : i32 to vector<16xi32>
        %eq3A_911 = arith.cmpi eq, %get3A_908, %eq3A_910 : vector<16xi32>
        %jit3A_912 = arith.constant 0 : i32
        %broadcast_in_dim3A_913 = vector.broadcast %jit3A_912 : i32 to vector<16xi32>
        %select_n3A_914 = arith.select %eq3A_911, %broadcast_in_dim3A_913, %get3A_908 : vector<16xi1>, vector<16xi32>
        %ne3A_915 = arith.constant 0 : i32
        %ne3A_916 = vector.broadcast %ne3A_915 : i32 to vector<16xi32>
        %ne3A_917 = arith.cmpi ne, %select_n3A_914, %ne3A_916 : vector<16xi32>
        %lt3A_918 = arith.constant 8 : i32
        %lt3A_919 = vector.broadcast %lt3A_918 : i32 to vector<16xi32>
        %lt3A_920 = arith.cmpi slt, %iota3A, %lt3A_919 : vector<16xi32>
        %and3A_921 = arith.andi %ne3A_917, %lt3A_920 : vector<16xi1>
        %all_reduce_population_count3A_922 = tpu.all_reduce %and3A_921 {dim = 0 : i64, kind = #tpu.reduction_kind<sum>} : vector<16xi1> -> vector<16xi32>
        %add3A_923 = arith.addi %add3A_900, %all_reduce_population_count3A_922 : vector<16xi32>
        %swap3A_924 = arith.constant 0 : i32
        %swap3A_925 = arith.index_cast %swap3A_924 : i32 to index
        %swap3A_926 = arith.constant 192 : index
        %swap3A_927 = tpu.vector_load %arg6[%swap3A_925, %swap3A_926] {strides = array<i32>} : memref<2x208xi32, #tpu.memory_space<vmem>>, vector<16xi32>,
        tpu.vector_store %arg6[%swap3A_925, %swap3A_926], %select_n3A_914 {strides = array<i32>} : memref<2x208xi32, #tpu.memory_space<vmem>>, vector<16xi32>,
        %swap3A_928 = arith.constant 0 : i32
        %swap3A_929 = arith.index_cast %swap3A_928 : i32 to index
        %swap3A_930 = arith.constant 0 : index
        %swap3A_931 = tpu.vector_load %arg7[%swap3A_929, %swap3A_930] {strides = array<i32>} : memref<2x16xi32, #tpu.memory_space<vmem>>, vector<16xi32>,
        tpu.vector_store %arg7[%swap3A_929, %swap3A_930], %add3A_923 {strides = array<i32>} : memref<2x16xi32, #tpu.memory_space<vmem>>, vector<16xi32>,
        %dma_start3A_932 = arith.constant 0 : i32
        %dma_start3A_933 = arith.constant 0 : i32
        %dma_start3A_934 = arith.constant 0 : i32
        %dma_start3A_935 = arith.constant 0 : i32
        %dma_start3A_936 = tpu.memref_slice %arg8[%dma_start3A_933, %dma_start3A_934, %dma_start3A_935] : memref<2x200x32xf32, #tpu.memory_space<vmem>> -> memref<1x128x32xf32, #tpu.memory_space<vmem>>
        %dma_start3A_937 = tpu.memref_squeeze %dma_start3A_936 : memref<1x128x32xf32, #tpu.memory_space<vmem>> -> memref<128x32xf32, #tpu.memory_space<vmem>>
        %dma_start3A_938 = arith.constant 0 : i32
        %dma_start3A_939 = tpu.memref_slice %arg6[%dma_start3A_932, %dma_start3A_938] : memref<2x208xi32, #tpu.memory_space<vmem>> -> memref<1x128xi32, #tpu.memory_space<vmem>>
        %dma_start3A_940 = tpu.memref_squeeze %dma_start3A_939 : memref<1x128xi32, #tpu.memory_space<vmem>> -> memref<128xi32, #tpu.memory_space<vmem>>
        %dma_start3A_941 = arith.constant 0 : i32
        %dma_start3A_942 = arith.constant 0 : i32
        %dma_start3A_943 = tpu.memref_slice %arg3[%dma_start3A_941, %dma_start3A_942] : memref<1000000x32xf32, #tpu.memory_space<hbm>> -> memref<1000000x32xf32, #tpu.memory_space<hbm>>
        tpu.enqueue_indirect_dma source(%dma_start3A_943 : memref<1000000x32xf32, #tpu.memory_space<hbm>>) target(%dma_start3A_937 : memref<128x32xf32, #tpu.memory_space<vmem>>) offsets(%dma_start3A_940 : memref<128xi32, #tpu.memory_space<vmem>>) semaphore(%arg10 : memref<!tpu.dma_semaphore, #tpu.memory_space<semaphore_mem>>)
        %dma_start3A_944 = arith.constant 0 : i32
        %dma_start3A_945 = arith.constant 0 : i32
        %dma_start3A_946 = arith.constant 128 : i32
        %dma_start3A_947 = arith.constant 0 : i32
        %dma_start3A_948 = tpu.memref_slice %arg8[%dma_start3A_945, %dma_start3A_946, %dma_start3A_947] : memref<2x200x32xf32, #tpu.memory_space<vmem>> -> memref<1x72x32xf32, #tpu.memory_space<vmem>>
        %dma_start3A_949 = tpu.memref_squeeze %dma_start3A_948 : memref<1x72x32xf32, #tpu.memory_space<vmem>> -> memref<72x32xf32, #tpu.memory_space<vmem>>
        %dma_start3A_950 = arith.constant 128 : i32
        %dma_start3A_951 = tpu.memref_slice %arg6[%dma_start3A_944, %dma_start3A_950] : memref<2x208xi32, #tpu.memory_space<vmem>> -> memref<1x72xi32, #tpu.memory_space<vmem>>
        %dma_start3A_952 = tpu.memref_squeeze %dma_start3A_951 : memref<1x72xi32, #tpu.memory_space<vmem>> -> memref<72xi32, #tpu.memory_space<vmem>>
        %dma_start3A_953 = arith.constant 0 : i32
        %dma_start3A_954 = arith.constant 0 : i32
        %dma_start3A_955 = tpu.memref_slice %arg3[%dma_start3A_953, %dma_start3A_954] : memref<1000000x32xf32, #tpu.memory_space<hbm>> -> memref<1000000x32xf32, #tpu.memory_space<hbm>>
        tpu.enqueue_indirect_dma source(%dma_start3A_955 : memref<1000000x32xf32, #tpu.memory_space<hbm>>) target(%dma_start3A_949 : memref<72x32xf32, #tpu.memory_space<vmem>>) offsets(%dma_start3A_952 : memref<72xi32, #tpu.memory_space<vmem>>) semaphore(%arg10 : memref<!tpu.dma_semaphore, #tpu.memory_space<semaphore_mem>>)
      } else {
      }
      %add3A_606 = arith.constant 1 : i32
      %add3A_607 = arith.addi %mul3A_256, %add3A_606 : i32
      %dma_wait3A_608 = arith.constant 1 : i32
      %dma_wait3A_609 = arith.constant 1 : i32
      %dma_wait3A_610 = arith.constant 0 : i32
      %dma_wait3A_611 = arith.constant 0 : i32
      %dma_wait3A_612 = tpu.memref_slice %arg8[%dma_wait3A_609, %dma_wait3A_610, %dma_wait3A_611] : memref<2x200x32xf32, #tpu.memory_space<vmem>> -> memref<1x128x32xf32, #tpu.memory_space<vmem>>
      %dma_wait3A_613 = tpu.memref_squeeze %dma_wait3A_612 : memref<1x128x32xf32, #tpu.memory_space<vmem>> -> memref<128x32xf32, #tpu.memory_space<vmem>>
      %dma_wait3A_614 = arith.constant 0 : i32
      %dma_wait3A_615 = tpu.memref_slice %arg6[%dma_wait3A_608, %dma_wait3A_614] : memref<2x208xi32, #tpu.memory_space<vmem>> -> memref<1x128xi32, #tpu.memory_space<vmem>>
      %dma_wait3A_616 = tpu.memref_squeeze %dma_wait3A_615 : memref<1x128xi32, #tpu.memory_space<vmem>> -> memref<128xi32, #tpu.memory_space<vmem>>
      %dma_wait3A_617 = arith.constant 0 : i32
      %dma_wait3A_618 = arith.constant 0 : i32
      %dma_wait3A_619 = tpu.memref_slice %arg3[%dma_wait3A_617, %dma_wait3A_618] : memref<1000000x32xf32, #tpu.memory_space<hbm>> -> memref<1000000x32xf32, #tpu.memory_space<hbm>>
      tpu.wait_indirect_dma semaphore(%arg11 : memref<!tpu.dma_semaphore, #tpu.memory_space<semaphore_mem>>) src(%dma_wait3A_619 : memref<1000000x32xf32, #tpu.memory_space<hbm>>) dst(%dma_wait3A_613 : memref<128x32xf32, #tpu.memory_space<vmem>>)
      %dma_wait3A_620 = arith.constant 1 : i32
      %dma_wait3A_621 = arith.constant 1 : i32
      %dma_wait3A_622 = arith.constant 128 : i32
      %dma_wait3A_623 = arith.constant 0 : i32
      %dma_wait3A_624 = tpu.memref_slice %arg8[%dma_wait3A_621, %dma_wait3A_622, %dma_wait3A_623] : memref<2x200x32xf32, #tpu.memory_space<vmem>> -> memref<1x72x32xf32, #tpu.memory_space<vmem>>
      %dma_wait3A_625 = tpu.memref_squeeze %dma_wait3A_624 : memref<1x72x32xf32, #tpu.memory_space<vmem>> -> memref<72x32xf32, #tpu.memory_space<vmem>>
      %dma_wait3A_626 = arith.constant 128 : i32
      %dma_wait3A_627 = tpu.memref_slice %arg6[%dma_wait3A_620, %dma_wait3A_626] : memref<2x208xi32, #tpu.memory_space<vmem>> -> memref<1x72xi32, #tpu.memory_space<vmem>>
      %dma_wait3A_628 = tpu.memref_squeeze %dma_wait3A_627 : memref<1x72xi32, #tpu.memory_space<vmem>> -> memref<72xi32, #tpu.memory_space<vmem>>
      %dma_wait3A_629 = arith.constant 0 : i32
      %dma_wait3A_630 = arith.constant 0 : i32
      %dma_wait3A_631 = tpu.memref_slice %arg3[%dma_wait3A_629, %dma_wait3A_630] : memref<1000000x32xf32, #tpu.memory_space<hbm>> -> memref<1000000x32xf32, #tpu.memory_space<hbm>>
      tpu.wait_indirect_dma semaphore(%arg11 : memref<!tpu.dma_semaphore, #tpu.memory_space<semaphore_mem>>) src(%dma_wait3A_631 : memref<1000000x32xf32, #tpu.memory_space<hbm>>) dst(%dma_wait3A_625 : memref<72x32xf32, #tpu.memory_space<vmem>>)
      %broadcast_in_dim3A_632 = arith.constant 0.000000e+00 : f32
      %broadcast_in_dim3A_633 = vector.broadcast %broadcast_in_dim3A_632 : f32 to vector<16xf32>
      %scan3A_634 = arith.constant 0 : i32
      %scan3A_635 = arith.constant 25 : i32
      %scan3A_636 = arith.addi %scan3A_634, %scan3A_635 : i32
      %scan3A_637 = arith.constant 1 : i32
      %scan3A_638:8 = scf.for %scan3A_671 = %scan3A_634 to %scan3A_636 step %scan3A_637 iter_args(%scan3A_672 = %broadcast_in_dim3A_633, %scan3A_673 = %broadcast_in_dim3A_633, %scan3A_674 = %broadcast_in_dim3A_633, %scan3A_675 = %broadcast_in_dim3A_633, %scan3A_676 = %broadcast_in_dim3A_633, %scan3A_677 = %broadcast_in_dim3A_633, %scan3A_678 = %broadcast_in_dim3A_633, %scan3A_679 = %broadcast_in_dim3A_633) -> (vector<16xf32>, vector<16xf32>, vector<16xf32>, vector<16xf32>, vector<16xf32>, vector<16xf32>, vector<16xf32>, vector<16xf32>)  : i32 {
        %mul3A_680 = arith.constant 8 : i32
        %mul3A_681 = arith.muli %scan3A_671, %mul3A_680 : i32
        %add3A_682 = arith.constant 0 : i32
        %add3A_683 = arith.addi %mul3A_681, %add3A_682 : i32
        %get3A_684 = arith.constant 1 : i32
        %get3A_685 = arith.index_cast %get3A_684 : i32 to index
        %get3A_686 = arith.index_cast %add3A_683 : i32 to index
        %get3A_687 = arith.constant 0 : index
        %get3A_688 = tpu.vector_load %arg8[%get3A_685, %get3A_686, %get3A_687] {strides = array<i32>} : memref<2x200x32xf32, #tpu.memory_space<vmem>>, vector<16xf32>,
        %add3A_689 = arith.addf %scan3A_672, %get3A_688 : vector<16xf32>
        %get3A_690 = arith.constant 1 : i32
        %get3A_691 = arith.index_cast %get3A_690 : i32 to index
        %get3A_692 = arith.index_cast %add3A_683 : i32 to index
        %get3A_693 = arith.constant 16 : index
        %get3A_694 = tpu.vector_load %arg8[%get3A_691, %get3A_692, %get3A_693] {strides = array<i32>} : memref<2x200x32xf32, #tpu.memory_space<vmem>>, vector<16xf32>,
        %add3A_695 = arith.addf %scan3A_673, %get3A_694 : vector<16xf32>
        %mul3A_696 = arith.constant 8 : i32
        %mul3A_697 = arith.muli %scan3A_671, %mul3A_696 : i32
        %add3A_698 = arith.constant 1 : i32
        %add3A_699 = arith.addi %mul3A_697, %add3A_698 : i32
        %get3A_700 = arith.constant 1 : i32
        %get3A_701 = arith.index_cast %get3A_700 : i32 to index
        %get3A_702 = arith.index_cast %add3A_699 : i32 to index
        %get3A_703 = arith.constant 0 : index
        %get3A_704 = tpu.vector_load %arg8[%get3A_701, %get3A_702, %get3A_703] {strides = array<i32>} : memref<2x200x32xf32, #tpu.memory_space<vmem>>, vector<16xf32>,
        %add3A_705 = arith.addf %scan3A_674, %get3A_704 : vector<16xf32>
        %get3A_706 = arith.constant 1 : i32
        %get3A_707 = arith.index_cast %get3A_706 : i32 to index
        %get3A_708 = arith.index_cast %add3A_699 : i32 to index
        %get3A_709 = arith.constant 16 : index
        %get3A_710 = tpu.vector_load %arg8[%get3A_707, %get3A_708, %get3A_709] {strides = array<i32>} : memref<2x200x32xf32, #tpu.memory_space<vmem>>, vector<16xf32>,
        %add3A_711 = arith.addf %scan3A_675, %get3A_710 : vector<16xf32>
        %mul3A_712 = arith.constant 8 : i32
        %mul3A_713 = arith.muli %scan3A_671, %mul3A_712 : i32
        %add3A_714 = arith.constant 2 : i32
        %add3A_715 = arith.addi %mul3A_713, %add3A_714 : i32
        %get3A_716 = arith.constant 1 : i32
        %get3A_717 = arith.index_cast %get3A_716 : i32 to index
        %get3A_718 = arith.index_cast %add3A_715 : i32 to index
        %get3A_719 = arith.constant 0 : index
        %get3A_720 = tpu.vector_load %arg8[%get3A_717, %get3A_718, %get3A_719] {strides = array<i32>} : memref<2x200x32xf32, #tpu.memory_space<vmem>>, vector<16xf32>,
        %add3A_721 = arith.addf %scan3A_676, %get3A_720 : vector<16xf32>
        %get3A_722 = arith.constant 1 : i32
        %get3A_723 = arith.index_cast %get3A_722 : i32 to index
        %get3A_724 = arith.index_cast %add3A_715 : i32 to index
        %get3A_725 = arith.constant 16 : index
        %get3A_726 = tpu.vector_load %arg8[%get3A_723, %get3A_724, %get3A_725] {strides = array<i32>} : memref<2x200x32xf32, #tpu.memory_space<vmem>>, vector<16xf32>,
        %add3A_727 = arith.addf %scan3A_677, %get3A_726 : vector<16xf32>
        %mul3A_728 = arith.constant 8 : i32
        %mul3A_729 = arith.muli %scan3A_671, %mul3A_728 : i32
        %add3A_730 = arith.constant 3 : i32
        %add3A_731 = arith.addi %mul3A_729, %add3A_730 : i32
        %get3A_732 = arith.constant 1 : i32
        %get3A_733 = arith.index_cast %get3A_732 : i32 to index
        %get3A_734 = arith.index_cast %add3A_731 : i32 to index
        %get3A_735 = arith.constant 0 : index
        %get3A_736 = tpu.vector_load %arg8[%get3A_733, %get3A_734, %get3A_735] {strides = array<i32>} : memref<2x200x32xf32, #tpu.memory_space<vmem>>, vector<16xf32>,
        %add3A_737 = arith.addf %scan3A_678, %get3A_736 : vector<16xf32>
        %get3A_738 = arith.constant 1 : i32
        %get3A_739 = arith.index_cast %get3A_738 : i32 to index
        %get3A_740 = arith.index_cast %add3A_731 : i32 to index
        %get3A_741 = arith.constant 16 : index
        %get3A_742 = tpu.vector_load %arg8[%get3A_739, %get3A_740, %get3A_741] {strides = array<i32>} : memref<2x200x32xf32, #tpu.memory_space<vmem>>, vector<16xf32>,
        %add3A_743 = arith.addf %scan3A_679, %get3A_742 : vector<16xf32>
        %mul3A_744 = arith.constant 8 : i32
        %mul3A_745 = arith.muli %scan3A_671, %mul3A_744 : i32
        %add3A_746 = arith.constant 4 : i32
        %add3A_747 = arith.addi %mul3A_745, %add3A_746 : i32
        %get3A_748 = arith.constant 1 : i32
        %get3A_749 = arith.index_cast %get3A_748 : i32 to index
        %get3A_750 = arith.index_cast %add3A_747 : i32 to index
        %get3A_751 = arith.constant 0 : index
        %get3A_752 = tpu.vector_load %arg8[%get3A_749, %get3A_750, %get3A_751] {strides = array<i32>} : memref<2x200x32xf32, #tpu.memory_space<vmem>>, vector<16xf32>,
        %add3A_753 = arith.addf %add3A_689, %get3A_752 : vector<16xf32>
        %get3A_754 = arith.constant 1 : i32
        %get3A_755 = arith.index_cast %get3A_754 : i32 to index
        %get3A_756 = arith.index_cast %add3A_747 : i32 to index
        %get3A_757 = arith.constant 16 : index
        %get3A_758 = tpu.vector_load %arg8[%get3A_755, %get3A_756, %get3A_757] {strides = array<i32>} : memref<2x200x32xf32, #tpu.memory_space<vmem>>, vector<16xf32>,
        %add3A_759 = arith.addf %add3A_695, %get3A_758 : vector<16xf32>
        %mul3A_760 = arith.constant 8 : i32
        %mul3A_761 = arith.muli %scan3A_671, %mul3A_760 : i32
        %add3A_762 = arith.constant 5 : i32
        %add3A_763 = arith.addi %mul3A_761, %add3A_762 : i32
        %get3A_764 = arith.constant 1 : i32
        %get3A_765 = arith.index_cast %get3A_764 : i32 to index
        %get3A_766 = arith.index_cast %add3A_763 : i32 to index
        %get3A_767 = arith.constant 0 : index
        %get3A_768 = tpu.vector_load %arg8[%get3A_765, %get3A_766, %get3A_767] {strides = array<i32>} : memref<2x200x32xf32, #tpu.memory_space<vmem>>, vector<16xf32>,
        %add3A_769 = arith.addf %add3A_705, %get3A_768 : vector<16xf32>
        %get3A_770 = arith.constant 1 : i32
        %get3A_771 = arith.index_cast %get3A_770 : i32 to index
        %get3A_772 = arith.index_cast %add3A_763 : i32 to index
        %get3A_773 = arith.constant 16 : index
        %get3A_774 = tpu.vector_load %arg8[%get3A_771, %get3A_772, %get3A_773] {strides = array<i32>} : memref<2x200x32xf32, #tpu.memory_space<vmem>>, vector<16xf32>,
        %add3A_775 = arith.addf %add3A_711, %get3A_774 : vector<16xf32>
        %mul3A_776 = arith.constant 8 : i32
        %mul3A_777 = arith.muli %scan3A_671, %mul3A_776 : i32
        %add3A_778 = arith.constant 6 : i32
        %add3A_779 = arith.addi %mul3A_777, %add3A_778 : i32
        %get3A_780 = arith.constant 1 : i32
        %get3A_781 = arith.index_cast %get3A_780 : i32 to index
        %get3A_782 = arith.index_cast %add3A_779 : i32 to index
        %get3A_783 = arith.constant 0 : index
        %get3A_784 = tpu.vector_load %arg8[%get3A_781, %get3A_782, %get3A_783] {strides = array<i32>} : memref<2x200x32xf32, #tpu.memory_space<vmem>>, vector<16xf32>,
        %add3A_785 = arith.addf %add3A_721, %get3A_784 : vector<16xf32>
        %get3A_786 = arith.constant 1 : i32
        %get3A_787 = arith.index_cast %get3A_786 : i32 to index
        %get3A_788 = arith.index_cast %add3A_779 : i32 to index
        %get3A_789 = arith.constant 16 : index
        %get3A_790 = tpu.vector_load %arg8[%get3A_787, %get3A_788, %get3A_789] {strides = array<i32>} : memref<2x200x32xf32, #tpu.memory_space<vmem>>, vector<16xf32>,
        %add3A_791 = arith.addf %add3A_727, %get3A_790 : vector<16xf32>
        %mul3A_792 = arith.constant 8 : i32
        %mul3A_793 = arith.muli %scan3A_671, %mul3A_792 : i32
        %add3A_794 = arith.constant 7 : i32
        %add3A_795 = arith.addi %mul3A_793, %add3A_794 : i32
        %get3A_796 = arith.constant 1 : i32
        %get3A_797 = arith.index_cast %get3A_796 : i32 to index
        %get3A_798 = arith.index_cast %add3A_795 : i32 to index
        %get3A_799 = arith.constant 0 : index
        %get3A_800 = tpu.vector_load %arg8[%get3A_797, %get3A_798, %get3A_799] {strides = array<i32>} : memref<2x200x32xf32, #tpu.memory_space<vmem>>, vector<16xf32>,
        %add3A_801 = arith.addf %add3A_737, %get3A_800 : vector<16xf32>
        %get3A_802 = arith.constant 1 : i32
        %get3A_803 = arith.index_cast %get3A_802 : i32 to index
        %get3A_804 = arith.index_cast %add3A_795 : i32 to index
        %get3A_805 = arith.constant 16 : index
        %get3A_806 = tpu.vector_load %arg8[%get3A_803, %get3A_804, %get3A_805] {strides = array<i32>} : memref<2x200x32xf32, #tpu.memory_space<vmem>>, vector<16xf32>,
        %add3A_807 = arith.addf %add3A_743, %get3A_806 : vector<16xf32>
        scf.yield %add3A_753, %add3A_759, %add3A_769, %add3A_775, %add3A_785, %add3A_791, %add3A_801, %add3A_807 : vector<16xf32>, vector<16xf32>, vector<16xf32>, vector<16xf32>, vector<16xf32>, vector<16xf32>, vector<16xf32>, vector<16xf32>
      }
      %scan3A_639 = arith.constant 25 : i32
      %add3A_640 = arith.addf %scan3A_638#0, %scan3A_638#2 : vector<16xf32>
      %add3A_641 = arith.addf %scan3A_638#4, %scan3A_638#6 : vector<16xf32>
      %add3A_642 = arith.addf %add3A_640, %add3A_641 : vector<16xf32>
      %add3A_643 = arith.addf %scan3A_638#1, %scan3A_638#3 : vector<16xf32>
      %add3A_644 = arith.addf %scan3A_638#5, %scan3A_638#7 : vector<16xf32>
      %add3A_645 = arith.addf %add3A_643, %add3A_644 : vector<16xf32>
      %get3A_646 = arith.constant 1 : i32
      %get3A_647 = arith.index_cast %get3A_646 : i32 to index
      %get3A_648 = arith.constant 0 : index
      %get3A_649 = tpu.vector_load %arg7[%get3A_647, %get3A_648] {strides = array<i32>} : memref<2x16xi32, #tpu.memory_space<vmem>>, vector<16xi32>,
      %convert_element_type3A_650 = arith.sitofp %get3A_649 : vector<16xi32> to vector<16xf32>
      %gt3A_651 = arith.constant 0.000000e+00 : f32
      %gt3A_652 = vector.broadcast %gt3A_651 : f32 to vector<16xf32>
      %gt3A_653 = arith.cmpf ogt, %convert_element_type3A_650, %gt3A_652 : vector<16xf32>
      %max3A_654 = arith.constant 1.000000e+00 : f32
      %max3A_655 = vector.broadcast %max3A_654 : f32 to vector<16xf32>
      %max3A_656 = arith.maximumf %convert_element_type3A_650, %max3A_655 : vector<16xf32>
      %div3A_657 = arith.constant 1.000000e+00 : f32
      %div3A_658 = vector.broadcast %div3A_657 : f32 to vector<16xf32>
      %div3A_659 = arith.divf %div3A_658, %max3A_656 : vector<16xf32>
      %jit3A_660 = arith.constant 0.000000e+00 : f32
      %broadcast_in_dim3A_661 = vector.broadcast %jit3A_660 : f32 to vector<16xf32>
      %select_n3A_662 = arith.select %gt3A_653, %div3A_659, %broadcast_in_dim3A_661 : vector<16xi1>, vector<16xf32>
      %mul3A_663 = arith.mulf %add3A_642, %select_n3A_662 : vector<16xf32>
      %swap3A_664 = arith.index_cast %add3A_607 : i32 to index
      %swap3A_665 = arith.constant 0 : index
      %swap3A_666 = tpu.vector_load %arg9[%swap3A_664, %swap3A_665] {strides = array<i32>} : memref<128x32xf32, #tpu.memory_space<vmem>>, vector<16xf32>,
      tpu.vector_store %arg9[%swap3A_664, %swap3A_665], %mul3A_663 {strides = array<i32>} : memref<128x32xf32, #tpu.memory_space<vmem>>, vector<16xf32>,
      %mul3A_667 = arith.mulf %add3A_645, %select_n3A_662 : vector<16xf32>
      %swap3A_668 = arith.index_cast %add3A_607 : i32 to index
      %swap3A_669 = arith.constant 16 : index
      %swap3A_670 = tpu.vector_load %arg9[%swap3A_668, %swap3A_669] {strides = array<i32>} : memref<128x32xf32, #tpu.memory_space<vmem>>, vector<16xf32>,
      tpu.vector_store %arg9[%swap3A_668, %swap3A_669], %mul3A_667 {strides = array<i32>} : memref<128x32xf32, #tpu.memory_space<vmem>>, vector<16xf32>,
    }
    %scan3A_251 = arith.constant 64 : i32
    %mul3A_252 = arith.constant 128 : i32
    %mul3A_253 = arith.muli %add3A, %mul3A_252 : i32
    "tpu.region"() ({
      %run_scoped3A = tpu.sem_alloc : memref<!tpu.dma_semaphore, #tpu.memory_space<semaphore_mem>>
      %dma_start3A_254 = arith.constant 0 : i32
      %dma_start3A_255 = tpu.memref_slice %arg4[%mul3A_253, %dma_start3A_254] : memref<4096x32xf32, #tpu.memory_space<hbm>> -> memref<128x32xf32, #tpu.memory_space<hbm>>
      %dma_start3A_256 = arith.constant 0 : i32
      %dma_start3A_257 = tpu.memref_slice %arg4[%mul3A_253, %dma_start3A_256] : memref<4096x32xf32, #tpu.memory_space<hbm>> -> memref<128x32xf32, #tpu.memory_space<hbm>>
      tpu.enqueue_dma source(%arg9 : memref<128x32xf32, #tpu.memory_space<vmem>>) target(%dma_start3A_257 : memref<128x32xf32, #tpu.memory_space<hbm>>) target_semaphore(%run_scoped3A : memref<!tpu.dma_semaphore, #tpu.memory_space<semaphore_mem>>)
      %dma_wait3A = arith.constant 0 : i32
      %dma_wait3A_258 = tpu.memref_slice %arg4[%mul3A_253, %dma_wait3A] : memref<4096x32xf32, #tpu.memory_space<hbm>> -> memref<128x32xf32, #tpu.memory_space<hbm>>
      %dma_wait3A_259 = arith.constant 0 : i32
      %dma_wait3A_260 = tpu.memref_slice %arg4[%mul3A_253, %dma_wait3A_259] : memref<4096x32xf32, #tpu.memory_space<hbm>> -> memref<128x32xf32, #tpu.memory_space<hbm>>
      tpu.wait_dma2 semaphore(%run_scoped3A : memref<!tpu.dma_semaphore, #tpu.memory_space<semaphore_mem>>) src(%arg9 : memref<128x32xf32, #tpu.memory_space<vmem>>) dst(%dma_wait3A_260 : memref<128x32xf32, #tpu.memory_space<hbm>>)
      tpu.yield
    }) : () -> ()
    return
  }
}

</mosaic_0001>

<sc_bundles>
// kernel: _run.4.cloned.1.call-start
scs
__scs_entry_jumppad:
0x0: {  	(pc) =	sbr.rel $0x88, $3  }
0x1: {  	(tag) =	ssettag $0x0;
	lr =	simm.s32 $0x1  }
0x2: {  	[smem:$0x3F9F] =	sst lr;
	_ =	strace $0xD0000000  }
0x3: {  	_ = 	snop  }
0x4: {  	_ = 	snop  }
0x5: {  	_ = 	snop  }
0x6: {  	_ = 	snop  }
0x7: {  	_ = 	snop  }
__scs_overlays_trampoline_lowered:
0x8: {  	[smem:$0x3FAE] =	sst s0  }
0x9: {  	[smem:$0x3FAF] =	sst s1  }
0xa: {  	[smem:$0x3FB0] =	sst s2  }
0xb: {  	[smem:$0x3FB1] =	sst s3  }
0xc: {  	[smem:$0x3FB2] =	sst s4  }
0xd: {  	[smem:$0x3FB3] =	sst s5  }
0xe: {  	[smem:$0x3FB4] =	sst s6  }
0xf: {  	[smem:$0x3FB5] =	sst s7  }
0x10: {  	[smem:$0x3FB6] =	sst s8  }
0x11: {  	[smem:$0x3FB7] =	sst s9;
	s0 =	simm.s32 @!p0 $0x0  }
0x12: {  	s1 =	sld [smem:$0x3F9D];
	s0 =	simm.s32 @p0 $0x1  }
0x13: {  	[smem:$0x3FB8] =	sst s0;
	s0 =	simm.s32 @!p1 $0x0  }
0x14: {  	s2 =	sld [smem:$0x3F9C];
	s0 =	simm.s32 @p1 $0x1  }
0x15: {  	[smem:$0x3FB9] =	sst s0;
	s0 =	simm.s32 @!p2 $0x0  }
0x16: {  	s3 =	sld [smem:$0x3FDB];
	s0 =	simm.s32 @p2 $0x1  }
0x17: {  	s4 =	simm.s32 $0x1BF5;
	[smem:$0x3FBB] =	sst s0  }
0x18: {  	s0 =	sld [smem:$0x3F9E];
	_ =	swait.ge [sflag:s4], $0x0  }
0x19: {  	s7 =	sld [smem:$0x3F9F]  }
0x1a: {  	s8 =	sadd.s32 $0xFFFFE003, lr  }
0x1b: {  	s9 =	sadd.s32 $0xFFFFFEF7, lr;
	s5 =	simm.s32 $0xFFFFFFFF;
	p2 =	slt.u32 s8, $0xFFFFF086  }
0x1c: {  	p1 =	slt.u32 s9, $0xF7A;
	s5 =	simm.s32 @!p2 $0x0  }
0x1d: {  	s5 =	simm.s32 @p1 $0x1;
	p0 =	seq.s32 s7, s2  }
0x1e: {  	s7 =	smul.u32 @!p0 $0xF7A, s2;
	p2 =	seq.s32 @!p0 s5, $0x0  }
0x1f: {  	s9 =	smul.u32 $0xF7A, s1;
	s8 =	simm.s32 @!p0 $0x1BF5;
	p2 =	por !p2, p0  }
0x20: {  	[sflag:s8] =	ssyncset.s32 @!p0 $0xFFFFF086;
	s6 =	sadd.s32 @!p0 s3, s7;
	s7 =	simm.s32 @!p0 $0x108  }
0x21: {  	s3 =	sadd.s32 s3, s9;
	s6 =	sadd.s32 @!p0 $0x88, s6;
	s7 =	simm.s32 @p2 $0x1082  }
0x22: {  	[simem:s7], [sflag:s8] =	dma.local @!p0 [hbm:s6], $0xF7A  }
0x23: {  	s9 =	sor.u32 $0xD0000000, s2;
	s6 =	simm.s32 $0x108;
	_ =	swait.ge @!p0 [sflag:s8], $0x0  }
0x24: {  	s3 =	sadd.s32 $0x88, s3;
	s6 =	simm.s32 @!p1 $0x1082;
	[sflag:s4] =	ssyncset.s32 $0xFFFFF086  }
0x25: {  	[simem:s6], [sflag:s4] =	dma.local [hbm:s3], $0xF7A  }
0x26: {  	[smem:$0x3F9F] =	sst s1;
	(tag) =	ssettag s2;
	_ =	strace s9  }
0x27: {  	s1 =	sld [smem:$0x3FAF]  }
0x28: {  	s2 =	sld [smem:$0x3FB0]  }
0x29: {  	s4 =	sld [smem:$0x3FB2]  }
0x2a: {  	p0 =	seq.s32 s5, $0x0;
	s5 =	sld [smem:$0x3FB3]  }
0x2b: {  	s6 =	sld [smem:$0x3FB4]  }
0x2c: {  	s7 =	sld [smem:$0x3FB5]  }
0x2d: {  	s3 =	simm.s32 $0x108;
	s8 =	sld [smem:$0x3FB6]  }
0x2e: {  	s3 =	simm.s32 @!p0 $0x1082;
	s9 =	sld [smem:$0x3FB7]  }
0x2f: {  	lr =	sadd.s32 s0, s3;
	s0 =	sld [smem:$0x3FAE]  }
0x30: {  	s3 =	sld [smem:$0x3FB1]  }
0x31: {  	[smem:$0x3FBA] =	sst s10  }
0x32: {  	s10 =	sld [smem:$0x3FB8];
	_ =	sdelay $0x3  }
0x33: {  	p0 =	seq.s32 s10, $0x1;
	s10 =	sld [smem:$0x3FBA];
	_ =	sdelay $0x3  }
0x34: {  	[smem:$0x3FBA] =	sst s10  }
0x35: {  	s10 =	sld [smem:$0x3FB9];
	_ =	sdelay $0x3  }
0x36: {  	p1 =	seq.s32 s10, $0x1;
	s10 =	sld [smem:$0x3FBA];
	_ =	sdelay $0x3  }
0x37: {  	[smem:$0x3FBA] =	sst s10  }
0x38: {  	s10 =	sld [smem:$0x3FBB]  }
0x39: {  	_ = 	snop;
	(pc) =	sbr.ind lr, $3  }
0x3a: {  	_ = 	snop  }
0x3b: {  	_ = 	snop  }
0x3c: {  	p2 =	seq.s32 s10, $0x1;
	s10 =	sld [smem:$0x3FBA]  }
0x3d: {  	_ =	shalt  }
0x3e: {  	_ =	shalt  }
0x3f: {  	_ =	shalt  }
0x40: {  	_ =	shalt  }
0x41: {  	_ =	shalt  }
0x42: {  	_ =	shalt  }
0x43: {  	_ =	shalt  }
0x44: {  	_ =	shalt  }
0x45: {  	_ =	shalt  }
0x46: {  	_ =	shalt  }
0x47: {  	_ =	shalt  }
0x48: {  	_ =	shalt  }
0x49: {  	_ =	shalt  }
0x4a: {  	_ =	shalt  }
0x4b: {  	_ =	shalt  }
0x4c: {  	_ =	shalt  }
0x4d: {  	_ =	shalt  }
0x4e: {  	_ =	shalt  }
0x4f: {  	_ =	shalt  }
0x50: {  	_ =	shalt  }
0x51: {  	_ =	shalt  }
0x52: {  	_ =	shalt  }
0x53: {  	_ =	shalt  }
0x54: {  	_ =	shalt  }
0x55: {  	_ =	shalt  }
0x56: {  	_ =	shalt  }
0x57: {  	_ =	shalt  }
0x58: {  	_ =	shalt  }
0x59: {  	_ =	shalt  }
0x5a: {  	_ =	shalt  }
0x5b: {  	_ =	shalt  }
0x5c: {  	_ =	shalt  }
0x5d: {  	_ =	shalt  }
0x5e: {  	_ =	shalt  }
0x5f: {  	_ =	shalt  }
0x60: {  	_ =	shalt  }
0x61: {  	_ =	shalt  }
0x62: {  	_ =	shalt  }
0x63: {  	_ =	shalt  }
0x64: {  	_ =	shalt  }
0x65: {  	_ =	shalt  }
0x66: {  	_ =	shalt  }
0x67: {  	_ =	shalt  }
0x68: {  	_ =	shalt  }
0x69: {  	_ =	shalt  }
0x6a: {  	_ =	shalt  }
0x6b: {  	_ =	shalt  }
0x6c: {  	_ =	shalt  }
0x6d: {  	_ =	shalt  }
0x6e: {  	_ =	shalt  }
0x6f: {  	_ =	shalt  }
0x70: {  	_ =	shalt  }
0x71: {  	_ =	shalt  }
0x72: {  	_ =	shalt  }
0x73: {  	_ =	shalt  }
0x74: {  	_ =	shalt  }
0x75: {  	_ =	shalt  }
0x76: {  	_ =	shalt  }
0x77: {  	_ =	shalt  }
0x78: {  	_ =	shalt  }
0x79: {  	_ =	shalt  }
0x7a: {  	_ =	shalt  }
0x7b: {  	_ =	shalt  }
0x7c: {  	_ =	shalt  }
0x7d: {  	_ =	shalt  }
0x7e: {  	_ =	shalt  }
0x7f: {  	_ =	shalt  }
0x80: {  	_ =	shalt  }
0x81: {  	_ =	shalt  }
0x82: {  	_ =	shalt  }
0x83: {  	_ =	shalt  }
0x84: {  	_ =	shalt  }
0x85: {  	_ =	shalt  }
0x86: {  	_ =	shalt  }
0x87: {  	_ =	shalt  }
.Lfunc_end0:
.L_simem_size_0:
called_computation_lowered:
.L_overlay_start_0:
0x88: {  	s2 =	sld [smem:$0x3FD9]  }
0x89: {  	s3 =	sld [smem:$0x3FFE];
	_ =	sdelay $0x1  }
0x8a: {  	s1 =	srdreg.scid  }
0x8b: {  	s0 =	sand.u32 $0x1, s1  }
0x8c: {  	s17 =	sshll.u32 s0, $0xA;
	s2 =	sadd.s32 s3, s2  }
0x8d: {  	s2 =	sadd.s32 s2, s17  }
0x8e: {  	[smem:$0x3FC6] =	sst s2  }
0x8f: {  	_ = 	snop  }
0x90: {  	s2 =	sld [smem:$0x3FC8]  }
0x91: {  	s18 =	sld [smem:$0x3FD0];
	(tm) =	ssettm $0x1  }
0x92: {  	s4 =	sld [smem:$0x3FFB];
	_ =	sdelay $0x3  }
0x93: {  	_ =	strace s4  }
0x94: {  	s4 =	sld [smem:$0x3FFC];
	_ =	sdelay $0x3  }
0x95: {  	_ =	strace s4  }
0x96: {  	s4 =	sld [smem:$0x3FFD];
	_ =	sdelay $0x3  }
0x97: {  	_ =	strace s4  }
0x98: {  	_ =	strace $0x8FFFFFFF  }
0x99: {  	s19 =	sld [smem:$0x3FDB];
	_ =	sdelay $0x1  }
0x9a: {  	s5 =	simm.s32 $_scs_section_size  }
0x9b: {  	s6 =	simm.s32 $_size__tile_overlayer_lowered;
	s7 =	simm.s32 $_tile_overlayer_lowered  }
0x9c: {  	s22 =	simm.s32 $0x1BFF;
	s21 =	sshll.u32 s7, $0x1;
	s4 =	sadd.s32 s5, s19  }
0x9d: {  	s8 =	simm.s32 $0x0;
	s20 =	sshll.u32 s6, $0x1;
	s6 =	sadd.s32 s21, s4  }
0x9e: {  	[timem:s8], [sflag:s22] =	dma.local [hbm:s6], s20  }
0x9f: {  	_ =	swait.ge [sflag:s22], s20  }
0xa0: {  	s5 =	ssub.s32 $0x0, s20;
	[sflag:s22] =	ssyncset.done $0x0  }
0xa1: {  	[sflag:s22] =	ssyncadd.s32 s5;
	_ =	sdelay $0x1  }
0xa2: {  	s23 =	simm.s32 $0x1B8B  }
0xa3: {  	_ =	swait.ge [sflag:s23], $0x1  }
0xa4: {  	[sflag:s23] =	ssyncset.done $0x0  }
0xa5: {  	s25 =	simm.s32 $0x1B8E;
	s24 =	sld [smem:$0x3FFE];
	[sflag:s23] =	ssyncadd.s32 $0xFFFFFFFF  }
0xa6: {  	s26 =	simm.s32 $execute0_lowered;
	[smem:$0x3FD2] =	sst s25  }
0xa7: {  	s6 =	sshll.u32 s26, $0x1;
	_ =	strace $0x80000046;
	[dreg:$0x1] =	wrdreg $0xFFFFFFFF  }
0xa8: {  	s28 =	simm.s32 $_size_execute0_lowered;
	s4 =	sadd.s32 s4, s6;
	[dreg:$0x0] =	wrdreg $0x0  }
0xa9: {  	s6 =	sshll.u32 s28, $0x1;
	[dreg:$0x2] =	wrdreg s4  }
0xaa: {  	[dreg:$0x3] =	wrdreg s6  }
0xab: {  	[dreg:$0x4] =	wrdreg $0xC0  }
0xac: {  	_ =	task [dreg:s8], $0x5FFFF  }
0xad: {  	[dreg:$0x1] =	wrdreg $0xFFFFFFFF  }
0xae: {  	[dreg:$0x0] =	wrdreg $0x60  }
0xaf: {  	[dreg:$0x2] =	wrdreg s2  }
0xb0: {  	[dreg:$0x3] =	wrdreg s18  }
0xb1: {  	[dreg:$0x4] =	wrdreg s24  }
0xb2: {  	[dreg:$0x5] =	wrdreg $0x9  }
0xb3: {  	_ =	task.clear_ibuf [dreg:s8], $0x6FFFF;
	_ =	strace $0x90000046  }
0xb4: {  	s29 =	simm.s32 $0x9;
	_ =	strace $0x80000048  }
0xb5: {  	_ =	swait.ge [sflag:s29], $0x1  }
0xb6: {  	[sflag:s29] =	ssyncadd.s32 $0xFFFFFFFF  }
0xb7: {  	_ =	strace $0x90000048  }
0xb8: {  	_ =	sfence  }
0xb9: {  	s30 =	sld [smem:$0x0];
	_ =	sdelay $0x2  }
0xba: {  	s31 =	sshll.u32 s1, $0xD;
	s1 =	sshrl.u32 s1, $0x2  }
0xbb: {  	s3 =	sand.u32 $0x4000, s31;
	s1 =	sadd.s32 s1, s30  }
0xbc: {  	s0 =	sor.u32 s3, s0;
	s1 =	sshll.u32 s1, $0x11  }
0xbd: {  	s0 =	sor.u32 s1, s0  }
0xbe: {  	s0 =	sadd.s32 $0x8F2B, s0  }
0xbf: {  	[sflag:s0] =	ssyncadd.remote.s32 $0x1  }
0xc0: {  	_ =	sfence.sel $0xFFFF  }
0xc1: {  	[dreg:$0x0] =	wrdreg $0xFFFFFFFF;
	(pc) =	sbr.abs _section_cstart, $3  }
0xc2: {  	[dreg:$0x1] =	wrdreg $0xFFFFFFFF  }
0xc3: {  	_ =	task.clear_ibuf [dreg:s8], $0x2FFFF;
	_ =	strace $0x9FFFFFFF  }
0xc4: {  	(tm) =	ssettm $0x7FFFFFFF  }
0xc5: {  	_ =	shalt  }
tec
execute0_lowered:
.L_overlay_start_1:
0x0: {  	(tag) =	ssettag $0x1  }
0x1: {  	s0 =	srdreg.scid;
	s1 =	rddreg [dreg:$0x0]  }
0x2: {  	s13 =	stileid.u32;
	s5 =	rddreg [dreg:$0x2]  }
0x3: {  	s3 =	simm.s32 $0x0;
	s16 =	simm.s32 $0x1000;
	s17 =	simm.s32 $0x7A1400  }
0x4: {  	s18 =	simm.s32 $0x4000;
	s19 =	simm.s32 $0x1;
	s20 =	simm.s32 $0x10000  }
0x5: {  	s21 =	simm.s32 $0x8000;
	s22 =	simm.s32 $0x2;
	s23 =	simm.s32 $0xC000  }
0x6: {  	s24 =	simm.s32 $0x3;
	s25 =	simm.s32 $0x0;
	s0 =	sand.u32 $0x1, s0  }
0x7: {  	s2 =	sshll.u32 s13, $0x1;
	[smem:$0x7FF] =	sst s3;
	s31 =	sadd.s32 $0x3D1000, s5  }
0x8: {  	p0 =	sgt.u32 s13, $0x1;
	s2 =	sor.u32 s0, s2;
	_ =	strace $0x80000047  }
0x9: {  	s0 =	ssub.s32 $0x2, s0;
	[dreg:$0x8] =	wrdreg s31;
	s4 =	smul.u32 $0xF4, s2  }
0xa: {  	s6 =	smin.u32 s2, $0x4;
	s7 =	sshrl.u32 s0, $0x1;
	p1 =	sne.s32 s2, $0x1F  }
0xb: {  	s0 =	ssub.s32 s0, s7;
	s6 =	sadd.s32 s6, s4;
	s4 =	sadd.s32 $0x800, s5  }
0xc: {  	s0 =	smax.u32 s0, $0x1;
	s9 =	sshll.u32 s6, $0x7;
	s6 =	sshll.u32 s6, $0x9  }
0xd: {  	[dreg:$0x9] =	wrdreg s0;
	s10 =	sadd.s32 s1, s9;
	s7 =	sadd.s32 s4, s6  }
.Ltmp0:
0xe: {  	s29 =	sadd.s32 $0x7A00, s9;
	s9 =	sadd.s32 $0x200, s9;
	(pc) =	sbr.rel .LBB2_1-.Ltmp0, $4  }
0xf: {  	v0 =	vlaneseq.u32;
	s28 =	sadd.s32 $0x200, s10;
	[dreg:$0x4] =	wrdreg s10;
	s11 =	sshll.u32 s29, $0x2  }
0x10: {  	v0 =	vmul.u32 $0x201, v0;
	s12 =	sadd.s32 $0x1E000, s7;
	[dreg:$0x5] =	wrdreg s28;
	s30 =	sand.u32 $0x1FFFFE00, s11  }
0x11: {  	[dreg:$0x6] =	wrdreg s12;
	s12 =	sadd.s32 s1, s29;
	s1 =	sadd.s32 s4, s30  }
0x12: {  	v1 =	vadd.s32 $0x2010, v0;
	s8 =	sadd.s32 $0x400, s10;
	s10 =	sadd.s32 $0x600, s10;
	[dreg:$0x7] =	wrdreg s1  }
.LBB2_26:
0x13: {  	_ =	swait.ge [sflag:s24], $0x4000  }
0x14: {  	[sflag:s24] =	ssyncset.done $0x0  }
0x15: {  	s1 =	simm.s32 $0x4;
	[sflag:s24] =	ssyncadd.s32 $0xFFFFC000  }
0x16: {  	_ =	swait.ge [sflag:s1], $0x4000  }
0x17: {  	s25 =	sadd.s32 $0x1, s25;
	s0 =	rddreg [dreg:$0x9]  }
0x18: {  	p2 =	sne.s32 s25, s0  }
.Ltmp1:
0x19: {  	_ = 	snop;
	(pc) =	sbr.rel @!p2 .LBB2_27-.Ltmp1, $3  }
0x1a: {  	_ =	sdelay $0x1  }
0x1b: {  	[sflag:s1] =	ssyncset.done $0x0  }
0x1c: {  	[sflag:s1] =	ssyncadd.s32 $0xFFFFC000  }
.LBB2_1:
0x1d: {  	s0 =	rddreg [dreg:$0x4]  }
0x1e: {  	[tilespmem:s3], [sflag:$0x1] =	stream.strided.gather [hbm4b:s0+s16], $0x4000, s17, s16, $0x38;
	[tilespmem:$0x17880] =	vst v63  }
0x1f: {  	s31 =	rddreg [dreg:$0x5];
	s26 =	simm.s32 $0x0  }
0x20: {  	[tilespmem:s18], [sflag:$0x2] =	stream.strided.gather [hbm4b:s31+s16], $0x4000, s17, s16, $0x38;
	[tilespmem:$0x17880] =	vst v63  }
.LBB2_2:
0x21: {  	_ =	swait.ge [sflag:s19], $0x4000  }
0x22: {  	p2 =	seq.s32 s26, $0x0;
	[sflag:s19] =	ssyncset.done $0x0  }
0x23: {  	s0 =	simm.s32 @!p2 $0x3;
	[sflag:s19] =	ssyncadd.s32 $0xFFFFC000  }
0x24: {  	s29 =	sshll.u32 s26, $0xA;
	s1 =	simm.s32 $0x0;
	_ =	swait.ge @!p2 [sflag:s0], $0x4000  }
0x25: {  	s13 =	simm.s32 $0x10110;
	s31 =	simm.s32 $0x0;
	[sflag:s0] =	ssyncset.done @!p2 $0x0  }
0x26: {  	s14 =	simm.s32 $0x0;
	s30 =	simm.s32 $0x0;
	[sflag:s0] =	ssyncadd.s32 @!p2 $0xFFFFC000  }
.LBB2_3:
0x27: {  	s0 =	sand.u32 $0x3000, s31;
	s5 =	sand.u32 $0x380, s14  }
0x28: {  	s0 =	sor.u32 s5, s0  }
0x29: {  	v2 =	vld [tilespmem:s0+$0x0]  }
0x2a: {  	v3 =	vld [tilespmem:s0+$0x10]  }
0x2b: {  	v4 =	vld [tilespmem:s0+$0x20]  }
0x2c: {  	v5 =	vld [tilespmem:s0+$0x30]  }
0x2d: {  	v6 =	vld [tilespmem:s0+$0x40]  }
0x2e: {  	v7 =	vld [tilespmem:s0+$0x50]  }
0x2f: {  	v8 =	vld [tilespmem:s0+$0x60]  }
0x30: {  	v9 =	vld [tilespmem:s0+$0x70];
	[tilespmem:s13+$0xFFFFFEF0] =	vst v2  }
0x31: {  	[tilespmem:s13+$0xFFFFFF00] =	vst v3  }
0x32: {  	[tilespmem:s13+$0xFFFFFF10] =	vst v4  }
0x33: {  	[tilespmem:s13+$0xFFFFFF20] =	vst v5  }
0x34: {  	[tilespmem:s13+$0xFFFFFF30] =	vst v6  }
0x35: {  	[tilespmem:s13+$0xFFFFFF40] =	vst v7  }
0x36: {  	[tilespmem:s13+$0xFFFFFF50] =	vst v8  }
0x37: {  	[tilespmem:s13+$0xFFFFFF60] =	vst v9  }
0x38: {  	v2 =	vld [tilespmem:s0+$0x400]  }
0x39: {  	v3 =	vld [tilespmem:s0+$0x410]  }
0x3a: {  	v4 =	vld [tilespmem:s0+$0x420]  }
0x3b: {  	v5 =	vld [tilespmem:s0+$0x430]  }
0x3c: {  	s28 =	sand.u32 $0x3FFFFF80, s1;
	s6 =	sshra.s32 s30, $0x2;
	v6 =	vld [tilespmem:s0+$0x440]  }
0x3d: {  	s5 =	sadd.s32 s6, s28;
	v7 =	vld [tilespmem:s0+$0x450]  }
0x3e: {  	s5 =	sadd.s32 $0x10000, s5;
	v8 =	vld [tilespmem:s0+$0x460]  }
0x3f: {  	v9 =	vld [tilespmem:s0+$0x470];
	[tilespmem:s5+$0x80] =	vst v2  }
0x40: {  	[tilespmem:s13+$0xFFFFFF80] =	vst v3  }
0x41: {  	[tilespmem:s13+$0xFFFFFF90] =	vst v4  }
0x42: {  	[tilespmem:s13+$0xFFFFFFA0] =	vst v5  }
0x43: {  	[tilespmem:s13+$0xFFFFFFB0] =	vst v6  }
0x44: {  	[tilespmem:s13+$0xFFFFFFC0] =	vst v7  }
0x45: {  	[tilespmem:s13+$0xFFFFFFD0] =	vst v8  }
0x46: {  	[tilespmem:s13+$0xFFFFFFE0] =	vst v9  }
0x47: {  	v2 =	vld [tilespmem:s0+$0x800]  }
0x48: {  	v3 =	vld [tilespmem:s0+$0x810]  }
0x49: {  	v4 =	vld [tilespmem:s0+$0x820]  }
0x4a: {  	v5 =	vld [tilespmem:s0+$0x830]  }
0x4b: {  	v6 =	vld [tilespmem:s0+$0x840]  }
0x4c: {  	v7 =	vld [tilespmem:s0+$0x850]  }
0x4d: {  	v8 =	vld [tilespmem:s0+$0x860]  }
0x4e: {  	v9 =	vld [tilespmem:s0+$0x870];
	[tilespmem:s5+$0x100] =	vst v2  }
0x4f: {  	[tilespmem:s13+$0x0] =	vst v3  }
0x50: {  	[tilespmem:s13+$0x10] =	vst v4  }
0x51: {  	[tilespmem:s13+$0x20] =	vst v5  }
0x52: {  	[tilespmem:s13+$0x30] =	vst v6  }
0x53: {  	[tilespmem:s13+$0x40] =	vst v7  }
0x54: {  	[tilespmem:s13+$0x50] =	vst v8  }
0x55: {  	[tilespmem:s13+$0x60] =	vst v9  }
0x56: {  	v2 =	vld [tilespmem:s0+$0xC00]  }
0x57: {  	v3 =	vld [tilespmem:s0+$0xC10]  }
0x58: {  	v4 =	vld [tilespmem:s0+$0xC20]  }
0x59: {  	v5 =	vld [tilespmem:s0+$0xC30]  }
0x5a: {  	v6 =	vld [tilespmem:s0+$0xC40]  }
0x5b: {  	v7 =	vld [tilespmem:s0+$0xC50]  }
0x5c: {  	v8 =	vld [tilespmem:s0+$0xC60]  }
0x5d: {  	v9 =	vld [tilespmem:s0+$0xC70];
	[tilespmem:s5+$0x180] =	vst v2  }
0x5e: {  	[tilespmem:s13+$0x80] =	vst v3  }
0x5f: {  	p3 =	sne.s32 s30, $0x7C;
	[tilespmem:s13+$0x90] =	vst v4  }
.Ltmp2:
0x60: {  	[tilespmem:s13+$0xA0] =	vst v5;
	(pc) =	sbr.rel @p3 .LBB2_3-.Ltmp2, $4  }
0x61: {  	[tilespmem:s13+$0xB0] =	vst v6  }
0x62: {  	[tilespmem:s13+$0xC0] =	vst v7  }
0x63: {  	s14 =	sadd.s32 $0x80, s14;
	s31 =	sadd.s32 $0x200, s31;
	[tilespmem:s13+$0xD0] =	vst v8  }
0x64: {  	s1 =	sadd.s32 $0x201, s1;
	s30 =	sadd.s32 $0x4, s30;
	[tilespmem:s13+$0xE0] =	vst v9;
	s13 =	sadd.s32 $0x201, s13  }
0x65: {  	s0 =	simm.s32 $0x2  }
0x66: {  	s1 =	simm.s32 $0x1;
	v2 =	vadd.s32 s0, v1  }
0x67: {  	s5 =	simm.s32 $0x0;
	v3 =	vadd.s32 s1, v0  }
0x68: {  	s11 =	simm.s32 $0x3;
	v4 =	vadd.s32 s5, v0  }
0x69: {  	v9 =	vadd.s32 s11, v0  }
0x6a: {  	v7 =	vadd.s32 s1, v1  }
0x6b: {  	v8 =	vadd.s32 s5, v1;
	v2 =	vld.idx.msk [tilespmem:v2+s20+$0x0], $0xffff  }
0x6c: {  	v10 =	vadd.s32 s0, v0;
	v5 =	vld.idx.msk [tilespmem:v3+s20+$0x0], $0xffff  }
0x6d: {  	v6 =	vld.idx.msk [tilespmem:v4+s20+$0x0], $0xffff  }
0x6e: {  	s31 =	simm.s32 $0x60;
	v3 =	vld.idx.msk [tilespmem:v9+s20+$0x0], $0xffff;
	v9 =	vadd.s32 s11, v1  }
0x6f: {  	s13 =	simm.s32 $0x7;
	s6 =	simm.s32 $0x20;
	s30 =	simm.s32 $0x40;
	v4 =	vld.idx.msk [tilespmem:v7+s20+$0x0], $0xffff  }
0x70: {  	s15 =	simm.s32 $0x4;
	s14 =	simm.s32 $0x8040;
	s1 =	simm.s32 $0x8040;
	v7 =	vld.idx.msk [tilespmem:v8+s20+$0x0], $0xffff  }
0x71: {  	s5 =	simm.s32 $0xB;
	s0 =	simm.s32 $0x60;
	s11 =	simm.s32 $0x5;
	v8 =	vld.idx.msk [tilespmem:v10+s20+$0x0], $0xffff  }
.LBB2_5:
0x72: {  	s31 =	sadd.s32 $0x80, s31  }
0x73: {  	v10 =	vadd.s32 s15, v0;
	v11 =	vadd.s32 s15, v1;
	v12 =	vadd.s32 s11, v0;
	v9 =	vld.idx.msk [tilespmem:v9+s20+$0x0], $0xffff;
	s1 =	sadd.s32 $0x80, s1;
	s15 =	smov.u32 s5;
	s28 =	sadd.s32 $0x4, s5  }
0x74: {  	p3 =	sne.s32 s5, $0x1FF;
	s5 =	sadd.s32 $0xFFFFFFC0, s31;
	s2 =	sadd.s32 $0xFFFFFFE0, s31;
	[tilespmem:s14+$0xFFFFFFC0] =	vst v6  }
0x75: {  	v13 =	vadd.s32 s11, v1;
	s11 =	sor.u32 $0x30, s6;
	[tilespmem:s14+$0xFFFFFFE0] =	vst v5;
	s6 =	smov.u32 s5  }
0x76: {  	s5 =	sadd.s32 $0xFFFFFFFF, s13;
	[tilespmem:s14+$0xFFFFFFD0] =	vst v7  }
0x77: {  	v5 =	vadd.s32 s5, v1;
	[tilespmem:s11+$0x8000] =	vst v4;
	s11 =	sor.u32 $0x50, s30;
	s30 =	smov.u32 s2  }
0x78: {  	[tilespmem:s14+$0x0] =	vst v8  }
0x79: {  	s2 =	sor.u32 $0x70, s0;
	s0 =	smov.u32 s31;
	[tilespmem:s11+$0x8000] =	vst v2  }
0x7a: {  	[tilespmem:s14+$0x20] =	vst v3;
	s14 =	smov.u32 s1  }
0x7b: {  	[tilespmem:s2+$0x8000] =	vst v9  }
0x7c: {  	v3 =	vadd.s32 s13, v0;
	v2 =	vld.idx.msk [tilespmem:v5+s20+$0x0], $0xffff  }
0x7d: {  	v8 =	vadd.s32 s5, v0;
	v5 =	vld.idx.msk [tilespmem:v12+s20+$0x0], $0xffff  }
.Ltmp3:
0x7e: {  	v9 =	vadd.s32 s13, v1;
	s13 =	smov.u32 s15;
	v6 =	vld.idx.msk [tilespmem:v10+s20+$0x0], $0xffff;
	(pc) =	sbr.rel @p3 .LBB2_5-.Ltmp3, $4  }
0x7f: {  	v4 =	vld.idx.msk [tilespmem:v13+s20+$0x0], $0xffff  }
0x80: {  	v7 =	vld.idx.msk [tilespmem:v11+s20+$0x0], $0xffff  }
0x81: {  	v3 =	vld.idx.msk [tilespmem:v3+s20+$0x0], $0xffff  }
0x82: {  	s5 =	smov.u32 s28;
	s15 =	sadd.s32 $0xFFFFFFFD, s13;
	s11 =	sadd.s32 $0xFFFFFFFE, s13;
	v8 =	vld.idx.msk [tilespmem:v8+s20+$0x0], $0xffff  }
0x83: {  	_ =	sdelay $0x3  }
0x84: {  	v9 =	vld.idx.msk [tilespmem:v9+s20+$0x0], $0xffff;
	[tilespmem:s14+$0xFFFFFFC0] =	vst v6  }
0x85: {  	[tilespmem:s14+$0xFFFFFFE0] =	vst v5  }
0x86: {  	s2 =	sor.u32 $0x30, s6;
	s5 =	sadd.s32 $0xFFFFFFFF, s13;
	[tilespmem:s14+$0xFFFFFFD0] =	vst v7  }
0x87: {  	v58 =	vadd.s32 s5, v1;
	[tilespmem:s2+$0x8000] =	vst v4  }
0x88: {  	v59 =	vadd.s32 s11, v0;
	s6 =	sor.u32 $0x50, s30;
	[tilespmem:s14+$0x0] =	vst v8  }
0x89: {  	v60 =	vadd.s32 s15, v0;
	[tilespmem:s6+$0x8000] =	vst v2  }
0x8a: {  	s0 =	sor.u32 $0x70, s0;
	v61 =	vadd.s32 s13, v0;
	[tilespmem:s14+$0x20] =	vst v3  }
0x8b: {  	v3 =	vadd.s32 s15, v1;
	[tilespmem:s0+$0x8000] =	vst v9  }
0x8c: {  	v2 =	vadd.s32 s11, v1;
	v5 =	vld.idx.msk [tilespmem:v58+s20+$0x0], $0xffff  }
0x8d: {  	v62 =	vadd.s32 s5, v0;
	v4 =	vld.idx.msk [tilespmem:v59+s20+$0x0], $0xffff  }
0x8e: {  	v63 =	vadd.s32 s13, v1;
	v6 =	vld.idx.msk [tilespmem:v60+s20+$0x0], $0xffff  }
0x8f: {  	v7 =	vld.idx.msk [tilespmem:v61+s20+$0x0], $0xffff  }
0x90: {  	v3 =	vld.idx.msk [tilespmem:v3+s20+$0x0], $0xffff  }
0x91: {  	v2 =	vld.idx.msk [tilespmem:v2+s20+$0x0], $0xffff  }
0x92: {  	s28 =	sadd.s32 $0x80, s1;
	v8 =	vld.idx.msk [tilespmem:v62+s20+$0x0], $0xffff  }
0x93: {  	s6 =	sadd.s32 $0x80, s31;
	v9 =	vld.idx.msk [tilespmem:v63+s20+$0x0], $0xffff;
	[tilespmem:s28+$0xFFFFFFC0] =	vst v6  }
0x94: {  	s11 =	sadd.s32 $0xFFFFFFC0, s6;
	[tilespmem:s28+$0xFFFFFFE0] =	vst v4  }
0x95: {  	s2 =	sor.u32 $0x30, s11;
	[tilespmem:s28+$0xFFFFFFD0] =	vst v3  }
0x96: {  	s13 =	sadd.s32 $0xFFFFFFE0, s6;
	[tilespmem:s2+$0x8000] =	vst v2  }
0x97: {  	s14 =	sor.u32 $0x50, s13;
	[tilespmem:s28+$0x0] =	vst v8  }
0x98: {  	[tilespmem:s14+$0x8000] =	vst v5  }
0x99: {  	s1 =	sor.u32 $0x70, s6;
	s15 =	sshll.u32 s26, $0xC;
	[tilespmem:s28+$0x20] =	vst v7  }
0x9a: {  	s0 =	sadd.s32 s15, s7;
	[tilespmem:s1+$0x8000] =	vst v9  }
0x9b: {  	[hbm4b:s0+s3] =	stream.linear.scatter [tilespmem:s21], [sflag:$0x3], $0x4000, $0x38;
	[tilespmem:$0x17880] =	vst v63  }
0x9c: {  	s28 =	sadd.s32 s29, s8  }
0x9d: {  	[tilespmem:s3], [sflag:$0x1] =	stream.strided.gather [hbm4b:s28+s16], $0x4000, s17, s16, $0x38;
	[tilespmem:$0x17880] =	vst v63  }
0x9e: {  	_ =	swait.ge [sflag:s22], $0x4000  }
0x9f: {  	[sflag:s22] =	ssyncset.done $0x0  }
0xa0: {  	s0 =	simm.s32 @!p2 $0x4;
	[sflag:s22] =	ssyncadd.s32 $0xFFFFC000  }
0xa1: {  	s30 =	simm.s32 $0x0;
	_ =	swait.ge @!p2 [sflag:s0], $0x4000  }
0xa2: {  	s31 =	simm.s32 $0x0;
	s13 =	simm.s32 $0x10110;
	[sflag:s0] =	ssyncset.done @!p2 $0x0  }
0xa3: {  	s14 =	simm.s32 $0x0;
	s1 =	simm.s32 $0x0;
	[sflag:s0] =	ssyncadd.s32 @!p2 $0xFFFFC000  }
.LBB2_7:
0xa4: {  	s0 =	sand.u32 $0x3000, s31;
	s2 =	sand.u32 $0x380, s14  }
0xa5: {  	s0 =	sor.u32 s2, s0  }
0xa6: {  	v2 =	vld [tilespmem:s0+$0x4000]  }
0xa7: {  	v3 =	vld [tilespmem:s0+$0x4010]  }
0xa8: {  	v4 =	vld [tilespmem:s0+$0x4020]  }
0xa9: {  	v5 =	vld [tilespmem:s0+$0x4030]  }
0xaa: {  	v6 =	vld [tilespmem:s0+$0x4040]  }
0xab: {  	v7 =	vld [tilespmem:s0+$0x4050]  }
0xac: {  	v8 =	vld [tilespmem:s0+$0x4060]  }
0xad: {  	v9 =	vld [tilespmem:s0+$0x4070];
	[tilespmem:s13+$0xFFFFFEF0] =	vst v2  }
0xae: {  	[tilespmem:s13+$0xFFFFFF00] =	vst v3  }
0xaf: {  	[tilespmem:s13+$0xFFFFFF10] =	vst v4  }
0xb0: {  	[tilespmem:s13+$0xFFFFFF20] =	vst v5  }
0xb1: {  	[tilespmem:s13+$0xFFFFFF30] =	vst v6  }
0xb2: {  	[tilespmem:s13+$0xFFFFFF40] =	vst v7  }
0xb3: {  	[tilespmem:s13+$0xFFFFFF50] =	vst v8  }
0xb4: {  	[tilespmem:s13+$0xFFFFFF60] =	vst v9  }
0xb5: {  	v2 =	vld [tilespmem:s0+$0x4400]  }
0xb6: {  	v3 =	vld [tilespmem:s0+$0x4410]  }
0xb7: {  	v4 =	vld [tilespmem:s0+$0x4420]  }
0xb8: {  	v5 =	vld [tilespmem:s0+$0x4430]  }
0xb9: {  	s28 =	sand.u32 $0x3FFFFF80, s1;
	s5 =	sshra.s32 s30, $0x2;
	v6 =	vld [tilespmem:s0+$0x4440]  }
0xba: {  	s2 =	sadd.s32 s5, s28;
	v7 =	vld [tilespmem:s0+$0x4450]  }
0xbb: {  	s2 =	sadd.s32 $0x10000, s2;
	v8 =	vld [tilespmem:s0+$0x4460]  }
0xbc: {  	v9 =	vld [tilespmem:s0+$0x4470];
	[tilespmem:s2+$0x80] =	vst v2  }
0xbd: {  	[tilespmem:s13+$0xFFFFFF80] =	vst v3  }
0xbe: {  	[tilespmem:s13+$0xFFFFFF90] =	vst v4  }
0xbf: {  	[tilespmem:s13+$0xFFFFFFA0] =	vst v5  }
0xc0: {  	[tilespmem:s13+$0xFFFFFFB0] =	vst v6  }
0xc1: {  	[tilespmem:s13+$0xFFFFFFC0] =	vst v7  }
0xc2: {  	[tilespmem:s13+$0xFFFFFFD0] =	vst v8  }
0xc3: {  	[tilespmem:s13+$0xFFFFFFE0] =	vst v9  }
0xc4: {  	v2 =	vld [tilespmem:s0+$0x4800]  }
0xc5: {  	v3 =	vld [tilespmem:s0+$0x4810]  }
0xc6: {  	v4 =	vld [tilespmem:s0+$0x4820]  }
0xc7: {  	v5 =	vld [tilespmem:s0+$0x4830]  }
0xc8: {  	v6 =	vld [tilespmem:s0+$0x4840]  }
0xc9: {  	v7 =	vld [tilespmem:s0+$0x4850]  }
0xca: {  	v8 =	vld [tilespmem:s0+$0x4860]  }
0xcb: {  	v9 =	vld [tilespmem:s0+$0x4870];
	[tilespmem:s2+$0x100] =	vst v2  }
0xcc: {  	[tilespmem:s13+$0x0] =	vst v3  }
0xcd: {  	[tilespmem:s13+$0x10] =	vst v4  }
0xce: {  	[tilespmem:s13+$0x20] =	vst v5  }
0xcf: {  	[tilespmem:s13+$0x30] =	vst v6  }
0xd0: {  	[tilespmem:s13+$0x40] =	vst v7  }
0xd1: {  	[tilespmem:s13+$0x50] =	vst v8  }
0xd2: {  	[tilespmem:s13+$0x60] =	vst v9  }
0xd3: {  	v2 =	vld [tilespmem:s0+$0x4C00]  }
0xd4: {  	v3 =	vld [tilespmem:s0+$0x4C10]  }
0xd5: {  	v4 =	vld [tilespmem:s0+$0x4C20]  }
0xd6: {  	v5 =	vld [tilespmem:s0+$0x4C30]  }
0xd7: {  	v6 =	vld [tilespmem:s0+$0x4C40]  }
0xd8: {  	v7 =	vld [tilespmem:s0+$0x4C50]  }
0xd9: {  	v8 =	vld [tilespmem:s0+$0x4C60]  }
0xda: {  	v9 =	vld [tilespmem:s0+$0x4C70];
	[tilespmem:s2+$0x180] =	vst v2  }
0xdb: {  	[tilespmem:s13+$0x80] =	vst v3  }
0xdc: {  	p2 =	sne.s32 s30, $0x7C;
	[tilespmem:s13+$0x90] =	vst v4  }
.Ltmp4:
0xdd: {  	[tilespmem:s13+$0xA0] =	vst v5;
	(pc) =	sbr.rel @p2 .LBB2_7-.Ltmp4, $4  }
0xde: {  	[tilespmem:s13+$0xB0] =	vst v6  }
0xdf: {  	[tilespmem:s13+$0xC0] =	vst v7  }
0xe0: {  	s14 =	sadd.s32 $0x80, s14;
	s31 =	sadd.s32 $0x200, s31;
	[tilespmem:s13+$0xD0] =	vst v8  }
0xe1: {  	s1 =	sadd.s32 $0x201, s1;
	s30 =	sadd.s32 $0x4, s30;
	[tilespmem:s13+$0xE0] =	vst v9;
	s13 =	sadd.s32 $0x201, s13  }
0xe2: {  	s0 =	simm.s32 $0x2  }
0xe3: {  	s1 =	simm.s32 $0x1;
	v2 =	vadd.s32 s0, v1  }
0xe4: {  	s2 =	simm.s32 $0x0;
	v3 =	vadd.s32 s1, v0  }
0xe5: {  	s11 =	simm.s32 $0x3;
	v4 =	vadd.s32 s2, v0  }
0xe6: {  	v9 =	vadd.s32 s11, v0  }
0xe7: {  	v7 =	vadd.s32 s1, v1  }
0xe8: {  	v8 =	vadd.s32 s2, v1;
	v2 =	vld.idx.msk [tilespmem:v2+s20+$0x0], $0xffff  }
0xe9: {  	v10 =	vadd.s32 s0, v0;
	v5 =	vld.idx.msk [tilespmem:v3+s20+$0x0], $0xffff  }
0xea: {  	v6 =	vld.idx.msk [tilespmem:v4+s20+$0x0], $0xffff  }
0xeb: {  	s31 =	simm.s32 $0x60;
	v3 =	vld.idx.msk [tilespmem:v9+s20+$0x0], $0xffff;
	v9 =	vadd.s32 s11, v1  }
0xec: {  	s13 =	simm.s32 $0x7;
	s5 =	simm.s32 $0xB;
	s6 =	simm.s32 $0x20;
	v4 =	vld.idx.msk [tilespmem:v7+s20+$0x0], $0xffff  }
0xed: {  	s30 =	simm.s32 $0x40;
	s15 =	simm.s32 $0x4;
	s14 =	simm.s32 $0xC040;
	v7 =	vld.idx.msk [tilespmem:v8+s20+$0x0], $0xffff  }
0xee: {  	s1 =	simm.s32 $0xC040;
	s0 =	simm.s32 $0x60;
	s11 =	simm.s32 $0x5;
	v8 =	vld.idx.msk [tilespmem:v10+s20+$0x0], $0xffff  }
.LBB2_9:
0xef: {  	s31 =	sadd.s32 $0x80, s31  }
0xf0: {  	v10 =	vadd.s32 s15, v0;
	v11 =	vadd.s32 s15, v1;
	v12 =	vadd.s32 s11, v0;
	v9 =	vld.idx.msk [tilespmem:v9+s20+$0x0], $0xffff;
	s1 =	sadd.s32 $0x80, s1;
	s2 =	smov.u32 s5;
	s28 =	sadd.s32 $0x4, s5  }
0xf1: {  	p2 =	sne.s32 s5, $0x1FF;
	s5 =	sadd.s32 $0xFFFFFFC0, s31;
	s15 =	sadd.s32 $0xFFFFFFE0, s31;
	[tilespmem:s14+$0xFFFFFFC0] =	vst v6  }
0xf2: {  	v13 =	vadd.s32 s11, v1;
	s11 =	sor.u32 $0x30, s6;
	[tilespmem:s14+$0xFFFFFFE0] =	vst v5;
	s6 =	smov.u32 s5  }
0xf3: {  	s5 =	sadd.s32 $0xFFFFFFFF, s13;
	[tilespmem:s14+$0xFFFFFFD0] =	vst v7  }
0xf4: {  	v5 =	vadd.s32 s5, v1;
	[tilespmem:s11+$0xC000] =	vst v4;
	s11 =	sor.u32 $0x50, s30;
	s30 =	smov.u32 s15  }
0xf5: {  	[tilespmem:s14+$0x0] =	vst v8  }
0xf6: {  	[tilespmem:s11+$0xC000] =	vst v2;
	s11 =	sor.u32 $0x70, s0;
	s0 =	smov.u32 s31  }
0xf7: {  	[tilespmem:s14+$0x20] =	vst v3;
	s14 =	smov.u32 s1  }
0xf8: {  	[tilespmem:s11+$0xC000] =	vst v9  }
0xf9: {  	v3 =	vadd.s32 s13, v0;
	v2 =	vld.idx.msk [tilespmem:v5+s20+$0x0], $0xffff  }
0xfa: {  	v8 =	vadd.s32 s5, v0;
	v5 =	vld.idx.msk [tilespmem:v12+s20+$0x0], $0xffff  }
.Ltmp5:
0xfb: {  	v9 =	vadd.s32 s13, v1;
	s13 =	smov.u32 s2;
	v6 =	vld.idx.msk [tilespmem:v10+s20+$0x0], $0xffff;
	(pc) =	sbr.rel @p2 .LBB2_9-.Ltmp5, $4  }
0xfc: {  	v4 =	vld.idx.msk [tilespmem:v13+s20+$0x0], $0xffff  }
0xfd: {  	v7 =	vld.idx.msk [tilespmem:v11+s20+$0x0], $0xffff  }
0xfe: {  	v3 =	vld.idx.msk [tilespmem:v3+s20+$0x0], $0xffff  }
0xff: {  	s5 =	smov.u32 s28;
	s15 =	sadd.s32 $0xFFFFFFFD, s13;
	s11 =	sadd.s32 $0xFFFFFFFE, s13;
	v8 =	vld.idx.msk [tilespmem:v8+s20+$0x0], $0xffff  }
0x100: {  	_ =	sdelay $0x3  }
0x101: {  	v9 =	vld.idx.msk [tilespmem:v9+s20+$0x0], $0xffff;
	[tilespmem:s14+$0xFFFFFFC0] =	vst v6  }
0x102: {  	[tilespmem:s14+$0xFFFFFFE0] =	vst v5  }
0x103: {  	s2 =	sor.u32 $0x30, s6;
	s5 =	sadd.s32 $0xFFFFFFFF, s13;
	[tilespmem:s14+$0xFFFFFFD0] =	vst v7  }
0x104: {  	v58 =	vadd.s32 s5, v1;
	[tilespmem:s2+$0xC000] =	vst v4  }
0x105: {  	v59 =	vadd.s32 s11, v0;
	s30 =	sor.u32 $0x50, s30;
	[tilespmem:s14+$0x0] =	vst v8  }
0x106: {  	v60 =	vadd.s32 s15, v0;
	[tilespmem:s30+$0xC000] =	vst v2  }
0x107: {  	s0 =	sor.u32 $0x70, s0;
	v61 =	vadd.s32 s13, v0;
	[tilespmem:s14+$0x20] =	vst v3  }
0x108: {  	v3 =	vadd.s32 s15, v1;
	[tilespmem:s0+$0xC000] =	vst v9  }
0x109: {  	v2 =	vadd.s32 s11, v1;
	v5 =	vld.idx.msk [tilespmem:v58+s20+$0x0], $0xffff  }
0x10a: {  	v62 =	vadd.s32 s5, v0;
	v4 =	vld.idx.msk [tilespmem:v59+s20+$0x0], $0xffff  }
0x10b: {  	v63 =	vadd.s32 s13, v1;
	v6 =	vld.idx.msk [tilespmem:v60+s20+$0x0], $0xffff  }
0x10c: {  	v7 =	vld.idx.msk [tilespmem:v61+s20+$0x0], $0xffff  }
0x10d: {  	v3 =	vld.idx.msk [tilespmem:v3+s20+$0x0], $0xffff  }
0x10e: {  	v2 =	vld.idx.msk [tilespmem:v2+s20+$0x0], $0xffff  }
0x10f: {  	s6 =	sadd.s32 $0x80, s1;
	v8 =	vld.idx.msk [tilespmem:v62+s20+$0x0], $0xffff  }
0x110: {  	s11 =	sadd.s32 $0x80, s31;
	v9 =	vld.idx.msk [tilespmem:v63+s20+$0x0], $0xffff;
	[tilespmem:s6+$0xFFFFFFC0] =	vst v6  }
0x111: {  	s13 =	sadd.s32 $0xFFFFFFC0, s11;
	[tilespmem:s6+$0xFFFFFFE0] =	vst v4  }
0x112: {  	s2 =	sor.u32 $0x30, s13;
	[tilespmem:s6+$0xFFFFFFD0] =	vst v3  }
0x113: {  	p2 =	seq.s32 s26, $0x1D;
	s14 =	sadd.s32 $0xFFFFFFE0, s11;
	[tilespmem:s2+$0xC000] =	vst v2  }
.Ltmp6:
0x114: {  	s28 =	sadd.s32 s29, s9;
	s15 =	sor.u32 $0x50, s14;
	[tilespmem:s6+$0x0] =	vst v8;
	(pc) =	sbr.rel @p2 .LBB2_12-.Ltmp6, $4  }
0x115: {  	s30 =	sshll.u32 s28, $0x2;
	[tilespmem:s15+$0xC000] =	vst v5  }
0x116: {  	s1 =	sor.u32 $0x70, s11;
	s31 =	sand.u32 $0x1FFFFE00, s30;
	[tilespmem:s6+$0x20] =	vst v7  }
0x117: {  	s0 =	sadd.s32 s4, s31;
	[tilespmem:s1+$0xC000] =	vst v9  }
0x118: {  	[hbm4b:s0+s3] =	stream.linear.scatter [tilespmem:s23], [sflag:$0x4], $0x4000, $0x38;
	[tilespmem:$0x17880] =	vst v63  }
.Ltmp7:
0x119: {  	(pc) =	sbr.rel .LBB2_2-.Ltmp7, $3  }
0x11a: {  	_ =	sdelay $0x1  }
0x11b: {  	s0 =	sadd.s32 s29, s10;
	s26 =	sadd.s32 $0x1, s26  }
0x11c: {  	[tilespmem:s18], [sflag:$0x2] =	stream.strided.gather [hbm4b:s0+s16], $0x4000, s17, s16, $0x38;
	[tilespmem:$0x17880] =	vst v63  }
.LBB2_12:
0x11d: {  	_ =	swait.ge [sflag:s19], $0x4000  }
0x11e: {  	[sflag:s19] =	ssyncset.done $0x0  }
0x11f: {  	[sflag:s19] =	ssyncadd.s32 $0xFFFFC000  }
0x120: {  	s1 =	simm.s32 $0x0;
	_ =	swait.ge [sflag:s24], $0x4000  }
0x121: {  	s13 =	simm.s32 $0x10110;
	s26 =	simm.s32 $0x0;
	[sflag:s24] =	ssyncset.done $0x0  }
0x122: {  	s14 =	simm.s32 $0x0;
	s29 =	simm.s32 $0x0;
	[sflag:s24] =	ssyncadd.s32 $0xFFFFC000  }
.LBB2_13:
0x123: {  	s0 =	sand.u32 $0x3000, s26;
	s2 =	sand.u32 $0x380, s14  }
0x124: {  	s0 =	sor.u32 s2, s0  }
0x125: {  	v2 =	vld [tilespmem:s0+$0x0]  }
0x126: {  	v3 =	vld [tilespmem:s0+$0x10]  }
0x127: {  	v4 =	vld [tilespmem:s0+$0x20]  }
0x128: {  	v5 =	vld [tilespmem:s0+$0x30]  }
0x129: {  	v6 =	vld [tilespmem:s0+$0x40]  }
0x12a: {  	v7 =	vld [tilespmem:s0+$0x50]  }
0x12b: {  	v8 =	vld [tilespmem:s0+$0x60]  }
0x12c: {  	v9 =	vld [tilespmem:s0+$0x70];
	[tilespmem:s13+$0xFFFFFEF0] =	vst v2  }
0x12d: {  	[tilespmem:s13+$0xFFFFFF00] =	vst v3  }
0x12e: {  	[tilespmem:s13+$0xFFFFFF10] =	vst v4  }
0x12f: {  	[tilespmem:s13+$0xFFFFFF20] =	vst v5  }
0x130: {  	[tilespmem:s13+$0xFFFFFF30] =	vst v6  }
0x131: {  	[tilespmem:s13+$0xFFFFFF40] =	vst v7  }
0x132: {  	[tilespmem:s13+$0xFFFFFF50] =	vst v8  }
0x133: {  	[tilespmem:s13+$0xFFFFFF60] =	vst v9  }
0x134: {  	v2 =	vld [tilespmem:s0+$0x400]  }
0x135: {  	v3 =	vld [tilespmem:s0+$0x410]  }
0x136: {  	v4 =	vld [tilespmem:s0+$0x420]  }
0x137: {  	v5 =	vld [tilespmem:s0+$0x430]  }
0x138: {  	s31 =	sand.u32 $0x3FFFFF80, s1;
	s5 =	sshra.s32 s29, $0x2;
	v6 =	vld [tilespmem:s0+$0x440]  }
0x139: {  	s2 =	sadd.s32 s5, s31;
	v7 =	vld [tilespmem:s0+$0x450]  }
0x13a: {  	s2 =	sadd.s32 $0x10000, s2;
	v8 =	vld [tilespmem:s0+$0x460]  }
0x13b: {  	v9 =	vld [tilespmem:s0+$0x470];
	[tilespmem:s2+$0x80] =	vst v2  }
0x13c: {  	[tilespmem:s13+$0xFFFFFF80] =	vst v3  }
0x13d: {  	[tilespmem:s13+$0xFFFFFF90] =	vst v4  }
0x13e: {  	[tilespmem:s13+$0xFFFFFFA0] =	vst v5  }
0x13f: {  	[tilespmem:s13+$0xFFFFFFB0] =	vst v6  }
0x140: {  	[tilespmem:s13+$0xFFFFFFC0] =	vst v7  }
0x141: {  	[tilespmem:s13+$0xFFFFFFD0] =	vst v8  }
0x142: {  	[tilespmem:s13+$0xFFFFFFE0] =	vst v9  }
0x143: {  	v2 =	vld [tilespmem:s0+$0x800]  }
0x144: {  	v3 =	vld [tilespmem:s0+$0x810]  }
0x145: {  	v4 =	vld [tilespmem:s0+$0x820]  }
0x146: {  	v5 =	vld [tilespmem:s0+$0x830]  }
0x147: {  	v6 =	vld [tilespmem:s0+$0x840]  }
0x148: {  	v7 =	vld [tilespmem:s0+$0x850]  }
0x149: {  	v8 =	vld [tilespmem:s0+$0x860]  }
0x14a: {  	v9 =	vld [tilespmem:s0+$0x870];
	[tilespmem:s2+$0x100] =	vst v2  }
0x14b: {  	[tilespmem:s13+$0x0] =	vst v3  }
0x14c: {  	[tilespmem:s13+$0x10] =	vst v4  }
0x14d: {  	[tilespmem:s13+$0x20] =	vst v5  }
0x14e: {  	[tilespmem:s13+$0x30] =	vst v6  }
0x14f: {  	[tilespmem:s13+$0x40] =	vst v7  }
0x150: {  	[tilespmem:s13+$0x50] =	vst v8  }
0x151: {  	[tilespmem:s13+$0x60] =	vst v9  }
0x152: {  	v2 =	vld [tilespmem:s0+$0xC00]  }
0x153: {  	v3 =	vld [tilespmem:s0+$0xC10]  }
0x154: {  	v4 =	vld [tilespmem:s0+$0xC20]  }
0x155: {  	v5 =	vld [tilespmem:s0+$0xC30]  }
0x156: {  	v6 =	vld [tilespmem:s0+$0xC40]  }
0x157: {  	v7 =	vld [tilespmem:s0+$0xC50]  }
0x158: {  	v8 =	vld [tilespmem:s0+$0xC60]  }
0x159: {  	v9 =	vld [tilespmem:s0+$0xC70];
	[tilespmem:s2+$0x180] =	vst v2  }
0x15a: {  	[tilespmem:s13+$0x80] =	vst v3  }
0x15b: {  	p2 =	sne.s32 s29, $0x7C;
	[tilespmem:s13+$0x90] =	vst v4  }
.Ltmp8:
0x15c: {  	[tilespmem:s13+$0xA0] =	vst v5;
	(pc) =	sbr.rel @p2 .LBB2_13-.Ltmp8, $4  }
0x15d: {  	[tilespmem:s13+$0xB0] =	vst v6  }
0x15e: {  	[tilespmem:s13+$0xC0] =	vst v7  }
0x15f: {  	s14 =	sadd.s32 $0x80, s14;
	s26 =	sadd.s32 $0x200, s26;
	[tilespmem:s13+$0xD0] =	vst v8  }
0x160: {  	s1 =	sadd.s32 $0x201, s1;
	s29 =	sadd.s32 $0x4, s29;
	[tilespmem:s13+$0xE0] =	vst v9;
	s13 =	sadd.s32 $0x201, s13  }
0x161: {  	s0 =	simm.s32 $0x2  }
0x162: {  	s1 =	simm.s32 $0x1;
	v2 =	vadd.s32 s0, v1  }
0x163: {  	s2 =	simm.s32 $0x0;
	v3 =	vadd.s32 s1, v0  }
0x164: {  	s11 =	simm.s32 $0x3;
	v4 =	vadd.s32 s2, v0  }
0x165: {  	v9 =	vadd.s32 s11, v0  }
0x166: {  	v7 =	vadd.s32 s1, v1  }
0x167: {  	v8 =	vadd.s32 s2, v1;
	v2 =	vld.idx.msk [tilespmem:v2+s20+$0x0], $0xffff  }
0x168: {  	v10 =	vadd.s32 s0, v0;
	v5 =	vld.idx.msk [tilespmem:v3+s20+$0x0], $0xffff  }
0x169: {  	v6 =	vld.idx.msk [tilespmem:v4+s20+$0x0], $0xffff  }
0x16a: {  	s26 =	simm.s32 $0x60;
	v3 =	vld.idx.msk [tilespmem:v9+s20+$0x0], $0xffff;
	v9 =	vadd.s32 s11, v1  }
0x16b: {  	s13 =	simm.s32 $0x7;
	s5 =	simm.s32 $0xB;
	s6 =	simm.s32 $0x20;
	v4 =	vld.idx.msk [tilespmem:v7+s20+$0x0], $0xffff  }
0x16c: {  	s29 =	simm.s32 $0x40;
	s15 =	simm.s32 $0x4;
	s14 =	simm.s32 $0x8040;
	v7 =	vld.idx.msk [tilespmem:v8+s20+$0x0], $0xffff  }
0x16d: {  	s1 =	simm.s32 $0x8040;
	s0 =	simm.s32 $0x60;
	s11 =	simm.s32 $0x5;
	v8 =	vld.idx.msk [tilespmem:v10+s20+$0x0], $0xffff  }
.LBB2_15:
0x16e: {  	s26 =	sadd.s32 $0x80, s26  }
0x16f: {  	v10 =	vadd.s32 s15, v0;
	v11 =	vadd.s32 s15, v1;
	v12 =	vadd.s32 s11, v0;
	v9 =	vld.idx.msk [tilespmem:v9+s20+$0x0], $0xffff;
	s1 =	sadd.s32 $0x80, s1;
	s2 =	smov.u32 s5;
	s28 =	sadd.s32 $0x4, s5  }
0x170: {  	p2 =	sne.s32 s5, $0x1FF;
	s5 =	sadd.s32 $0xFFFFFFC0, s26;
	s15 =	sadd.s32 $0xFFFFFFE0, s26;
	[tilespmem:s14+$0xFFFFFFC0] =	vst v6  }
0x171: {  	v13 =	vadd.s32 s11, v1;
	s11 =	sor.u32 $0x30, s6;
	[tilespmem:s14+$0xFFFFFFE0] =	vst v5;
	s6 =	smov.u32 s5  }
0x172: {  	s5 =	sadd.s32 $0xFFFFFFFF, s13;
	[tilespmem:s14+$0xFFFFFFD0] =	vst v7  }
0x173: {  	v5 =	vadd.s32 s5, v1;
	[tilespmem:s11+$0x8000] =	vst v4;
	s11 =	sor.u32 $0x50, s29;
	s29 =	smov.u32 s15  }
0x174: {  	[tilespmem:s14+$0x0] =	vst v8  }
0x175: {  	[tilespmem:s11+$0x8000] =	vst v2;
	s11 =	sor.u32 $0x70, s0;
	s0 =	smov.u32 s26  }
0x176: {  	[tilespmem:s14+$0x20] =	vst v3;
	s14 =	smov.u32 s1  }
0x177: {  	[tilespmem:s11+$0x8000] =	vst v9  }
0x178: {  	v3 =	vadd.s32 s13, v0;
	v2 =	vld.idx.msk [tilespmem:v5+s20+$0x0], $0xffff  }
0x179: {  	v8 =	vadd.s32 s5, v0;
	v5 =	vld.idx.msk [tilespmem:v12+s20+$0x0], $0xffff  }
.Ltmp9:
0x17a: {  	v9 =	vadd.s32 s13, v1;
	s13 =	smov.u32 s2;
	v6 =	vld.idx.msk [tilespmem:v10+s20+$0x0], $0xffff;
	(pc) =	sbr.rel @p2 .LBB2_15-.Ltmp9, $4  }
0x17b: {  	v4 =	vld.idx.msk [tilespmem:v13+s20+$0x0], $0xffff  }
0x17c: {  	v7 =	vld.idx.msk [tilespmem:v11+s20+$0x0], $0xffff  }
0x17d: {  	v3 =	vld.idx.msk [tilespmem:v3+s20+$0x0], $0xffff  }
0x17e: {  	s5 =	smov.u32 s28;
	s15 =	sadd.s32 $0xFFFFFFFD, s13;
	s11 =	sadd.s32 $0xFFFFFFFE, s13;
	v8 =	vld.idx.msk [tilespmem:v8+s20+$0x0], $0xffff  }
0x17f: {  	_ =	sdelay $0x3  }
0x180: {  	v9 =	vld.idx.msk [tilespmem:v9+s20+$0x0], $0xffff;
	[tilespmem:s14+$0xFFFFFFC0] =	vst v6  }
0x181: {  	[tilespmem:s14+$0xFFFFFFE0] =	vst v5  }
0x182: {  	s2 =	sor.u32 $0x30, s6;
	s5 =	sadd.s32 $0xFFFFFFFF, s13;
	[tilespmem:s14+$0xFFFFFFD0] =	vst v7  }
0x183: {  	v58 =	vadd.s32 s5, v1;
	[tilespmem:s2+$0x8000] =	vst v4  }
0x184: {  	v59 =	vadd.s32 s11, v0;
	s6 =	sor.u32 $0x50, s29;
	[tilespmem:s14+$0x0] =	vst v8  }
0x185: {  	v60 =	vadd.s32 s15, v0;
	[tilespmem:s6+$0x8000] =	vst v2  }
0x186: {  	s0 =	sor.u32 $0x70, s0;
	v61 =	vadd.s32 s13, v0;
	[tilespmem:s14+$0x20] =	vst v3  }
0x187: {  	v3 =	vadd.s32 s15, v1;
	[tilespmem:s0+$0x8000] =	vst v9  }
0x188: {  	v2 =	vadd.s32 s11, v1;
	v5 =	vld.idx.msk [tilespmem:v58+s20+$0x0], $0xffff  }
0x189: {  	v62 =	vadd.s32 s5, v0;
	v4 =	vld.idx.msk [tilespmem:v59+s20+$0x0], $0xffff  }
0x18a: {  	v63 =	vadd.s32 s13, v1;
	v6 =	vld.idx.msk [tilespmem:v60+s20+$0x0], $0xffff  }
0x18b: {  	v7 =	vld.idx.msk [tilespmem:v61+s20+$0x0], $0xffff  }
0x18c: {  	v3 =	vld.idx.msk [tilespmem:v3+s20+$0x0], $0xffff  }
0x18d: {  	v2 =	vld.idx.msk [tilespmem:v2+s20+$0x0], $0xffff  }
0x18e: {  	s15 =	sadd.s32 $0x80, s1;
	v8 =	vld.idx.msk [tilespmem:v62+s20+$0x0], $0xffff  }
0x18f: {  	s26 =	sadd.s32 $0x80, s26;
	v9 =	vld.idx.msk [tilespmem:v63+s20+$0x0], $0xffff;
	[tilespmem:s15+$0xFFFFFFC0] =	vst v6  }
0x190: {  	s28 =	sadd.s32 $0xFFFFFFC0, s26;
	[tilespmem:s15+$0xFFFFFFE0] =	vst v4  }
0x191: {  	s2 =	sor.u32 $0x30, s28;
	[tilespmem:s15+$0xFFFFFFD0] =	vst v3  }
0x192: {  	s29 =	sadd.s32 $0xFFFFFFE0, s26;
	[tilespmem:s2+$0x8000] =	vst v2  }
.Ltmp10:
0x193: {  	s30 =	sor.u32 $0x50, s29;
	[tilespmem:s15+$0x0] =	vst v8;
	(pc) =	sbr.rel @p0 .LBB2_22-.Ltmp10, $4  }
0x194: {  	[tilespmem:s30+$0x8000] =	vst v5  }
0x195: {  	s1 =	sor.u32 $0x70, s26;
	[tilespmem:s15+$0x20] =	vst v7  }
0x196: {  	s31 =	rddreg [dreg:$0x6];
	[tilespmem:s1+$0x8000] =	vst v9  }
0x197: {  	[hbm4b:s31+s3] =	stream.linear.scatter [tilespmem:s21], [sflag:$0x3], $0x4000, $0x38;
	[tilespmem:$0x17880] =	vst v63  }
0x198: {  	s0 =	simm.s32 $0x0  }
0x199: {  	[tilespmem:s0], [sflag:$0x7] =	stream.linear.gather [hbm4b:s12+s0], $0x400, $0x38;
	[tilespmem:$0x17880] =	vst v63  }
0x19a: {  	s1 =	sadd.s32 $0xF4280, s12  }
0x19b: {  	[tilespmem:s16], [sflag:$0x7] =	stream.linear.gather [hbm4b:s1+s0], $0x400, $0x38;
	[tilespmem:$0x17880] =	vst v63  }
0x19c: {  	s15 =	sadd.s32 $0x1E8500, s12;
	s2 =	simm.s32 $0x2000  }
0x19d: {  	[tilespmem:s2], [sflag:$0x7] =	stream.linear.gather [hbm4b:s15+s0], $0x400, $0x38;
	[tilespmem:$0x17880] =	vst v63  }
0x19e: {  	s26 =	sadd.s32 $0x2DC780, s12;
	s28 =	simm.s32 $0x3000;
	s29 =	simm.s32 $0x7  }
0x19f: {  	[tilespmem:s28], [sflag:$0x7] =	stream.linear.gather [hbm4b:s26+s0], $0x400, $0x38;
	[tilespmem:$0x17880] =	vst v63  }
0x1a0: {  	_ =	swait.ge [sflag:s29], $0x1000  }
0x1a1: {  	s30 =	sand.u32 $0x3000, s0;
	s0 =	sand.u32 $0x380, s0;
	[sflag:s29] =	ssyncset.done $0x0  }
0x1a2: {  	s1 =	sor.u32 s0, s30;
	[sflag:s29] =	ssyncadd.s32 $0xFFFFF000  }
0x1a3: {  	v2 =	vld [tilespmem:s1+$0x0]  }
0x1a4: {  	v3 =	vld [tilespmem:s1+$0x10]  }
0x1a5: {  	v4 =	vld [tilespmem:s1+$0x70]  }
0x1a6: {  	v5 =	vld [tilespmem:s1+$0x20]  }
0x1a7: {  	v6 =	vld [tilespmem:s1+$0x30]  }
0x1a8: {  	v7 =	vld [tilespmem:s1+$0x40]  }
0x1a9: {  	s0 =	simm.s32 $0x10040;
	v8 =	vld [tilespmem:s1+$0x50]  }
0x1aa: {  	v9 =	vld [tilespmem:s1+$0x60];
	[tilespmem:s0+$0x30] =	vst v4  }
0x1ab: {  	[tilespmem:s0+$0xFFFFFFC0] =	vst v2  }
0x1ac: {  	[tilespmem:s0+$0xFFFFFFD0] =	vst v3  }
0x1ad: {  	[tilespmem:s0+$0xFFFFFFE0] =	vst v5  }
0x1ae: {  	[tilespmem:s0+$0xFFFFFFF0] =	vst v6  }
0x1af: {  	s31 =	simm.s32 $0x200;
	s1 =	simm.s32 $0x80;
	[tilespmem:s0+$0x0] =	vst v7  }
0x1b0: {  	s2 =	sand.u32 $0x3000, s31;
	s5 =	sand.u32 $0x380, s1;
	[tilespmem:s0+$0x10] =	vst v8  }
0x1b1: {  	s11 =	sor.u32 s5, s2;
	[tilespmem:s0+$0x20] =	vst v9  }
0x1b2: {  	s6 =	simm.s32 $0x400;
	v2 =	vld [tilespmem:s11+$0x0]  }
.LBB2_18:
0x1b3: {  	p2 =	sne.s32 s6, $0x3E00;
	v3 =	vld [tilespmem:s11+$0x10]  }
0x1b4: {  	v4 =	vld [tilespmem:s11+$0x70]  }
0x1b5: {  	v5 =	vld [tilespmem:s11+$0x20]  }
0x1b6: {  	v6 =	vld [tilespmem:s11+$0x30]  }
0x1b7: {  	v7 =	vld [tilespmem:s11+$0x40]  }
0x1b8: {  	s0 =	sadd.s32 $0x201, s0;
	v8 =	vld [tilespmem:s11+$0x50]  }
0x1b9: {  	v9 =	vld [tilespmem:s11+$0x60];
	[tilespmem:s0+$0x30] =	vst v4  }
0x1ba: {  	[tilespmem:s0+$0xFFFFFFC0] =	vst v2  }
0x1bb: {  	[tilespmem:s0+$0xFFFFFFD0] =	vst v3  }
0x1bc: {  	[tilespmem:s0+$0xFFFFFFE0] =	vst v5  }
.Ltmp11:
0x1bd: {  	[tilespmem:s0+$0xFFFFFFF0] =	vst v6;
	(pc) =	sbr.rel @p2 .LBB2_18-.Ltmp11, $4  }
0x1be: {  	s1 =	sadd.s32 $0x80, s1;
	[tilespmem:s0+$0x0] =	vst v7  }
0x1bf: {  	s2 =	sand.u32 $0x3000, s6;
	s5 =	sand.u32 $0x380, s1;
	[tilespmem:s0+$0x10] =	vst v8  }
0x1c0: {  	s11 =	sor.u32 s5, s2;
	[tilespmem:s0+$0x20] =	vst v9  }
0x1c1: {  	s6 =	sadd.s32 $0x200, s6;
	v2 =	vld [tilespmem:s11+$0x0]  }
0x1c2: {  	v3 =	vld [tilespmem:s11+$0x10]  }
0x1c3: {  	v4 =	vld [tilespmem:s11+$0x70]  }
0x1c4: {  	v5 =	vld [tilespmem:s11+$0x20]  }
0x1c5: {  	v6 =	vld [tilespmem:s11+$0x30]  }
0x1c6: {  	v7 =	vld [tilespmem:s11+$0x40]  }
0x1c7: {  	v8 =	vld [tilespmem:s11+$0x50];
	s0 =	sadd.s32 $0x201, s0  }
0x1c8: {  	v9 =	vld [tilespmem:s11+$0x60];
	[tilespmem:s0+$0xFFFFFFC0] =	vst v2  }
0x1c9: {  	[tilespmem:s0+$0x30] =	vst v4  }
0x1ca: {  	s1 =	simm.s32 $0x2;
	[tilespmem:s0+$0xFFFFFFD0] =	vst v3  }
0x1cb: {  	s2 =	simm.s32 $0x1;
	v2 =	vadd.s32 s1, v1;
	[tilespmem:s0+$0xFFFFFFE0] =	vst v5  }
0x1cc: {  	s5 =	simm.s32 $0x0;
	[tilespmem:s0+$0xFFFFFFF0] =	vst v6;
	v3 =	vadd.s32 s2, v0  }
0x1cd: {  	s31 =	simm.s32 $0x3;
	[tilespmem:s0+$0x0] =	vst v7;
	v4 =	vadd.s32 s5, v0  }
0x1ce: {  	[tilespmem:s0+$0x20] =	vst v9;
	v9 =	vadd.s32 s31, v0  }
0x1cf: {  	[tilespmem:s0+$0x10] =	vst v8;
	v7 =	vadd.s32 s2, v1  }
0x1d0: {  	v8 =	vadd.s32 s5, v1;
	v2 =	vld.idx.msk [tilespmem:v2+s20+$0x0], $0xffff  }
0x1d1: {  	v10 =	vadd.s32 s1, v0;
	v5 =	vld.idx.msk [tilespmem:v3+s20+$0x0], $0xffff  }
0x1d2: {  	v6 =	vld.idx.msk [tilespmem:v4+s20+$0x0], $0xffff  }
0x1d3: {  	s26 =	simm.s32 $0x60;
	v3 =	vld.idx.msk [tilespmem:v9+s20+$0x0], $0xffff;
	v9 =	vadd.s32 s31, v1  }
0x1d4: {  	s13 =	simm.s32 $0x7;
	s6 =	simm.s32 $0x20;
	s29 =	simm.s32 $0x40;
	v4 =	vld.idx.msk [tilespmem:v7+s20+$0x0], $0xffff  }
0x1d5: {  	s15 =	simm.s32 $0x4;
	s11 =	simm.s32 $0x5;
	s14 =	simm.s32 $0x140C0;
	v7 =	vld.idx.msk [tilespmem:v8+s20+$0x0], $0xffff  }
0x1d6: {  	s1 =	simm.s32 $0x140C0;
	s5 =	simm.s32 $0xB;
	s0 =	simm.s32 $0x60;
	v8 =	vld.idx.msk [tilespmem:v10+s20+$0x0], $0xffff  }
.LBB2_20:
0x1d7: {  	s26 =	sadd.s32 $0x80, s26  }
0x1d8: {  	v10 =	vadd.s32 s15, v0;
	v11 =	vadd.s32 s15, v1;
	v12 =	vadd.s32 s11, v0;
	v9 =	vld.idx.msk [tilespmem:v9+s20+$0x0], $0xffff;
	s1 =	sadd.s32 $0x80, s1;
	s2 =	smov.u32 s5;
	s28 =	sadd.s32 $0x4, s5  }
0x1d9: {  	p2 =	sne.s32 s5, $0x7F;
	s5 =	sadd.s32 $0xFFFFFFC0, s26;
	s15 =	sadd.s32 $0xFFFFFFE0, s26;
	[tilespmem:s14+$0xFFFFFFC0] =	vst v6  }
0x1da: {  	v13 =	vadd.s32 s11, v1;
	s11 =	sor.u32 $0x30, s6;
	[tilespmem:s14+$0xFFFFFFE0] =	vst v5;
	s6 =	smov.u32 s5  }
0x1db: {  	s5 =	sadd.s32 $0xFFFFFFFF, s13;
	[tilespmem:s14+$0xFFFFFFD0] =	vst v7  }
0x1dc: {  	v5 =	vadd.s32 s5, v1;
	[tilespmem:s11+$0x14080] =	vst v4;
	s11 =	sor.u32 $0x50, s29;
	s29 =	smov.u32 s15  }
0x1dd: {  	[tilespmem:s14+$0x0] =	vst v8  }
0x1de: {  	[tilespmem:s11+$0x14080] =	vst v2;
	s11 =	sor.u32 $0x70, s0;
	s0 =	smov.u32 s26  }
0x1df: {  	[tilespmem:s14+$0x20] =	vst v3;
	s14 =	smov.u32 s1  }
0x1e0: {  	[tilespmem:s11+$0x14080] =	vst v9  }
0x1e1: {  	v3 =	vadd.s32 s13, v0;
	v2 =	vld.idx.msk [tilespmem:v5+s20+$0x0], $0xffff  }
0x1e2: {  	v8 =	vadd.s32 s5, v0;
	v5 =	vld.idx.msk [tilespmem:v12+s20+$0x0], $0xffff  }
.Ltmp12:
0x1e3: {  	v9 =	vadd.s32 s13, v1;
	s13 =	smov.u32 s2;
	v6 =	vld.idx.msk [tilespmem:v10+s20+$0x0], $0xffff;
	(pc) =	sbr.rel @p2 .LBB2_20-.Ltmp12, $4  }
0x1e4: {  	v4 =	vld.idx.msk [tilespmem:v13+s20+$0x0], $0xffff  }
0x1e5: {  	v7 =	vld.idx.msk [tilespmem:v11+s20+$0x0], $0xffff  }
0x1e6: {  	v3 =	vld.idx.msk [tilespmem:v3+s20+$0x0], $0xffff  }
0x1e7: {  	s5 =	smov.u32 s28;
	s15 =	sadd.s32 $0xFFFFFFFD, s13;
	s11 =	sadd.s32 $0xFFFFFFFE, s13;
	v8 =	vld.idx.msk [tilespmem:v8+s20+$0x0], $0xffff  }
0x1e8: {  	_ =	sdelay $0x3  }
0x1e9: {  	v9 =	vld.idx.msk [tilespmem:v9+s20+$0x0], $0xffff;
	[tilespmem:s14+$0xFFFFFFC0] =	vst v6  }
0x1ea: {  	[tilespmem:s14+$0xFFFFFFE0] =	vst v5  }
0x1eb: {  	s2 =	sor.u32 $0x30, s6;
	s5 =	sadd.s32 $0xFFFFFFFF, s13;
	[tilespmem:s14+$0xFFFFFFD0] =	vst v7  }
0x1ec: {  	v58 =	vadd.s32 s5, v1;
	[tilespmem:s2+$0x14080] =	vst v4  }
0x1ed: {  	v59 =	vadd.s32 s11, v0;
	s6 =	sor.u32 $0x50, s29;
	[tilespmem:s14+$0x0] =	vst v8  }
0x1ee: {  	v60 =	vadd.s32 s15, v0;
	[tilespmem:s6+$0x14080] =	vst v2  }
0x1ef: {  	s0 =	sor.u32 $0x70, s0;
	v61 =	vadd.s32 s13, v0;
	[tilespmem:s14+$0x20] =	vst v3  }
0x1f0: {  	v3 =	vadd.s32 s15, v1;
	[tilespmem:s0+$0x14080] =	vst v9  }
0x1f1: {  	v2 =	vadd.s32 s11, v1;
	v5 =	vld.idx.msk [tilespmem:v58+s20+$0x0], $0xffff  }
0x1f2: {  	v62 =	vadd.s32 s5, v0;
	v4 =	vld.idx.msk [tilespmem:v59+s20+$0x0], $0xffff  }
0x1f3: {  	v63 =	vadd.s32 s13, v1;
	v6 =	vld.idx.msk [tilespmem:v60+s20+$0x0], $0xffff  }
0x1f4: {  	v7 =	vld.idx.msk [tilespmem:v61+s20+$0x0], $0xffff  }
0x1f5: {  	v3 =	vld.idx.msk [tilespmem:v3+s20+$0x0], $0xffff  }
0x1f6: {  	v2 =	vld.idx.msk [tilespmem:v2+s20+$0x0], $0xffff  }
0x1f7: {  	s13 =	sadd.s32 $0x80, s1;
	v8 =	vld.idx.msk [tilespmem:v62+s20+$0x0], $0xffff  }
0x1f8: {  	s14 =	sadd.s32 $0x80, s26;
	v9 =	vld.idx.msk [tilespmem:v63+s20+$0x0], $0xffff;
	[tilespmem:s13+$0xFFFFFFC0] =	vst v6  }
0x1f9: {  	s15 =	sadd.s32 $0xFFFFFFC0, s14;
	[tilespmem:s13+$0xFFFFFFE0] =	vst v4  }
0x1fa: {  	s2 =	sor.u32 $0x30, s15;
	[tilespmem:s13+$0xFFFFFFD0] =	vst v3  }
0x1fb: {  	s26 =	sadd.s32 $0xFFFFFFE0, s14;
	[tilespmem:s2+$0x14080] =	vst v2  }
0x1fc: {  	s28 =	sor.u32 $0x50, s26;
	[tilespmem:s13+$0x0] =	vst v8  }
0x1fd: {  	[tilespmem:s28+$0x14080] =	vst v5  }
0x1fe: {  	s1 =	sor.u32 $0x70, s14;
	[tilespmem:s13+$0x20] =	vst v7  }
0x1ff: {  	s29 =	rddreg [dreg:$0x7];
	s30 =	simm.s32 $0x14080;
	s31 =	simm.s32 $0x5;
	[tilespmem:s1+$0x14080] =	vst v9  }
0x200: {  	[hbm4b:s29+s3] =	stream.linear.scatter [tilespmem:s30], [sflag:$0x5], $0x1000, $0x38;
	[tilespmem:$0x17880] =	vst v63  }
0x201: {  	_ =	swait.ge [sflag:s31], $0x1000  }
0x202: {  	[sflag:s31] =	ssyncset.done $0x0  }
0x203: {  	[sflag:s31] =	ssyncadd.s32 $0xFFFFF000  }
.LBB2_22:
.Ltmp13:
0x204: {  	(pc) =	sbr.rel @p1 .LBB2_26-.Ltmp13, $1  }
0x205: {  	_ =	sdelay $0x3  }
0x206: {  	s0 =	simm.s32 $0x0  }
0x207: {  	s1 =	rddreg [dreg:$0x1];
	s2 =	simm.s32 $0x15880;
	s31 =	simm.s32 $0x7  }
0x208: {  	[tilespmem:s2], [sflag:$0x7] =	stream.linear.gather [hbm4b:s1+s0], $0x2000, $0x38;
	[tilespmem:$0x17880] =	vst v63  }
0x209: {  	_ =	swait.ge [sflag:s31], $0x2000  }
0x20a: {  	[sflag:s31] =	ssyncset.done $0x0  }
0x20b: {  	s1 =	simm.s32 $0x15890;
	[sflag:s31] =	ssyncadd.s32 $0xFFFFE000  }
0x20c: {  	s5 =	simm.s32 $0x80;
	v2 =	vld [tilespmem:s1+$0xFFFFFFF0]  }
.LBB2_24:
0x20d: {  	p2 =	sne.s32 s5, $0x1F80;
	_ =	sdelay $0x2  }
0x20e: {  	s2 =	sshra.s32 s0, $0x2;
	s0 =	smov.u32 s5  }
0x20f: {  	[tilespmem:s2+$0x15080] =	vst v2  }
0x210: {  	v2 =	vld [tilespmem:s1+$0x0];
	_ =	sdelay $0x1  }
.Ltmp14:
0x211: {  	(pc) =	sbr.rel @p2 .LBB2_24-.Ltmp14, $3  }
0x212: {  	_ =	sdelay $0x1  }
0x213: {  	s1 =	sadd.s32 $0x80, s1;
	[tilespmem:s2+$0x15090] =	vst v2  }
0x214: {  	s5 =	sadd.s32 $0x80, s5;
	v2 =	vld [tilespmem:s1+$0xFFFFFFF0]  }
0x215: {  	_ =	sdelay $0x2  }
0x216: {  	s0 =	sshra.s32 s0, $0x2  }
0x217: {  	[tilespmem:s0+$0x15080] =	vst v2  }
0x218: {  	v2 =	vld [tilespmem:s1+$0x0];
	_ =	sdelay $0x3  }
0x219: {  	s29 =	rddreg [dreg:$0x8]  }
.Ltmp15:
0x21a: {  	s30 =	simm.s32 $0x15080;
	s31 =	simm.s32 $0x6;
	[tilespmem:s0+$0x15090] =	vst v2;
	(pc) =	sbr.rel .LBB2_26-.Ltmp15, $4  }
0x21b: {  	[hbm4b:s29+s3] =	stream.linear.scatter [tilespmem:s30], [sflag:$0x6], $0x800, $0x38;
	[tilespmem:$0x17880] =	vst v63  }
0x21c: {  	_ =	swait.ge [sflag:s31], $0x800  }
0x21d: {  	[sflag:s31] =	ssyncset.done $0x0  }
0x21e: {  	[sflag:s31] =	ssyncadd.s32 $0xFFFFF800  }
.LBB2_27:
0x21f: {  	_ =	sfence.sel $0x180000  }
0x220: {  	[bflag:$0x0] =	sbarrier.arrive $0xFFFF  }
0x221: {  	_ =	strace $0x90000047  }
0x222: {  	s0 =	stileid.u32;
	[bflag:$0x2] =	sbarrier.arrive $0xFFFF  }
0x223: {  	p0 =	sne.s32 s0, $0x0;
	s0 =	rddreg [dreg:$0x3]  }
0x224: {  	s0 =	sadd.s32 @!p0 $0x100000, s0  }
0x225: {  	[sflag:s0] =	ssyncadd.tile.s32 @!p0 $0x1;
	_ =	shalt  }
.Lfunc_end2:
_tile_overlayer_lowered:
.L_overlay_start_2:
0x226: {  	(tag) =	ssettag $0x2  }
0x227: {  	s0 =	rddreg [dreg:$0x0];
	s2 =	stileid.u32  }
0x228: {  	s1 =	rddreg [dreg:$0x1];
	p0 =	sne.s32 s2, $0x0  }
0x229: {  	s3 =	rddreg [dreg:$0x2];
	[bflag:$0x3] =	sbarrier.arrive $0xFFFF;
	s2 =	simm.s32 @!p0 $0x1C07  }
0x22a: {  	[timem:s3], [sflag:s2] =	dma.local @!p0 [hbm:s0], s1  }
0x22b: {  	s0 =	simm.s32 @!p0 $0x7  }
0x22c: {  	_ =	swait.ge @!p0 [sflag:s0], s1  }
0x22d: {  	s1 =	ssub.s32 @!p0 $0x0, s1;
	[sflag:s0] =	ssyncset.done @!p0 $0x0  }
0x22e: {  	[sflag:s0] =	ssyncadd.s32 @!p0 s1  }
0x22f: {  	[bflag:$0x3] =	sbarrier.arrive $0xFFFF  }
0x230: {  	_ =	shalt  }

// kernel: _run.7.cloned.1.call-start
scs
__scs_entry_jumppad:
0x0: {  	(pc) =	sbr.rel $0x88, $3  }
0x1: {  	(tag) =	ssettag $0x0;
	lr =	simm.s32 $0x1  }
0x2: {  	[smem:$0x3F9F] =	sst lr;
	_ =	strace $0xD0000000  }
0x3: {  	_ = 	snop  }
0x4: {  	_ = 	snop  }
0x5: {  	_ = 	snop  }
0x6: {  	_ = 	snop  }
0x7: {  	_ = 	snop  }
__scs_overlays_trampoline_lowered:
0x8: {  	[smem:$0x3FAE] =	sst s0  }
0x9: {  	[smem:$0x3FAF] =	sst s1  }
0xa: {  	[smem:$0x3FB0] =	sst s2  }
0xb: {  	[smem:$0x3FB1] =	sst s3  }
0xc: {  	[smem:$0x3FB2] =	sst s4  }
0xd: {  	[smem:$0x3FB3] =	sst s5  }
0xe: {  	[smem:$0x3FB4] =	sst s6  }
0xf: {  	[smem:$0x3FB5] =	sst s7  }
0x10: {  	[smem:$0x3FB6] =	sst s8  }
0x11: {  	[smem:$0x3FB7] =	sst s9;
	s0 =	simm.s32 @!p0 $0x0  }
0x12: {  	s1 =	sld [smem:$0x3F9D];
	s0 =	simm.s32 @p0 $0x1  }
0x13: {  	[smem:$0x3FB8] =	sst s0;
	s0 =	simm.s32 @!p1 $0x0  }
0x14: {  	s2 =	sld [smem:$0x3F9C];
	s0 =	simm.s32 @p1 $0x1  }
0x15: {  	[smem:$0x3FB9] =	sst s0;
	s0 =	simm.s32 @!p2 $0x0  }
0x16: {  	s3 =	sld [smem:$0x3FDB];
	s0 =	simm.s32 @p2 $0x1  }
0x17: {  	s4 =	simm.s32 $0x1BF5;
	[smem:$0x3FBB] =	sst s0  }
0x18: {  	s0 =	sld [smem:$0x3F9E];
	_ =	swait.ge [sflag:s4], $0x0  }
0x19: {  	s7 =	sld [smem:$0x3F9F]  }
0x1a: {  	s8 =	sadd.s32 $0xFFFFE003, lr  }
0x1b: {  	s9 =	sadd.s32 $0xFFFFFEF7, lr;
	s5 =	simm.s32 $0xFFFFFFFF;
	p2 =	slt.u32 s8, $0xFFFFF086  }
0x1c: {  	p1 =	slt.u32 s9, $0xF7A;
	s5 =	simm.s32 @!p2 $0x0  }
0x1d: {  	s5 =	simm.s32 @p1 $0x1;
	p0 =	seq.s32 s7, s2  }
0x1e: {  	s7 =	smul.u32 @!p0 $0xF7A, s2;
	p2 =	seq.s32 @!p0 s5, $0x0  }
0x1f: {  	s9 =	smul.u32 $0xF7A, s1;
	s8 =	simm.s32 @!p0 $0x1BF5;
	p2 =	por !p2, p0  }
0x20: {  	[sflag:s8] =	ssyncset.s32 @!p0 $0xFFFFF086;
	s6 =	sadd.s32 @!p0 s3, s7;
	s7 =	simm.s32 @!p0 $0x108  }
0x21: {  	s3 =	sadd.s32 s3, s9;
	s6 =	sadd.s32 @!p0 $0x88, s6;
	s7 =	simm.s32 @p2 $0x1082  }
0x22: {  	[simem:s7], [sflag:s8] =	dma.local @!p0 [hbm:s6], $0xF7A  }
0x23: {  	s9 =	sor.u32 $0xD0000000, s2;
	s6 =	simm.s32 $0x108;
	_ =	swait.ge @!p0 [sflag:s8], $0x0  }
0x24: {  	s3 =	sadd.s32 $0x88, s3;
	s6 =	simm.s32 @!p1 $0x1082;
	[sflag:s4] =	ssyncset.s32 $0xFFFFF086  }
0x25: {  	[simem:s6], [sflag:s4] =	dma.local [hbm:s3], $0xF7A  }
0x26: {  	[smem:$0x3F9F] =	sst s1;
	(tag) =	ssettag s2;
	_ =	strace s9  }
0x27: {  	s1 =	sld [smem:$0x3FAF]  }
0x28: {  	s2 =	sld [smem:$0x3FB0]  }
0x29: {  	s4 =	sld [smem:$0x3FB2]  }
0x2a: {  	p0 =	seq.s32 s5, $0x0;
	s5 =	sld [smem:$0x3FB3]  }
0x2b: {  	s6 =	sld [smem:$0x3FB4]  }
0x2c: {  	s7 =	sld [smem:$0x3FB5]  }
0x2d: {  	s3 =	simm.s32 $0x108;
	s8 =	sld [smem:$0x3FB6]  }
0x2e: {  	s3 =	simm.s32 @!p0 $0x1082;
	s9 =	sld [smem:$0x3FB7]  }
0x2f: {  	lr =	sadd.s32 s0, s3;
	s0 =	sld [smem:$0x3FAE]  }
0x30: {  	s3 =	sld [smem:$0x3FB1]  }
0x31: {  	[smem:$0x3FBA] =	sst s10  }
0x32: {  	s10 =	sld [smem:$0x3FB8];
	_ =	sdelay $0x3  }
0x33: {  	p0 =	seq.s32 s10, $0x1;
	s10 =	sld [smem:$0x3FBA];
	_ =	sdelay $0x3  }
0x34: {  	[smem:$0x3FBA] =	sst s10  }
0x35: {  	s10 =	sld [smem:$0x3FB9];
	_ =	sdelay $0x3  }
0x36: {  	p1 =	seq.s32 s10, $0x1;
	s10 =	sld [smem:$0x3FBA];
	_ =	sdelay $0x3  }
0x37: {  	[smem:$0x3FBA] =	sst s10  }
0x38: {  	s10 =	sld [smem:$0x3FBB]  }
0x39: {  	_ = 	snop;
	(pc) =	sbr.ind lr, $3  }
0x3a: {  	_ = 	snop  }
0x3b: {  	_ = 	snop  }
0x3c: {  	p2 =	seq.s32 s10, $0x1;
	s10 =	sld [smem:$0x3FBA]  }
0x3d: {  	_ =	shalt  }
0x3e: {  	_ =	shalt  }
0x3f: {  	_ =	shalt  }
0x40: {  	_ =	shalt  }
0x41: {  	_ =	shalt  }
0x42: {  	_ =	shalt  }
0x43: {  	_ =	shalt  }
0x44: {  	_ =	shalt  }
0x45: {  	_ =	shalt  }
0x46: {  	_ =	shalt  }
0x47: {  	_ =	shalt  }
0x48: {  	_ =	shalt  }
0x49: {  	_ =	shalt  }
0x4a: {  	_ =	shalt  }
0x4b: {  	_ =	shalt  }
0x4c: {  	_ =	shalt  }
0x4d: {  	_ =	shalt  }
0x4e: {  	_ =	shalt  }
0x4f: {  	_ =	shalt  }
0x50: {  	_ =	shalt  }
0x51: {  	_ =	shalt  }
0x52: {  	_ =	shalt  }
0x53: {  	_ =	shalt  }
0x54: {  	_ =	shalt  }
0x55: {  	_ =	shalt  }
0x56: {  	_ =	shalt  }
0x57: {  	_ =	shalt  }
0x58: {  	_ =	shalt  }
0x59: {  	_ =	shalt  }
0x5a: {  	_ =	shalt  }
0x5b: {  	_ =	shalt  }
0x5c: {  	_ =	shalt  }
0x5d: {  	_ =	shalt  }
0x5e: {  	_ =	shalt  }
0x5f: {  	_ =	shalt  }
0x60: {  	_ =	shalt  }
0x61: {  	_ =	shalt  }
0x62: {  	_ =	shalt  }
0x63: {  	_ =	shalt  }
0x64: {  	_ =	shalt  }
0x65: {  	_ =	shalt  }
0x66: {  	_ =	shalt  }
0x67: {  	_ =	shalt  }
0x68: {  	_ =	shalt  }
0x69: {  	_ =	shalt  }
0x6a: {  	_ =	shalt  }
0x6b: {  	_ =	shalt  }
0x6c: {  	_ =	shalt  }
0x6d: {  	_ =	shalt  }
0x6e: {  	_ =	shalt  }
0x6f: {  	_ =	shalt  }
0x70: {  	_ =	shalt  }
0x71: {  	_ =	shalt  }
0x72: {  	_ =	shalt  }
0x73: {  	_ =	shalt  }
0x74: {  	_ =	shalt  }
0x75: {  	_ =	shalt  }
0x76: {  	_ =	shalt  }
0x77: {  	_ =	shalt  }
0x78: {  	_ =	shalt  }
0x79: {  	_ =	shalt  }
0x7a: {  	_ =	shalt  }
0x7b: {  	_ =	shalt  }
0x7c: {  	_ =	shalt  }
0x7d: {  	_ =	shalt  }
0x7e: {  	_ =	shalt  }
0x7f: {  	_ =	shalt  }
0x80: {  	_ =	shalt  }
0x81: {  	_ =	shalt  }
0x82: {  	_ =	shalt  }
0x83: {  	_ =	shalt  }
0x84: {  	_ =	shalt  }
0x85: {  	_ =	shalt  }
0x86: {  	_ =	shalt  }
0x87: {  	_ =	shalt  }
.Lfunc_end0:
.L_simem_size_0:
called_computation.1_lowered:
.L_overlay_start_0:
0x88: {  	s2 =	sld [smem:$0x3FD9]  }
0x89: {  	s3 =	sld [smem:$0x3FFE];
	_ =	sdelay $0x1  }
0x8a: {  	s1 =	srdreg.scid  }
0x8b: {  	s0 =	sand.u32 $0x1, s1  }
0x8c: {  	s17 =	sshll.u32 s0, $0xA;
	s2 =	sadd.s32 s3, s2  }
0x8d: {  	s2 =	sadd.s32 s2, s17  }
0x8e: {  	[smem:$0x3FC6] =	sst s2  }
0x8f: {  	_ = 	snop  }
0x90: {  	s2 =	sld [smem:$0x3FC9]  }
0x91: {  	s18 =	sld [smem:$0x3FD0];
	(tm) =	ssettm $0x1  }
0x92: {  	s4 =	sld [smem:$0x3FFB];
	_ =	sdelay $0x3  }
0x93: {  	_ =	strace s4  }
0x94: {  	s4 =	sld [smem:$0x3FFC];
	_ =	sdelay $0x3  }
0x95: {  	_ =	strace s4  }
0x96: {  	s4 =	sld [smem:$0x3FFD];
	_ =	sdelay $0x3  }
0x97: {  	_ =	strace s4  }
0x98: {  	_ =	strace $0x8FFFFFFF  }
0x99: {  	s19 =	sld [smem:$0x3FDB];
	_ =	sdelay $0x1  }
0x9a: {  	s5 =	simm.s32 $_scs_section_size  }
0x9b: {  	s6 =	simm.s32 $_size__tile_overlayer_lowered;
	s7 =	simm.s32 $_tile_overlayer_lowered  }
0x9c: {  	s22 =	simm.s32 $0x1BFF;
	s21 =	sshll.u32 s7, $0x1;
	s4 =	sadd.s32 s5, s19  }
0x9d: {  	s8 =	simm.s32 $0x0;
	s20 =	sshll.u32 s6, $0x1;
	s6 =	sadd.s32 s21, s4  }
0x9e: {  	[timem:s8], [sflag:s22] =	dma.local [hbm:s6], s20  }
0x9f: {  	_ =	swait.ge [sflag:s22], s20  }
0xa0: {  	s5 =	ssub.s32 $0x0, s20;
	[sflag:s22] =	ssyncset.done $0x0  }
0xa1: {  	[sflag:s22] =	ssyncadd.s32 s5;
	_ =	sdelay $0x1  }
0xa2: {  	s23 =	simm.s32 $0x1B8B  }
0xa3: {  	_ =	swait.ge [sflag:s23], $0x1  }
0xa4: {  	[sflag:s23] =	ssyncset.done $0x0  }
0xa5: {  	s25 =	simm.s32 $0x1B8E;
	s24 =	sld [smem:$0x3FFE];
	[sflag:s23] =	ssyncadd.s32 $0xFFFFFFFF  }
0xa6: {  	s26 =	simm.s32 $execute0_lowered;
	[smem:$0x3FD2] =	sst s25  }
0xa7: {  	s6 =	sshll.u32 s26, $0x1;
	_ =	strace $0x80000049;
	[dreg:$0x1] =	wrdreg $0xFFFFFFFF  }
0xa8: {  	s28 =	simm.s32 $_size_execute0_lowered;
	s4 =	sadd.s32 s4, s6;
	[dreg:$0x0] =	wrdreg $0x0  }
0xa9: {  	s6 =	sshll.u32 s28, $0x1;
	[dreg:$0x2] =	wrdreg s4  }
0xaa: {  	[dreg:$0x3] =	wrdreg s6  }
0xab: {  	[dreg:$0x4] =	wrdreg $0xC0  }
0xac: {  	_ =	task [dreg:s8], $0x5FFFF  }
0xad: {  	[dreg:$0x1] =	wrdreg $0xFFFFFFFF  }
0xae: {  	[dreg:$0x0] =	wrdreg $0x60  }
0xaf: {  	[dreg:$0x2] =	wrdreg s2  }
0xb0: {  	[dreg:$0x3] =	wrdreg s24  }
0xb1: {  	[dreg:$0x4] =	wrdreg s18  }
0xb2: {  	[dreg:$0x5] =	wrdreg $0x9  }
0xb3: {  	_ =	task.clear_ibuf [dreg:s8], $0x6FFFF;
	_ =	strace $0x90000049  }
0xb4: {  	s29 =	simm.s32 $0x9;
	_ =	strace $0x8000004B  }
0xb5: {  	_ =	swait.ge [sflag:s29], $0x1  }
0xb6: {  	[sflag:s29] =	ssyncadd.s32 $0xFFFFFFFF  }
0xb7: {  	_ =	strace $0x9000004B  }
0xb8: {  	_ =	sfence  }
0xb9: {  	s30 =	sld [smem:$0x0];
	_ =	sdelay $0x2  }
0xba: {  	s31 =	sshll.u32 s1, $0xD;
	s1 =	sshrl.u32 s1, $0x2  }
0xbb: {  	s3 =	sand.u32 $0x4000, s31;
	s1 =	sadd.s32 s1, s30  }
0xbc: {  	s0 =	sor.u32 s3, s0;
	s1 =	sshll.u32 s1, $0x11  }
0xbd: {  	s0 =	sor.u32 s1, s0  }
0xbe: {  	s0 =	sadd.s32 $0x8F2B, s0  }
0xbf: {  	[sflag:s0] =	ssyncadd.remote.s32 $0x1  }
0xc0: {  	_ =	sfence.sel $0xFFFF  }
0xc1: {  	[dreg:$0x0] =	wrdreg $0xFFFFFFFF;
	(pc) =	sbr.abs _section_cstart, $3  }
0xc2: {  	[dreg:$0x1] =	wrdreg $0xFFFFFFFF  }
0xc3: {  	_ =	task.clear_ibuf [dreg:s8], $0x2FFFF;
	_ =	strace $0x9FFFFFFF  }
0xc4: {  	(tm) =	ssettm $0x7FFFFFFF  }
0xc5: {  	_ =	shalt  }
tec
execute0_lowered:
.L_overlay_start_1:
0x0: {  	(tag) =	ssettag $0x1  }
0x1: {  	s4 =	rddreg [dreg:$0x0]  }
0x2: {  	s3 =	rddreg [dreg:$0x1]  }
0x3: {  	s5 =	rddreg [dreg:$0x2]  }
0x4: {  	s0 =	rddreg [dreg:$0x3]  }
0x5: {  	s6 =	srdreg.scid;
	s1 =	stileid.u32  }
0x6: {  	s2 =	simm.s32 $0x0;
	s10 =	simm.s32 $0x65D0;
	s11 =	simm.s32 $0x48  }
0x7: {  	s12 =	simm.s32 $0x6490;
	s13 =	simm.s32 $0x75D0;
	s14 =	simm.s32 $0x64E0  }
0x8: {  	s15 =	simm.s32 $0x7ED0;
	s16 =	simm.s32 $0x6560;
	s17 =	simm.s32 $0x8ED0  }
0x9: {  	s18 =	simm.s32 $0x1;
	s19 =	simm.s32 $0x2;
	s20 =	simm.s32 $0x97D0  }
0xa: {  	s21 =	simm.s32 $0x0;
	s6 =	sand.u32 $0x1, s6;
	s7 =	sshll.u32 s1, $0x1  }
0xb: {  	[smem:$0x7FF] =	sst s2;
	s8 =	ssub.s32 $0x2, s6;
	s6 =	sor.u32 s6, s7  }
0xc: {  	s3 =	sadd.s32 $0x800, s3;
	s31 =	sshrl.u32 s8, $0x1;
	s9 =	smul.u32 $0xC80, s6  }
0xd: {  	_ =	strace $0x8000004A;
	s6 =	sshll.u32 s6, $0x9;
	s7 =	ssub.s32 s8, s31  }
0xe: {  	s5 =	sadd.s32 s5, s6;
	s8 =	simm.s32 $0x80;
	s4 =	sadd.s32 s4, s9  }
0xf: {  	vm0 =	vmmov $0xff;
	s6 =	smax.u32 s7, $0x1;
	s7 =	simm.s32 $0x3;
	s9 =	simm.s32 $0x6410  }
.LBB2_1:
0x10: {  	[tilespmem:s2], [sflag:$0x3] =	stream.linear.gather [hbm4b:s4+s2], $0x6400, $0x38;
	[tilespmem:$0xA7D0] =	vst v63  }
0x11: {  	_ =	swait.ge [sflag:s7], $0x6400  }
0x12: {  	[sflag:s7] =	ssyncset.done $0x0  }
0x13: {  	[sflag:s7] =	ssyncadd.s32 $0xFFFF9C00  }
0x14: {  	v0 =	vld [tilespmem:$0x0]  }
0x15: {  	v1 =	vld [tilespmem:$0x10];
	_ =	sdelay $0x1  }
0x16: {  	v2 =	vld [tilespmem:$0x20]  }
0x17: {  	v3 =	vld [tilespmem:$0x30]  }
0x18: {  	vm1 =	veq.s32 v0, $0x1  }
0x19: {  	v4 =	vld [tilespmem:$0x40];
	vm2 =	veq.s32 v1, $0x1;
	v0 =	vsel vm1, $0x0, v0  }
0x1a: {  	v5 =	vld [tilespmem:$0x50];
	v1 =	vsel vm2, $0x0, v1;
	vm1 =	vne.s32 v0, $0x0  }
0x1b: {  	vm2 =	vne.s32 v1, $0x0;
	v6 =	vmpcnt.ones.xlane vm1;
	vm1 =	veq.s32 v2, $0x1  }
0x1c: {  	v7 =	vmpcnt.ones.xlane vm2;
	vm2 =	veq.s32 v3, $0x1;
	v2 =	vsel vm1, $0x0, v2  }
0x1d: {  	v8 =	vld [tilespmem:$0x60];
	v3 =	vsel vm2, $0x0, v3;
	vm1 =	vne.s32 v2, $0x0  }
0x1e: {  	v9 =	vld [tilespmem:$0x70];
	v6 =	vadd.s32 v6, v7;
	v43 =	vmpcnt.ones.xlane vm1;
	vm1 =	veq.s32 v4, $0x1  }
0x1f: {  	vm2 =	vne.s32 v3, $0x0;
	v4 =	vsel vm1, $0x0, v4;
	vm1 =	veq.s32 v5, $0x1  }
0x20: {  	v11 =	vld [tilespmem:$0x80];
	v10 =	vmpcnt.ones.xlane vm2;
	vm2 =	vne.s32 v4, $0x0;
	v5 =	vsel vm1, $0x0, v5  }
0x21: {  	v12 =	vld [tilespmem:$0x90];
	v6 =	vadd.s32 v43, v6;
	v44 =	vmpcnt.ones.xlane vm2;
	vm1 =	vne.s32 v5, $0x0  }
0x22: {  	v6 =	vadd.s32 v10, v6;
	v45 =	vmpcnt.ones.xlane vm1;
	vm1 =	veq.s32 v8, $0x1  }
0x23: {  	v52 =	vld [tilespmem:$0xC0];
	v6 =	vadd.s32 v44, v6;
	v46 =	vsel vm1, $0x0, v8;
	vm1 =	veq.s32 v9, $0x1  }
0x24: {  	v47 =	vld [tilespmem:$0xA0];
	[tilespmem:$0x6410] =	vst v0;
	v6 =	vadd.s32 v45, v6;
	vm2 =	vne.s32 v46, $0x0;
	v48 =	vsel vm1, $0x0, v9  }
0x25: {  	v49 =	vld [tilespmem:$0xB0];
	[tilespmem:$0x6420] =	vst v1;
	vm1 =	veq.s32 v11, $0x1;
	v50 =	vmpcnt.ones.xlane vm2;
	vm2 =	vne.s32 v48, $0x0  }
0x26: {  	[tilespmem:$0x6430] =	vst v2;
	v51 =	vsel vm1, $0x0, v11;
	v53 =	vmpcnt.ones.xlane vm2;
	vm2 =	veq.s32 v12, $0x1  }
0x27: {  	[tilespmem:$0x6440] =	vst v3;
	vm1 =	vne.s32 v51, $0x0;
	v1 =	vadd.s32 v50, v6;
	v54 =	vsel vm2, $0x0, v12  }
0x28: {  	[tilespmem:$0x6450] =	vst v4;
	v55 =	vmpcnt.ones.xlane vm1;
	vm2 =	veq.s32 v52, $0x1;
	vm1 =	vne.s32 v54, $0x0  }
0x29: {  	[tilespmem:$0x6460] =	vst v5;
	v1 =	vadd.s32 v53, v1;
	v56 =	vmpcnt.ones.xlane vm1;
	vm1 =	veq.s32 v47, $0x1  }
0x2a: {  	[tilespmem:$0x6470] =	vst v46;
	v59 =	vsel vm2, $0x0, v52;
	v57 =	vsel vm1, $0x0, v47;
	vm1 =	veq.s32 v49, $0x1  }
0x2b: {  	[tilespmem:$0x6480] =	vst v48;
	v1 =	vadd.s32 v55, v1;
	v58 =	vsel vm1, $0x0, v49;
	vm1 =	vne.s32 v57, $0x0  }
0x2c: {  	[tilespmem:$0x6490] =	vst v51;
	vm2 =	vne.s32 v59, $0x0;
	v60 =	vmpcnt.ones.xlane vm1;
	vm1 =	vne.s32 v58, $0x0  }
0x2d: {  	[tilespmem:$0x64A0] =	vst v54;
	v1 =	vadd.s32 v56, v1;
	v61 =	vmpcnt.ones.xlane vm1;
	vm1 =	vmand vm2, vm0  }
0x2e: {  	[tilespmem:$0x64D0] =	vst v59;
	v1 =	vadd.s32 v60, v1;
	v62 =	vmpcnt.ones.xlane vm1  }
0x2f: {  	[tilespmem:$0x64B0] =	vst v57;
	v1 =	vadd.s32 v61, v1  }
0x30: {  	[tilespmem:$0x64C0] =	vst v58;
	v63 =	vadd.s32 v62, v1  }
0x31: {  	[tilespmem:$0x65B0] =	vst v63  }
0x32: {  	[tilespmem:s10], [sflag:$0x1] =	stream.indirect.gather [hbm4b:s3+s8], $0x20, s9, s8, $0xb8;
	[tilespmem:$0xA7D0] =	vst v63  }
0x33: {  	s22 =	simm.s32 $0x0  }
0x34: {  	[tilespmem:s13], [sflag:$0x1] =	stream.indirect.gather [hbm4b:s3+s11], $0x20, s12, s11, $0xb8;
	[tilespmem:$0xA7D0] =	vst v63  }
.LBB2_2:
0x35: {  	s23 =	sshllo.u32 s22, $0x1  }
0x36: {  	s24 =	smul.u32 $0x320, s23;
	_ =	sdelay $0x1  }
0x37: {  	s24 =	sshra.s32 s24, $0x2  }
0x38: {  	v0 =	vld [tilespmem:s24+$0x0];
	_ =	sdelay $0x4  }
0x39: {  	vm1 =	veq.s32 v0, $0x1  }
0x3a: {  	v0 =	vsel vm1, $0x0, v0  }
0x3b: {  	[tilespmem:$0x64E0] =	vst v0  }
0x3c: {  	v1 =	vld [tilespmem:s24+$0x10];
	_ =	sdelay $0x4  }
0x3d: {  	vm1 =	veq.s32 v1, $0x1  }
0x3e: {  	v1 =	vsel vm1, $0x0, v1  }
0x3f: {  	[tilespmem:$0x64F0] =	vst v1  }
0x40: {  	v2 =	vld [tilespmem:s24+$0x20];
	_ =	sdelay $0x4  }
0x41: {  	vm1 =	veq.s32 v2, $0x1  }
0x42: {  	v2 =	vsel vm1, $0x0, v2  }
0x43: {  	[tilespmem:$0x6500] =	vst v2  }
0x44: {  	v3 =	vld [tilespmem:s24+$0x30];
	_ =	sdelay $0x4  }
0x45: {  	vm1 =	veq.s32 v3, $0x1  }
0x46: {  	v3 =	vsel vm1, $0x0, v3  }
0x47: {  	[tilespmem:$0x6510] =	vst v3  }
0x48: {  	v4 =	vld [tilespmem:s24+$0x40];
	_ =	sdelay $0x4  }
0x49: {  	vm1 =	veq.s32 v4, $0x1  }
0x4a: {  	v4 =	vsel vm1, $0x0, v4  }
0x4b: {  	[tilespmem:$0x6520] =	vst v4  }
0x4c: {  	v5 =	vld [tilespmem:s24+$0x50];
	_ =	sdelay $0x4  }
0x4d: {  	vm1 =	veq.s32 v5, $0x1  }
0x4e: {  	v5 =	vsel vm1, $0x0, v5  }
0x4f: {  	[tilespmem:$0x6530] =	vst v5  }
0x50: {  	v6 =	vld [tilespmem:s24+$0x60];
	_ =	sdelay $0x4  }
0x51: {  	vm1 =	veq.s32 v6, $0x1  }
0x52: {  	v6 =	vsel vm1, $0x0, v6  }
0x53: {  	[tilespmem:$0x6540] =	vst v6  }
0x54: {  	v7 =	vld [tilespmem:s24+$0x70];
	_ =	sdelay $0x4  }
0x55: {  	vm1 =	veq.s32 v7, $0x1  }
0x56: {  	v7 =	vsel vm1, $0x0, v7  }
0x57: {  	[tilespmem:$0x6550] =	vst v7  }
0x58: {  	v8 =	vld [tilespmem:s24+$0x80];
	_ =	sdelay $0x4  }
0x59: {  	vm1 =	veq.s32 v8, $0x1  }
0x5a: {  	v8 =	vsel vm1, $0x0, v8  }
0x5b: {  	[tilespmem:$0x6560] =	vst v8  }
0x5c: {  	v9 =	vld [tilespmem:s24+$0x90];
	_ =	sdelay $0x4  }
0x5d: {  	vm1 =	veq.s32 v9, $0x1  }
0x5e: {  	v9 =	vsel vm1, $0x0, v9  }
0x5f: {  	[tilespmem:$0x6570] =	vst v9  }
0x60: {  	v10 =	vld [tilespmem:s24+$0xA0];
	_ =	sdelay $0x4  }
0x61: {  	vm1 =	veq.s32 v10, $0x1  }
0x62: {  	v10 =	vsel vm1, $0x0, v10  }
0x63: {  	[tilespmem:$0x6580] =	vst v10  }
0x64: {  	v11 =	vld [tilespmem:s24+$0xB0]  }
0x65: {  	vm2 =	vne.s32 v1, $0x0;
	vm1 =	vne.s32 v0, $0x0  }
0x66: {  	v1 =	vmpcnt.ones.xlane vm2;
	v0 =	vmpcnt.ones.xlane vm1;
	_ =	sdelay $0x1  }
0x67: {  	vm1 =	vne.s32 v2, $0x0;
	v0 =	vadd.s32 v0, v1  }
0x68: {  	v1 =	vmpcnt.ones.xlane vm1;
	vm1 =	vne.s32 v3, $0x0;
	vm2 =	veq.s32 v11, $0x1  }
0x69: {  	v2 =	vmpcnt.ones.xlane vm1;
	vm1 =	vne.s32 v4, $0x0;
	v3 =	vsel vm2, $0x0, v11  }
0x6a: {  	v0 =	vadd.s32 v1, v0;
	v1 =	vmpcnt.ones.xlane vm1;
	vm1 =	vne.s32 v5, $0x0;
	[tilespmem:$0x6590] =	vst v3  }
0x6b: {  	v0 =	vadd.s32 v2, v0;
	v2 =	vmpcnt.ones.xlane vm1;
	vm1 =	vne.s32 v6, $0x0;
	v4 =	vld [tilespmem:s24+$0xC0]  }
0x6c: {  	v0 =	vadd.s32 v1, v0;
	v1 =	vmpcnt.ones.xlane vm1;
	vm1 =	vne.s32 v7, $0x0  }
0x6d: {  	v0 =	vadd.s32 v2, v0;
	v2 =	vmpcnt.ones.xlane vm1;
	vm1 =	vne.s32 v8, $0x0  }
0x6e: {  	v0 =	vadd.s32 v1, v0;
	v1 =	vmpcnt.ones.xlane vm1  }
0x6f: {  	v0 =	vadd.s32 v2, v0  }
0x70: {  	vm1 =	vne.s32 v9, $0x0;
	v0 =	vadd.s32 v1, v0;
	vm2 =	veq.s32 v4, $0x1  }
0x71: {  	v1 =	vmpcnt.ones.xlane vm1;
	vm1 =	vne.s32 v10, $0x0;
	v2 =	vsel vm2, $0x0, v4  }
0x72: {  	v4 =	vmpcnt.ones.xlane vm1;
	vm1 =	vne.s32 v3, $0x0;
	vm2 =	vne.s32 v2, $0x0  }
0x73: {  	v0 =	vadd.s32 v1, v0;
	v3 =	vmpcnt.ones.xlane vm1;
	vm1 =	vmand vm2, vm0  }
0x74: {  	v0 =	vadd.s32 v4, v0;
	v1 =	vmpcnt.ones.xlane vm1  }
0x75: {  	v0 =	vadd.s32 v3, v0  }
0x76: {  	[tilespmem:$0x65A0] =	vst v2;
	v0 =	vadd.s32 v1, v0  }
0x77: {  	[tilespmem:$0x65C0] =	vst v0  }
0x78: {  	[tilespmem:s15], [sflag:$0x2] =	stream.indirect.gather [hbm4b:s3+s8], $0x20, s14, s8, $0xb8;
	[tilespmem:$0xA7D0] =	vst v63  }
0x79: {  	_ = 	snop  }
0x7a: {  	[tilespmem:s17], [sflag:$0x2] =	stream.indirect.gather [hbm4b:s3+s11], $0x20, s16, s11, $0xb8;
	[tilespmem:$0xA7D0] =	vst v63  }
0x7b: {  	_ =	swait.ge [sflag:s18], $0x1000  }
0x7c: {  	[sflag:s18] =	ssyncset.done $0x0  }
0x7d: {  	[sflag:s18] =	ssyncadd.s32 $0xFFFFF000  }
0x7e: {  	_ =	swait.ge [sflag:s18], $0x900  }
0x7f: {  	[sflag:s18] =	ssyncset.done $0x0  }
0x80: {  	s24 =	simm.s32 $0x0;
	[sflag:s18] =	ssyncadd.s32 $0xFFFFF700  }
0x81: {  	v2 =	vld [tilespmem:s24+$0x6650]  }
0x82: {  	v4 =	vld [tilespmem:s24+$0x6660]  }
0x83: {  	v3 =	vld [tilespmem:s24+$0x6670]  }
0x84: {  	v5 =	vld [tilespmem:s24+$0x6680]  }
0x85: {  	v0 =	vld [tilespmem:s24+$0x6690]  }
0x86: {  	v1 =	vld [tilespmem:s24+$0x66A0]  }
0x87: {  	v19 =	vld [tilespmem:s24+$0x65D0]  }
0x88: {  	v20 =	vld [tilespmem:s24+$0x65E0]  }
0x89: {  	v17 =	vld [tilespmem:s24+$0x65F0]  }
0x8a: {  	v18 =	vld [tilespmem:s24+$0x6600]  }
0x8b: {  	v12 =	vimm.f32 $0.0e+00;
	v13 =	vimm.f32 $0.0e+00;
	v14 =	vld [tilespmem:s24+$0x6610]  }
0x8c: {  	v6 =	vimm.f32 $0.0e+00;
	v7 =	vimm.f32 $0.0e+00;
	v11 =	vimm.f32 $0.0e+00;
	v15 =	vld [tilespmem:s24+$0x6620]  }
0x8d: {  	s25 =	simm.s32 $0x400;
	v8 =	vimm.f32 $0.0e+00;
	v9 =	vimm.f32 $0.0e+00;
	v10 =	vimm.f32 $0.0e+00;
	v16 =	vld [tilespmem:s24+$0x6630]  }
.LBB2_3:
0x8e: {  	p0 =	sne.s32 s25, $0x6000;
	v10 =	vadd.f32 v19, v10;
	v11 =	vadd.f32 v20, v11;
	v19 =	vld [tilespmem:s24+$0x6640]  }
0x8f: {  	v12 =	vadd.f32 v17, v12;
	v13 =	vadd.f32 v18, v13;
	v17 =	vld [tilespmem:s24+$0x66B0]  }
0x90: {  	v10 =	vadd.f32 v2, v10;
	v11 =	vadd.f32 v4, v11;
	v18 =	vld [tilespmem:s24+$0x66C0];
	s24 =	sshra.s32 s25, $0x2  }
0x91: {  	v12 =	vadd.f32 v3, v12;
	v2 =	vld [tilespmem:s24+$0x6650];
	v13 =	vadd.f32 v5, v13  }
0x92: {  	v6 =	vadd.f32 v14, v6;
	v7 =	vadd.f32 v15, v7;
	v4 =	vld [tilespmem:s24+$0x6660]  }
0x93: {  	v9 =	vadd.f32 v16, v9;
	v3 =	vld [tilespmem:s24+$0x6670];
	v8 =	vadd.f32 v19, v8  }
0x94: {  	v6 =	vadd.f32 v0, v6;
	v7 =	vadd.f32 v1, v7;
	v5 =	vld [tilespmem:s24+$0x6680]  }
0x95: {  	v9 =	vadd.f32 v17, v9;
	v0 =	vld [tilespmem:s24+$0x6690];
	v8 =	vadd.f32 v18, v8  }
0x96: {  	v1 =	vld [tilespmem:s24+$0x66A0]  }
0x97: {  	v19 =	vld [tilespmem:s24+$0x65D0]  }
0x98: {  	v20 =	vld [tilespmem:s24+$0x65E0]  }
.Ltmp0:
0x99: {  	v17 =	vld [tilespmem:s24+$0x65F0];
	(pc) =	sbr.rel @p0 .LBB2_3-.Ltmp0, $4  }
0x9a: {  	v18 =	vld [tilespmem:s24+$0x6600]  }
0x9b: {  	v14 =	vld [tilespmem:s24+$0x6610]  }
0x9c: {  	v15 =	vld [tilespmem:s24+$0x6620]  }
0x9d: {  	s25 =	sadd.s32 $0x400, s25;
	v16 =	vld [tilespmem:s24+$0x6630]  }
0x9e: {  	v21 =	vld [tilespmem:$0x65B0];
	_ =	sdelay $0x4  }
0x9f: {  	v22 =	vcvt.s32.f32 v21;
	_ =	sdelay $0x1  }
0xa0: {  	v10 =	vadd.f32 v19, v10;
	v11 =	vadd.f32 v20, v11;
	v56 =	vld [tilespmem:s24+$0x6640];
	v57 =	vmax.f32 v22, $1.000000000e+00  }
0xa1: {  	v12 =	vadd.f32 v17, v12;
	v58 =	vld [tilespmem:s24+$0x66B0];
	v13 =	vadd.f32 v18, v13;
	(erf) = vrcp.f32 v57  }
0xa2: {  	v59 =	vld [tilespmem:s24+$0x66C0];
	v2 =	vadd.f32 v2, v10;
	v4 =	vadd.f32 v4, v11  }
0xa3: {  	v3 =	vadd.f32 v3, v12;
	v6 =	vadd.f32 v14, v6  }
0xa4: {  	v5 =	vadd.f32 v5, v13;
	v9 =	vadd.f32 v16, v9  }
0xa5: {  	v7 =	vadd.f32 v15, v7;
	v8 =	vadd.f32 v56, v8  }
0xa6: {  	v0 =	vadd.f32 v0, v6;
	v60 =	vadd.f32 v58, v9  }
0xa7: {  	v1 =	vadd.f32 v1, v7;
	v61 =	vadd.f32 v59, v8  }
0xa8: {  	v2 =	vadd.f32 v3, v2;
	v0 =	vadd.f32 v60, v0  }
0xa9: {  	v62 =	vadd.f32 v5, v4;
	v1 =	vadd.f32 v61, v1  }
0xaa: {  	p0 =	seq.s32 s22, $0x3F;
	vm1 =	vgt.s32 v21, $0x0;
	v0 =	vadd.f32 v0, v2;
	v63 =	vpop (erf)  }
.Ltmp1:
0xab: {  	v1 =	vadd.f32 v1, v62;
	v2 =	vnsel vm1, $0x0, v63;
	(pc) =	sbr.rel @p0 .LBB2_6-.Ltmp1, $4  }
0xac: {  	s31 =	sshll.u32 s22, $0x6;
	v0 =	vmul.f32 v2, v0  }
0xad: {  	s24 =	sand.u32 $0x3FFFFFC0, s31;
	v1 =	vmul.f32 v2, v1  }
0xae: {  	[tilespmem:s24+$0x97D0] =	vst v0  }
0xaf: {  	[tilespmem:s24+$0x97E0] =	vst v1  }
0xb0: {  	s24 =	smul.u32 $0x640, s22;
	_ =	sdelay $0x1  }
0xb1: {  	s24 =	sshra.s32 s24, $0x2  }
0xb2: {  	v0 =	vld [tilespmem:s24+$0x190];
	_ =	sdelay $0x4  }
0xb3: {  	vm1 =	veq.s32 v0, $0x1  }
0xb4: {  	v0 =	vsel vm1, $0x0, v0  }
0xb5: {  	[tilespmem:$0x6410] =	vst v0  }
0xb6: {  	v1 =	vld [tilespmem:s24+$0x1A0];
	_ =	sdelay $0x4  }
0xb7: {  	vm1 =	veq.s32 v1, $0x1  }
0xb8: {  	v1 =	vsel vm1, $0x0, v1  }
0xb9: {  	[tilespmem:$0x6420] =	vst v1  }
0xba: {  	v2 =	vld [tilespmem:s24+$0x1B0];
	_ =	sdelay $0x4  }
0xbb: {  	vm1 =	veq.s32 v2, $0x1  }
0xbc: {  	v2 =	vsel vm1, $0x0, v2  }
0xbd: {  	[tilespmem:$0x6430] =	vst v2  }
0xbe: {  	v3 =	vld [tilespmem:s24+$0x1C0];
	_ =	sdelay $0x4  }
0xbf: {  	vm1 =	veq.s32 v3, $0x1  }
0xc0: {  	v3 =	vsel vm1, $0x0, v3  }
0xc1: {  	[tilespmem:$0x6440] =	vst v3  }
0xc2: {  	v4 =	vld [tilespmem:s24+$0x1D0];
	_ =	sdelay $0x4  }
0xc3: {  	vm1 =	veq.s32 v4, $0x1  }
0xc4: {  	v4 =	vsel vm1, $0x0, v4  }
0xc5: {  	[tilespmem:$0x6450] =	vst v4  }
0xc6: {  	v5 =	vld [tilespmem:s24+$0x1E0];
	_ =	sdelay $0x4  }
0xc7: {  	vm1 =	veq.s32 v5, $0x1  }
0xc8: {  	v5 =	vsel vm1, $0x0, v5  }
0xc9: {  	[tilespmem:$0x6460] =	vst v5  }
0xca: {  	v6 =	vld [tilespmem:s24+$0x1F0];
	_ =	sdelay $0x4  }
0xcb: {  	vm1 =	veq.s32 v6, $0x1  }
0xcc: {  	v6 =	vsel vm1, $0x0, v6  }
0xcd: {  	[tilespmem:$0x6470] =	vst v6  }
0xce: {  	v7 =	vld [tilespmem:s24+$0x200];
	_ =	sdelay $0x4  }
0xcf: {  	vm1 =	veq.s32 v7, $0x1  }
0xd0: {  	v7 =	vsel vm1, $0x0, v7  }
0xd1: {  	[tilespmem:$0x6480] =	vst v7  }
0xd2: {  	v8 =	vld [tilespmem:s24+$0x210];
	_ =	sdelay $0x4  }
0xd3: {  	vm1 =	veq.s32 v8, $0x1  }
0xd4: {  	v8 =	vsel vm1, $0x0, v8  }
0xd5: {  	[tilespmem:$0x6490] =	vst v8  }
0xd6: {  	v9 =	vld [tilespmem:s24+$0x220];
	_ =	sdelay $0x4  }
0xd7: {  	vm1 =	veq.s32 v9, $0x1  }
0xd8: {  	v9 =	vsel vm1, $0x0, v9  }
0xd9: {  	[tilespmem:$0x64A0] =	vst v9  }
0xda: {  	v10 =	vld [tilespmem:s24+$0x230];
	_ =	sdelay $0x4  }
0xdb: {  	vm1 =	veq.s32 v10, $0x1  }
0xdc: {  	v10 =	vsel vm1, $0x0, v10  }
0xdd: {  	[tilespmem:$0x64B0] =	vst v10  }
0xde: {  	v11 =	vld [tilespmem:s24+$0x240];
	_ =	sdelay $0x2  }
0xdf: {  	vm2 =	vne.s32 v1, $0x0;
	vm1 =	vne.s32 v0, $0x0  }
0xe0: {  	v1 =	vmpcnt.ones.xlane vm2;
	v0 =	vmpcnt.ones.xlane vm1;
	vm1 =	vne.s32 v2, $0x0  }
0xe1: {  	vm2 =	vne.s32 v3, $0x0;
	v52 =	vmpcnt.ones.xlane vm1;
	vm1 =	veq.s32 v11, $0x1  }
0xe2: {  	v3 =	vmpcnt.ones.xlane vm2;
	vm2 =	vne.s32 v5, $0x0;
	v53 =	vsel vm1, $0x0, v11  }
0xe3: {  	v55 =	vmpcnt.ones.xlane vm2;
	[tilespmem:$0x64C0] =	vst v53  }
0xe4: {  	vm2 =	vne.s32 v7, $0x0;
	v0 =	vadd.s32 v0, v1;
	vm1 =	vne.s32 v4, $0x0;
	v56 =	vld [tilespmem:s24+$0x250]  }
0xe5: {  	v0 =	vadd.s32 v52, v0;
	v54 =	vmpcnt.ones.xlane vm1;
	vm1 =	vne.s32 v6, $0x0  }
0xe6: {  	v0 =	vadd.s32 v3, v0;
	v57 =	vmpcnt.ones.xlane vm1;
	vm1 =	vne.s32 v8, $0x0  }
0xe7: {  	v0 =	vadd.s32 v54, v0;
	v59 =	vmpcnt.ones.xlane vm1;
	vm1 =	vne.s32 v9, $0x0  }
0xe8: {  	v58 =	vmpcnt.ones.xlane vm2;
	v0 =	vadd.s32 v55, v0;
	v60 =	vmpcnt.ones.xlane vm1  }
0xe9: {  	vm1 =	vne.s32 v10, $0x0;
	v0 =	vadd.s32 v57, v0;
	vm2 =	veq.s32 v56, $0x1  }
0xea: {  	v62 =	vmpcnt.ones.xlane vm1;
	v0 =	vadd.s32 v58, v0;
	v61 =	vsel vm2, $0x0, v56  }
0xeb: {  	vm1 =	vne.s32 v53, $0x0;
	v0 =	vadd.s32 v59, v0;
	vm2 =	vne.s32 v61, $0x0  }
0xec: {  	v2 =	vmpcnt.ones.xlane vm1;
	v0 =	vadd.s32 v60, v0;
	vm1 =	vmand vm2, vm0  }
0xed: {  	v0 =	vadd.s32 v62, v0;
	v63 =	vmpcnt.ones.xlane vm1  }
0xee: {  	v0 =	vadd.s32 v2, v0  }
0xef: {  	[tilespmem:$0x64D0] =	vst v61;
	v0 =	vadd.s32 v63, v0  }
0xf0: {  	[tilespmem:$0x65B0] =	vst v0  }
0xf1: {  	[tilespmem:s10], [sflag:$0x1] =	stream.indirect.gather [hbm4b:s3+s8], $0x20, s9, s8, $0xb8;
	[tilespmem:$0xA7D0] =	vst v63  }
0xf2: {  	_ = 	snop  }
0xf3: {  	[tilespmem:s13], [sflag:$0x1] =	stream.indirect.gather [hbm4b:s3+s11], $0x20, s12, s11, $0xb8;
	[tilespmem:$0xA7D0] =	vst v63  }
.LBB2_6:
0xf4: {  	_ =	swait.ge [sflag:s19], $0x1000  }
0xf5: {  	[sflag:s19] =	ssyncset.done $0x0  }
0xf6: {  	[sflag:s19] =	ssyncadd.s32 $0xFFFFF000  }
0xf7: {  	_ =	swait.ge [sflag:s19], $0x900  }
0xf8: {  	[sflag:s19] =	ssyncset.done $0x0  }
0xf9: {  	s24 =	simm.s32 $0x0;
	[sflag:s19] =	ssyncadd.s32 $0xFFFFF700  }
0xfa: {  	v2 =	vld [tilespmem:s24+$0x7F50]  }
0xfb: {  	v4 =	vld [tilespmem:s24+$0x7F60]  }
0xfc: {  	v3 =	vld [tilespmem:s24+$0x7F70]  }
0xfd: {  	v5 =	vld [tilespmem:s24+$0x7F80]  }
0xfe: {  	v0 =	vld [tilespmem:s24+$0x7F90]  }
0xff: {  	v1 =	vld [tilespmem:s24+$0x7FA0]  }
0x100: {  	v19 =	vld [tilespmem:s24+$0x7ED0]  }
0x101: {  	v20 =	vld [tilespmem:s24+$0x7EE0]  }
0x102: {  	v17 =	vld [tilespmem:s24+$0x7EF0]  }
0x103: {  	v18 =	vld [tilespmem:s24+$0x7F00]  }
0x104: {  	v10 =	vimm.f32 $0.0e+00;
	v11 =	vimm.f32 $0.0e+00;
	v14 =	vld [tilespmem:s24+$0x7F10]  }
0x105: {  	v12 =	vimm.f32 $0.0e+00;
	v13 =	vimm.f32 $0.0e+00;
	v6 =	vimm.f32 $0.0e+00;
	v15 =	vld [tilespmem:s24+$0x7F20]  }
0x106: {  	s25 =	simm.s32 $0x400;
	v7 =	vimm.f32 $0.0e+00;
	v9 =	vimm.f32 $0.0e+00;
	v8 =	vimm.f32 $0.0e+00;
	v16 =	vld [tilespmem:s24+$0x7F30]  }
.LBB2_7:
0x107: {  	p0 =	sne.s32 s25, $0x6000;
	v10 =	vadd.f32 v19, v10;
	v11 =	vadd.f32 v20, v11;
	v19 =	vld [tilespmem:s24+$0x7F40]  }
0x108: {  	v12 =	vadd.f32 v17, v12;
	v13 =	vadd.f32 v18, v13;
	v17 =	vld [tilespmem:s24+$0x7FB0]  }
0x109: {  	v10 =	vadd.f32 v2, v10;
	v11 =	vadd.f32 v4, v11;
	v18 =	vld [tilespmem:s24+$0x7FC0];
	s24 =	sshra.s32 s25, $0x2  }
0x10a: {  	v12 =	vadd.f32 v3, v12;
	v2 =	vld [tilespmem:s24+$0x7F50];
	v13 =	vadd.f32 v5, v13  }
0x10b: {  	v6 =	vadd.f32 v14, v6;
	v7 =	vadd.f32 v15, v7;
	v4 =	vld [tilespmem:s24+$0x7F60]  }
0x10c: {  	v9 =	vadd.f32 v16, v9;
	v3 =	vld [tilespmem:s24+$0x7F70];
	v8 =	vadd.f32 v19, v8  }
0x10d: {  	v6 =	vadd.f32 v0, v6;
	v7 =	vadd.f32 v1, v7;
	v5 =	vld [tilespmem:s24+$0x7F80]  }
0x10e: {  	v9 =	vadd.f32 v17, v9;
	v0 =	vld [tilespmem:s24+$0x7F90];
	v8 =	vadd.f32 v18, v8  }
0x10f: {  	v1 =	vld [tilespmem:s24+$0x7FA0]  }
0x110: {  	v19 =	vld [tilespmem:s24+$0x7ED0]  }
0x111: {  	v20 =	vld [tilespmem:s24+$0x7EE0]  }
.Ltmp2:
0x112: {  	v17 =	vld [tilespmem:s24+$0x7EF0];
	(pc) =	sbr.rel @p0 .LBB2_7-.Ltmp2, $4  }
0x113: {  	v18 =	vld [tilespmem:s24+$0x7F00]  }
0x114: {  	v14 =	vld [tilespmem:s24+$0x7F10]  }
0x115: {  	v15 =	vld [tilespmem:s24+$0x7F20]  }
0x116: {  	s25 =	sadd.s32 $0x400, s25;
	v16 =	vld [tilespmem:s24+$0x7F30]  }
0x117: {  	v21 =	vld [tilespmem:$0x65C0];
	_ =	sdelay $0x4  }
0x118: {  	v22 =	vcvt.s32.f32 v21;
	_ =	sdelay $0x1  }
0x119: {  	v10 =	vadd.f32 v19, v10;
	v11 =	vadd.f32 v20, v11;
	v56 =	vld [tilespmem:s24+$0x7F40];
	v57 =	vmax.f32 v22, $1.000000000e+00  }
0x11a: {  	v12 =	vadd.f32 v17, v12;
	v58 =	vld [tilespmem:s24+$0x7FB0];
	v13 =	vadd.f32 v18, v13;
	(erf) = vrcp.f32 v57  }
0x11b: {  	v59 =	vld [tilespmem:s24+$0x7FC0];
	v2 =	vadd.f32 v2, v10;
	v4 =	vadd.f32 v4, v11  }
0x11c: {  	v3 =	vadd.f32 v3, v12;
	v6 =	vadd.f32 v14, v6  }
0x11d: {  	v5 =	vadd.f32 v5, v13;
	v9 =	vadd.f32 v16, v9  }
0x11e: {  	v7 =	vadd.f32 v15, v7;
	v8 =	vadd.f32 v56, v8  }
0x11f: {  	v0 =	vadd.f32 v0, v6;
	v60 =	vadd.f32 v58, v9  }
0x120: {  	v1 =	vadd.f32 v1, v7;
	v61 =	vadd.f32 v59, v8  }
0x121: {  	v2 =	vadd.f32 v3, v2;
	v0 =	vadd.f32 v60, v0  }
0x122: {  	s22 =	sadd.s32 $0x1, s22;
	v62 =	vadd.f32 v5, v4;
	v1 =	vadd.f32 v61, v1  }
0x123: {  	p0 =	sne.s32 s22, $0x40;
	vm1 =	vgt.s32 v21, $0x0;
	v0 =	vadd.f32 v0, v2;
	v63 =	vpop (erf)  }
.Ltmp3:
0x124: {  	v1 =	vadd.f32 v1, v62;
	v2 =	vnsel vm1, $0x0, v63;
	(pc) =	sbr.rel @p0 .LBB2_2-.Ltmp3, $4  }
0x125: {  	s23 =	sshll.u32 s23, $0x5;
	v0 =	vmul.f32 v2, v0  }
0x126: {  	s23 =	sand.u32 $0x3FFFFFE0, s23;
	v1 =	vmul.f32 v2, v1  }
0x127: {  	[tilespmem:s23+$0x97D0] =	vst v0  }
0x128: {  	[tilespmem:s23+$0x97E0] =	vst v1  }
0x129: {  	s21 =	sadd.s32 $0x1, s21  }
0x12a: {  	p0 =	sne.s32 s21, s6  }
.Ltmp4:
0x12b: {  	_ = 	snop;
	(pc) =	sbr.rel @p0 .LBB2_1-.Ltmp4, $4  }
0x12c: {  	[hbm4b:s5+s2] =	stream.linear.scatter [tilespmem:s20], [sflag:$0x3], $0x1000, $0x38;
	[tilespmem:$0xA7D0] =	vst v63  }
0x12d: {  	_ =	swait.ge [sflag:s7], $0x1000  }
0x12e: {  	[sflag:s7] =	ssyncset.done $0x0  }
0x12f: {  	[sflag:s7] =	ssyncadd.s32 $0xFFFFF000  }
0x130: {  	_ =	sfence.sel $0x180000  }
0x131: {  	[bflag:$0x0] =	sbarrier.arrive $0xFFFF  }
0x132: {  	p0 =	sne.s32 s1, $0x0;
	_ =	strace $0x9000004A  }
0x133: {  	s0 =	sadd.s32 @!p0 $0x100000, s0;
	[bflag:$0x2] =	sbarrier.arrive $0xFFFF  }
0x134: {  	[sflag:s0] =	ssyncadd.tile.s32 @!p0 $0x1;
	_ =	shalt  }
.Lfunc_end2:
_tile_overlayer_lowered:
.L_overlay_start_2:
0x135: {  	(tag) =	ssettag $0x2  }
0x136: {  	s0 =	rddreg [dreg:$0x0];
	s2 =	stileid.u32  }
0x137: {  	s1 =	rddreg [dreg:$0x1];
	p0 =	sne.s32 s2, $0x0  }
0x138: {  	s3 =	rddreg [dreg:$0x2];
	[bflag:$0x3] =	sbarrier.arrive $0xFFFF;
	s2 =	simm.s32 @!p0 $0x1C03  }
0x139: {  	[timem:s3], [sflag:s2] =	dma.local @!p0 [hbm:s0], s1  }
0x13a: {  	s0 =	simm.s32 @!p0 $0x3  }
0x13b: {  	_ =	swait.ge @!p0 [sflag:s0], s1  }
0x13c: {  	s1 =	ssub.s32 @!p0 $0x0, s1;
	[sflag:s0] =	ssyncset.done @!p0 $0x0  }
0x13d: {  	[sflag:s0] =	ssyncadd.s32 @!p0 s1  }
0x13e: {  	[bflag:$0x3] =	sbarrier.arrive $0xFFFF  }
0x13f: {  	_ =	shalt  }

</sc_bundles>
